<compile_context>
chip_gen: v7x
topology: tpu7x:2x2x1
jax: 0.10.2.dev20260603
libtpu: 0.0.44.dev20260713+nightly
codegen_flags: <defaults>
</compile_context>

<pallas_src>
import functools

import numpy as np
import jax
import jax.numpy as jnp
from jax import lax
from jax.experimental import pallas as pl
from jax.experimental.pallas import tpu as pltpu
from jax.experimental.pallas import tpu_sc as plsc

_VOCAB = 100000
_D = 128
_SEQ = 200
_BATCH = 1024
_N_BASE = 10000
_SCALE = float(np.float32(np.sqrt(np.float32(_D))))


def _pos_encoding(seq_len, embed_dim, n):
    dims = np.arange(embed_dim)
    even = dims % 2 == 0
    odd = dims % 2 == 1
    rate = 1.0 / (n ** (dims[np.newaxis, :] / embed_dim))
    rads = np.arange(seq_len)[:, np.newaxis] * rate
    return (np.sin(rads) * even + np.cos(rads) * odd).astype(np.float32)


_POS = _pos_encoding(_SEQ, _D, _N_BASE)

_INFO = plsc.get_sparse_core_info()
_NC = _INFO.num_cores
_NS = _INFO.num_subcores
_NW = _NC * _NS
_G = _BATCH // _NW
_SPLIT = 104
_NBUF = 4
_AHEAD = 2

_mesh = plsc.VectorSubcoreMesh(core_axis_name="c", subcore_axis_name="s")


@functools.partial(
    pl.kernel,
    mesh=_mesh,
    out_type=jax.ShapeDtypeStruct((_BATCH * _SEQ, _D), jnp.float32),
    scratch_types=[
        pltpu.VMEM((_SEQ, _D), jnp.float32),
    ] + [pltpu.VMEM((_SEQ, _D), jnp.float32) for _ in range(_NBUF)]
      + [pltpu.VMEM((_SEQ,), jnp.int32) for _ in range(_NBUF)]
      + [pltpu.SemaphoreType.DMA for _ in range(3 * _NBUF + 1)],
)
def _sc_embed(x_hbm, tab_hbm, pos_hbm, out_hbm, pos_v, *rest):
    bufs = rest[:_NBUF]
    idxs = rest[_NBUF:2 * _NBUF]
    gsems = rest[2 * _NBUF:3 * _NBUF]
    wsems = rest[3 * _NBUF:4 * _NBUF]
    isems = rest[4 * _NBUF:5 * _NBUF]
    psem = rest[5 * _NBUF]
    wid = lax.axis_index("s") * _NC + lax.axis_index("c")

    def _chunk_base(g):
        return (g * _NW + wid) * _SEQ

    def _idx_args(g, s):
        return x_hbm.at[pl.ds(_chunk_base(g), _SEQ)], idxs[s], isems[s]

    def _gather_parts(g, s):
        buf = bufs[s]
        idx = idxs[s]
        parts = []
        for lo, hi in ((0, _SPLIT), (_SPLIT, _SEQ)):
            parts.append((tab_hbm.at[idx.at[pl.ds(lo, hi - lo)]],
                          buf.at[pl.ds(lo, hi - lo)], gsems[s]))
        return parts

    def issue_gather(g, s):
        for src, dst, sem in _gather_parts(g, s):
            pltpu.async_copy(src, dst, sem)

    def wait_gather(g, s):
        for src, dst, sem in _gather_parts(g, s):
            pltpu.make_async_copy(src, dst, sem).wait()

    def _write_args(g, s):
        return bufs[s], out_hbm.at[pl.ds(_chunk_base(g), _SEQ)], wsems[s]

    def issue_write(g, s):
        pltpu.async_copy(*_write_args(g, s))

    def wait_write(g, s):
        pltpu.make_async_copy(*_write_args(g, s)).wait()

    def fuse(s):
        buf = bufs[s]

        def body(i, c):
            for dt in range(2):
                t = i * 2 + dt
                for j in range(_D // 16):
                    sl = pl.ds(j * 16, 16)
                    buf[t, sl] = buf[t, sl] * _SCALE + pos_v[t, sl]
            return c

        lax.fori_loop(0, _SEQ // 2, body, 0)

    def stage(g, s, prefetch_idx, issue_next, wait_w, wait_i):
        wait_gather(g, s)
        if prefetch_idx:
            pltpu.async_copy(*_idx_args(g + _NBUF, s))
        if issue_next:
            ns = (s + _AHEAD) % _NBUF
            if wait_w:
                wait_write(g - _AHEAD, ns)
            if wait_i:
                pltpu.make_async_copy(*_idx_args(g + _AHEAD, ns)).wait()
            issue_gather(g + _AHEAD, ns)
        fuse(s)
        issue_write(g, s)

    pltpu.async_copy(*_idx_args(0, 0))
    pltpu.async_copy(*_idx_args(1, 1))
    pltpu.make_async_copy(*_idx_args(0, 0)).wait()
    pltpu.make_async_copy(*_idx_args(1, 1)).wait()
    issue_gather(0, 0)
    issue_gather(1, 1)
    pltpu.async_copy(*_idx_args(2, 2))
    pltpu.async_copy(*_idx_args(3, 3))
    pltpu.async_copy(pos_hbm, pos_v, psem)
    pltpu.make_async_copy(pos_hbm, pos_v, psem).wait()

    stage(0, 0, True, True, False, True)
    stage(1, 1, True, True, False, True)
    stage(2, 2, True, True, True, True)
    stage(3, 3, True, True, True, True)

    def ring(i, c):
        for s in range(_NBUF):
            stage(i * _NBUF + s, s, True, True, True, True)
        return c

    lax.fori_loop(1, _G // _NBUF - 1, ring, 0)

    stage(_G - 4, 0, False, True, True, True)
    stage(_G - 3, 1, False, True, True, True)
    stage(_G - 2, 2, False, False, False, False)
    stage(_G - 1, 3, False, False, False, False)
    for s in range(_NBUF):
        wait_write(_G - _NBUF + s, s)


def kernel(x, embedding_table):
    xf = x.reshape(-1).astype(jnp.int32)
    out = _sc_embed(xf, embedding_table, jnp.asarray(_POS))
    return out.reshape(_BATCH, _SEQ, _D)

# --- scband reference (transcript-rebuilt; emitter-appended) ---
"""Pipeline reference for scband-positional-embedding-3195455668537 (READ-ONLY COPY).

The authoritative reference and input builder live on the scoring server;
editing this copy changes nothing except your own understanding.
"""

import jax, jax.numpy as jnp
import numpy as np

VOCAB = 100000
EMBED_DIM = 128
POS_SEQ_LEN = 2048
N_BASE = 10000
BATCH = 1024
SEQ = 200


def get_positional_encoding_values(seq_length, embed_dim, n=10000):
    dimensions = np.arange(embed_dim)
    even_mask = dimensions % 2 == 0
    odd_mask = dimensions % 2 == 1
    dims = dimensions[np.newaxis, :] / embed_dim
    positions = np.arange(seq_length)[:, np.newaxis]
    rate = 1.0 / (n ** dims)
    rads = positions * rate
    pe = np.sin(rads) * even_mask + np.cos(rads) * odd_mask
    return jnp.asarray(pe, dtype=jnp.float32)


_POS_ENC = get_positional_encoding_values(POS_SEQ_LEN, EMBED_DIM, N_BASE)


def setup_inputs(seed: int = 0):
    key = jax.random.key(seed)
    k1, k2 = jax.random.split(key)
    x = jax.random.randint(k1, (BATCH, SEQ), 0, VOCAB, dtype=jnp.int64 if jax.config.jax_enable_x64 else jnp.int32)
    embedding_table = jax.random.normal(k2, (VOCAB, EMBED_DIM), dtype=jnp.float32) * 0.05
    return {"x": x, "embedding_table": embedding_table}


def reference(x, embedding_table):
    seq_length = x.shape[1]
    emb = jnp.take(embedding_table, x, axis=0)
    emb = emb * jnp.sqrt(jnp.asarray(EMBED_DIM, dtype=jnp.float32))
    pos_encoding = _POS_ENC[jnp.newaxis, :seq_length, :]
    return emb + pos_encoding

if __name__ == "__main__":
    import jax
    _d = setup_inputs()
    print(jax.jit(kernel)(*tuple(_d.values())))

</pallas_src>

<mosaic_0001>
#map = affine_map<(d0, d1) -> (0)>
#map1 = affine_map<(d0, d1) -> (0, 0)>
module attributes {stable_mosaic.version = 14 : i64} {
  func.func @_sc_embed(%arg0: i32, %arg1: i32, %arg2: memref<204800xi32, #tpu.memory_space<hbm>>, %arg3: memref<100000x128xf32, #tpu.memory_space<hbm>>, %arg4: memref<200x128xf32, #tpu.memory_space<hbm>>, %arg5: memref<204800x128xf32, #tpu.memory_space<hbm>>, %arg6: memref<200x128xf32, #tpu.memory_space<vmem>>, %arg7: memref<200x128xf32, #tpu.memory_space<vmem>>, %arg8: memref<200x128xf32, #tpu.memory_space<vmem>>, %arg9: memref<200x128xf32, #tpu.memory_space<vmem>>, %arg10: memref<200x128xf32, #tpu.memory_space<vmem>>, %arg11: memref<200xi32, #tpu.memory_space<vmem>>, %arg12: memref<200xi32, #tpu.memory_space<vmem>>, %arg13: memref<200xi32, #tpu.memory_space<vmem>>, %arg14: memref<200xi32, #tpu.memory_space<vmem>>, %arg15: memref<!tpu.dma_semaphore, #tpu.memory_space<semaphore_mem>>, %arg16: memref<!tpu.dma_semaphore, #tpu.memory_space<semaphore_mem>>, %arg17: memref<!tpu.dma_semaphore, #tpu.memory_space<semaphore_mem>>, %arg18: memref<!tpu.dma_semaphore, #tpu.memory_space<semaphore_mem>>, %arg19: memref<!tpu.dma_semaphore, #tpu.memory_space<semaphore_mem>>, %arg20: memref<!tpu.dma_semaphore, #tpu.memory_space<semaphore_mem>>, %arg21: memref<!tpu.dma_semaphore, #tpu.memory_space<semaphore_mem>>, %arg22: memref<!tpu.dma_semaphore, #tpu.memory_space<semaphore_mem>>, %arg23: memref<!tpu.dma_semaphore, #tpu.memory_space<semaphore_mem>>, %arg24: memref<!tpu.dma_semaphore, #tpu.memory_space<semaphore_mem>>, %arg25: memref<!tpu.dma_semaphore, #tpu.memory_space<semaphore_mem>>, %arg26: memref<!tpu.dma_semaphore, #tpu.memory_space<semaphore_mem>>, %arg27: memref<!tpu.dma_semaphore, #tpu.memory_space<semaphore_mem>>) attributes {dimension_semantics = [#tpu.dimension_semantics<core_parallel>, #tpu.dimension_semantics<subcore_parallel>], iteration_bounds = array<i64: 2, 16>, scalar_prefetch = 0 : i64, scratch_operands = 22 : i64, tpu.core_type = #tpu.core_type<sc_vector_subcore>, window_params = [{transform_indices = #map}, {transform_indices = #map1}, {transform_indices = #map1}, {transform_indices = #map1}]} {
    %mul3A = arith.constant 2 : i32
    %mul3A_0 = arith.muli %arg1, %mul3A : i32
    %add3A = arith.addi %mul3A_0, %arg0 : i32
    %add3A_1 = arith.constant 0 : i32
    %add3A_2 = arith.addi %add3A_1, %add3A : i32
    %mul3A_3 = arith.constant 200 : i32
    %mul3A_4 = arith.muli %add3A_2, %mul3A_3 : i32
    %dma_start3A = tpu.memref_slice %arg2[%mul3A_4] : memref<204800xi32, #tpu.memory_space<hbm>> -> memref<200xi32, #tpu.memory_space<hbm>>
    %dma_start3A_5 = tpu.memref_slice %arg2[%mul3A_4] : memref<204800xi32, #tpu.memory_space<hbm>> -> memref<200xi32, #tpu.memory_space<hbm>>
    tpu.enqueue_dma source(%dma_start3A_5 : memref<200xi32, #tpu.memory_space<hbm>>) target(%arg11 : memref<200xi32, #tpu.memory_space<vmem>>) target_semaphore(%arg23 : memref<!tpu.dma_semaphore, #tpu.memory_space<semaphore_mem>>)
    %add3A_6 = arith.constant 32 : i32
    %add3A_7 = arith.addi %add3A_6, %add3A : i32
    %mul3A_8 = arith.constant 200 : i32
    %mul3A_9 = arith.muli %add3A_7, %mul3A_8 : i32
    %dma_start3A_10 = tpu.memref_slice %arg2[%mul3A_9] : memref<204800xi32, #tpu.memory_space<hbm>> -> memref<200xi32, #tpu.memory_space<hbm>>
    %dma_start3A_11 = tpu.memref_slice %arg2[%mul3A_9] : memref<204800xi32, #tpu.memory_space<hbm>> -> memref<200xi32, #tpu.memory_space<hbm>>
    tpu.enqueue_dma source(%dma_start3A_11 : memref<200xi32, #tpu.memory_space<hbm>>) target(%arg12 : memref<200xi32, #tpu.memory_space<vmem>>) target_semaphore(%arg24 : memref<!tpu.dma_semaphore, #tpu.memory_space<semaphore_mem>>)
    %add3A_12 = arith.constant 0 : i32
    %add3A_13 = arith.addi %add3A_12, %add3A : i32
    %mul3A_14 = arith.constant 200 : i32
    %mul3A_15 = arith.muli %add3A_13, %mul3A_14 : i32
    %dma_wait3A = tpu.memref_slice %arg2[%mul3A_15] : memref<204800xi32, #tpu.memory_space<hbm>> -> memref<200xi32, #tpu.memory_space<hbm>>
    %dma_wait3A_16 = tpu.memref_slice %arg2[%mul3A_15] : memref<204800xi32, #tpu.memory_space<hbm>> -> memref<200xi32, #tpu.memory_space<hbm>>
    tpu.wait_dma2 semaphore(%arg23 : memref<!tpu.dma_semaphore, #tpu.memory_space<semaphore_mem>>) src(%dma_wait3A_16 : memref<200xi32, #tpu.memory_space<hbm>>) dst(%arg11 : memref<200xi32, #tpu.memory_space<vmem>>)
    %add3A_17 = arith.constant 32 : i32
    %add3A_18 = arith.addi %add3A_17, %add3A : i32
    %mul3A_19 = arith.constant 200 : i32
    %mul3A_20 = arith.muli %add3A_18, %mul3A_19 : i32
    %dma_wait3A_21 = tpu.memref_slice %arg2[%mul3A_20] : memref<204800xi32, #tpu.memory_space<hbm>> -> memref<200xi32, #tpu.memory_space<hbm>>
    %dma_wait3A_22 = tpu.memref_slice %arg2[%mul3A_20] : memref<204800xi32, #tpu.memory_space<hbm>> -> memref<200xi32, #tpu.memory_space<hbm>>
    tpu.wait_dma2 semaphore(%arg24 : memref<!tpu.dma_semaphore, #tpu.memory_space<semaphore_mem>>) src(%dma_wait3A_22 : memref<200xi32, #tpu.memory_space<hbm>>) dst(%arg12 : memref<200xi32, #tpu.memory_space<vmem>>)
    %dma_start3A_23 = arith.constant 0 : i32
    %dma_start3A_24 = arith.constant 0 : i32
    %dma_start3A_25 = tpu.memref_slice %arg7[%dma_start3A_23, %dma_start3A_24] : memref<200x128xf32, #tpu.memory_space<vmem>> -> memref<104x128xf32, #tpu.memory_space<vmem>>
    %dma_start3A_26 = arith.constant 0 : i32
    %dma_start3A_27 = tpu.memref_slice %arg11[%dma_start3A_26] : memref<200xi32, #tpu.memory_space<vmem>> -> memref<104xi32, #tpu.memory_space<vmem>>
    %dma_start3A_28 = arith.constant 0 : i32
    %dma_start3A_29 = arith.constant 0 : i32
    %dma_start3A_30 = tpu.memref_slice %arg3[%dma_start3A_28, %dma_start3A_29] : memref<100000x128xf32, #tpu.memory_space<hbm>> -> memref<100000x128xf32, #tpu.memory_space<hbm>>
    tpu.enqueue_indirect_dma source(%dma_start3A_30 : memref<100000x128xf32, #tpu.memory_space<hbm>>) target(%dma_start3A_25 : memref<104x128xf32, #tpu.memory_space<vmem>>) offsets(%dma_start3A_27 : memref<104xi32, #tpu.memory_space<vmem>>) semaphore(%arg15 : memref<!tpu.dma_semaphore, #tpu.memory_space<semaphore_mem>>)
    %dma_start3A_31 = arith.constant 104 : i32
    %dma_start3A_32 = arith.constant 0 : i32
    %dma_start3A_33 = tpu.memref_slice %arg7[%dma_start3A_31, %dma_start3A_32] : memref<200x128xf32, #tpu.memory_space<vmem>> -> memref<96x128xf32, #tpu.memory_space<vmem>>
    %dma_start3A_34 = arith.constant 104 : i32
    %dma_start3A_35 = tpu.memref_slice %arg11[%dma_start3A_34] : memref<200xi32, #tpu.memory_space<vmem>> -> memref<96xi32, #tpu.memory_space<vmem>>
    %dma_start3A_36 = arith.constant 0 : i32
    %dma_start3A_37 = arith.constant 0 : i32
    %dma_start3A_38 = tpu.memref_slice %arg3[%dma_start3A_36, %dma_start3A_37] : memref<100000x128xf32, #tpu.memory_space<hbm>> -> memref<100000x128xf32, #tpu.memory_space<hbm>>
    tpu.enqueue_indirect_dma source(%dma_start3A_38 : memref<100000x128xf32, #tpu.memory_space<hbm>>) target(%dma_start3A_33 : memref<96x128xf32, #tpu.memory_space<vmem>>) offsets(%dma_start3A_35 : memref<96xi32, #tpu.memory_space<vmem>>) semaphore(%arg15 : memref<!tpu.dma_semaphore, #tpu.memory_space<semaphore_mem>>)
    %dma_start3A_39 = arith.constant 0 : i32
    %dma_start3A_40 = arith.constant 0 : i32
    %dma_start3A_41 = tpu.memref_slice %arg8[%dma_start3A_39, %dma_start3A_40] : memref<200x128xf32, #tpu.memory_space<vmem>> -> memref<104x128xf32, #tpu.memory_space<vmem>>
    %dma_start3A_42 = arith.constant 0 : i32
    %dma_start3A_43 = tpu.memref_slice %arg12[%dma_start3A_42] : memref<200xi32, #tpu.memory_space<vmem>> -> memref<104xi32, #tpu.memory_space<vmem>>
    %dma_start3A_44 = arith.constant 0 : i32
    %dma_start3A_45 = arith.constant 0 : i32
    %dma_start3A_46 = tpu.memref_slice %arg3[%dma_start3A_44, %dma_start3A_45] : memref<100000x128xf32, #tpu.memory_space<hbm>> -> memref<100000x128xf32, #tpu.memory_space<hbm>>
    tpu.enqueue_indirect_dma source(%dma_start3A_46 : memref<100000x128xf32, #tpu.memory_space<hbm>>) target(%dma_start3A_41 : memref<104x128xf32, #tpu.memory_space<vmem>>) offsets(%dma_start3A_43 : memref<104xi32, #tpu.memory_space<vmem>>) semaphore(%arg16 : memref<!tpu.dma_semaphore, #tpu.memory_space<semaphore_mem>>)
    %dma_start3A_47 = arith.constant 104 : i32
    %dma_start3A_48 = arith.constant 0 : i32
    %dma_start3A_49 = tpu.memref_slice %arg8[%dma_start3A_47, %dma_start3A_48] : memref<200x128xf32, #tpu.memory_space<vmem>> -> memref<96x128xf32, #tpu.memory_space<vmem>>
    %dma_start3A_50 = arith.constant 104 : i32
    %dma_start3A_51 = tpu.memref_slice %arg12[%dma_start3A_50] : memref<200xi32, #tpu.memory_space<vmem>> -> memref<96xi32, #tpu.memory_space<vmem>>
    %dma_start3A_52 = arith.constant 0 : i32
    %dma_start3A_53 = arith.constant 0 : i32
    %dma_start3A_54 = tpu.memref_slice %arg3[%dma_start3A_52, %dma_start3A_53] : memref<100000x128xf32, #tpu.memory_space<hbm>> -> memref<100000x128xf32, #tpu.memory_space<hbm>>
    tpu.enqueue_indirect_dma source(%dma_start3A_54 : memref<100000x128xf32, #tpu.memory_space<hbm>>) target(%dma_start3A_49 : memref<96x128xf32, #tpu.memory_space<vmem>>) offsets(%dma_start3A_51 : memref<96xi32, #tpu.memory_space<vmem>>) semaphore(%arg16 : memref<!tpu.dma_semaphore, #tpu.memory_space<semaphore_mem>>)
    %add3A_55 = arith.constant 64 : i32
    %add3A_56 = arith.addi %add3A_55, %add3A : i32
    %mul3A_57 = arith.constant 200 : i32
    %mul3A_58 = arith.muli %add3A_56, %mul3A_57 : i32
    %dma_start3A_59 = tpu.memref_slice %arg2[%mul3A_58] : memref<204800xi32, #tpu.memory_space<hbm>> -> memref<200xi32, #tpu.memory_space<hbm>>
    %dma_start3A_60 = tpu.memref_slice %arg2[%mul3A_58] : memref<204800xi32, #tpu.memory_space<hbm>> -> memref<200xi32, #tpu.memory_space<hbm>>
    tpu.enqueue_dma source(%dma_start3A_60 : memref<200xi32, #tpu.memory_space<hbm>>) target(%arg13 : memref<200xi32, #tpu.memory_space<vmem>>) target_semaphore(%arg25 : memref<!tpu.dma_semaphore, #tpu.memory_space<semaphore_mem>>)
    %add3A_61 = arith.constant 96 : i32
    %add3A_62 = arith.addi %add3A_61, %add3A : i32
    %mul3A_63 = arith.constant 200 : i32
    %mul3A_64 = arith.muli %add3A_62, %mul3A_63 : i32
    %dma_start3A_65 = tpu.memref_slice %arg2[%mul3A_64] : memref<204800xi32, #tpu.memory_space<hbm>> -> memref<200xi32, #tpu.memory_space<hbm>>
    %dma_start3A_66 = tpu.memref_slice %arg2[%mul3A_64] : memref<204800xi32, #tpu.memory_space<hbm>> -> memref<200xi32, #tpu.memory_space<hbm>>
    tpu.enqueue_dma source(%dma_start3A_66 : memref<200xi32, #tpu.memory_space<hbm>>) target(%arg14 : memref<200xi32, #tpu.memory_space<vmem>>) target_semaphore(%arg26 : memref<!tpu.dma_semaphore, #tpu.memory_space<semaphore_mem>>)
    tpu.enqueue_dma source(%arg4 : memref<200x128xf32, #tpu.memory_space<hbm>>) target(%arg6 : memref<200x128xf32, #tpu.memory_space<vmem>>) target_semaphore(%arg27 : memref<!tpu.dma_semaphore, #tpu.memory_space<semaphore_mem>>)
    tpu.wait_dma2 semaphore(%arg27 : memref<!tpu.dma_semaphore, #tpu.memory_space<semaphore_mem>>) src(%arg4 : memref<200x128xf32, #tpu.memory_space<hbm>>) dst(%arg6 : memref<200x128xf32, #tpu.memory_space<vmem>>)
    %dma_wait3A_67 = arith.constant 0 : i32
    %dma_wait3A_68 = arith.constant 0 : i32
    %dma_wait3A_69 = tpu.memref_slice %arg7[%dma_wait3A_67, %dma_wait3A_68] : memref<200x128xf32, #tpu.memory_space<vmem>> -> memref<104x128xf32, #tpu.memory_space<vmem>>
    %dma_wait3A_70 = arith.constant 0 : i32
    %dma_wait3A_71 = tpu.memref_slice %arg11[%dma_wait3A_70] : memref<200xi32, #tpu.memory_space<vmem>> -> memref<104xi32, #tpu.memory_space<vmem>>
    %dma_wait3A_72 = arith.constant 0 : i32
    %dma_wait3A_73 = arith.constant 0 : i32
    %dma_wait3A_74 = tpu.memref_slice %arg3[%dma_wait3A_72, %dma_wait3A_73] : memref<100000x128xf32, #tpu.memory_space<hbm>> -> memref<100000x128xf32, #tpu.memory_space<hbm>>
    tpu.wait_indirect_dma semaphore(%arg15 : memref<!tpu.dma_semaphore, #tpu.memory_space<semaphore_mem>>) src(%dma_wait3A_74 : memref<100000x128xf32, #tpu.memory_space<hbm>>) dst(%dma_wait3A_69 : memref<104x128xf32, #tpu.memory_space<vmem>>)
    %dma_wait3A_75 = arith.constant 104 : i32
    %dma_wait3A_76 = arith.constant 0 : i32
    %dma_wait3A_77 = tpu.memref_slice %arg7[%dma_wait3A_75, %dma_wait3A_76] : memref<200x128xf32, #tpu.memory_space<vmem>> -> memref<96x128xf32, #tpu.memory_space<vmem>>
    %dma_wait3A_78 = arith.constant 104 : i32
    %dma_wait3A_79 = tpu.memref_slice %arg11[%dma_wait3A_78] : memref<200xi32, #tpu.memory_space<vmem>> -> memref<96xi32, #tpu.memory_space<vmem>>
    %dma_wait3A_80 = arith.constant 0 : i32
    %dma_wait3A_81 = arith.constant 0 : i32
    %dma_wait3A_82 = tpu.memref_slice %arg3[%dma_wait3A_80, %dma_wait3A_81] : memref<100000x128xf32, #tpu.memory_space<hbm>> -> memref<100000x128xf32, #tpu.memory_space<hbm>>
    tpu.wait_indirect_dma semaphore(%arg15 : memref<!tpu.dma_semaphore, #tpu.memory_space<semaphore_mem>>) src(%dma_wait3A_82 : memref<100000x128xf32, #tpu.memory_space<hbm>>) dst(%dma_wait3A_77 : memref<96x128xf32, #tpu.memory_space<vmem>>)
    %add3A_83 = arith.constant 128 : i32
    %add3A_84 = arith.addi %add3A_83, %add3A : i32
    %mul3A_85 = arith.constant 200 : i32
    %mul3A_86 = arith.muli %add3A_84, %mul3A_85 : i32
    %dma_start3A_87 = tpu.memref_slice %arg2[%mul3A_86] : memref<204800xi32, #tpu.memory_space<hbm>> -> memref<200xi32, #tpu.memory_space<hbm>>
    %dma_start3A_88 = tpu.memref_slice %arg2[%mul3A_86] : memref<204800xi32, #tpu.memory_space<hbm>> -> memref<200xi32, #tpu.memory_space<hbm>>
    tpu.enqueue_dma source(%dma_start3A_88 : memref<200xi32, #tpu.memory_space<hbm>>) target(%arg11 : memref<200xi32, #tpu.memory_space<vmem>>) target_semaphore(%arg23 : memref<!tpu.dma_semaphore, #tpu.memory_space<semaphore_mem>>)
    %add3A_89 = arith.constant 64 : i32
    %add3A_90 = arith.addi %add3A_89, %add3A : i32
    %mul3A_91 = arith.constant 200 : i32
    %mul3A_92 = arith.muli %add3A_90, %mul3A_91 : i32
    %dma_wait3A_93 = tpu.memref_slice %arg2[%mul3A_92] : memref<204800xi32, #tpu.memory_space<hbm>> -> memref<200xi32, #tpu.memory_space<hbm>>
    %dma_wait3A_94 = tpu.memref_slice %arg2[%mul3A_92] : memref<204800xi32, #tpu.memory_space<hbm>> -> memref<200xi32, #tpu.memory_space<hbm>>
    tpu.wait_dma2 semaphore(%arg25 : memref<!tpu.dma_semaphore, #tpu.memory_space<semaphore_mem>>) src(%dma_wait3A_94 : memref<200xi32, #tpu.memory_space<hbm>>) dst(%arg13 : memref<200xi32, #tpu.memory_space<vmem>>)
    %dma_start3A_95 = arith.constant 0 : i32
    %dma_start3A_96 = arith.constant 0 : i32
    %dma_start3A_97 = tpu.memref_slice %arg9[%dma_start3A_95, %dma_start3A_96] : memref<200x128xf32, #tpu.memory_space<vmem>> -> memref<104x128xf32, #tpu.memory_space<vmem>>
    %dma_start3A_98 = arith.constant 0 : i32
    %dma_start3A_99 = tpu.memref_slice %arg13[%dma_start3A_98] : memref<200xi32, #tpu.memory_space<vmem>> -> memref<104xi32, #tpu.memory_space<vmem>>
    %dma_start3A_100 = arith.constant 0 : i32
    %dma_start3A_101 = arith.constant 0 : i32
    %dma_start3A_102 = tpu.memref_slice %arg3[%dma_start3A_100, %dma_start3A_101] : memref<100000x128xf32, #tpu.memory_space<hbm>> -> memref<100000x128xf32, #tpu.memory_space<hbm>>
    tpu.enqueue_indirect_dma source(%dma_start3A_102 : memref<100000x128xf32, #tpu.memory_space<hbm>>) target(%dma_start3A_97 : memref<104x128xf32, #tpu.memory_space<vmem>>) offsets(%dma_start3A_99 : memref<104xi32, #tpu.memory_space<vmem>>) semaphore(%arg17 : memref<!tpu.dma_semaphore, #tpu.memory_space<semaphore_mem>>)
    %dma_start3A_103 = arith.constant 104 : i32
    %dma_start3A_104 = arith.constant 0 : i32
    %dma_start3A_105 = tpu.memref_slice %arg9[%dma_start3A_103, %dma_start3A_104] : memref<200x128xf32, #tpu.memory_space<vmem>> -> memref<96x128xf32, #tpu.memory_space<vmem>>
    %dma_start3A_106 = arith.constant 104 : i32
    %dma_start3A_107 = tpu.memref_slice %arg13[%dma_start3A_106] : memref<200xi32, #tpu.memory_space<vmem>> -> memref<96xi32, #tpu.memory_space<vmem>>
    %dma_start3A_108 = arith.constant 0 : i32
    %dma_start3A_109 = arith.constant 0 : i32
    %dma_start3A_110 = tpu.memref_slice %arg3[%dma_start3A_108, %dma_start3A_109] : memref<100000x128xf32, #tpu.memory_space<hbm>> -> memref<100000x128xf32, #tpu.memory_space<hbm>>
    tpu.enqueue_indirect_dma source(%dma_start3A_110 : memref<100000x128xf32, #tpu.memory_space<hbm>>) target(%dma_start3A_105 : memref<96x128xf32, #tpu.memory_space<vmem>>) offsets(%dma_start3A_107 : memref<96xi32, #tpu.memory_space<vmem>>) semaphore(%arg17 : memref<!tpu.dma_semaphore, #tpu.memory_space<semaphore_mem>>)
    %scan3A = arith.constant 0 : i32
    %scan3A_111 = arith.constant 0 : i32
    %scan3A_112 = arith.constant 100 : i32
    %scan3A_113 = arith.addi %scan3A_111, %scan3A_112 : i32
    %scan3A_114 = arith.constant 1 : i32
    scf.for %scan3A_532 = %scan3A_111 to %scan3A_113 step %scan3A_114  : i32 {
      %mul3A_533 = arith.constant 2 : i32
      %mul3A_534 = arith.muli %scan3A_532, %mul3A_533 : i32
      %add3A_535 = arith.constant 0 : i32
      %add3A_536 = arith.addi %mul3A_534, %add3A_535 : i32
      %get3A = arith.index_cast %add3A_536 : i32 to index
      %get3A_537 = arith.constant 0 : index
      %get3A_538 = tpu.vector_load %arg7[%get3A, %get3A_537] {strides = array<i32>} : memref<200x128xf32, #tpu.memory_space<vmem>>, vector<1x16xf32>,
      %get3A_539 = vector.shape_cast %get3A_538 : vector<1x16xf32> to vector<16xf32>
      %mul3A_540 = arith.constant 11.3137083 : f32
      %mul3A_541 = vector.broadcast %mul3A_540 : f32 to vector<16xf32>
      %mul3A_542 = arith.mulf %get3A_539, %mul3A_541 : vector<16xf32>
      %get3A_543 = arith.index_cast %add3A_536 : i32 to index
      %get3A_544 = arith.constant 0 : index
      %get3A_545 = tpu.vector_load %arg6[%get3A_543, %get3A_544] {strides = array<i32>} : memref<200x128xf32, #tpu.memory_space<vmem>>, vector<1x16xf32>,
      %get3A_546 = vector.shape_cast %get3A_545 : vector<1x16xf32> to vector<16xf32>
      %add3A_547 = arith.addf %mul3A_542, %get3A_546 : vector<16xf32>
      %swap3A = arith.index_cast %add3A_536 : i32 to index
      %swap3A_548 = arith.constant 0 : index
      %swap3A_549 = tpu.vector_load %arg7[%swap3A, %swap3A_548] {strides = array<i32>} : memref<200x128xf32, #tpu.memory_space<vmem>>, vector<1x16xf32>,
      %swap3A_550 = vector.shape_cast %swap3A_549 : vector<1x16xf32> to vector<16xf32>
      %swap3A_551 = vector.shape_cast %add3A_547 : vector<16xf32> to vector<1x16xf32>
      tpu.vector_store %arg7[%swap3A, %swap3A_548], %swap3A_551 {strides = array<i32>} : memref<200x128xf32, #tpu.memory_space<vmem>>, vector<1x16xf32>,
      %get3A_552 = arith.index_cast %add3A_536 : i32 to index
      %get3A_553 = arith.constant 16 : index
      %get3A_554 = tpu.vector_load %arg7[%get3A_552, %get3A_553] {strides = array<i32>} : memref<200x128xf32, #tpu.memory_space<vmem>>, vector<1x16xf32>,
      %get3A_555 = vector.shape_cast %get3A_554 : vector<1x16xf32> to vector<16xf32>
      %mul3A_556 = arith.constant 11.3137083 : f32
      %mul3A_557 = vector.broadcast %mul3A_556 : f32 to vector<16xf32>
      %mul3A_558 = arith.mulf %get3A_555, %mul3A_557 : vector<16xf32>
      %get3A_559 = arith.index_cast %add3A_536 : i32 to index
      %get3A_560 = arith.constant 16 : index
      %get3A_561 = tpu.vector_load %arg6[%get3A_559, %get3A_560] {strides = array<i32>} : memref<200x128xf32, #tpu.memory_space<vmem>>, vector<1x16xf32>,
      %get3A_562 = vector.shape_cast %get3A_561 : vector<1x16xf32> to vector<16xf32>
      %add3A_563 = arith.addf %mul3A_558, %get3A_562 : vector<16xf32>
      %swap3A_564 = arith.index_cast %add3A_536 : i32 to index
      %swap3A_565 = arith.constant 16 : index
      %swap3A_566 = tpu.vector_load %arg7[%swap3A_564, %swap3A_565] {strides = array<i32>} : memref<200x128xf32, #tpu.memory_space<vmem>>, vector<1x16xf32>,
      %swap3A_567 = vector.shape_cast %swap3A_566 : vector<1x16xf32> to vector<16xf32>
      %swap3A_568 = vector.shape_cast %add3A_563 : vector<16xf32> to vector<1x16xf32>
      tpu.vector_store %arg7[%swap3A_564, %swap3A_565], %swap3A_568 {strides = array<i32>} : memref<200x128xf32, #tpu.memory_space<vmem>>, vector<1x16xf32>,
      %get3A_569 = arith.index_cast %add3A_536 : i32 to index
      %get3A_570 = arith.constant 32 : index
      %get3A_571 = tpu.vector_load %arg7[%get3A_569, %get3A_570] {strides = array<i32>} : memref<200x128xf32, #tpu.memory_space<vmem>>, vector<1x16xf32>,
      %get3A_572 = vector.shape_cast %get3A_571 : vector<1x16xf32> to vector<16xf32>
      %mul3A_573 = arith.constant 11.3137083 : f32
      %mul3A_574 = vector.broadcast %mul3A_573 : f32 to vector<16xf32>
      %mul3A_575 = arith.mulf %get3A_572, %mul3A_574 : vector<16xf32>
      %get3A_576 = arith.index_cast %add3A_536 : i32 to index
      %get3A_577 = arith.constant 32 : index
      %get3A_578 = tpu.vector_load %arg6[%get3A_576, %get3A_577] {strides = array<i32>} : memref<200x128xf32, #tpu.memory_space<vmem>>, vector<1x16xf32>,
      %get3A_579 = vector.shape_cast %get3A_578 : vector<1x16xf32> to vector<16xf32>
      %add3A_580 = arith.addf %mul3A_575, %get3A_579 : vector<16xf32>
      %swap3A_581 = arith.index_cast %add3A_536 : i32 to index
      %swap3A_582 = arith.constant 32 : index
      %swap3A_583 = tpu.vector_load %arg7[%swap3A_581, %swap3A_582] {strides = array<i32>} : memref<200x128xf32, #tpu.memory_space<vmem>>, vector<1x16xf32>,
      %swap3A_584 = vector.shape_cast %swap3A_583 : vector<1x16xf32> to vector<16xf32>
      %swap3A_585 = vector.shape_cast %add3A_580 : vector<16xf32> to vector<1x16xf32>
      tpu.vector_store %arg7[%swap3A_581, %swap3A_582], %swap3A_585 {strides = array<i32>} : memref<200x128xf32, #tpu.memory_space<vmem>>, vector<1x16xf32>,
      %get3A_586 = arith.index_cast %add3A_536 : i32 to index
      %get3A_587 = arith.constant 48 : index
      %get3A_588 = tpu.vector_load %arg7[%get3A_586, %get3A_587] {strides = array<i32>} : memref<200x128xf32, #tpu.memory_space<vmem>>, vector<1x16xf32>,
      %get3A_589 = vector.shape_cast %get3A_588 : vector<1x16xf32> to vector<16xf32>
      %mul3A_590 = arith.constant 11.3137083 : f32
      %mul3A_591 = vector.broadcast %mul3A_590 : f32 to vector<16xf32>
      %mul3A_592 = arith.mulf %get3A_589, %mul3A_591 : vector<16xf32>
      %get3A_593 = arith.index_cast %add3A_536 : i32 to index
      %get3A_594 = arith.constant 48 : index
      %get3A_595 = tpu.vector_load %arg6[%get3A_593, %get3A_594] {strides = array<i32>} : memref<200x128xf32, #tpu.memory_space<vmem>>, vector<1x16xf32>,
      %get3A_596 = vector.shape_cast %get3A_595 : vector<1x16xf32> to vector<16xf32>
      %add3A_597 = arith.addf %mul3A_592, %get3A_596 : vector<16xf32>
      %swap3A_598 = arith.index_cast %add3A_536 : i32 to index
      %swap3A_599 = arith.constant 48 : index
      %swap3A_600 = tpu.vector_load %arg7[%swap3A_598, %swap3A_599] {strides = array<i32>} : memref<200x128xf32, #tpu.memory_space<vmem>>, vector<1x16xf32>,
      %swap3A_601 = vector.shape_cast %swap3A_600 : vector<1x16xf32> to vector<16xf32>
      %swap3A_602 = vector.shape_cast %add3A_597 : vector<16xf32> to vector<1x16xf32>
      tpu.vector_store %arg7[%swap3A_598, %swap3A_599], %swap3A_602 {strides = array<i32>} : memref<200x128xf32, #tpu.memory_space<vmem>>, vector<1x16xf32>,
      %get3A_603 = arith.index_cast %add3A_536 : i32 to index
      %get3A_604 = arith.constant 64 : index
      %get3A_605 = tpu.vector_load %arg7[%get3A_603, %get3A_604] {strides = array<i32>} : memref<200x128xf32, #tpu.memory_space<vmem>>, vector<1x16xf32>,
      %get3A_606 = vector.shape_cast %get3A_605 : vector<1x16xf32> to vector<16xf32>
      %mul3A_607 = arith.constant 11.3137083 : f32
      %mul3A_608 = vector.broadcast %mul3A_607 : f32 to vector<16xf32>
      %mul3A_609 = arith.mulf %get3A_606, %mul3A_608 : vector<16xf32>
      %get3A_610 = arith.index_cast %add3A_536 : i32 to index
      %get3A_611 = arith.constant 64 : index
      %get3A_612 = tpu.vector_load %arg6[%get3A_610, %get3A_611] {strides = array<i32>} : memref<200x128xf32, #tpu.memory_space<vmem>>, vector<1x16xf32>,
      %get3A_613 = vector.shape_cast %get3A_612 : vector<1x16xf32> to vector<16xf32>
      %add3A_614 = arith.addf %mul3A_609, %get3A_613 : vector<16xf32>
      %swap3A_615 = arith.index_cast %add3A_536 : i32 to index
      %swap3A_616 = arith.constant 64 : index
      %swap3A_617 = tpu.vector_load %arg7[%swap3A_615, %swap3A_616] {strides = array<i32>} : memref<200x128xf32, #tpu.memory_space<vmem>>, vector<1x16xf32>,
      %swap3A_618 = vector.shape_cast %swap3A_617 : vector<1x16xf32> to vector<16xf32>
      %swap3A_619 = vector.shape_cast %add3A_614 : vector<16xf32> to vector<1x16xf32>
      tpu.vector_store %arg7[%swap3A_615, %swap3A_616], %swap3A_619 {strides = array<i32>} : memref<200x128xf32, #tpu.memory_space<vmem>>, vector<1x16xf32>,
      %get3A_620 = arith.index_cast %add3A_536 : i32 to index
      %get3A_621 = arith.constant 80 : index
      %get3A_622 = tpu.vector_load %arg7[%get3A_620, %get3A_621] {strides = array<i32>} : memref<200x128xf32, #tpu.memory_space<vmem>>, vector<1x16xf32>,
      %get3A_623 = vector.shape_cast %get3A_622 : vector<1x16xf32> to vector<16xf32>
      %mul3A_624 = arith.constant 11.3137083 : f32
      %mul3A_625 = vector.broadcast %mul3A_624 : f32 to vector<16xf32>
      %mul3A_626 = arith.mulf %get3A_623, %mul3A_625 : vector<16xf32>
      %get3A_627 = arith.index_cast %add3A_536 : i32 to index
      %get3A_628 = arith.constant 80 : index
      %get3A_629 = tpu.vector_load %arg6[%get3A_627, %get3A_628] {strides = array<i32>} : memref<200x128xf32, #tpu.memory_space<vmem>>, vector<1x16xf32>,
      %get3A_630 = vector.shape_cast %get3A_629 : vector<1x16xf32> to vector<16xf32>
      %add3A_631 = arith.addf %mul3A_626, %get3A_630 : vector<16xf32>
      %swap3A_632 = arith.index_cast %add3A_536 : i32 to index
      %swap3A_633 = arith.constant 80 : index
      %swap3A_634 = tpu.vector_load %arg7[%swap3A_632, %swap3A_633] {strides = array<i32>} : memref<200x128xf32, #tpu.memory_space<vmem>>, vector<1x16xf32>,
      %swap3A_635 = vector.shape_cast %swap3A_634 : vector<1x16xf32> to vector<16xf32>
      %swap3A_636 = vector.shape_cast %add3A_631 : vector<16xf32> to vector<1x16xf32>
      tpu.vector_store %arg7[%swap3A_632, %swap3A_633], %swap3A_636 {strides = array<i32>} : memref<200x128xf32, #tpu.memory_space<vmem>>, vector<1x16xf32>,
      %get3A_637 = arith.index_cast %add3A_536 : i32 to index
      %get3A_638 = arith.constant 96 : index
      %get3A_639 = tpu.vector_load %arg7[%get3A_637, %get3A_638] {strides = array<i32>} : memref<200x128xf32, #tpu.memory_space<vmem>>, vector<1x16xf32>,
      %get3A_640 = vector.shape_cast %get3A_639 : vector<1x16xf32> to vector<16xf32>
      %mul3A_641 = arith.constant 11.3137083 : f32
      %mul3A_642 = vector.broadcast %mul3A_641 : f32 to vector<16xf32>
      %mul3A_643 = arith.mulf %get3A_640, %mul3A_642 : vector<16xf32>
      %get3A_644 = arith.index_cast %add3A_536 : i32 to index
      %get3A_645 = arith.constant 96 : index
      %get3A_646 = tpu.vector_load %arg6[%get3A_644, %get3A_645] {strides = array<i32>} : memref<200x128xf32, #tpu.memory_space<vmem>>, vector<1x16xf32>,
      %get3A_647 = vector.shape_cast %get3A_646 : vector<1x16xf32> to vector<16xf32>
      %add3A_648 = arith.addf %mul3A_643, %get3A_647 : vector<16xf32>
      %swap3A_649 = arith.index_cast %add3A_536 : i32 to index
      %swap3A_650 = arith.constant 96 : index
      %swap3A_651 = tpu.vector_load %arg7[%swap3A_649, %swap3A_650] {strides = array<i32>} : memref<200x128xf32, #tpu.memory_space<vmem>>, vector<1x16xf32>,
      %swap3A_652 = vector.shape_cast %swap3A_651 : vector<1x16xf32> to vector<16xf32>
      %swap3A_653 = vector.shape_cast %add3A_648 : vector<16xf32> to vector<1x16xf32>
      tpu.vector_store %arg7[%swap3A_649, %swap3A_650], %swap3A_653 {strides = array<i32>} : memref<200x128xf32, #tpu.memory_space<vmem>>, vector<1x16xf32>,
      %get3A_654 = arith.index_cast %add3A_536 : i32 to index
      %get3A_655 = arith.constant 112 : index
      %get3A_656 = tpu.vector_load %arg7[%get3A_654, %get3A_655] {strides = array<i32>} : memref<200x128xf32, #tpu.memory_space<vmem>>, vector<1x16xf32>,
      %get3A_657 = vector.shape_cast %get3A_656 : vector<1x16xf32> to vector<16xf32>
      %mul3A_658 = arith.constant 11.3137083 : f32
      %mul3A_659 = vector.broadcast %mul3A_658 : f32 to vector<16xf32>
      %mul3A_660 = arith.mulf %get3A_657, %mul3A_659 : vector<16xf32>
      %get3A_661 = arith.index_cast %add3A_536 : i32 to index
      %get3A_662 = arith.constant 112 : index
      %get3A_663 = tpu.vector_load %arg6[%get3A_661, %get3A_662] {strides = array<i32>} : memref<200x128xf32, #tpu.memory_space<vmem>>, vector<1x16xf32>,
      %get3A_664 = vector.shape_cast %get3A_663 : vector<1x16xf32> to vector<16xf32>
      %add3A_665 = arith.addf %mul3A_660, %get3A_664 : vector<16xf32>
      %swap3A_666 = arith.index_cast %add3A_536 : i32 to index
      %swap3A_667 = arith.constant 112 : index
      %swap3A_668 = tpu.vector_load %arg7[%swap3A_666, %swap3A_667] {strides = array<i32>} : memref<200x128xf32, #tpu.memory_space<vmem>>, vector<1x16xf32>,
      %swap3A_669 = vector.shape_cast %swap3A_668 : vector<1x16xf32> to vector<16xf32>
      %swap3A_670 = vector.shape_cast %add3A_665 : vector<16xf32> to vector<1x16xf32>
      tpu.vector_store %arg7[%swap3A_666, %swap3A_667], %swap3A_670 {strides = array<i32>} : memref<200x128xf32, #tpu.memory_space<vmem>>, vector<1x16xf32>,
      %mul3A_671 = arith.constant 2 : i32
      %mul3A_672 = arith.muli %scan3A_532, %mul3A_671 : i32
      %add3A_673 = arith.constant 1 : i32
      %add3A_674 = arith.addi %mul3A_672, %add3A_673 : i32
      %get3A_675 = arith.index_cast %add3A_674 : i32 to index
      %get3A_676 = arith.constant 0 : index
      %get3A_677 = tpu.vector_load %arg7[%get3A_675, %get3A_676] {strides = array<i32>} : memref<200x128xf32, #tpu.memory_space<vmem>>, vector<1x16xf32>,
      %get3A_678 = vector.shape_cast %get3A_677 : vector<1x16xf32> to vector<16xf32>
      %mul3A_679 = arith.constant 11.3137083 : f32
      %mul3A_680 = vector.broadcast %mul3A_679 : f32 to vector<16xf32>
      %mul3A_681 = arith.mulf %get3A_678, %mul3A_680 : vector<16xf32>
      %get3A_682 = arith.index_cast %add3A_674 : i32 to index
      %get3A_683 = arith.constant 0 : index
      %get3A_684 = tpu.vector_load %arg6[%get3A_682, %get3A_683] {strides = array<i32>} : memref<200x128xf32, #tpu.memory_space<vmem>>, vector<1x16xf32>,
      %get3A_685 = vector.shape_cast %get3A_684 : vector<1x16xf32> to vector<16xf32>
      %add3A_686 = arith.addf %mul3A_681, %get3A_685 : vector<16xf32>
      %swap3A_687 = arith.index_cast %add3A_674 : i32 to index
      %swap3A_688 = arith.constant 0 : index
      %swap3A_689 = tpu.vector_load %arg7[%swap3A_687, %swap3A_688] {strides = array<i32>} : memref<200x128xf32, #tpu.memory_space<vmem>>, vector<1x16xf32>,
      %swap3A_690 = vector.shape_cast %swap3A_689 : vector<1x16xf32> to vector<16xf32>
      %swap3A_691 = vector.shape_cast %add3A_686 : vector<16xf32> to vector<1x16xf32>
      tpu.vector_store %arg7[%swap3A_687, %swap3A_688], %swap3A_691 {strides = array<i32>} : memref<200x128xf32, #tpu.memory_space<vmem>>, vector<1x16xf32>,
      %get3A_692 = arith.index_cast %add3A_674 : i32 to index
      %get3A_693 = arith.constant 16 : index
      %get3A_694 = tpu.vector_load %arg7[%get3A_692, %get3A_693] {strides = array<i32>} : memref<200x128xf32, #tpu.memory_space<vmem>>, vector<1x16xf32>,
      %get3A_695 = vector.shape_cast %get3A_694 : vector<1x16xf32> to vector<16xf32>
      %mul3A_696 = arith.constant 11.3137083 : f32
      %mul3A_697 = vector.broadcast %mul3A_696 : f32 to vector<16xf32>
      %mul3A_698 = arith.mulf %get3A_695, %mul3A_697 : vector<16xf32>
      %get3A_699 = arith.index_cast %add3A_674 : i32 to index
      %get3A_700 = arith.constant 16 : index
      %get3A_701 = tpu.vector_load %arg6[%get3A_699, %get3A_700] {strides = array<i32>} : memref<200x128xf32, #tpu.memory_space<vmem>>, vector<1x16xf32>,
      %get3A_702 = vector.shape_cast %get3A_701 : vector<1x16xf32> to vector<16xf32>
      %add3A_703 = arith.addf %mul3A_698, %get3A_702 : vector<16xf32>
      %swap3A_704 = arith.index_cast %add3A_674 : i32 to index
      %swap3A_705 = arith.constant 16 : index
      %swap3A_706 = tpu.vector_load %arg7[%swap3A_704, %swap3A_705] {strides = array<i32>} : memref<200x128xf32, #tpu.memory_space<vmem>>, vector<1x16xf32>,
      %swap3A_707 = vector.shape_cast %swap3A_706 : vector<1x16xf32> to vector<16xf32>
      %swap3A_708 = vector.shape_cast %add3A_703 : vector<16xf32> to vector<1x16xf32>
      tpu.vector_store %arg7[%swap3A_704, %swap3A_705], %swap3A_708 {strides = array<i32>} : memref<200x128xf32, #tpu.memory_space<vmem>>, vector<1x16xf32>,
      %get3A_709 = arith.index_cast %add3A_674 : i32 to index
      %get3A_710 = arith.constant 32 : index
      %get3A_711 = tpu.vector_load %arg7[%get3A_709, %get3A_710] {strides = array<i32>} : memref<200x128xf32, #tpu.memory_space<vmem>>, vector<1x16xf32>,
      %get3A_712 = vector.shape_cast %get3A_711 : vector<1x16xf32> to vector<16xf32>
      %mul3A_713 = arith.constant 11.3137083 : f32
      %mul3A_714 = vector.broadcast %mul3A_713 : f32 to vector<16xf32>
      %mul3A_715 = arith.mulf %get3A_712, %mul3A_714 : vector<16xf32>
      %get3A_716 = arith.index_cast %add3A_674 : i32 to index
      %get3A_717 = arith.constant 32 : index
      %get3A_718 = tpu.vector_load %arg6[%get3A_716, %get3A_717] {strides = array<i32>} : memref<200x128xf32, #tpu.memory_space<vmem>>, vector<1x16xf32>,
      %get3A_719 = vector.shape_cast %get3A_718 : vector<1x16xf32> to vector<16xf32>
      %add3A_720 = arith.addf %mul3A_715, %get3A_719 : vector<16xf32>
      %swap3A_721 = arith.index_cast %add3A_674 : i32 to index
      %swap3A_722 = arith.constant 32 : index
      %swap3A_723 = tpu.vector_load %arg7[%swap3A_721, %swap3A_722] {strides = array<i32>} : memref<200x128xf32, #tpu.memory_space<vmem>>, vector<1x16xf32>,
      %swap3A_724 = vector.shape_cast %swap3A_723 : vector<1x16xf32> to vector<16xf32>
      %swap3A_725 = vector.shape_cast %add3A_720 : vector<16xf32> to vector<1x16xf32>
      tpu.vector_store %arg7[%swap3A_721, %swap3A_722], %swap3A_725 {strides = array<i32>} : memref<200x128xf32, #tpu.memory_space<vmem>>, vector<1x16xf32>,
      %get3A_726 = arith.index_cast %add3A_674 : i32 to index
      %get3A_727 = arith.constant 48 : index
      %get3A_728 = tpu.vector_load %arg7[%get3A_726, %get3A_727] {strides = array<i32>} : memref<200x128xf32, #tpu.memory_space<vmem>>, vector<1x16xf32>,
      %get3A_729 = vector.shape_cast %get3A_728 : vector<1x16xf32> to vector<16xf32>
      %mul3A_730 = arith.constant 11.3137083 : f32
      %mul3A_731 = vector.broadcast %mul3A_730 : f32 to vector<16xf32>
      %mul3A_732 = arith.mulf %get3A_729, %mul3A_731 : vector<16xf32>
      %get3A_733 = arith.index_cast %add3A_674 : i32 to index
      %get3A_734 = arith.constant 48 : index
      %get3A_735 = tpu.vector_load %arg6[%get3A_733, %get3A_734] {strides = array<i32>} : memref<200x128xf32, #tpu.memory_space<vmem>>, vector<1x16xf32>,
      %get3A_736 = vector.shape_cast %get3A_735 : vector<1x16xf32> to vector<16xf32>
      %add3A_737 = arith.addf %mul3A_732, %get3A_736 : vector<16xf32>
      %swap3A_738 = arith.index_cast %add3A_674 : i32 to index
      %swap3A_739 = arith.constant 48 : index
      %swap3A_740 = tpu.vector_load %arg7[%swap3A_738, %swap3A_739] {strides = array<i32>} : memref<200x128xf32, #tpu.memory_space<vmem>>, vector<1x16xf32>,
      %swap3A_741 = vector.shape_cast %swap3A_740 : vector<1x16xf32> to vector<16xf32>
      %swap3A_742 = vector.shape_cast %add3A_737 : vector<16xf32> to vector<1x16xf32>
      tpu.vector_store %arg7[%swap3A_738, %swap3A_739], %swap3A_742 {strides = array<i32>} : memref<200x128xf32, #tpu.memory_space<vmem>>, vector<1x16xf32>,
      %get3A_743 = arith.index_cast %add3A_674 : i32 to index
      %get3A_744 = arith.constant 64 : index
      %get3A_745 = tpu.vector_load %arg7[%get3A_743, %get3A_744] {strides = array<i32>} : memref<200x128xf32, #tpu.memory_space<vmem>>, vector<1x16xf32>,
      %get3A_746 = vector.shape_cast %get3A_745 : vector<1x16xf32> to vector<16xf32>
      %mul3A_747 = arith.constant 11.3137083 : f32
      %mul3A_748 = vector.broadcast %mul3A_747 : f32 to vector<16xf32>
      %mul3A_749 = arith.mulf %get3A_746, %mul3A_748 : vector<16xf32>
      %get3A_750 = arith.index_cast %add3A_674 : i32 to index
      %get3A_751 = arith.constant 64 : index
      %get3A_752 = tpu.vector_load %arg6[%get3A_750, %get3A_751] {strides = array<i32>} : memref<200x128xf32, #tpu.memory_space<vmem>>, vector<1x16xf32>,
      %get3A_753 = vector.shape_cast %get3A_752 : vector<1x16xf32> to vector<16xf32>
      %add3A_754 = arith.addf %mul3A_749, %get3A_753 : vector<16xf32>
      %swap3A_755 = arith.index_cast %add3A_674 : i32 to index
      %swap3A_756 = arith.constant 64 : index
      %swap3A_757 = tpu.vector_load %arg7[%swap3A_755, %swap3A_756] {strides = array<i32>} : memref<200x128xf32, #tpu.memory_space<vmem>>, vector<1x16xf32>,
      %swap3A_758 = vector.shape_cast %swap3A_757 : vector<1x16xf32> to vector<16xf32>
      %swap3A_759 = vector.shape_cast %add3A_754 : vector<16xf32> to vector<1x16xf32>
      tpu.vector_store %arg7[%swap3A_755, %swap3A_756], %swap3A_759 {strides = array<i32>} : memref<200x128xf32, #tpu.memory_space<vmem>>, vector<1x16xf32>,
      %get3A_760 = arith.index_cast %add3A_674 : i32 to index
      %get3A_761 = arith.constant 80 : index
      %get3A_762 = tpu.vector_load %arg7[%get3A_760, %get3A_761] {strides = array<i32>} : memref<200x128xf32, #tpu.memory_space<vmem>>, vector<1x16xf32>,
      %get3A_763 = vector.shape_cast %get3A_762 : vector<1x16xf32> to vector<16xf32>
      %mul3A_764 = arith.constant 11.3137083 : f32
      %mul3A_765 = vector.broadcast %mul3A_764 : f32 to vector<16xf32>
      %mul3A_766 = arith.mulf %get3A_763, %mul3A_765 : vector<16xf32>
      %get3A_767 = arith.index_cast %add3A_674 : i32 to index
      %get3A_768 = arith.constant 80 : index
      %get3A_769 = tpu.vector_load %arg6[%get3A_767, %get3A_768] {strides = array<i32>} : memref<200x128xf32, #tpu.memory_space<vmem>>, vector<1x16xf32>,
      %get3A_770 = vector.shape_cast %get3A_769 : vector<1x16xf32> to vector<16xf32>
      %add3A_771 = arith.addf %mul3A_766, %get3A_770 : vector<16xf32>
      %swap3A_772 = arith.index_cast %add3A_674 : i32 to index
      %swap3A_773 = arith.constant 80 : index
      %swap3A_774 = tpu.vector_load %arg7[%swap3A_772, %swap3A_773] {strides = array<i32>} : memref<200x128xf32, #tpu.memory_space<vmem>>, vector<1x16xf32>,
      %swap3A_775 = vector.shape_cast %swap3A_774 : vector<1x16xf32> to vector<16xf32>
      %swap3A_776 = vector.shape_cast %add3A_771 : vector<16xf32> to vector<1x16xf32>
      tpu.vector_store %arg7[%swap3A_772, %swap3A_773], %swap3A_776 {strides = array<i32>} : memref<200x128xf32, #tpu.memory_space<vmem>>, vector<1x16xf32>,
      %get3A_777 = arith.index_cast %add3A_674 : i32 to index
      %get3A_778 = arith.constant 96 : index
      %get3A_779 = tpu.vector_load %arg7[%get3A_777, %get3A_778] {strides = array<i32>} : memref<200x128xf32, #tpu.memory_space<vmem>>, vector<1x16xf32>,
      %get3A_780 = vector.shape_cast %get3A_779 : vector<1x16xf32> to vector<16xf32>
      %mul3A_781 = arith.constant 11.3137083 : f32
      %mul3A_782 = vector.broadcast %mul3A_781 : f32 to vector<16xf32>
      %mul3A_783 = arith.mulf %get3A_780, %mul3A_782 : vector<16xf32>
      %get3A_784 = arith.index_cast %add3A_674 : i32 to index
      %get3A_785 = arith.constant 96 : index
      %get3A_786 = tpu.vector_load %arg6[%get3A_784, %get3A_785] {strides = array<i32>} : memref<200x128xf32, #tpu.memory_space<vmem>>, vector<1x16xf32>,
      %get3A_787 = vector.shape_cast %get3A_786 : vector<1x16xf32> to vector<16xf32>
      %add3A_788 = arith.addf %mul3A_783, %get3A_787 : vector<16xf32>
      %swap3A_789 = arith.index_cast %add3A_674 : i32 to index
      %swap3A_790 = arith.constant 96 : index
      %swap3A_791 = tpu.vector_load %arg7[%swap3A_789, %swap3A_790] {strides = array<i32>} : memref<200x128xf32, #tpu.memory_space<vmem>>, vector<1x16xf32>,
      %swap3A_792 = vector.shape_cast %swap3A_791 : vector<1x16xf32> to vector<16xf32>
      %swap3A_793 = vector.shape_cast %add3A_788 : vector<16xf32> to vector<1x16xf32>
      tpu.vector_store %arg7[%swap3A_789, %swap3A_790], %swap3A_793 {strides = array<i32>} : memref<200x128xf32, #tpu.memory_space<vmem>>, vector<1x16xf32>,
      %get3A_794 = arith.index_cast %add3A_674 : i32 to index
      %get3A_795 = arith.constant 112 : index
      %get3A_796 = tpu.vector_load %arg7[%get3A_794, %get3A_795] {strides = array<i32>} : memref<200x128xf32, #tpu.memory_space<vmem>>, vector<1x16xf32>,
      %get3A_797 = vector.shape_cast %get3A_796 : vector<1x16xf32> to vector<16xf32>
      %mul3A_798 = arith.constant 11.3137083 : f32
      %mul3A_799 = vector.broadcast %mul3A_798 : f32 to vector<16xf32>
      %mul3A_800 = arith.mulf %get3A_797, %mul3A_799 : vector<16xf32>
      %get3A_801 = arith.index_cast %add3A_674 : i32 to index
      %get3A_802 = arith.constant 112 : index
      %get3A_803 = tpu.vector_load %arg6[%get3A_801, %get3A_802] {strides = array<i32>} : memref<200x128xf32, #tpu.memory_space<vmem>>, vector<1x16xf32>,
      %get3A_804 = vector.shape_cast %get3A_803 : vector<1x16xf32> to vector<16xf32>
      %add3A_805 = arith.addf %mul3A_800, %get3A_804 : vector<16xf32>
      %swap3A_806 = arith.index_cast %add3A_674 : i32 to index
      %swap3A_807 = arith.constant 112 : index
      %swap3A_808 = tpu.vector_load %arg7[%swap3A_806, %swap3A_807] {strides = array<i32>} : memref<200x128xf32, #tpu.memory_space<vmem>>, vector<1x16xf32>,
      %swap3A_809 = vector.shape_cast %swap3A_808 : vector<1x16xf32> to vector<16xf32>
      %swap3A_810 = vector.shape_cast %add3A_805 : vector<16xf32> to vector<1x16xf32>
      tpu.vector_store %arg7[%swap3A_806, %swap3A_807], %swap3A_810 {strides = array<i32>} : memref<200x128xf32, #tpu.memory_space<vmem>>, vector<1x16xf32>,
    }
    %scan3A_115 = arith.constant 100 : i32
    %add3A_116 = arith.constant 0 : i32
    %add3A_117 = arith.addi %add3A_116, %add3A : i32
    %mul3A_118 = arith.constant 200 : i32
    %mul3A_119 = arith.muli %add3A_117, %mul3A_118 : i32
    %dma_start3A_120 = arith.constant 0 : i32
    %dma_start3A_121 = tpu.memref_slice %arg5[%mul3A_119, %dma_start3A_120] : memref<204800x128xf32, #tpu.memory_space<hbm>> -> memref<200x128xf32, #tpu.memory_space<hbm>>
    %dma_start3A_122 = arith.constant 0 : i32
    %dma_start3A_123 = tpu.memref_slice %arg5[%mul3A_119, %dma_start3A_122] : memref<204800x128xf32, #tpu.memory_space<hbm>> -> memref<200x128xf32, #tpu.memory_space<hbm>>
    tpu.enqueue_dma source(%arg7 : memref<200x128xf32, #tpu.memory_space<vmem>>) target(%dma_start3A_123 : memref<200x128xf32, #tpu.memory_space<hbm>>) target_semaphore(%arg19 : memref<!tpu.dma_semaphore, #tpu.memory_space<semaphore_mem>>)
    %dma_wait3A_124 = arith.constant 0 : i32
    %dma_wait3A_125 = arith.constant 0 : i32
    %dma_wait3A_126 = tpu.memref_slice %arg8[%dma_wait3A_124, %dma_wait3A_125] : memref<200x128xf32, #tpu.memory_space<vmem>> -> memref<104x128xf32, #tpu.memory_space<vmem>>
    %dma_wait3A_127 = arith.constant 0 : i32
    %dma_wait3A_128 = tpu.memref_slice %arg12[%dma_wait3A_127] : memref<200xi32, #tpu.memory_space<vmem>> -> memref<104xi32, #tpu.memory_space<vmem>>
    %dma_wait3A_129 = arith.constant 0 : i32
    %dma_wait3A_130 = arith.constant 0 : i32
    %dma_wait3A_131 = tpu.memref_slice %arg3[%dma_wait3A_129, %dma_wait3A_130] : memref<100000x128xf32, #tpu.memory_space<hbm>> -> memref<100000x128xf32, #tpu.memory_space<hbm>>
    tpu.wait_indirect_dma semaphore(%arg16 : memref<!tpu.dma_semaphore, #tpu.memory_space<semaphore_mem>>) src(%dma_wait3A_131 : memref<100000x128xf32, #tpu.memory_space<hbm>>) dst(%dma_wait3A_126 : memref<104x128xf32, #tpu.memory_space<vmem>>)
    %dma_wait3A_132 = arith.constant 104 : i32
    %dma_wait3A_133 = arith.constant 0 : i32
    %dma_wait3A_134 = tpu.memref_slice %arg8[%dma_wait3A_132, %dma_wait3A_133] : memref<200x128xf32, #tpu.memory_space<vmem>> -> memref<96x128xf32, #tpu.memory_space<vmem>>
    %dma_wait3A_135 = arith.constant 104 : i32
    %dma_wait3A_136 = tpu.memref_slice %arg12[%dma_wait3A_135] : memref<200xi32, #tpu.memory_space<vmem>> -> memref<96xi32, #tpu.memory_space<vmem>>
    %dma_wait3A_137 = arith.constant 0 : i32
    %dma_wait3A_138 = arith.constant 0 : i32
    %dma_wait3A_139 = tpu.memref_slice %arg3[%dma_wait3A_137, %dma_wait3A_138] : memref<100000x128xf32, #tpu.memory_space<hbm>> -> memref<100000x128xf32, #tpu.memory_space<hbm>>
    tpu.wait_indirect_dma semaphore(%arg16 : memref<!tpu.dma_semaphore, #tpu.memory_space<semaphore_mem>>) src(%dma_wait3A_139 : memref<100000x128xf32, #tpu.memory_space<hbm>>) dst(%dma_wait3A_134 : memref<96x128xf32, #tpu.memory_space<vmem>>)
    %add3A_140 = arith.constant 160 : i32
    %add3A_141 = arith.addi %add3A_140, %add3A : i32
    %mul3A_142 = arith.constant 200 : i32
    %mul3A_143 = arith.muli %add3A_141, %mul3A_142 : i32
    %dma_start3A_144 = tpu.memref_slice %arg2[%mul3A_143] : memref<204800xi32, #tpu.memory_space<hbm>> -> memref<200xi32, #tpu.memory_space<hbm>>
    %dma_start3A_145 = tpu.memref_slice %arg2[%mul3A_143] : memref<204800xi32, #tpu.memory_space<hbm>> -> memref<200xi32, #tpu.memory_space<hbm>>
    tpu.enqueue_dma source(%dma_start3A_145 : memref<200xi32, #tpu.memory_space<hbm>>) target(%arg12 : memref<200xi32, #tpu.memory_space<vmem>>) target_semaphore(%arg24 : memref<!tpu.dma_semaphore, #tpu.memory_space<semaphore_mem>>)
    %add3A_146 = arith.constant 96 : i32
    %add3A_147 = arith.addi %add3A_146, %add3A : i32
    %mul3A_148 = arith.constant 200 : i32
    %mul3A_149 = arith.muli %add3A_147, %mul3A_148 : i32
    %dma_wait3A_150 = tpu.memref_slice %arg2[%mul3A_149] : memref<204800xi32, #tpu.memory_space<hbm>> -> memref<200xi32, #tpu.memory_space<hbm>>
    %dma_wait3A_151 = tpu.memref_slice %arg2[%mul3A_149] : memref<204800xi32, #tpu.memory_space<hbm>> -> memref<200xi32, #tpu.memory_space<hbm>>
    tpu.wait_dma2 semaphore(%arg26 : memref<!tpu.dma_semaphore, #tpu.memory_space<semaphore_mem>>) src(%dma_wait3A_151 : memref<200xi32, #tpu.memory_space<hbm>>) dst(%arg14 : memref<200xi32, #tpu.memory_space<vmem>>)
    %dma_start3A_152 = arith.constant 0 : i32
    %dma_start3A_153 = arith.constant 0 : i32
    %dma_start3A_154 = tpu.memref_slice %arg10[%dma_start3A_152, %dma_start3A_153] : memref<200x128xf32, #tpu.memory_space<vmem>> -> memref<104x128xf32, #tpu.memory_space<vmem>>
    %dma_start3A_155 = arith.constant 0 : i32
    %dma_start3A_156 = tpu.memref_slice %arg14[%dma_start3A_155] : memref<200xi32, #tpu.memory_space<vmem>> -> memref<104xi32, #tpu.memory_space<vmem>>
    %dma_start3A_157 = arith.constant 0 : i32
    %dma_start3A_158 = arith.constant 0 : i32
    %dma_start3A_159 = tpu.memref_slice %arg3[%dma_start3A_157, %dma_start3A_158] : memref<100000x128xf32, #tpu.memory_space<hbm>> -> memref<100000x128xf32, #tpu.memory_space<hbm>>
    tpu.enqueue_indirect_dma source(%dma_start3A_159 : memref<100000x128xf32, #tpu.memory_space<hbm>>) target(%dma_start3A_154 : memref<104x128xf32, #tpu.memory_space<vmem>>) offsets(%dma_start3A_156 : memref<104xi32, #tpu.memory_space<vmem>>) semaphore(%arg18 : memref<!tpu.dma_semaphore, #tpu.memory_space<semaphore_mem>>)
    %dma_start3A_160 = arith.constant 104 : i32
    %dma_start3A_161 = arith.constant 0 : i32
    %dma_start3A_162 = tpu.memref_slice %arg10[%dma_start3A_160, %dma_start3A_161] : memref<200x128xf32, #tpu.memory_space<vmem>> -> memref<96x128xf32, #tpu.memory_space<vmem>>
    %dma_start3A_163 = arith.constant 104 : i32
    %dma_start3A_164 = tpu.memref_slice %arg14[%dma_start3A_163] : memref<200xi32, #tpu.memory_space<vmem>> -> memref<96xi32, #tpu.memory_space<vmem>>
    %dma_start3A_165 = arith.constant 0 : i32
    %dma_start3A_166 = arith.constant 0 : i32
    %dma_start3A_167 = tpu.memref_slice %arg3[%dma_start3A_165, %dma_start3A_166] : memref<100000x128xf32, #tpu.memory_space<hbm>> -> memref<100000x128xf32, #tpu.memory_space<hbm>>
    tpu.enqueue_indirect_dma source(%dma_start3A_167 : memref<100000x128xf32, #tpu.memory_space<hbm>>) target(%dma_start3A_162 : memref<96x128xf32, #tpu.memory_space<vmem>>) offsets(%dma_start3A_164 : memref<96xi32, #tpu.memory_space<vmem>>) semaphore(%arg18 : memref<!tpu.dma_semaphore, #tpu.memory_space<semaphore_mem>>)
    %scan3A_168 = arith.constant 0 : i32
    %scan3A_169 = arith.constant 0 : i32
    %scan3A_170 = arith.constant 100 : i32
    %scan3A_171 = arith.addi %scan3A_169, %scan3A_170 : i32
    %scan3A_172 = arith.constant 1 : i32
    scf.for %scan3A_532 = %scan3A_169 to %scan3A_171 step %scan3A_172  : i32 {
      %mul3A_533 = arith.constant 2 : i32
      %mul3A_534 = arith.muli %scan3A_532, %mul3A_533 : i32
      %add3A_535 = arith.constant 0 : i32
      %add3A_536 = arith.addi %mul3A_534, %add3A_535 : i32
      %get3A = arith.index_cast %add3A_536 : i32 to index
      %get3A_537 = arith.constant 0 : index
      %get3A_538 = tpu.vector_load %arg8[%get3A, %get3A_537] {strides = array<i32>} : memref<200x128xf32, #tpu.memory_space<vmem>>, vector<1x16xf32>,
      %get3A_539 = vector.shape_cast %get3A_538 : vector<1x16xf32> to vector<16xf32>
      %mul3A_540 = arith.constant 11.3137083 : f32
      %mul3A_541 = vector.broadcast %mul3A_540 : f32 to vector<16xf32>
      %mul3A_542 = arith.mulf %get3A_539, %mul3A_541 : vector<16xf32>
      %get3A_543 = arith.index_cast %add3A_536 : i32 to index
      %get3A_544 = arith.constant 0 : index
      %get3A_545 = tpu.vector_load %arg6[%get3A_543, %get3A_544] {strides = array<i32>} : memref<200x128xf32, #tpu.memory_space<vmem>>, vector<1x16xf32>,
      %get3A_546 = vector.shape_cast %get3A_545 : vector<1x16xf32> to vector<16xf32>
      %add3A_547 = arith.addf %mul3A_542, %get3A_546 : vector<16xf32>
      %swap3A = arith.index_cast %add3A_536 : i32 to index
      %swap3A_548 = arith.constant 0 : index
      %swap3A_549 = tpu.vector_load %arg8[%swap3A, %swap3A_548] {strides = array<i32>} : memref<200x128xf32, #tpu.memory_space<vmem>>, vector<1x16xf32>,
      %swap3A_550 = vector.shape_cast %swap3A_549 : vector<1x16xf32> to vector<16xf32>
      %swap3A_551 = vector.shape_cast %add3A_547 : vector<16xf32> to vector<1x16xf32>
      tpu.vector_store %arg8[%swap3A, %swap3A_548], %swap3A_551 {strides = array<i32>} : memref<200x128xf32, #tpu.memory_space<vmem>>, vector<1x16xf32>,
      %get3A_552 = arith.index_cast %add3A_536 : i32 to index
      %get3A_553 = arith.constant 16 : index
      %get3A_554 = tpu.vector_load %arg8[%get3A_552, %get3A_553] {strides = array<i32>} : memref<200x128xf32, #tpu.memory_space<vmem>>, vector<1x16xf32>,
      %get3A_555 = vector.shape_cast %get3A_554 : vector<1x16xf32> to vector<16xf32>
      %mul3A_556 = arith.constant 11.3137083 : f32
      %mul3A_557 = vector.broadcast %mul3A_556 : f32 to vector<16xf32>
      %mul3A_558 = arith.mulf %get3A_555, %mul3A_557 : vector<16xf32>
      %get3A_559 = arith.index_cast %add3A_536 : i32 to index
      %get3A_560 = arith.constant 16 : index
      %get3A_561 = tpu.vector_load %arg6[%get3A_559, %get3A_560] {strides = array<i32>} : memref<200x128xf32, #tpu.memory_space<vmem>>, vector<1x16xf32>,
      %get3A_562 = vector.shape_cast %get3A_561 : vector<1x16xf32> to vector<16xf32>
      %add3A_563 = arith.addf %mul3A_558, %get3A_562 : vector<16xf32>
      %swap3A_564 = arith.index_cast %add3A_536 : i32 to index
      %swap3A_565 = arith.constant 16 : index
      %swap3A_566 = tpu.vector_load %arg8[%swap3A_564, %swap3A_565] {strides = array<i32>} : memref<200x128xf32, #tpu.memory_space<vmem>>, vector<1x16xf32>,
      %swap3A_567 = vector.shape_cast %swap3A_566 : vector<1x16xf32> to vector<16xf32>
      %swap3A_568 = vector.shape_cast %add3A_563 : vector<16xf32> to vector<1x16xf32>
      tpu.vector_store %arg8[%swap3A_564, %swap3A_565], %swap3A_568 {strides = array<i32>} : memref<200x128xf32, #tpu.memory_space<vmem>>, vector<1x16xf32>,
      %get3A_569 = arith.index_cast %add3A_536 : i32 to index
      %get3A_570 = arith.constant 32 : index
      %get3A_571 = tpu.vector_load %arg8[%get3A_569, %get3A_570] {strides = array<i32>} : memref<200x128xf32, #tpu.memory_space<vmem>>, vector<1x16xf32>,
      %get3A_572 = vector.shape_cast %get3A_571 : vector<1x16xf32> to vector<16xf32>
      %mul3A_573 = arith.constant 11.3137083 : f32
      %mul3A_574 = vector.broadcast %mul3A_573 : f32 to vector<16xf32>
      %mul3A_575 = arith.mulf %get3A_572, %mul3A_574 : vector<16xf32>
      %get3A_576 = arith.index_cast %add3A_536 : i32 to index
      %get3A_577 = arith.constant 32 : index
      %get3A_578 = tpu.vector_load %arg6[%get3A_576, %get3A_577] {strides = array<i32>} : memref<200x128xf32, #tpu.memory_space<vmem>>, vector<1x16xf32>,
      %get3A_579 = vector.shape_cast %get3A_578 : vector<1x16xf32> to vector<16xf32>
      %add3A_580 = arith.addf %mul3A_575, %get3A_579 : vector<16xf32>
      %swap3A_581 = arith.index_cast %add3A_536 : i32 to index
      %swap3A_582 = arith.constant 32 : index
      %swap3A_583 = tpu.vector_load %arg8[%swap3A_581, %swap3A_582] {strides = array<i32>} : memref<200x128xf32, #tpu.memory_space<vmem>>, vector<1x16xf32>,
      %swap3A_584 = vector.shape_cast %swap3A_583 : vector<1x16xf32> to vector<16xf32>
      %swap3A_585 = vector.shape_cast %add3A_580 : vector<16xf32> to vector<1x16xf32>
      tpu.vector_store %arg8[%swap3A_581, %swap3A_582], %swap3A_585 {strides = array<i32>} : memref<200x128xf32, #tpu.memory_space<vmem>>, vector<1x16xf32>,
      %get3A_586 = arith.index_cast %add3A_536 : i32 to index
      %get3A_587 = arith.constant 48 : index
      %get3A_588 = tpu.vector_load %arg8[%get3A_586, %get3A_587] {strides = array<i32>} : memref<200x128xf32, #tpu.memory_space<vmem>>, vector<1x16xf32>,
      %get3A_589 = vector.shape_cast %get3A_588 : vector<1x16xf32> to vector<16xf32>
      %mul3A_590 = arith.constant 11.3137083 : f32
      %mul3A_591 = vector.broadcast %mul3A_590 : f32 to vector<16xf32>
      %mul3A_592 = arith.mulf %get3A_589, %mul3A_591 : vector<16xf32>
      %get3A_593 = arith.index_cast %add3A_536 : i32 to index
      %get3A_594 = arith.constant 48 : index
      %get3A_595 = tpu.vector_load %arg6[%get3A_593, %get3A_594] {strides = array<i32>} : memref<200x128xf32, #tpu.memory_space<vmem>>, vector<1x16xf32>,
      %get3A_596 = vector.shape_cast %get3A_595 : vector<1x16xf32> to vector<16xf32>
      %add3A_597 = arith.addf %mul3A_592, %get3A_596 : vector<16xf32>
      %swap3A_598 = arith.index_cast %add3A_536 : i32 to index
      %swap3A_599 = arith.constant 48 : index
      %swap3A_600 = tpu.vector_load %arg8[%swap3A_598, %swap3A_599] {strides = array<i32>} : memref<200x128xf32, #tpu.memory_space<vmem>>, vector<1x16xf32>,
      %swap3A_601 = vector.shape_cast %swap3A_600 : vector<1x16xf32> to vector<16xf32>
      %swap3A_602 = vector.shape_cast %add3A_597 : vector<16xf32> to vector<1x16xf32>
      tpu.vector_store %arg8[%swap3A_598, %swap3A_599], %swap3A_602 {strides = array<i32>} : memref<200x128xf32, #tpu.memory_space<vmem>>, vector<1x16xf32>,
      %get3A_603 = arith.index_cast %add3A_536 : i32 to index
      %get3A_604 = arith.constant 64 : index
      %get3A_605 = tpu.vector_load %arg8[%get3A_603, %get3A_604] {strides = array<i32>} : memref<200x128xf32, #tpu.memory_space<vmem>>, vector<1x16xf32>,
      %get3A_606 = vector.shape_cast %get3A_605 : vector<1x16xf32> to vector<16xf32>
      %mul3A_607 = arith.constant 11.3137083 : f32
      %mul3A_608 = vector.broadcast %mul3A_607 : f32 to vector<16xf32>
      %mul3A_609 = arith.mulf %get3A_606, %mul3A_608 : vector<16xf32>
      %get3A_610 = arith.index_cast %add3A_536 : i32 to index
      %get3A_611 = arith.constant 64 : index
      %get3A_612 = tpu.vector_load %arg6[%get3A_610, %get3A_611] {strides = array<i32>} : memref<200x128xf32, #tpu.memory_space<vmem>>, vector<1x16xf32>,
      %get3A_613 = vector.shape_cast %get3A_612 : vector<1x16xf32> to vector<16xf32>
      %add3A_614 = arith.addf %mul3A_609, %get3A_613 : vector<16xf32>
      %swap3A_615 = arith.index_cast %add3A_536 : i32 to index
      %swap3A_616 = arith.constant 64 : index
      %swap3A_617 = tpu.vector_load %arg8[%swap3A_615, %swap3A_616] {strides = array<i32>} : memref<200x128xf32, #tpu.memory_space<vmem>>, vector<1x16xf32>,
      %swap3A_618 = vector.shape_cast %swap3A_617 : vector<1x16xf32> to vector<16xf32>
      %swap3A_619 = vector.shape_cast %add3A_614 : vector<16xf32> to vector<1x16xf32>
      tpu.vector_store %arg8[%swap3A_615, %swap3A_616], %swap3A_619 {strides = array<i32>} : memref<200x128xf32, #tpu.memory_space<vmem>>, vector<1x16xf32>,
      %get3A_620 = arith.index_cast %add3A_536 : i32 to index
      %get3A_621 = arith.constant 80 : index
      %get3A_622 = tpu.vector_load %arg8[%get3A_620, %get3A_621] {strides = array<i32>} : memref<200x128xf32, #tpu.memory_space<vmem>>, vector<1x16xf32>,
      %get3A_623 = vector.shape_cast %get3A_622 : vector<1x16xf32> to vector<16xf32>
      %mul3A_624 = arith.constant 11.3137083 : f32
      %mul3A_625 = vector.broadcast %mul3A_624 : f32 to vector<16xf32>
      %mul3A_626 = arith.mulf %get3A_623, %mul3A_625 : vector<16xf32>
      %get3A_627 = arith.index_cast %add3A_536 : i32 to index
      %get3A_628 = arith.constant 80 : index
      %get3A_629 = tpu.vector_load %arg6[%get3A_627, %get3A_628] {strides = array<i32>} : memref<200x128xf32, #tpu.memory_space<vmem>>, vector<1x16xf32>,
      %get3A_630 = vector.shape_cast %get3A_629 : vector<1x16xf32> to vector<16xf32>
      %add3A_631 = arith.addf %mul3A_626, %get3A_630 : vector<16xf32>
      %swap3A_632 = arith.index_cast %add3A_536 : i32 to index
      %swap3A_633 = arith.constant 80 : index
      %swap3A_634 = tpu.vector_load %arg8[%swap3A_632, %swap3A_633] {strides = array<i32>} : memref<200x128xf32, #tpu.memory_space<vmem>>, vector<1x16xf32>,
      %swap3A_635 = vector.shape_cast %swap3A_634 : vector<1x16xf32> to vector<16xf32>
      %swap3A_636 = vector.shape_cast %add3A_631 : vector<16xf32> to vector<1x16xf32>
      tpu.vector_store %arg8[%swap3A_632, %swap3A_633], %swap3A_636 {strides = array<i32>} : memref<200x128xf32, #tpu.memory_space<vmem>>, vector<1x16xf32>,
      %get3A_637 = arith.index_cast %add3A_536 : i32 to index
      %get3A_638 = arith.constant 96 : index
      %get3A_639 = tpu.vector_load %arg8[%get3A_637, %get3A_638] {strides = array<i32>} : memref<200x128xf32, #tpu.memory_space<vmem>>, vector<1x16xf32>,
      %get3A_640 = vector.shape_cast %get3A_639 : vector<1x16xf32> to vector<16xf32>
      %mul3A_641 = arith.constant 11.3137083 : f32
      %mul3A_642 = vector.broadcast %mul3A_641 : f32 to vector<16xf32>
      %mul3A_643 = arith.mulf %get3A_640, %mul3A_642 : vector<16xf32>
      %get3A_644 = arith.index_cast %add3A_536 : i32 to index
      %get3A_645 = arith.constant 96 : index
      %get3A_646 = tpu.vector_load %arg6[%get3A_644, %get3A_645] {strides = array<i32>} : memref<200x128xf32, #tpu.memory_space<vmem>>, vector<1x16xf32>,
      %get3A_647 = vector.shape_cast %get3A_646 : vector<1x16xf32> to vector<16xf32>
      %add3A_648 = arith.addf %mul3A_643, %get3A_647 : vector<16xf32>
      %swap3A_649 = arith.index_cast %add3A_536 : i32 to index
      %swap3A_650 = arith.constant 96 : index
      %swap3A_651 = tpu.vector_load %arg8[%swap3A_649, %swap3A_650] {strides = array<i32>} : memref<200x128xf32, #tpu.memory_space<vmem>>, vector<1x16xf32>,
      %swap3A_652 = vector.shape_cast %swap3A_651 : vector<1x16xf32> to vector<16xf32>
      %swap3A_653 = vector.shape_cast %add3A_648 : vector<16xf32> to vector<1x16xf32>
      tpu.vector_store %arg8[%swap3A_649, %swap3A_650], %swap3A_653 {strides = array<i32>} : memref<200x128xf32, #tpu.memory_space<vmem>>, vector<1x16xf32>,
      %get3A_654 = arith.index_cast %add3A_536 : i32 to index
      %get3A_655 = arith.constant 112 : index
      %get3A_656 = tpu.vector_load %arg8[%get3A_654, %get3A_655] {strides = array<i32>} : memref<200x128xf32, #tpu.memory_space<vmem>>, vector<1x16xf32>,
      %get3A_657 = vector.shape_cast %get3A_656 : vector<1x16xf32> to vector<16xf32>
      %mul3A_658 = arith.constant 11.3137083 : f32
      %mul3A_659 = vector.broadcast %mul3A_658 : f32 to vector<16xf32>
      %mul3A_660 = arith.mulf %get3A_657, %mul3A_659 : vector<16xf32>
      %get3A_661 = arith.index_cast %add3A_536 : i32 to index
      %get3A_662 = arith.constant 112 : index
      %get3A_663 = tpu.vector_load %arg6[%get3A_661, %get3A_662] {strides = array<i32>} : memref<200x128xf32, #tpu.memory_space<vmem>>, vector<1x16xf32>,
      %get3A_664 = vector.shape_cast %get3A_663 : vector<1x16xf32> to vector<16xf32>
      %add3A_665 = arith.addf %mul3A_660, %get3A_664 : vector<16xf32>
      %swap3A_666 = arith.index_cast %add3A_536 : i32 to index
      %swap3A_667 = arith.constant 112 : index
      %swap3A_668 = tpu.vector_load %arg8[%swap3A_666, %swap3A_667] {strides = array<i32>} : memref<200x128xf32, #tpu.memory_space<vmem>>, vector<1x16xf32>,
      %swap3A_669 = vector.shape_cast %swap3A_668 : vector<1x16xf32> to vector<16xf32>
      %swap3A_670 = vector.shape_cast %add3A_665 : vector<16xf32> to vector<1x16xf32>
      tpu.vector_store %arg8[%swap3A_666, %swap3A_667], %swap3A_670 {strides = array<i32>} : memref<200x128xf32, #tpu.memory_space<vmem>>, vector<1x16xf32>,
      %mul3A_671 = arith.constant 2 : i32
      %mul3A_672 = arith.muli %scan3A_532, %mul3A_671 : i32
      %add3A_673 = arith.constant 1 : i32
      %add3A_674 = arith.addi %mul3A_672, %add3A_673 : i32
      %get3A_675 = arith.index_cast %add3A_674 : i32 to index
      %get3A_676 = arith.constant 0 : index
      %get3A_677 = tpu.vector_load %arg8[%get3A_675, %get3A_676] {strides = array<i32>} : memref<200x128xf32, #tpu.memory_space<vmem>>, vector<1x16xf32>,
      %get3A_678 = vector.shape_cast %get3A_677 : vector<1x16xf32> to vector<16xf32>
      %mul3A_679 = arith.constant 11.3137083 : f32
      %mul3A_680 = vector.broadcast %mul3A_679 : f32 to vector<16xf32>
      %mul3A_681 = arith.mulf %get3A_678, %mul3A_680 : vector<16xf32>
      %get3A_682 = arith.index_cast %add3A_674 : i32 to index
      %get3A_683 = arith.constant 0 : index
      %get3A_684 = tpu.vector_load %arg6[%get3A_682, %get3A_683] {strides = array<i32>} : memref<200x128xf32, #tpu.memory_space<vmem>>, vector<1x16xf32>,
      %get3A_685 = vector.shape_cast %get3A_684 : vector<1x16xf32> to vector<16xf32>
      %add3A_686 = arith.addf %mul3A_681, %get3A_685 : vector<16xf32>
      %swap3A_687 = arith.index_cast %add3A_674 : i32 to index
      %swap3A_688 = arith.constant 0 : index
      %swap3A_689 = tpu.vector_load %arg8[%swap3A_687, %swap3A_688] {strides = array<i32>} : memref<200x128xf32, #tpu.memory_space<vmem>>, vector<1x16xf32>,
      %swap3A_690 = vector.shape_cast %swap3A_689 : vector<1x16xf32> to vector<16xf32>
      %swap3A_691 = vector.shape_cast %add3A_686 : vector<16xf32> to vector<1x16xf32>
      tpu.vector_store %arg8[%swap3A_687, %swap3A_688], %swap3A_691 {strides = array<i32>} : memref<200x128xf32, #tpu.memory_space<vmem>>, vector<1x16xf32>,
      %get3A_692 = arith.index_cast %add3A_674 : i32 to index
      %get3A_693 = arith.constant 16 : index
      %get3A_694 = tpu.vector_load %arg8[%get3A_692, %get3A_693] {strides = array<i32>} : memref<200x128xf32, #tpu.memory_space<vmem>>, vector<1x16xf32>,
      %get3A_695 = vector.shape_cast %get3A_694 : vector<1x16xf32> to vector<16xf32>
      %mul3A_696 = arith.constant 11.3137083 : f32
      %mul3A_697 = vector.broadcast %mul3A_696 : f32 to vector<16xf32>
      %mul3A_698 = arith.mulf %get3A_695, %mul3A_697 : vector<16xf32>
      %get3A_699 = arith.index_cast %add3A_674 : i32 to index
      %get3A_700 = arith.constant 16 : index
      %get3A_701 = tpu.vector_load %arg6[%get3A_699, %get3A_700] {strides = array<i32>} : memref<200x128xf32, #tpu.memory_space<vmem>>, vector<1x16xf32>,
      %get3A_702 = vector.shape_cast %get3A_701 : vector<1x16xf32> to vector<16xf32>
      %add3A_703 = arith.addf %mul3A_698, %get3A_702 : vector<16xf32>
      %swap3A_704 = arith.index_cast %add3A_674 : i32 to index
      %swap3A_705 = arith.constant 16 : index
      %swap3A_706 = tpu.vector_load %arg8[%swap3A_704, %swap3A_705] {strides = array<i32>} : memref<200x128xf32, #tpu.memory_space<vmem>>, vector<1x16xf32>,
      %swap3A_707 = vector.shape_cast %swap3A_706 : vector<1x16xf32> to vector<16xf32>
      %swap3A_708 = vector.shape_cast %add3A_703 : vector<16xf32> to vector<1x16xf32>
      tpu.vector_store %arg8[%swap3A_704, %swap3A_705], %swap3A_708 {strides = array<i32>} : memref<200x128xf32, #tpu.memory_space<vmem>>, vector<1x16xf32>,
      %get3A_709 = arith.index_cast %add3A_674 : i32 to index
      %get3A_710 = arith.constant 32 : index
      %get3A_711 = tpu.vector_load %arg8[%get3A_709, %get3A_710] {strides = array<i32>} : memref<200x128xf32, #tpu.memory_space<vmem>>, vector<1x16xf32>,
      %get3A_712 = vector.shape_cast %get3A_711 : vector<1x16xf32> to vector<16xf32>
      %mul3A_713 = arith.constant 11.3137083 : f32
      %mul3A_714 = vector.broadcast %mul3A_713 : f32 to vector<16xf32>
      %mul3A_715 = arith.mulf %get3A_712, %mul3A_714 : vector<16xf32>
      %get3A_716 = arith.index_cast %add3A_674 : i32 to index
      %get3A_717 = arith.constant 32 : index
      %get3A_718 = tpu.vector_load %arg6[%get3A_716, %get3A_717] {strides = array<i32>} : memref<200x128xf32, #tpu.memory_space<vmem>>, vector<1x16xf32>,
      %get3A_719 = vector.shape_cast %get3A_718 : vector<1x16xf32> to vector<16xf32>
      %add3A_720 = arith.addf %mul3A_715, %get3A_719 : vector<16xf32>
      %swap3A_721 = arith.index_cast %add3A_674 : i32 to index
      %swap3A_722 = arith.constant 32 : index
      %swap3A_723 = tpu.vector_load %arg8[%swap3A_721, %swap3A_722] {strides = array<i32>} : memref<200x128xf32, #tpu.memory_space<vmem>>, vector<1x16xf32>,
      %swap3A_724 = vector.shape_cast %swap3A_723 : vector<1x16xf32> to vector<16xf32>
      %swap3A_725 = vector.shape_cast %add3A_720 : vector<16xf32> to vector<1x16xf32>
      tpu.vector_store %arg8[%swap3A_721, %swap3A_722], %swap3A_725 {strides = array<i32>} : memref<200x128xf32, #tpu.memory_space<vmem>>, vector<1x16xf32>,
      %get3A_726 = arith.index_cast %add3A_674 : i32 to index
      %get3A_727 = arith.constant 48 : index
      %get3A_728 = tpu.vector_load %arg8[%get3A_726, %get3A_727] {strides = array<i32>} : memref<200x128xf32, #tpu.memory_space<vmem>>, vector<1x16xf32>,
      %get3A_729 = vector.shape_cast %get3A_728 : vector<1x16xf32> to vector<16xf32>
      %mul3A_730 = arith.constant 11.3137083 : f32
      %mul3A_731 = vector.broadcast %mul3A_730 : f32 to vector<16xf32>
      %mul3A_732 = arith.mulf %get3A_729, %mul3A_731 : vector<16xf32>
      %get3A_733 = arith.index_cast %add3A_674 : i32 to index
      %get3A_734 = arith.constant 48 : index
      %get3A_735 = tpu.vector_load %arg6[%get3A_733, %get3A_734] {strides = array<i32>} : memref<200x128xf32, #tpu.memory_space<vmem>>, vector<1x16xf32>,
      %get3A_736 = vector.shape_cast %get3A_735 : vector<1x16xf32> to vector<16xf32>
      %add3A_737 = arith.addf %mul3A_732, %get3A_736 : vector<16xf32>
      %swap3A_738 = arith.index_cast %add3A_674 : i32 to index
      %swap3A_739 = arith.constant 48 : index
      %swap3A_740 = tpu.vector_load %arg8[%swap3A_738, %swap3A_739] {strides = array<i32>} : memref<200x128xf32, #tpu.memory_space<vmem>>, vector<1x16xf32>,
      %swap3A_741 = vector.shape_cast %swap3A_740 : vector<1x16xf32> to vector<16xf32>
      %swap3A_742 = vector.shape_cast %add3A_737 : vector<16xf32> to vector<1x16xf32>
      tpu.vector_store %arg8[%swap3A_738, %swap3A_739], %swap3A_742 {strides = array<i32>} : memref<200x128xf32, #tpu.memory_space<vmem>>, vector<1x16xf32>,
      %get3A_743 = arith.index_cast %add3A_674 : i32 to index
      %get3A_744 = arith.constant 64 : index
      %get3A_745 = tpu.vector_load %arg8[%get3A_743, %get3A_744] {strides = array<i32>} : memref<200x128xf32, #tpu.memory_space<vmem>>, vector<1x16xf32>,
      %get3A_746 = vector.shape_cast %get3A_745 : vector<1x16xf32> to vector<16xf32>
      %mul3A_747 = arith.constant 11.3137083 : f32
      %mul3A_748 = vector.broadcast %mul3A_747 : f32 to vector<16xf32>
      %mul3A_749 = arith.mulf %get3A_746, %mul3A_748 : vector<16xf32>
      %get3A_750 = arith.index_cast %add3A_674 : i32 to index
      %get3A_751 = arith.constant 64 : index
      %get3A_752 = tpu.vector_load %arg6[%get3A_750, %get3A_751] {strides = array<i32>} : memref<200x128xf32, #tpu.memory_space<vmem>>, vector<1x16xf32>,
      %get3A_753 = vector.shape_cast %get3A_752 : vector<1x16xf32> to vector<16xf32>
      %add3A_754 = arith.addf %mul3A_749, %get3A_753 : vector<16xf32>
      %swap3A_755 = arith.index_cast %add3A_674 : i32 to index
      %swap3A_756 = arith.constant 64 : index
      %swap3A_757 = tpu.vector_load %arg8[%swap3A_755, %swap3A_756] {strides = array<i32>} : memref<200x128xf32, #tpu.memory_space<vmem>>, vector<1x16xf32>,
      %swap3A_758 = vector.shape_cast %swap3A_757 : vector<1x16xf32> to vector<16xf32>
      %swap3A_759 = vector.shape_cast %add3A_754 : vector<16xf32> to vector<1x16xf32>
      tpu.vector_store %arg8[%swap3A_755, %swap3A_756], %swap3A_759 {strides = array<i32>} : memref<200x128xf32, #tpu.memory_space<vmem>>, vector<1x16xf32>,
      %get3A_760 = arith.index_cast %add3A_674 : i32 to index
      %get3A_761 = arith.constant 80 : index
      %get3A_762 = tpu.vector_load %arg8[%get3A_760, %get3A_761] {strides = array<i32>} : memref<200x128xf32, #tpu.memory_space<vmem>>, vector<1x16xf32>,
      %get3A_763 = vector.shape_cast %get3A_762 : vector<1x16xf32> to vector<16xf32>
      %mul3A_764 = arith.constant 11.3137083 : f32
      %mul3A_765 = vector.broadcast %mul3A_764 : f32 to vector<16xf32>
      %mul3A_766 = arith.mulf %get3A_763, %mul3A_765 : vector<16xf32>
      %get3A_767 = arith.index_cast %add3A_674 : i32 to index
      %get3A_768 = arith.constant 80 : index
      %get3A_769 = tpu.vector_load %arg6[%get3A_767, %get3A_768] {strides = array<i32>} : memref<200x128xf32, #tpu.memory_space<vmem>>, vector<1x16xf32>,
      %get3A_770 = vector.shape_cast %get3A_769 : vector<1x16xf32> to vector<16xf32>
      %add3A_771 = arith.addf %mul3A_766, %get3A_770 : vector<16xf32>
      %swap3A_772 = arith.index_cast %add3A_674 : i32 to index
      %swap3A_773 = arith.constant 80 : index
      %swap3A_774 = tpu.vector_load %arg8[%swap3A_772, %swap3A_773] {strides = array<i32>} : memref<200x128xf32, #tpu.memory_space<vmem>>, vector<1x16xf32>,
      %swap3A_775 = vector.shape_cast %swap3A_774 : vector<1x16xf32> to vector<16xf32>
      %swap3A_776 = vector.shape_cast %add3A_771 : vector<16xf32> to vector<1x16xf32>
      tpu.vector_store %arg8[%swap3A_772, %swap3A_773], %swap3A_776 {strides = array<i32>} : memref<200x128xf32, #tpu.memory_space<vmem>>, vector<1x16xf32>,
      %get3A_777 = arith.index_cast %add3A_674 : i32 to index
      %get3A_778 = arith.constant 96 : index
      %get3A_779 = tpu.vector_load %arg8[%get3A_777, %get3A_778] {strides = array<i32>} : memref<200x128xf32, #tpu.memory_space<vmem>>, vector<1x16xf32>,
      %get3A_780 = vector.shape_cast %get3A_779 : vector<1x16xf32> to vector<16xf32>
      %mul3A_781 = arith.constant 11.3137083 : f32
      %mul3A_782 = vector.broadcast %mul3A_781 : f32 to vector<16xf32>
      %mul3A_783 = arith.mulf %get3A_780, %mul3A_782 : vector<16xf32>
      %get3A_784 = arith.index_cast %add3A_674 : i32 to index
      %get3A_785 = arith.constant 96 : index
      %get3A_786 = tpu.vector_load %arg6[%get3A_784, %get3A_785] {strides = array<i32>} : memref<200x128xf32, #tpu.memory_space<vmem>>, vector<1x16xf32>,
      %get3A_787 = vector.shape_cast %get3A_786 : vector<1x16xf32> to vector<16xf32>
      %add3A_788 = arith.addf %mul3A_783, %get3A_787 : vector<16xf32>
      %swap3A_789 = arith.index_cast %add3A_674 : i32 to index
      %swap3A_790 = arith.constant 96 : index
      %swap3A_791 = tpu.vector_load %arg8[%swap3A_789, %swap3A_790] {strides = array<i32>} : memref<200x128xf32, #tpu.memory_space<vmem>>, vector<1x16xf32>,
      %swap3A_792 = vector.shape_cast %swap3A_791 : vector<1x16xf32> to vector<16xf32>
      %swap3A_793 = vector.shape_cast %add3A_788 : vector<16xf32> to vector<1x16xf32>
      tpu.vector_store %arg8[%swap3A_789, %swap3A_790], %swap3A_793 {strides = array<i32>} : memref<200x128xf32, #tpu.memory_space<vmem>>, vector<1x16xf32>,
      %get3A_794 = arith.index_cast %add3A_674 : i32 to index
      %get3A_795 = arith.constant 112 : index
      %get3A_796 = tpu.vector_load %arg8[%get3A_794, %get3A_795] {strides = array<i32>} : memref<200x128xf32, #tpu.memory_space<vmem>>, vector<1x16xf32>,
      %get3A_797 = vector.shape_cast %get3A_796 : vector<1x16xf32> to vector<16xf32>
      %mul3A_798 = arith.constant 11.3137083 : f32
      %mul3A_799 = vector.broadcast %mul3A_798 : f32 to vector<16xf32>
      %mul3A_800 = arith.mulf %get3A_797, %mul3A_799 : vector<16xf32>
      %get3A_801 = arith.index_cast %add3A_674 : i32 to index
      %get3A_802 = arith.constant 112 : index
      %get3A_803 = tpu.vector_load %arg6[%get3A_801, %get3A_802] {strides = array<i32>} : memref<200x128xf32, #tpu.memory_space<vmem>>, vector<1x16xf32>,
      %get3A_804 = vector.shape_cast %get3A_803 : vector<1x16xf32> to vector<16xf32>
      %add3A_805 = arith.addf %mul3A_800, %get3A_804 : vector<16xf32>
      %swap3A_806 = arith.index_cast %add3A_674 : i32 to index
      %swap3A_807 = arith.constant 112 : index
      %swap3A_808 = tpu.vector_load %arg8[%swap3A_806, %swap3A_807] {strides = array<i32>} : memref<200x128xf32, #tpu.memory_space<vmem>>, vector<1x16xf32>,
      %swap3A_809 = vector.shape_cast %swap3A_808 : vector<1x16xf32> to vector<16xf32>
      %swap3A_810 = vector.shape_cast %add3A_805 : vector<16xf32> to vector<1x16xf32>
      tpu.vector_store %arg8[%swap3A_806, %swap3A_807], %swap3A_810 {strides = array<i32>} : memref<200x128xf32, #tpu.memory_space<vmem>>, vector<1x16xf32>,
    }
    %scan3A_173 = arith.constant 100 : i32
    %add3A_174 = arith.constant 32 : i32
    %add3A_175 = arith.addi %add3A_174, %add3A : i32
    %mul3A_176 = arith.constant 200 : i32
    %mul3A_177 = arith.muli %add3A_175, %mul3A_176 : i32
    %dma_start3A_178 = arith.constant 0 : i32
    %dma_start3A_179 = tpu.memref_slice %arg5[%mul3A_177, %dma_start3A_178] : memref<204800x128xf32, #tpu.memory_space<hbm>> -> memref<200x128xf32, #tpu.memory_space<hbm>>
    %dma_start3A_180 = arith.constant 0 : i32
    %dma_start3A_181 = tpu.memref_slice %arg5[%mul3A_177, %dma_start3A_180] : memref<204800x128xf32, #tpu.memory_space<hbm>> -> memref<200x128xf32, #tpu.memory_space<hbm>>
    tpu.enqueue_dma source(%arg8 : memref<200x128xf32, #tpu.memory_space<vmem>>) target(%dma_start3A_181 : memref<200x128xf32, #tpu.memory_space<hbm>>) target_semaphore(%arg20 : memref<!tpu.dma_semaphore, #tpu.memory_space<semaphore_mem>>)
    %dma_wait3A_182 = arith.constant 0 : i32
    %dma_wait3A_183 = arith.constant 0 : i32
    %dma_wait3A_184 = tpu.memref_slice %arg9[%dma_wait3A_182, %dma_wait3A_183] : memref<200x128xf32, #tpu.memory_space<vmem>> -> memref<104x128xf32, #tpu.memory_space<vmem>>
    %dma_wait3A_185 = arith.constant 0 : i32
    %dma_wait3A_186 = tpu.memref_slice %arg13[%dma_wait3A_185] : memref<200xi32, #tpu.memory_space<vmem>> -> memref<104xi32, #tpu.memory_space<vmem>>
    %dma_wait3A_187 = arith.constant 0 : i32
    %dma_wait3A_188 = arith.constant 0 : i32
    %dma_wait3A_189 = tpu.memref_slice %arg3[%dma_wait3A_187, %dma_wait3A_188] : memref<100000x128xf32, #tpu.memory_space<hbm>> -> memref<100000x128xf32, #tpu.memory_space<hbm>>
    tpu.wait_indirect_dma semaphore(%arg17 : memref<!tpu.dma_semaphore, #tpu.memory_space<semaphore_mem>>) src(%dma_wait3A_189 : memref<100000x128xf32, #tpu.memory_space<hbm>>) dst(%dma_wait3A_184 : memref<104x128xf32, #tpu.memory_space<vmem>>)
    %dma_wait3A_190 = arith.constant 104 : i32
    %dma_wait3A_191 = arith.constant 0 : i32
    %dma_wait3A_192 = tpu.memref_slice %arg9[%dma_wait3A_190, %dma_wait3A_191] : memref<200x128xf32, #tpu.memory_space<vmem>> -> memref<96x128xf32, #tpu.memory_space<vmem>>
    %dma_wait3A_193 = arith.constant 104 : i32
    %dma_wait3A_194 = tpu.memref_slice %arg13[%dma_wait3A_193] : memref<200xi32, #tpu.memory_space<vmem>> -> memref<96xi32, #tpu.memory_space<vmem>>
    %dma_wait3A_195 = arith.constant 0 : i32
    %dma_wait3A_196 = arith.constant 0 : i32
    %dma_wait3A_197 = tpu.memref_slice %arg3[%dma_wait3A_195, %dma_wait3A_196] : memref<100000x128xf32, #tpu.memory_space<hbm>> -> memref<100000x128xf32, #tpu.memory_space<hbm>>
    tpu.wait_indirect_dma semaphore(%arg17 : memref<!tpu.dma_semaphore, #tpu.memory_space<semaphore_mem>>) src(%dma_wait3A_197 : memref<100000x128xf32, #tpu.memory_space<hbm>>) dst(%dma_wait3A_192 : memref<96x128xf32, #tpu.memory_space<vmem>>)
    %add3A_198 = arith.constant 192 : i32
    %add3A_199 = arith.addi %add3A_198, %add3A : i32
    %mul3A_200 = arith.constant 200 : i32
    %mul3A_201 = arith.muli %add3A_199, %mul3A_200 : i32
    %dma_start3A_202 = tpu.memref_slice %arg2[%mul3A_201] : memref<204800xi32, #tpu.memory_space<hbm>> -> memref<200xi32, #tpu.memory_space<hbm>>
    %dma_start3A_203 = tpu.memref_slice %arg2[%mul3A_201] : memref<204800xi32, #tpu.memory_space<hbm>> -> memref<200xi32, #tpu.memory_space<hbm>>
    tpu.enqueue_dma source(%dma_start3A_203 : memref<200xi32, #tpu.memory_space<hbm>>) target(%arg13 : memref<200xi32, #tpu.memory_space<vmem>>) target_semaphore(%arg25 : memref<!tpu.dma_semaphore, #tpu.memory_space<semaphore_mem>>)
    %add3A_204 = arith.constant 0 : i32
    %add3A_205 = arith.addi %add3A_204, %add3A : i32
    %mul3A_206 = arith.constant 200 : i32
    %mul3A_207 = arith.muli %add3A_205, %mul3A_206 : i32
    %dma_wait3A_208 = arith.constant 0 : i32
    %dma_wait3A_209 = tpu.memref_slice %arg5[%mul3A_207, %dma_wait3A_208] : memref<204800x128xf32, #tpu.memory_space<hbm>> -> memref<200x128xf32, #tpu.memory_space<hbm>>
    %dma_wait3A_210 = arith.constant 0 : i32
    %dma_wait3A_211 = tpu.memref_slice %arg5[%mul3A_207, %dma_wait3A_210] : memref<204800x128xf32, #tpu.memory_space<hbm>> -> memref<200x128xf32, #tpu.memory_space<hbm>>
    tpu.wait_dma2 semaphore(%arg19 : memref<!tpu.dma_semaphore, #tpu.memory_space<semaphore_mem>>) src(%arg7 : memref<200x128xf32, #tpu.memory_space<vmem>>) dst(%dma_wait3A_211 : memref<200x128xf32, #tpu.memory_space<hbm>>)
    %add3A_212 = arith.constant 128 : i32
    %add3A_213 = arith.addi %add3A_212, %add3A : i32
    %mul3A_214 = arith.constant 200 : i32
    %mul3A_215 = arith.muli %add3A_213, %mul3A_214 : i32
    %dma_wait3A_216 = tpu.memref_slice %arg2[%mul3A_215] : memref<204800xi32, #tpu.memory_space<hbm>> -> memref<200xi32, #tpu.memory_space<hbm>>
    %dma_wait3A_217 = tpu.memref_slice %arg2[%mul3A_215] : memref<204800xi32, #tpu.memory_space<hbm>> -> memref<200xi32, #tpu.memory_space<hbm>>
    tpu.wait_dma2 semaphore(%arg23 : memref<!tpu.dma_semaphore, #tpu.memory_space<semaphore_mem>>) src(%dma_wait3A_217 : memref<200xi32, #tpu.memory_space<hbm>>) dst(%arg11 : memref<200xi32, #tpu.memory_space<vmem>>)
    %dma_start3A_218 = arith.constant 0 : i32
    %dma_start3A_219 = arith.constant 0 : i32
    %dma_start3A_220 = tpu.memref_slice %arg7[%dma_start3A_218, %dma_start3A_219] : memref<200x128xf32, #tpu.memory_space<vmem>> -> memref<104x128xf32, #tpu.memory_space<vmem>>
    %dma_start3A_221 = arith.constant 0 : i32
    %dma_start3A_222 = tpu.memref_slice %arg11[%dma_start3A_221] : memref<200xi32, #tpu.memory_space<vmem>> -> memref<104xi32, #tpu.memory_space<vmem>>
    %dma_start3A_223 = arith.constant 0 : i32
    %dma_start3A_224 = arith.constant 0 : i32
    %dma_start3A_225 = tpu.memref_slice %arg3[%dma_start3A_223, %dma_start3A_224] : memref<100000x128xf32, #tpu.memory_space<hbm>> -> memref<100000x128xf32, #tpu.memory_space<hbm>>
    tpu.enqueue_indirect_dma source(%dma_start3A_225 : memref<100000x128xf32, #tpu.memory_space<hbm>>) target(%dma_start3A_220 : memref<104x128xf32, #tpu.memory_space<vmem>>) offsets(%dma_start3A_222 : memref<104xi32, #tpu.memory_space<vmem>>) semaphore(%arg15 : memref<!tpu.dma_semaphore, #tpu.memory_space<semaphore_mem>>)
    %dma_start3A_226 = arith.constant 104 : i32
    %dma_start3A_227 = arith.constant 0 : i32
    %dma_start3A_228 = tpu.memref_slice %arg7[%dma_start3A_226, %dma_start3A_227] : memref<200x128xf32, #tpu.memory_space<vmem>> -> memref<96x128xf32, #tpu.memory_space<vmem>>
    %dma_start3A_229 = arith.constant 104 : i32
    %dma_start3A_230 = tpu.memref_slice %arg11[%dma_start3A_229] : memref<200xi32, #tpu.memory_space<vmem>> -> memref<96xi32, #tpu.memory_space<vmem>>
    %dma_start3A_231 = arith.constant 0 : i32
    %dma_start3A_232 = arith.constant 0 : i32
    %dma_start3A_233 = tpu.memref_slice %arg3[%dma_start3A_231, %dma_start3A_232] : memref<100000x128xf32, #tpu.memory_space<hbm>> -> memref<100000x128xf32, #tpu.memory_space<hbm>>
    tpu.enqueue_indirect_dma source(%dma_start3A_233 : memref<100000x128xf32, #tpu.memory_space<hbm>>) target(%dma_start3A_228 : memref<96x128xf32, #tpu.memory_space<vmem>>) offsets(%dma_start3A_230 : memref<96xi32, #tpu.memory_space<vmem>>) semaphore(%arg15 : memref<!tpu.dma_semaphore, #tpu.memory_space<semaphore_mem>>)
    %scan3A_234 = arith.constant 0 : i32
    %scan3A_235 = arith.constant 0 : i32
    %scan3A_236 = arith.constant 100 : i32
    %scan3A_237 = arith.addi %scan3A_235, %scan3A_236 : i32
    %scan3A_238 = arith.constant 1 : i32
    scf.for %scan3A_532 = %scan3A_235 to %scan3A_237 step %scan3A_238  : i32 {
      %mul3A_533 = arith.constant 2 : i32
      %mul3A_534 = arith.muli %scan3A_532, %mul3A_533 : i32
      %add3A_535 = arith.constant 0 : i32
      %add3A_536 = arith.addi %mul3A_534, %add3A_535 : i32
      %get3A = arith.index_cast %add3A_536 : i32 to index
      %get3A_537 = arith.constant 0 : index
      %get3A_538 = tpu.vector_load %arg9[%get3A, %get3A_537] {strides = array<i32>} : memref<200x128xf32, #tpu.memory_space<vmem>>, vector<1x16xf32>,
      %get3A_539 = vector.shape_cast %get3A_538 : vector<1x16xf32> to vector<16xf32>
      %mul3A_540 = arith.constant 11.3137083 : f32
      %mul3A_541 = vector.broadcast %mul3A_540 : f32 to vector<16xf32>
      %mul3A_542 = arith.mulf %get3A_539, %mul3A_541 : vector<16xf32>
      %get3A_543 = arith.index_cast %add3A_536 : i32 to index
      %get3A_544 = arith.constant 0 : index
      %get3A_545 = tpu.vector_load %arg6[%get3A_543, %get3A_544] {strides = array<i32>} : memref<200x128xf32, #tpu.memory_space<vmem>>, vector<1x16xf32>,
      %get3A_546 = vector.shape_cast %get3A_545 : vector<1x16xf32> to vector<16xf32>
      %add3A_547 = arith.addf %mul3A_542, %get3A_546 : vector<16xf32>
      %swap3A = arith.index_cast %add3A_536 : i32 to index
      %swap3A_548 = arith.constant 0 : index
      %swap3A_549 = tpu.vector_load %arg9[%swap3A, %swap3A_548] {strides = array<i32>} : memref<200x128xf32, #tpu.memory_space<vmem>>, vector<1x16xf32>,
      %swap3A_550 = vector.shape_cast %swap3A_549 : vector<1x16xf32> to vector<16xf32>
      %swap3A_551 = vector.shape_cast %add3A_547 : vector<16xf32> to vector<1x16xf32>
      tpu.vector_store %arg9[%swap3A, %swap3A_548], %swap3A_551 {strides = array<i32>} : memref<200x128xf32, #tpu.memory_space<vmem>>, vector<1x16xf32>,
      %get3A_552 = arith.index_cast %add3A_536 : i32 to index
      %get3A_553 = arith.constant 16 : index
      %get3A_554 = tpu.vector_load %arg9[%get3A_552, %get3A_553] {strides = array<i32>} : memref<200x128xf32, #tpu.memory_space<vmem>>, vector<1x16xf32>,
      %get3A_555 = vector.shape_cast %get3A_554 : vector<1x16xf32> to vector<16xf32>
      %mul3A_556 = arith.constant 11.3137083 : f32
      %mul3A_557 = vector.broadcast %mul3A_556 : f32 to vector<16xf32>
      %mul3A_558 = arith.mulf %get3A_555, %mul3A_557 : vector<16xf32>
      %get3A_559 = arith.index_cast %add3A_536 : i32 to index
      %get3A_560 = arith.constant 16 : index
      %get3A_561 = tpu.vector_load %arg6[%get3A_559, %get3A_560] {strides = array<i32>} : memref<200x128xf32, #tpu.memory_space<vmem>>, vector<1x16xf32>,
      %get3A_562 = vector.shape_cast %get3A_561 : vector<1x16xf32> to vector<16xf32>
      %add3A_563 = arith.addf %mul3A_558, %get3A_562 : vector<16xf32>
      %swap3A_564 = arith.index_cast %add3A_536 : i32 to index
      %swap3A_565 = arith.constant 16 : index
      %swap3A_566 = tpu.vector_load %arg9[%swap3A_564, %swap3A_565] {strides = array<i32>} : memref<200x128xf32, #tpu.memory_space<vmem>>, vector<1x16xf32>,
      %swap3A_567 = vector.shape_cast %swap3A_566 : vector<1x16xf32> to vector<16xf32>
      %swap3A_568 = vector.shape_cast %add3A_563 : vector<16xf32> to vector<1x16xf32>
      tpu.vector_store %arg9[%swap3A_564, %swap3A_565], %swap3A_568 {strides = array<i32>} : memref<200x128xf32, #tpu.memory_space<vmem>>, vector<1x16xf32>,
      %get3A_569 = arith.index_cast %add3A_536 : i32 to index
      %get3A_570 = arith.constant 32 : index
      %get3A_571 = tpu.vector_load %arg9[%get3A_569, %get3A_570] {strides = array<i32>} : memref<200x128xf32, #tpu.memory_space<vmem>>, vector<1x16xf32>,
      %get3A_572 = vector.shape_cast %get3A_571 : vector<1x16xf32> to vector<16xf32>
      %mul3A_573 = arith.constant 11.3137083 : f32
      %mul3A_574 = vector.broadcast %mul3A_573 : f32 to vector<16xf32>
      %mul3A_575 = arith.mulf %get3A_572, %mul3A_574 : vector<16xf32>
      %get3A_576 = arith.index_cast %add3A_536 : i32 to index
      %get3A_577 = arith.constant 32 : index
      %get3A_578 = tpu.vector_load %arg6[%get3A_576, %get3A_577] {strides = array<i32>} : memref<200x128xf32, #tpu.memory_space<vmem>>, vector<1x16xf32>,
      %get3A_579 = vector.shape_cast %get3A_578 : vector<1x16xf32> to vector<16xf32>
      %add3A_580 = arith.addf %mul3A_575, %get3A_579 : vector<16xf32>
      %swap3A_581 = arith.index_cast %add3A_536 : i32 to index
      %swap3A_582 = arith.constant 32 : index
      %swap3A_583 = tpu.vector_load %arg9[%swap3A_581, %swap3A_582] {strides = array<i32>} : memref<200x128xf32, #tpu.memory_space<vmem>>, vector<1x16xf32>,
      %swap3A_584 = vector.shape_cast %swap3A_583 : vector<1x16xf32> to vector<16xf32>
      %swap3A_585 = vector.shape_cast %add3A_580 : vector<16xf32> to vector<1x16xf32>
      tpu.vector_store %arg9[%swap3A_581, %swap3A_582], %swap3A_585 {strides = array<i32>} : memref<200x128xf32, #tpu.memory_space<vmem>>, vector<1x16xf32>,
      %get3A_586 = arith.index_cast %add3A_536 : i32 to index
      %get3A_587 = arith.constant 48 : index
      %get3A_588 = tpu.vector_load %arg9[%get3A_586, %get3A_587] {strides = array<i32>} : memref<200x128xf32, #tpu.memory_space<vmem>>, vector<1x16xf32>,
      %get3A_589 = vector.shape_cast %get3A_588 : vector<1x16xf32> to vector<16xf32>
      %mul3A_590 = arith.constant 11.3137083 : f32
      %mul3A_591 = vector.broadcast %mul3A_590 : f32 to vector<16xf32>
      %mul3A_592 = arith.mulf %get3A_589, %mul3A_591 : vector<16xf32>
      %get3A_593 = arith.index_cast %add3A_536 : i32 to index
      %get3A_594 = arith.constant 48 : index
      %get3A_595 = tpu.vector_load %arg6[%get3A_593, %get3A_594] {strides = array<i32>} : memref<200x128xf32, #tpu.memory_space<vmem>>, vector<1x16xf32>,
      %get3A_596 = vector.shape_cast %get3A_595 : vector<1x16xf32> to vector<16xf32>
      %add3A_597 = arith.addf %mul3A_592, %get3A_596 : vector<16xf32>
      %swap3A_598 = arith.index_cast %add3A_536 : i32 to index
      %swap3A_599 = arith.constant 48 : index
      %swap3A_600 = tpu.vector_load %arg9[%swap3A_598, %swap3A_599] {strides = array<i32>} : memref<200x128xf32, #tpu.memory_space<vmem>>, vector<1x16xf32>,
      %swap3A_601 = vector.shape_cast %swap3A_600 : vector<1x16xf32> to vector<16xf32>
      %swap3A_602 = vector.shape_cast %add3A_597 : vector<16xf32> to vector<1x16xf32>
      tpu.vector_store %arg9[%swap3A_598, %swap3A_599], %swap3A_602 {strides = array<i32>} : memref<200x128xf32, #tpu.memory_space<vmem>>, vector<1x16xf32>,
      %get3A_603 = arith.index_cast %add3A_536 : i32 to index
      %get3A_604 = arith.constant 64 : index
      %get3A_605 = tpu.vector_load %arg9[%get3A_603, %get3A_604] {strides = array<i32>} : memref<200x128xf32, #tpu.memory_space<vmem>>, vector<1x16xf32>,
      %get3A_606 = vector.shape_cast %get3A_605 : vector<1x16xf32> to vector<16xf32>
      %mul3A_607 = arith.constant 11.3137083 : f32
      %mul3A_608 = vector.broadcast %mul3A_607 : f32 to vector<16xf32>
      %mul3A_609 = arith.mulf %get3A_606, %mul3A_608 : vector<16xf32>
      %get3A_610 = arith.index_cast %add3A_536 : i32 to index
      %get3A_611 = arith.constant 64 : index
      %get3A_612 = tpu.vector_load %arg6[%get3A_610, %get3A_611] {strides = array<i32>} : memref<200x128xf32, #tpu.memory_space<vmem>>, vector<1x16xf32>,
      %get3A_613 = vector.shape_cast %get3A_612 : vector<1x16xf32> to vector<16xf32>
      %add3A_614 = arith.addf %mul3A_609, %get3A_613 : vector<16xf32>
      %swap3A_615 = arith.index_cast %add3A_536 : i32 to index
      %swap3A_616 = arith.constant 64 : index
      %swap3A_617 = tpu.vector_load %arg9[%swap3A_615, %swap3A_616] {strides = array<i32>} : memref<200x128xf32, #tpu.memory_space<vmem>>, vector<1x16xf32>,
      %swap3A_618 = vector.shape_cast %swap3A_617 : vector<1x16xf32> to vector<16xf32>
      %swap3A_619 = vector.shape_cast %add3A_614 : vector<16xf32> to vector<1x16xf32>
      tpu.vector_store %arg9[%swap3A_615, %swap3A_616], %swap3A_619 {strides = array<i32>} : memref<200x128xf32, #tpu.memory_space<vmem>>, vector<1x16xf32>,
      %get3A_620 = arith.index_cast %add3A_536 : i32 to index
      %get3A_621 = arith.constant 80 : index
      %get3A_622 = tpu.vector_load %arg9[%get3A_620, %get3A_621] {strides = array<i32>} : memref<200x128xf32, #tpu.memory_space<vmem>>, vector<1x16xf32>,
      %get3A_623 = vector.shape_cast %get3A_622 : vector<1x16xf32> to vector<16xf32>
      %mul3A_624 = arith.constant 11.3137083 : f32
      %mul3A_625 = vector.broadcast %mul3A_624 : f32 to vector<16xf32>
      %mul3A_626 = arith.mulf %get3A_623, %mul3A_625 : vector<16xf32>
      %get3A_627 = arith.index_cast %add3A_536 : i32 to index
      %get3A_628 = arith.constant 80 : index
      %get3A_629 = tpu.vector_load %arg6[%get3A_627, %get3A_628] {strides = array<i32>} : memref<200x128xf32, #tpu.memory_space<vmem>>, vector<1x16xf32>,
      %get3A_630 = vector.shape_cast %get3A_629 : vector<1x16xf32> to vector<16xf32>
      %add3A_631 = arith.addf %mul3A_626, %get3A_630 : vector<16xf32>
      %swap3A_632 = arith.index_cast %add3A_536 : i32 to index
      %swap3A_633 = arith.constant 80 : index
      %swap3A_634 = tpu.vector_load %arg9[%swap3A_632, %swap3A_633] {strides = array<i32>} : memref<200x128xf32, #tpu.memory_space<vmem>>, vector<1x16xf32>,
      %swap3A_635 = vector.shape_cast %swap3A_634 : vector<1x16xf32> to vector<16xf32>
      %swap3A_636 = vector.shape_cast %add3A_631 : vector<16xf32> to vector<1x16xf32>
      tpu.vector_store %arg9[%swap3A_632, %swap3A_633], %swap3A_636 {strides = array<i32>} : memref<200x128xf32, #tpu.memory_space<vmem>>, vector<1x16xf32>,
      %get3A_637 = arith.index_cast %add3A_536 : i32 to index
      %get3A_638 = arith.constant 96 : index
      %get3A_639 = tpu.vector_load %arg9[%get3A_637, %get3A_638] {strides = array<i32>} : memref<200x128xf32, #tpu.memory_space<vmem>>, vector<1x16xf32>,
      %get3A_640 = vector.shape_cast %get3A_639 : vector<1x16xf32> to vector<16xf32>
      %mul3A_641 = arith.constant 11.3137083 : f32
      %mul3A_642 = vector.broadcast %mul3A_641 : f32 to vector<16xf32>
      %mul3A_643 = arith.mulf %get3A_640, %mul3A_642 : vector<16xf32>
      %get3A_644 = arith.index_cast %add3A_536 : i32 to index
      %get3A_645 = arith.constant 96 : index
      %get3A_646 = tpu.vector_load %arg6[%get3A_644, %get3A_645] {strides = array<i32>} : memref<200x128xf32, #tpu.memory_space<vmem>>, vector<1x16xf32>,
      %get3A_647 = vector.shape_cast %get3A_646 : vector<1x16xf32> to vector<16xf32>
      %add3A_648 = arith.addf %mul3A_643, %get3A_647 : vector<16xf32>
      %swap3A_649 = arith.index_cast %add3A_536 : i32 to index
      %swap3A_650 = arith.constant 96 : index
      %swap3A_651 = tpu.vector_load %arg9[%swap3A_649, %swap3A_650] {strides = array<i32>} : memref<200x128xf32, #tpu.memory_space<vmem>>, vector<1x16xf32>,
      %swap3A_652 = vector.shape_cast %swap3A_651 : vector<1x16xf32> to vector<16xf32>
      %swap3A_653 = vector.shape_cast %add3A_648 : vector<16xf32> to vector<1x16xf32>
      tpu.vector_store %arg9[%swap3A_649, %swap3A_650], %swap3A_653 {strides = array<i32>} : memref<200x128xf32, #tpu.memory_space<vmem>>, vector<1x16xf32>,
      %get3A_654 = arith.index_cast %add3A_536 : i32 to index
      %get3A_655 = arith.constant 112 : index
      %get3A_656 = tpu.vector_load %arg9[%get3A_654, %get3A_655] {strides = array<i32>} : memref<200x128xf32, #tpu.memory_space<vmem>>, vector<1x16xf32>,
      %get3A_657 = vector.shape_cast %get3A_656 : vector<1x16xf32> to vector<16xf32>
      %mul3A_658 = arith.constant 11.3137083 : f32
      %mul3A_659 = vector.broadcast %mul3A_658 : f32 to vector<16xf32>
      %mul3A_660 = arith.mulf %get3A_657, %mul3A_659 : vector<16xf32>
      %get3A_661 = arith.index_cast %add3A_536 : i32 to index
      %get3A_662 = arith.constant 112 : index
      %get3A_663 = tpu.vector_load %arg6[%get3A_661, %get3A_662] {strides = array<i32>} : memref<200x128xf32, #tpu.memory_space<vmem>>, vector<1x16xf32>,
      %get3A_664 = vector.shape_cast %get3A_663 : vector<1x16xf32> to vector<16xf32>
      %add3A_665 = arith.addf %mul3A_660, %get3A_664 : vector<16xf32>
      %swap3A_666 = arith.index_cast %add3A_536 : i32 to index
      %swap3A_667 = arith.constant 112 : index
      %swap3A_668 = tpu.vector_load %arg9[%swap3A_666, %swap3A_667] {strides = array<i32>} : memref<200x128xf32, #tpu.memory_space<vmem>>, vector<1x16xf32>,
      %swap3A_669 = vector.shape_cast %swap3A_668 : vector<1x16xf32> to vector<16xf32>
      %swap3A_670 = vector.shape_cast %add3A_665 : vector<16xf32> to vector<1x16xf32>
      tpu.vector_store %arg9[%swap3A_666, %swap3A_667], %swap3A_670 {strides = array<i32>} : memref<200x128xf32, #tpu.memory_space<vmem>>, vector<1x16xf32>,
      %mul3A_671 = arith.constant 2 : i32
      %mul3A_672 = arith.muli %scan3A_532, %mul3A_671 : i32
      %add3A_673 = arith.constant 1 : i32
      %add3A_674 = arith.addi %mul3A_672, %add3A_673 : i32
      %get3A_675 = arith.index_cast %add3A_674 : i32 to index
      %get3A_676 = arith.constant 0 : index
      %get3A_677 = tpu.vector_load %arg9[%get3A_675, %get3A_676] {strides = array<i32>} : memref<200x128xf32, #tpu.memory_space<vmem>>, vector<1x16xf32>,
      %get3A_678 = vector.shape_cast %get3A_677 : vector<1x16xf32> to vector<16xf32>
      %mul3A_679 = arith.constant 11.3137083 : f32
      %mul3A_680 = vector.broadcast %mul3A_679 : f32 to vector<16xf32>
      %mul3A_681 = arith.mulf %get3A_678, %mul3A_680 : vector<16xf32>
      %get3A_682 = arith.index_cast %add3A_674 : i32 to index
      %get3A_683 = arith.constant 0 : index
      %get3A_684 = tpu.vector_load %arg6[%get3A_682, %get3A_683] {strides = array<i32>} : memref<200x128xf32, #tpu.memory_space<vmem>>, vector<1x16xf32>,
      %get3A_685 = vector.shape_cast %get3A_684 : vector<1x16xf32> to vector<16xf32>
      %add3A_686 = arith.addf %mul3A_681, %get3A_685 : vector<16xf32>
      %swap3A_687 = arith.index_cast %add3A_674 : i32 to index
      %swap3A_688 = arith.constant 0 : index
      %swap3A_689 = tpu.vector_load %arg9[%swap3A_687, %swap3A_688] {strides = array<i32>} : memref<200x128xf32, #tpu.memory_space<vmem>>, vector<1x16xf32>,
      %swap3A_690 = vector.shape_cast %swap3A_689 : vector<1x16xf32> to vector<16xf32>
      %swap3A_691 = vector.shape_cast %add3A_686 : vector<16xf32> to vector<1x16xf32>
      tpu.vector_store %arg9[%swap3A_687, %swap3A_688], %swap3A_691 {strides = array<i32>} : memref<200x128xf32, #tpu.memory_space<vmem>>, vector<1x16xf32>,
      %get3A_692 = arith.index_cast %add3A_674 : i32 to index
      %get3A_693 = arith.constant 16 : index
      %get3A_694 = tpu.vector_load %arg9[%get3A_692, %get3A_693] {strides = array<i32>} : memref<200x128xf32, #tpu.memory_space<vmem>>, vector<1x16xf32>,
      %get3A_695 = vector.shape_cast %get3A_694 : vector<1x16xf32> to vector<16xf32>
      %mul3A_696 = arith.constant 11.3137083 : f32
      %mul3A_697 = vector.broadcast %mul3A_696 : f32 to vector<16xf32>
      %mul3A_698 = arith.mulf %get3A_695, %mul3A_697 : vector<16xf32>
      %get3A_699 = arith.index_cast %add3A_674 : i32 to index
      %get3A_700 = arith.constant 16 : index
      %get3A_701 = tpu.vector_load %arg6[%get3A_699, %get3A_700] {strides = array<i32>} : memref<200x128xf32, #tpu.memory_space<vmem>>, vector<1x16xf32>,
      %get3A_702 = vector.shape_cast %get3A_701 : vector<1x16xf32> to vector<16xf32>
      %add3A_703 = arith.addf %mul3A_698, %get3A_702 : vector<16xf32>
      %swap3A_704 = arith.index_cast %add3A_674 : i32 to index
      %swap3A_705 = arith.constant 16 : index
      %swap3A_706 = tpu.vector_load %arg9[%swap3A_704, %swap3A_705] {strides = array<i32>} : memref<200x128xf32, #tpu.memory_space<vmem>>, vector<1x16xf32>,
      %swap3A_707 = vector.shape_cast %swap3A_706 : vector<1x16xf32> to vector<16xf32>
      %swap3A_708 = vector.shape_cast %add3A_703 : vector<16xf32> to vector<1x16xf32>
      tpu.vector_store %arg9[%swap3A_704, %swap3A_705], %swap3A_708 {strides = array<i32>} : memref<200x128xf32, #tpu.memory_space<vmem>>, vector<1x16xf32>,
      %get3A_709 = arith.index_cast %add3A_674 : i32 to index
      %get3A_710 = arith.constant 32 : index
      %get3A_711 = tpu.vector_load %arg9[%get3A_709, %get3A_710] {strides = array<i32>} : memref<200x128xf32, #tpu.memory_space<vmem>>, vector<1x16xf32>,
      %get3A_712 = vector.shape_cast %get3A_711 : vector<1x16xf32> to vector<16xf32>
      %mul3A_713 = arith.constant 11.3137083 : f32
      %mul3A_714 = vector.broadcast %mul3A_713 : f32 to vector<16xf32>
      %mul3A_715 = arith.mulf %get3A_712, %mul3A_714 : vector<16xf32>
      %get3A_716 = arith.index_cast %add3A_674 : i32 to index
      %get3A_717 = arith.constant 32 : index
      %get3A_718 = tpu.vector_load %arg6[%get3A_716, %get3A_717] {strides = array<i32>} : memref<200x128xf32, #tpu.memory_space<vmem>>, vector<1x16xf32>,
      %get3A_719 = vector.shape_cast %get3A_718 : vector<1x16xf32> to vector<16xf32>
      %add3A_720 = arith.addf %mul3A_715, %get3A_719 : vector<16xf32>
      %swap3A_721 = arith.index_cast %add3A_674 : i32 to index
      %swap3A_722 = arith.constant 32 : index
      %swap3A_723 = tpu.vector_load %arg9[%swap3A_721, %swap3A_722] {strides = array<i32>} : memref<200x128xf32, #tpu.memory_space<vmem>>, vector<1x16xf32>,
      %swap3A_724 = vector.shape_cast %swap3A_723 : vector<1x16xf32> to vector<16xf32>
      %swap3A_725 = vector.shape_cast %add3A_720 : vector<16xf32> to vector<1x16xf32>
      tpu.vector_store %arg9[%swap3A_721, %swap3A_722], %swap3A_725 {strides = array<i32>} : memref<200x128xf32, #tpu.memory_space<vmem>>, vector<1x16xf32>,
      %get3A_726 = arith.index_cast %add3A_674 : i32 to index
      %get3A_727 = arith.constant 48 : index
      %get3A_728 = tpu.vector_load %arg9[%get3A_726, %get3A_727] {strides = array<i32>} : memref<200x128xf32, #tpu.memory_space<vmem>>, vector<1x16xf32>,
      %get3A_729 = vector.shape_cast %get3A_728 : vector<1x16xf32> to vector<16xf32>
      %mul3A_730 = arith.constant 11.3137083 : f32
      %mul3A_731 = vector.broadcast %mul3A_730 : f32 to vector<16xf32>
      %mul3A_732 = arith.mulf %get3A_729, %mul3A_731 : vector<16xf32>
      %get3A_733 = arith.index_cast %add3A_674 : i32 to index
      %get3A_734 = arith.constant 48 : index
      %get3A_735 = tpu.vector_load %arg6[%get3A_733, %get3A_734] {strides = array<i32>} : memref<200x128xf32, #tpu.memory_space<vmem>>, vector<1x16xf32>,
      %get3A_736 = vector.shape_cast %get3A_735 : vector<1x16xf32> to vector<16xf32>
      %add3A_737 = arith.addf %mul3A_732, %get3A_736 : vector<16xf32>
      %swap3A_738 = arith.index_cast %add3A_674 : i32 to index
      %swap3A_739 = arith.constant 48 : index
      %swap3A_740 = tpu.vector_load %arg9[%swap3A_738, %swap3A_739] {strides = array<i32>} : memref<200x128xf32, #tpu.memory_space<vmem>>, vector<1x16xf32>,
      %swap3A_741 = vector.shape_cast %swap3A_740 : vector<1x16xf32> to vector<16xf32>
      %swap3A_742 = vector.shape_cast %add3A_737 : vector<16xf32> to vector<1x16xf32>
      tpu.vector_store %arg9[%swap3A_738, %swap3A_739], %swap3A_742 {strides = array<i32>} : memref<200x128xf32, #tpu.memory_space<vmem>>, vector<1x16xf32>,
      %get3A_743 = arith.index_cast %add3A_674 : i32 to index
      %get3A_744 = arith.constant 64 : index
      %get3A_745 = tpu.vector_load %arg9[%get3A_743, %get3A_744] {strides = array<i32>} : memref<200x128xf32, #tpu.memory_space<vmem>>, vector<1x16xf32>,
      %get3A_746 = vector.shape_cast %get3A_745 : vector<1x16xf32> to vector<16xf32>
      %mul3A_747 = arith.constant 11.3137083 : f32
      %mul3A_748 = vector.broadcast %mul3A_747 : f32 to vector<16xf32>
      %mul3A_749 = arith.mulf %get3A_746, %mul3A_748 : vector<16xf32>
      %get3A_750 = arith.index_cast %add3A_674 : i32 to index
      %get3A_751 = arith.constant 64 : index
      %get3A_752 = tpu.vector_load %arg6[%get3A_750, %get3A_751] {strides = array<i32>} : memref<200x128xf32, #tpu.memory_space<vmem>>, vector<1x16xf32>,
      %get3A_753 = vector.shape_cast %get3A_752 : vector<1x16xf32> to vector<16xf32>
      %add3A_754 = arith.addf %mul3A_749, %get3A_753 : vector<16xf32>
      %swap3A_755 = arith.index_cast %add3A_674 : i32 to index
      %swap3A_756 = arith.constant 64 : index
      %swap3A_757 = tpu.vector_load %arg9[%swap3A_755, %swap3A_756] {strides = array<i32>} : memref<200x128xf32, #tpu.memory_space<vmem>>, vector<1x16xf32>,
      %swap3A_758 = vector.shape_cast %swap3A_757 : vector<1x16xf32> to vector<16xf32>
      %swap3A_759 = vector.shape_cast %add3A_754 : vector<16xf32> to vector<1x16xf32>
      tpu.vector_store %arg9[%swap3A_755, %swap3A_756], %swap3A_759 {strides = array<i32>} : memref<200x128xf32, #tpu.memory_space<vmem>>, vector<1x16xf32>,
      %get3A_760 = arith.index_cast %add3A_674 : i32 to index
      %get3A_761 = arith.constant 80 : index
      %get3A_762 = tpu.vector_load %arg9[%get3A_760, %get3A_761] {strides = array<i32>} : memref<200x128xf32, #tpu.memory_space<vmem>>, vector<1x16xf32>,
      %get3A_763 = vector.shape_cast %get3A_762 : vector<1x16xf32> to vector<16xf32>
      %mul3A_764 = arith.constant 11.3137083 : f32
      %mul3A_765 = vector.broadcast %mul3A_764 : f32 to vector<16xf32>
      %mul3A_766 = arith.mulf %get3A_763, %mul3A_765 : vector<16xf32>
      %get3A_767 = arith.index_cast %add3A_674 : i32 to index
      %get3A_768 = arith.constant 80 : index
      %get3A_769 = tpu.vector_load %arg6[%get3A_767, %get3A_768] {strides = array<i32>} : memref<200x128xf32, #tpu.memory_space<vmem>>, vector<1x16xf32>,
      %get3A_770 = vector.shape_cast %get3A_769 : vector<1x16xf32> to vector<16xf32>
      %add3A_771 = arith.addf %mul3A_766, %get3A_770 : vector<16xf32>
      %swap3A_772 = arith.index_cast %add3A_674 : i32 to index
      %swap3A_773 = arith.constant 80 : index
      %swap3A_774 = tpu.vector_load %arg9[%swap3A_772, %swap3A_773] {strides = array<i32>} : memref<200x128xf32, #tpu.memory_space<vmem>>, vector<1x16xf32>,
      %swap3A_775 = vector.shape_cast %swap3A_774 : vector<1x16xf32> to vector<16xf32>
      %swap3A_776 = vector.shape_cast %add3A_771 : vector<16xf32> to vector<1x16xf32>
      tpu.vector_store %arg9[%swap3A_772, %swap3A_773], %swap3A_776 {strides = array<i32>} : memref<200x128xf32, #tpu.memory_space<vmem>>, vector<1x16xf32>,
      %get3A_777 = arith.index_cast %add3A_674 : i32 to index
      %get3A_778 = arith.constant 96 : index
      %get3A_779 = tpu.vector_load %arg9[%get3A_777, %get3A_778] {strides = array<i32>} : memref<200x128xf32, #tpu.memory_space<vmem>>, vector<1x16xf32>,
      %get3A_780 = vector.shape_cast %get3A_779 : vector<1x16xf32> to vector<16xf32>
      %mul3A_781 = arith.constant 11.3137083 : f32
      %mul3A_782 = vector.broadcast %mul3A_781 : f32 to vector<16xf32>
      %mul3A_783 = arith.mulf %get3A_780, %mul3A_782 : vector<16xf32>
      %get3A_784 = arith.index_cast %add3A_674 : i32 to index
      %get3A_785 = arith.constant 96 : index
      %get3A_786 = tpu.vector_load %arg6[%get3A_784, %get3A_785] {strides = array<i32>} : memref<200x128xf32, #tpu.memory_space<vmem>>, vector<1x16xf32>,
      %get3A_787 = vector.shape_cast %get3A_786 : vector<1x16xf32> to vector<16xf32>
      %add3A_788 = arith.addf %mul3A_783, %get3A_787 : vector<16xf32>
      %swap3A_789 = arith.index_cast %add3A_674 : i32 to index
      %swap3A_790 = arith.constant 96 : index
      %swap3A_791 = tpu.vector_load %arg9[%swap3A_789, %swap3A_790] {strides = array<i32>} : memref<200x128xf32, #tpu.memory_space<vmem>>, vector<1x16xf32>,
      %swap3A_792 = vector.shape_cast %swap3A_791 : vector<1x16xf32> to vector<16xf32>
      %swap3A_793 = vector.shape_cast %add3A_788 : vector<16xf32> to vector<1x16xf32>
      tpu.vector_store %arg9[%swap3A_789, %swap3A_790], %swap3A_793 {strides = array<i32>} : memref<200x128xf32, #tpu.memory_space<vmem>>, vector<1x16xf32>,
      %get3A_794 = arith.index_cast %add3A_674 : i32 to index
      %get3A_795 = arith.constant 112 : index
      %get3A_796 = tpu.vector_load %arg9[%get3A_794, %get3A_795] {strides = array<i32>} : memref<200x128xf32, #tpu.memory_space<vmem>>, vector<1x16xf32>,
      %get3A_797 = vector.shape_cast %get3A_796 : vector<1x16xf32> to vector<16xf32>
      %mul3A_798 = arith.constant 11.3137083 : f32
      %mul3A_799 = vector.broadcast %mul3A_798 : f32 to vector<16xf32>
      %mul3A_800 = arith.mulf %get3A_797, %mul3A_799 : vector<16xf32>
      %get3A_801 = arith.index_cast %add3A_674 : i32 to index
      %get3A_802 = arith.constant 112 : index
      %get3A_803 = tpu.vector_load %arg6[%get3A_801, %get3A_802] {strides = array<i32>} : memref<200x128xf32, #tpu.memory_space<vmem>>, vector<1x16xf32>,
      %get3A_804 = vector.shape_cast %get3A_803 : vector<1x16xf32> to vector<16xf32>
      %add3A_805 = arith.addf %mul3A_800, %get3A_804 : vector<16xf32>
      %swap3A_806 = arith.index_cast %add3A_674 : i32 to index
      %swap3A_807 = arith.constant 112 : index
      %swap3A_808 = tpu.vector_load %arg9[%swap3A_806, %swap3A_807] {strides = array<i32>} : memref<200x128xf32, #tpu.memory_space<vmem>>, vector<1x16xf32>,
      %swap3A_809 = vector.shape_cast %swap3A_808 : vector<1x16xf32> to vector<16xf32>
      %swap3A_810 = vector.shape_cast %add3A_805 : vector<16xf32> to vector<1x16xf32>
      tpu.vector_store %arg9[%swap3A_806, %swap3A_807], %swap3A_810 {strides = array<i32>} : memref<200x128xf32, #tpu.memory_space<vmem>>, vector<1x16xf32>,
    }
    %scan3A_239 = arith.constant 100 : i32
    %add3A_240 = arith.constant 64 : i32
    %add3A_241 = arith.addi %add3A_240, %add3A : i32
    %mul3A_242 = arith.constant 200 : i32
    %mul3A_243 = arith.muli %add3A_241, %mul3A_242 : i32
    %dma_start3A_244 = arith.constant 0 : i32
    %dma_start3A_245 = tpu.memref_slice %arg5[%mul3A_243, %dma_start3A_244] : memref<204800x128xf32, #tpu.memory_space<hbm>> -> memref<200x128xf32, #tpu.memory_space<hbm>>
    %dma_start3A_246 = arith.constant 0 : i32
    %dma_start3A_247 = tpu.memref_slice %arg5[%mul3A_243, %dma_start3A_246] : memref<204800x128xf32, #tpu.memory_space<hbm>> -> memref<200x128xf32, #tpu.memory_space<hbm>>
    tpu.enqueue_dma source(%arg9 : memref<200x128xf32, #tpu.memory_space<vmem>>) target(%dma_start3A_247 : memref<200x128xf32, #tpu.memory_space<hbm>>) target_semaphore(%arg21 : memref<!tpu.dma_semaphore, #tpu.memory_space<semaphore_mem>>)
    %dma_wait3A_248 = arith.constant 0 : i32
    %dma_wait3A_249 = arith.constant 0 : i32
    %dma_wait3A_250 = tpu.memref_slice %arg10[%dma_wait3A_248, %dma_wait3A_249] : memref<200x128xf32, #tpu.memory_space<vmem>> -> memref<104x128xf32, #tpu.memory_space<vmem>>
    %dma_wait3A_251 = arith.constant 0 : i32
    %dma_wait3A_252 = tpu.memref_slice %arg14[%dma_wait3A_251] : memref<200xi32, #tpu.memory_space<vmem>> -> memref<104xi32, #tpu.memory_space<vmem>>
    %dma_wait3A_253 = arith.constant 0 : i32
    %dma_wait3A_254 = arith.constant 0 : i32
    %dma_wait3A_255 = tpu.memref_slice %arg3[%dma_wait3A_253, %dma_wait3A_254] : memref<100000x128xf32, #tpu.memory_space<hbm>> -> memref<100000x128xf32, #tpu.memory_space<hbm>>
    tpu.wait_indirect_dma semaphore(%arg18 : memref<!tpu.dma_semaphore, #tpu.memory_space<semaphore_mem>>) src(%dma_wait3A_255 : memref<100000x128xf32, #tpu.memory_space<hbm>>) dst(%dma_wait3A_250 : memref<104x128xf32, #tpu.memory_space<vmem>>)
    %dma_wait3A_256 = arith.constant 104 : i32
    %dma_wait3A_257 = arith.constant 0 : i32
    %dma_wait3A_258 = tpu.memref_slice %arg10[%dma_wait3A_256, %dma_wait3A_257] : memref<200x128xf32, #tpu.memory_space<vmem>> -> memref<96x128xf32, #tpu.memory_space<vmem>>
    %dma_wait3A_259 = arith.constant 104 : i32
    %dma_wait3A_260 = tpu.memref_slice %arg14[%dma_wait3A_259] : memref<200xi32, #tpu.memory_space<vmem>> -> memref<96xi32, #tpu.memory_space<vmem>>
    %dma_wait3A_261 = arith.constant 0 : i32
    %dma_wait3A_262 = arith.constant 0 : i32
    %dma_wait3A_263 = tpu.memref_slice %arg3[%dma_wait3A_261, %dma_wait3A_262] : memref<100000x128xf32, #tpu.memory_space<hbm>> -> memref<100000x128xf32, #tpu.memory_space<hbm>>
    tpu.wait_indirect_dma semaphore(%arg18 : memref<!tpu.dma_semaphore, #tpu.memory_space<semaphore_mem>>) src(%dma_wait3A_263 : memref<100000x128xf32, #tpu.memory_space<hbm>>) dst(%dma_wait3A_258 : memref<96x128xf32, #tpu.memory_space<vmem>>)
    %add3A_264 = arith.constant 224 : i32
    %add3A_265 = arith.addi %add3A_264, %add3A : i32
    %mul3A_266 = arith.constant 200 : i32
    %mul3A_267 = arith.muli %add3A_265, %mul3A_266 : i32
    %dma_start3A_268 = tpu.memref_slice %arg2[%mul3A_267] : memref<204800xi32, #tpu.memory_space<hbm>> -> memref<200xi32, #tpu.memory_space<hbm>>
    %dma_start3A_269 = tpu.memref_slice %arg2[%mul3A_267] : memref<204800xi32, #tpu.memory_space<hbm>> -> memref<200xi32, #tpu.memory_space<hbm>>
    tpu.enqueue_dma source(%dma_start3A_269 : memref<200xi32, #tpu.memory_space<hbm>>) target(%arg14 : memref<200xi32, #tpu.memory_space<vmem>>) target_semaphore(%arg26 : memref<!tpu.dma_semaphore, #tpu.memory_space<semaphore_mem>>)
    %add3A_270 = arith.constant 32 : i32
    %add3A_271 = arith.addi %add3A_270, %add3A : i32
    %mul3A_272 = arith.constant 200 : i32
    %mul3A_273 = arith.muli %add3A_271, %mul3A_272 : i32
    %dma_wait3A_274 = arith.constant 0 : i32
    %dma_wait3A_275 = tpu.memref_slice %arg5[%mul3A_273, %dma_wait3A_274] : memref<204800x128xf32, #tpu.memory_space<hbm>> -> memref<200x128xf32, #tpu.memory_space<hbm>>
    %dma_wait3A_276 = arith.constant 0 : i32
    %dma_wait3A_277 = tpu.memref_slice %arg5[%mul3A_273, %dma_wait3A_276] : memref<204800x128xf32, #tpu.memory_space<hbm>> -> memref<200x128xf32, #tpu.memory_space<hbm>>
    tpu.wait_dma2 semaphore(%arg20 : memref<!tpu.dma_semaphore, #tpu.memory_space<semaphore_mem>>) src(%arg8 : memref<200x128xf32, #tpu.memory_space<vmem>>) dst(%dma_wait3A_277 : memref<200x128xf32, #tpu.memory_space<hbm>>)
    %add3A_278 = arith.constant 160 : i32
    %add3A_279 = arith.addi %add3A_278, %add3A : i32
    %mul3A_280 = arith.constant 200 : i32
    %mul3A_281 = arith.muli %add3A_279, %mul3A_280 : i32
    %dma_wait3A_282 = tpu.memref_slice %arg2[%mul3A_281] : memref<204800xi32, #tpu.memory_space<hbm>> -> memref<200xi32, #tpu.memory_space<hbm>>
    %dma_wait3A_283 = tpu.memref_slice %arg2[%mul3A_281] : memref<204800xi32, #tpu.memory_space<hbm>> -> memref<200xi32, #tpu.memory_space<hbm>>
    tpu.wait_dma2 semaphore(%arg24 : memref<!tpu.dma_semaphore, #tpu.memory_space<semaphore_mem>>) src(%dma_wait3A_283 : memref<200xi32, #tpu.memory_space<hbm>>) dst(%arg12 : memref<200xi32, #tpu.memory_space<vmem>>)
    %dma_start3A_284 = arith.constant 0 : i32
    %dma_start3A_285 = arith.constant 0 : i32
    %dma_start3A_286 = tpu.memref_slice %arg8[%dma_start3A_284, %dma_start3A_285] : memref<200x128xf32, #tpu.memory_space<vmem>> -> memref<104x128xf32, #tpu.memory_space<vmem>>
    %dma_start3A_287 = arith.constant 0 : i32
    %dma_start3A_288 = tpu.memref_slice %arg12[%dma_start3A_287] : memref<200xi32, #tpu.memory_space<vmem>> -> memref<104xi32, #tpu.memory_space<vmem>>
    %dma_start3A_289 = arith.constant 0 : i32
    %dma_start3A_290 = arith.constant 0 : i32
    %dma_start3A_291 = tpu.memref_slice %arg3[%dma_start3A_289, %dma_start3A_290] : memref<100000x128xf32, #tpu.memory_space<hbm>> -> memref<100000x128xf32, #tpu.memory_space<hbm>>
    tpu.enqueue_indirect_dma source(%dma_start3A_291 : memref<100000x128xf32, #tpu.memory_space<hbm>>) target(%dma_start3A_286 : memref<104x128xf32, #tpu.memory_space<vmem>>) offsets(%dma_start3A_288 : memref<104xi32, #tpu.memory_space<vmem>>) semaphore(%arg16 : memref<!tpu.dma_semaphore, #tpu.memory_space<semaphore_mem>>)
    %dma_start3A_292 = arith.constant 104 : i32
    %dma_start3A_293 = arith.constant 0 : i32
    %dma_start3A_294 = tpu.memref_slice %arg8[%dma_start3A_292, %dma_start3A_293] : memref<200x128xf32, #tpu.memory_space<vmem>> -> memref<96x128xf32, #tpu.memory_space<vmem>>
    %dma_start3A_295 = arith.constant 104 : i32
    %dma_start3A_296 = tpu.memref_slice %arg12[%dma_start3A_295] : memref<200xi32, #tpu.memory_space<vmem>> -> memref<96xi32, #tpu.memory_space<vmem>>
    %dma_start3A_297 = arith.constant 0 : i32
    %dma_start3A_298 = arith.constant 0 : i32
    %dma_start3A_299 = tpu.memref_slice %arg3[%dma_start3A_297, %dma_start3A_298] : memref<100000x128xf32, #tpu.memory_space<hbm>> -> memref<100000x128xf32, #tpu.memory_space<hbm>>
    tpu.enqueue_indirect_dma source(%dma_start3A_299 : memref<100000x128xf32, #tpu.memory_space<hbm>>) target(%dma_start3A_294 : memref<96x128xf32, #tpu.memory_space<vmem>>) offsets(%dma_start3A_296 : memref<96xi32, #tpu.memory_space<vmem>>) semaphore(%arg16 : memref<!tpu.dma_semaphore, #tpu.memory_space<semaphore_mem>>)
    %scan3A_300 = arith.constant 0 : i32
    %scan3A_301 = arith.constant 0 : i32
    %scan3A_302 = arith.constant 100 : i32
    %scan3A_303 = arith.addi %scan3A_301, %scan3A_302 : i32
    %scan3A_304 = arith.constant 1 : i32
    scf.for %scan3A_532 = %scan3A_301 to %scan3A_303 step %scan3A_304  : i32 {
      %mul3A_533 = arith.constant 2 : i32
      %mul3A_534 = arith.muli %scan3A_532, %mul3A_533 : i32
      %add3A_535 = arith.constant 0 : i32
      %add3A_536 = arith.addi %mul3A_534, %add3A_535 : i32
      %get3A = arith.index_cast %add3A_536 : i32 to index
      %get3A_537 = arith.constant 0 : index
      %get3A_538 = tpu.vector_load %arg10[%get3A, %get3A_537] {strides = array<i32>} : memref<200x128xf32, #tpu.memory_space<vmem>>, vector<1x16xf32>,
      %get3A_539 = vector.shape_cast %get3A_538 : vector<1x16xf32> to vector<16xf32>
      %mul3A_540 = arith.constant 11.3137083 : f32
      %mul3A_541 = vector.broadcast %mul3A_540 : f32 to vector<16xf32>
      %mul3A_542 = arith.mulf %get3A_539, %mul3A_541 : vector<16xf32>
      %get3A_543 = arith.index_cast %add3A_536 : i32 to index
      %get3A_544 = arith.constant 0 : index
      %get3A_545 = tpu.vector_load %arg6[%get3A_543, %get3A_544] {strides = array<i32>} : memref<200x128xf32, #tpu.memory_space<vmem>>, vector<1x16xf32>,
      %get3A_546 = vector.shape_cast %get3A_545 : vector<1x16xf32> to vector<16xf32>
      %add3A_547 = arith.addf %mul3A_542, %get3A_546 : vector<16xf32>
      %swap3A = arith.index_cast %add3A_536 : i32 to index
      %swap3A_548 = arith.constant 0 : index
      %swap3A_549 = tpu.vector_load %arg10[%swap3A, %swap3A_548] {strides = array<i32>} : memref<200x128xf32, #tpu.memory_space<vmem>>, vector<1x16xf32>,
      %swap3A_550 = vector.shape_cast %swap3A_549 : vector<1x16xf32> to vector<16xf32>
      %swap3A_551 = vector.shape_cast %add3A_547 : vector<16xf32> to vector<1x16xf32>
      tpu.vector_store %arg10[%swap3A, %swap3A_548], %swap3A_551 {strides = array<i32>} : memref<200x128xf32, #tpu.memory_space<vmem>>, vector<1x16xf32>,
      %get3A_552 = arith.index_cast %add3A_536 : i32 to index
      %get3A_553 = arith.constant 16 : index
      %get3A_554 = tpu.vector_load %arg10[%get3A_552, %get3A_553] {strides = array<i32>} : memref<200x128xf32, #tpu.memory_space<vmem>>, vector<1x16xf32>,
      %get3A_555 = vector.shape_cast %get3A_554 : vector<1x16xf32> to vector<16xf32>
      %mul3A_556 = arith.constant 11.3137083 : f32
      %mul3A_557 = vector.broadcast %mul3A_556 : f32 to vector<16xf32>
      %mul3A_558 = arith.mulf %get3A_555, %mul3A_557 : vector<16xf32>
      %get3A_559 = arith.index_cast %add3A_536 : i32 to index
      %get3A_560 = arith.constant 16 : index
      %get3A_561 = tpu.vector_load %arg6[%get3A_559, %get3A_560] {strides = array<i32>} : memref<200x128xf32, #tpu.memory_space<vmem>>, vector<1x16xf32>,
      %get3A_562 = vector.shape_cast %get3A_561 : vector<1x16xf32> to vector<16xf32>
      %add3A_563 = arith.addf %mul3A_558, %get3A_562 : vector<16xf32>
      %swap3A_564 = arith.index_cast %add3A_536 : i32 to index
      %swap3A_565 = arith.constant 16 : index
      %swap3A_566 = tpu.vector_load %arg10[%swap3A_564, %swap3A_565] {strides = array<i32>} : memref<200x128xf32, #tpu.memory_space<vmem>>, vector<1x16xf32>,
      %swap3A_567 = vector.shape_cast %swap3A_566 : vector<1x16xf32> to vector<16xf32>
      %swap3A_568 = vector.shape_cast %add3A_563 : vector<16xf32> to vector<1x16xf32>
      tpu.vector_store %arg10[%swap3A_564, %swap3A_565], %swap3A_568 {strides = array<i32>} : memref<200x128xf32, #tpu.memory_space<vmem>>, vector<1x16xf32>,
      %get3A_569 = arith.index_cast %add3A_536 : i32 to index
      %get3A_570 = arith.constant 32 : index
      %get3A_571 = tpu.vector_load %arg10[%get3A_569, %get3A_570] {strides = array<i32>} : memref<200x128xf32, #tpu.memory_space<vmem>>, vector<1x16xf32>,
      %get3A_572 = vector.shape_cast %get3A_571 : vector<1x16xf32> to vector<16xf32>
      %mul3A_573 = arith.constant 11.3137083 : f32
      %mul3A_574 = vector.broadcast %mul3A_573 : f32 to vector<16xf32>
      %mul3A_575 = arith.mulf %get3A_572, %mul3A_574 : vector<16xf32>
      %get3A_576 = arith.index_cast %add3A_536 : i32 to index
      %get3A_577 = arith.constant 32 : index
      %get3A_578 = tpu.vector_load %arg6[%get3A_576, %get3A_577] {strides = array<i32>} : memref<200x128xf32, #tpu.memory_space<vmem>>, vector<1x16xf32>,
      %get3A_579 = vector.shape_cast %get3A_578 : vector<1x16xf32> to vector<16xf32>
      %add3A_580 = arith.addf %mul3A_575, %get3A_579 : vector<16xf32>
      %swap3A_581 = arith.index_cast %add3A_536 : i32 to index
      %swap3A_582 = arith.constant 32 : index
      %swap3A_583 = tpu.vector_load %arg10[%swap3A_581, %swap3A_582] {strides = array<i32>} : memref<200x128xf32, #tpu.memory_space<vmem>>, vector<1x16xf32>,
      %swap3A_584 = vector.shape_cast %swap3A_583 : vector<1x16xf32> to vector<16xf32>
      %swap3A_585 = vector.shape_cast %add3A_580 : vector<16xf32> to vector<1x16xf32>
      tpu.vector_store %arg10[%swap3A_581, %swap3A_582], %swap3A_585 {strides = array<i32>} : memref<200x128xf32, #tpu.memory_space<vmem>>, vector<1x16xf32>,
      %get3A_586 = arith.index_cast %add3A_536 : i32 to index
      %get3A_587 = arith.constant 48 : index
      %get3A_588 = tpu.vector_load %arg10[%get3A_586, %get3A_587] {strides = array<i32>} : memref<200x128xf32, #tpu.memory_space<vmem>>, vector<1x16xf32>,
      %get3A_589 = vector.shape_cast %get3A_588 : vector<1x16xf32> to vector<16xf32>
      %mul3A_590 = arith.constant 11.3137083 : f32
      %mul3A_591 = vector.broadcast %mul3A_590 : f32 to vector<16xf32>
      %mul3A_592 = arith.mulf %get3A_589, %mul3A_591 : vector<16xf32>
      %get3A_593 = arith.index_cast %add3A_536 : i32 to index
      %get3A_594 = arith.constant 48 : index
      %get3A_595 = tpu.vector_load %arg6[%get3A_593, %get3A_594] {strides = array<i32>} : memref<200x128xf32, #tpu.memory_space<vmem>>, vector<1x16xf32>,
      %get3A_596 = vector.shape_cast %get3A_595 : vector<1x16xf32> to vector<16xf32>
      %add3A_597 = arith.addf %mul3A_592, %get3A_596 : vector<16xf32>
      %swap3A_598 = arith.index_cast %add3A_536 : i32 to index
      %swap3A_599 = arith.constant 48 : index
      %swap3A_600 = tpu.vector_load %arg10[%swap3A_598, %swap3A_599] {strides = array<i32>} : memref<200x128xf32, #tpu.memory_space<vmem>>, vector<1x16xf32>,
      %swap3A_601 = vector.shape_cast %swap3A_600 : vector<1x16xf32> to vector<16xf32>
      %swap3A_602 = vector.shape_cast %add3A_597 : vector<16xf32> to vector<1x16xf32>
      tpu.vector_store %arg10[%swap3A_598, %swap3A_599], %swap3A_602 {strides = array<i32>} : memref<200x128xf32, #tpu.memory_space<vmem>>, vector<1x16xf32>,
      %get3A_603 = arith.index_cast %add3A_536 : i32 to index
      %get3A_604 = arith.constant 64 : index
      %get3A_605 = tpu.vector_load %arg10[%get3A_603, %get3A_604] {strides = array<i32>} : memref<200x128xf32, #tpu.memory_space<vmem>>, vector<1x16xf32>,
      %get3A_606 = vector.shape_cast %get3A_605 : vector<1x16xf32> to vector<16xf32>
      %mul3A_607 = arith.constant 11.3137083 : f32
      %mul3A_608 = vector.broadcast %mul3A_607 : f32 to vector<16xf32>
      %mul3A_609 = arith.mulf %get3A_606, %mul3A_608 : vector<16xf32>
      %get3A_610 = arith.index_cast %add3A_536 : i32 to index
      %get3A_611 = arith.constant 64 : index
      %get3A_612 = tpu.vector_load %arg6[%get3A_610, %get3A_611] {strides = array<i32>} : memref<200x128xf32, #tpu.memory_space<vmem>>, vector<1x16xf32>,
      %get3A_613 = vector.shape_cast %get3A_612 : vector<1x16xf32> to vector<16xf32>
      %add3A_614 = arith.addf %mul3A_609, %get3A_613 : vector<16xf32>
      %swap3A_615 = arith.index_cast %add3A_536 : i32 to index
      %swap3A_616 = arith.constant 64 : index
      %swap3A_617 = tpu.vector_load %arg10[%swap3A_615, %swap3A_616] {strides = array<i32>} : memref<200x128xf32, #tpu.memory_space<vmem>>, vector<1x16xf32>,
      %swap3A_618 = vector.shape_cast %swap3A_617 : vector<1x16xf32> to vector<16xf32>
      %swap3A_619 = vector.shape_cast %add3A_614 : vector<16xf32> to vector<1x16xf32>
      tpu.vector_store %arg10[%swap3A_615, %swap3A_616], %swap3A_619 {strides = array<i32>} : memref<200x128xf32, #tpu.memory_space<vmem>>, vector<1x16xf32>,
      %get3A_620 = arith.index_cast %add3A_536 : i32 to index
      %get3A_621 = arith.constant 80 : index
      %get3A_622 = tpu.vector_load %arg10[%get3A_620, %get3A_621] {strides = array<i32>} : memref<200x128xf32, #tpu.memory_space<vmem>>, vector<1x16xf32>,
      %get3A_623 = vector.shape_cast %get3A_622 : vector<1x16xf32> to vector<16xf32>
      %mul3A_624 = arith.constant 11.3137083 : f32
      %mul3A_625 = vector.broadcast %mul3A_624 : f32 to vector<16xf32>
      %mul3A_626 = arith.mulf %get3A_623, %mul3A_625 : vector<16xf32>
      %get3A_627 = arith.index_cast %add3A_536 : i32 to index
      %get3A_628 = arith.constant 80 : index
      %get3A_629 = tpu.vector_load %arg6[%get3A_627, %get3A_628] {strides = array<i32>} : memref<200x128xf32, #tpu.memory_space<vmem>>, vector<1x16xf32>,
      %get3A_630 = vector.shape_cast %get3A_629 : vector<1x16xf32> to vector<16xf32>
      %add3A_631 = arith.addf %mul3A_626, %get3A_630 : vector<16xf32>
      %swap3A_632 = arith.index_cast %add3A_536 : i32 to index
      %swap3A_633 = arith.constant 80 : index
      %swap3A_634 = tpu.vector_load %arg10[%swap3A_632, %swap3A_633] {strides = array<i32>} : memref<200x128xf32, #tpu.memory_space<vmem>>, vector<1x16xf32>,
      %swap3A_635 = vector.shape_cast %swap3A_634 : vector<1x16xf32> to vector<16xf32>
      %swap3A_636 = vector.shape_cast %add3A_631 : vector<16xf32> to vector<1x16xf32>
      tpu.vector_store %arg10[%swap3A_632, %swap3A_633], %swap3A_636 {strides = array<i32>} : memref<200x128xf32, #tpu.memory_space<vmem>>, vector<1x16xf32>,
      %get3A_637 = arith.index_cast %add3A_536 : i32 to index
      %get3A_638 = arith.constant 96 : index
      %get3A_639 = tpu.vector_load %arg10[%get3A_637, %get3A_638] {strides = array<i32>} : memref<200x128xf32, #tpu.memory_space<vmem>>, vector<1x16xf32>,
      %get3A_640 = vector.shape_cast %get3A_639 : vector<1x16xf32> to vector<16xf32>
      %mul3A_641 = arith.constant 11.3137083 : f32
      %mul3A_642 = vector.broadcast %mul3A_641 : f32 to vector<16xf32>
      %mul3A_643 = arith.mulf %get3A_640, %mul3A_642 : vector<16xf32>
      %get3A_644 = arith.index_cast %add3A_536 : i32 to index
      %get3A_645 = arith.constant 96 : index
      %get3A_646 = tpu.vector_load %arg6[%get3A_644, %get3A_645] {strides = array<i32>} : memref<200x128xf32, #tpu.memory_space<vmem>>, vector<1x16xf32>,
      %get3A_647 = vector.shape_cast %get3A_646 : vector<1x16xf32> to vector<16xf32>
      %add3A_648 = arith.addf %mul3A_643, %get3A_647 : vector<16xf32>
      %swap3A_649 = arith.index_cast %add3A_536 : i32 to index
      %swap3A_650 = arith.constant 96 : index
      %swap3A_651 = tpu.vector_load %arg10[%swap3A_649, %swap3A_650] {strides = array<i32>} : memref<200x128xf32, #tpu.memory_space<vmem>>, vector<1x16xf32>,
      %swap3A_652 = vector.shape_cast %swap3A_651 : vector<1x16xf32> to vector<16xf32>
      %swap3A_653 = vector.shape_cast %add3A_648 : vector<16xf32> to vector<1x16xf32>
      tpu.vector_store %arg10[%swap3A_649, %swap3A_650], %swap3A_653 {strides = array<i32>} : memref<200x128xf32, #tpu.memory_space<vmem>>, vector<1x16xf32>,
      %get3A_654 = arith.index_cast %add3A_536 : i32 to index
      %get3A_655 = arith.constant 112 : index
      %get3A_656 = tpu.vector_load %arg10[%get3A_654, %get3A_655] {strides = array<i32>} : memref<200x128xf32, #tpu.memory_space<vmem>>, vector<1x16xf32>,
      %get3A_657 = vector.shape_cast %get3A_656 : vector<1x16xf32> to vector<16xf32>
      %mul3A_658 = arith.constant 11.3137083 : f32
      %mul3A_659 = vector.broadcast %mul3A_658 : f32 to vector<16xf32>
      %mul3A_660 = arith.mulf %get3A_657, %mul3A_659 : vector<16xf32>
      %get3A_661 = arith.index_cast %add3A_536 : i32 to index
      %get3A_662 = arith.constant 112 : index
      %get3A_663 = tpu.vector_load %arg6[%get3A_661, %get3A_662] {strides = array<i32>} : memref<200x128xf32, #tpu.memory_space<vmem>>, vector<1x16xf32>,
      %get3A_664 = vector.shape_cast %get3A_663 : vector<1x16xf32> to vector<16xf32>
      %add3A_665 = arith.addf %mul3A_660, %get3A_664 : vector<16xf32>
      %swap3A_666 = arith.index_cast %add3A_536 : i32 to index
      %swap3A_667 = arith.constant 112 : index
      %swap3A_668 = tpu.vector_load %arg10[%swap3A_666, %swap3A_667] {strides = array<i32>} : memref<200x128xf32, #tpu.memory_space<vmem>>, vector<1x16xf32>,
      %swap3A_669 = vector.shape_cast %swap3A_668 : vector<1x16xf32> to vector<16xf32>
      %swap3A_670 = vector.shape_cast %add3A_665 : vector<16xf32> to vector<1x16xf32>
      tpu.vector_store %arg10[%swap3A_666, %swap3A_667], %swap3A_670 {strides = array<i32>} : memref<200x128xf32, #tpu.memory_space<vmem>>, vector<1x16xf32>,
      %mul3A_671 = arith.constant 2 : i32
      %mul3A_672 = arith.muli %scan3A_532, %mul3A_671 : i32
      %add3A_673 = arith.constant 1 : i32
      %add3A_674 = arith.addi %mul3A_672, %add3A_673 : i32
      %get3A_675 = arith.index_cast %add3A_674 : i32 to index
      %get3A_676 = arith.constant 0 : index
      %get3A_677 = tpu.vector_load %arg10[%get3A_675, %get3A_676] {strides = array<i32>} : memref<200x128xf32, #tpu.memory_space<vmem>>, vector<1x16xf32>,
      %get3A_678 = vector.shape_cast %get3A_677 : vector<1x16xf32> to vector<16xf32>
      %mul3A_679 = arith.constant 11.3137083 : f32
      %mul3A_680 = vector.broadcast %mul3A_679 : f32 to vector<16xf32>
      %mul3A_681 = arith.mulf %get3A_678, %mul3A_680 : vector<16xf32>
      %get3A_682 = arith.index_cast %add3A_674 : i32 to index
      %get3A_683 = arith.constant 0 : index
      %get3A_684 = tpu.vector_load %arg6[%get3A_682, %get3A_683] {strides = array<i32>} : memref<200x128xf32, #tpu.memory_space<vmem>>, vector<1x16xf32>,
      %get3A_685 = vector.shape_cast %get3A_684 : vector<1x16xf32> to vector<16xf32>
      %add3A_686 = arith.addf %mul3A_681, %get3A_685 : vector<16xf32>
      %swap3A_687 = arith.index_cast %add3A_674 : i32 to index
      %swap3A_688 = arith.constant 0 : index
      %swap3A_689 = tpu.vector_load %arg10[%swap3A_687, %swap3A_688] {strides = array<i32>} : memref<200x128xf32, #tpu.memory_space<vmem>>, vector<1x16xf32>,
      %swap3A_690 = vector.shape_cast %swap3A_689 : vector<1x16xf32> to vector<16xf32>
      %swap3A_691 = vector.shape_cast %add3A_686 : vector<16xf32> to vector<1x16xf32>
      tpu.vector_store %arg10[%swap3A_687, %swap3A_688], %swap3A_691 {strides = array<i32>} : memref<200x128xf32, #tpu.memory_space<vmem>>, vector<1x16xf32>,
      %get3A_692 = arith.index_cast %add3A_674 : i32 to index
      %get3A_693 = arith.constant 16 : index
      %get3A_694 = tpu.vector_load %arg10[%get3A_692, %get3A_693] {strides = array<i32>} : memref<200x128xf32, #tpu.memory_space<vmem>>, vector<1x16xf32>,
      %get3A_695 = vector.shape_cast %get3A_694 : vector<1x16xf32> to vector<16xf32>
      %mul3A_696 = arith.constant 11.3137083 : f32
      %mul3A_697 = vector.broadcast %mul3A_696 : f32 to vector<16xf32>
      %mul3A_698 = arith.mulf %get3A_695, %mul3A_697 : vector<16xf32>
      %get3A_699 = arith.index_cast %add3A_674 : i32 to index
      %get3A_700 = arith.constant 16 : index
      %get3A_701 = tpu.vector_load %arg6[%get3A_699, %get3A_700] {strides = array<i32>} : memref<200x128xf32, #tpu.memory_space<vmem>>, vector<1x16xf32>,
      %get3A_702 = vector.shape_cast %get3A_701 : vector<1x16xf32> to vector<16xf32>
      %add3A_703 = arith.addf %mul3A_698, %get3A_702 : vector<16xf32>
      %swap3A_704 = arith.index_cast %add3A_674 : i32 to index
      %swap3A_705 = arith.constant 16 : index
      %swap3A_706 = tpu.vector_load %arg10[%swap3A_704, %swap3A_705] {strides = array<i32>} : memref<200x128xf32, #tpu.memory_space<vmem>>, vector<1x16xf32>,
      %swap3A_707 = vector.shape_cast %swap3A_706 : vector<1x16xf32> to vector<16xf32>
      %swap3A_708 = vector.shape_cast %add3A_703 : vector<16xf32> to vector<1x16xf32>
      tpu.vector_store %arg10[%swap3A_704, %swap3A_705], %swap3A_708 {strides = array<i32>} : memref<200x128xf32, #tpu.memory_space<vmem>>, vector<1x16xf32>,
      %get3A_709 = arith.index_cast %add3A_674 : i32 to index
      %get3A_710 = arith.constant 32 : index
      %get3A_711 = tpu.vector_load %arg10[%get3A_709, %get3A_710] {strides = array<i32>} : memref<200x128xf32, #tpu.memory_space<vmem>>, vector<1x16xf32>,
      %get3A_712 = vector.shape_cast %get3A_711 : vector<1x16xf32> to vector<16xf32>
      %mul3A_713 = arith.constant 11.3137083 : f32
      %mul3A_714 = vector.broadcast %mul3A_713 : f32 to vector<16xf32>
      %mul3A_715 = arith.mulf %get3A_712, %mul3A_714 : vector<16xf32>
      %get3A_716 = arith.index_cast %add3A_674 : i32 to index
      %get3A_717 = arith.constant 32 : index
      %get3A_718 = tpu.vector_load %arg6[%get3A_716, %get3A_717] {strides = array<i32>} : memref<200x128xf32, #tpu.memory_space<vmem>>, vector<1x16xf32>,
      %get3A_719 = vector.shape_cast %get3A_718 : vector<1x16xf32> to vector<16xf32>
      %add3A_720 = arith.addf %mul3A_715, %get3A_719 : vector<16xf32>
      %swap3A_721 = arith.index_cast %add3A_674 : i32 to index
      %swap3A_722 = arith.constant 32 : index
      %swap3A_723 = tpu.vector_load %arg10[%swap3A_721, %swap3A_722] {strides = array<i32>} : memref<200x128xf32, #tpu.memory_space<vmem>>, vector<1x16xf32>,
      %swap3A_724 = vector.shape_cast %swap3A_723 : vector<1x16xf32> to vector<16xf32>
      %swap3A_725 = vector.shape_cast %add3A_720 : vector<16xf32> to vector<1x16xf32>
      tpu.vector_store %arg10[%swap3A_721, %swap3A_722], %swap3A_725 {strides = array<i32>} : memref<200x128xf32, #tpu.memory_space<vmem>>, vector<1x16xf32>,
      %get3A_726 = arith.index_cast %add3A_674 : i32 to index
      %get3A_727 = arith.constant 48 : index
      %get3A_728 = tpu.vector_load %arg10[%get3A_726, %get3A_727] {strides = array<i32>} : memref<200x128xf32, #tpu.memory_space<vmem>>, vector<1x16xf32>,
      %get3A_729 = vector.shape_cast %get3A_728 : vector<1x16xf32> to vector<16xf32>
      %mul3A_730 = arith.constant 11.3137083 : f32
      %mul3A_731 = vector.broadcast %mul3A_730 : f32 to vector<16xf32>
      %mul3A_732 = arith.mulf %get3A_729, %mul3A_731 : vector<16xf32>
      %get3A_733 = arith.index_cast %add3A_674 : i32 to index
      %get3A_734 = arith.constant 48 : index
      %get3A_735 = tpu.vector_load %arg6[%get3A_733, %get3A_734] {strides = array<i32>} : memref<200x128xf32, #tpu.memory_space<vmem>>, vector<1x16xf32>,
      %get3A_736 = vector.shape_cast %get3A_735 : vector<1x16xf32> to vector<16xf32>
      %add3A_737 = arith.addf %mul3A_732, %get3A_736 : vector<16xf32>
      %swap3A_738 = arith.index_cast %add3A_674 : i32 to index
      %swap3A_739 = arith.constant 48 : index
      %swap3A_740 = tpu.vector_load %arg10[%swap3A_738, %swap3A_739] {strides = array<i32>} : memref<200x128xf32, #tpu.memory_space<vmem>>, vector<1x16xf32>,
      %swap3A_741 = vector.shape_cast %swap3A_740 : vector<1x16xf32> to vector<16xf32>
      %swap3A_742 = vector.shape_cast %add3A_737 : vector<16xf32> to vector<1x16xf32>
      tpu.vector_store %arg10[%swap3A_738, %swap3A_739], %swap3A_742 {strides = array<i32>} : memref<200x128xf32, #tpu.memory_space<vmem>>, vector<1x16xf32>,
      %get3A_743 = arith.index_cast %add3A_674 : i32 to index
      %get3A_744 = arith.constant 64 : index
      %get3A_745 = tpu.vector_load %arg10[%get3A_743, %get3A_744] {strides = array<i32>} : memref<200x128xf32, #tpu.memory_space<vmem>>, vector<1x16xf32>,
      %get3A_746 = vector.shape_cast %get3A_745 : vector<1x16xf32> to vector<16xf32>
      %mul3A_747 = arith.constant 11.3137083 : f32
      %mul3A_748 = vector.broadcast %mul3A_747 : f32 to vector<16xf32>
      %mul3A_749 = arith.mulf %get3A_746, %mul3A_748 : vector<16xf32>
      %get3A_750 = arith.index_cast %add3A_674 : i32 to index
      %get3A_751 = arith.constant 64 : index
      %get3A_752 = tpu.vector_load %arg6[%get3A_750, %get3A_751] {strides = array<i32>} : memref<200x128xf32, #tpu.memory_space<vmem>>, vector<1x16xf32>,
      %get3A_753 = vector.shape_cast %get3A_752 : vector<1x16xf32> to vector<16xf32>
      %add3A_754 = arith.addf %mul3A_749, %get3A_753 : vector<16xf32>
      %swap3A_755 = arith.index_cast %add3A_674 : i32 to index
      %swap3A_756 = arith.constant 64 : index
      %swap3A_757 = tpu.vector_load %arg10[%swap3A_755, %swap3A_756] {strides = array<i32>} : memref<200x128xf32, #tpu.memory_space<vmem>>, vector<1x16xf32>,
      %swap3A_758 = vector.shape_cast %swap3A_757 : vector<1x16xf32> to vector<16xf32>
      %swap3A_759 = vector.shape_cast %add3A_754 : vector<16xf32> to vector<1x16xf32>
      tpu.vector_store %arg10[%swap3A_755, %swap3A_756], %swap3A_759 {strides = array<i32>} : memref<200x128xf32, #tpu.memory_space<vmem>>, vector<1x16xf32>,
      %get3A_760 = arith.index_cast %add3A_674 : i32 to index
      %get3A_761 = arith.constant 80 : index
      %get3A_762 = tpu.vector_load %arg10[%get3A_760, %get3A_761] {strides = array<i32>} : memref<200x128xf32, #tpu.memory_space<vmem>>, vector<1x16xf32>,
      %get3A_763 = vector.shape_cast %get3A_762 : vector<1x16xf32> to vector<16xf32>
      %mul3A_764 = arith.constant 11.3137083 : f32
      %mul3A_765 = vector.broadcast %mul3A_764 : f32 to vector<16xf32>
      %mul3A_766 = arith.mulf %get3A_763, %mul3A_765 : vector<16xf32>
      %get3A_767 = arith.index_cast %add3A_674 : i32 to index
      %get3A_768 = arith.constant 80 : index
      %get3A_769 = tpu.vector_load %arg6[%get3A_767, %get3A_768] {strides = array<i32>} : memref<200x128xf32, #tpu.memory_space<vmem>>, vector<1x16xf32>,
      %get3A_770 = vector.shape_cast %get3A_769 : vector<1x16xf32> to vector<16xf32>
      %add3A_771 = arith.addf %mul3A_766, %get3A_770 : vector<16xf32>
      %swap3A_772 = arith.index_cast %add3A_674 : i32 to index
      %swap3A_773 = arith.constant 80 : index
      %swap3A_774 = tpu.vector_load %arg10[%swap3A_772, %swap3A_773] {strides = array<i32>} : memref<200x128xf32, #tpu.memory_space<vmem>>, vector<1x16xf32>,
      %swap3A_775 = vector.shape_cast %swap3A_774 : vector<1x16xf32> to vector<16xf32>
      %swap3A_776 = vector.shape_cast %add3A_771 : vector<16xf32> to vector<1x16xf32>
      tpu.vector_store %arg10[%swap3A_772, %swap3A_773], %swap3A_776 {strides = array<i32>} : memref<200x128xf32, #tpu.memory_space<vmem>>, vector<1x16xf32>,
      %get3A_777 = arith.index_cast %add3A_674 : i32 to index
      %get3A_778 = arith.constant 96 : index
      %get3A_779 = tpu.vector_load %arg10[%get3A_777, %get3A_778] {strides = array<i32>} : memref<200x128xf32, #tpu.memory_space<vmem>>, vector<1x16xf32>,
      %get3A_780 = vector.shape_cast %get3A_779 : vector<1x16xf32> to vector<16xf32>
      %mul3A_781 = arith.constant 11.3137083 : f32
      %mul3A_782 = vector.broadcast %mul3A_781 : f32 to vector<16xf32>
      %mul3A_783 = arith.mulf %get3A_780, %mul3A_782 : vector<16xf32>
      %get3A_784 = arith.index_cast %add3A_674 : i32 to index
      %get3A_785 = arith.constant 96 : index
      %get3A_786 = tpu.vector_load %arg6[%get3A_784, %get3A_785] {strides = array<i32>} : memref<200x128xf32, #tpu.memory_space<vmem>>, vector<1x16xf32>,
      %get3A_787 = vector.shape_cast %get3A_786 : vector<1x16xf32> to vector<16xf32>
      %add3A_788 = arith.addf %mul3A_783, %get3A_787 : vector<16xf32>
      %swap3A_789 = arith.index_cast %add3A_674 : i32 to index
      %swap3A_790 = arith.constant 96 : index
      %swap3A_791 = tpu.vector_load %arg10[%swap3A_789, %swap3A_790] {strides = array<i32>} : memref<200x128xf32, #tpu.memory_space<vmem>>, vector<1x16xf32>,
      %swap3A_792 = vector.shape_cast %swap3A_791 : vector<1x16xf32> to vector<16xf32>
      %swap3A_793 = vector.shape_cast %add3A_788 : vector<16xf32> to vector<1x16xf32>
      tpu.vector_store %arg10[%swap3A_789, %swap3A_790], %swap3A_793 {strides = array<i32>} : memref<200x128xf32, #tpu.memory_space<vmem>>, vector<1x16xf32>,
      %get3A_794 = arith.index_cast %add3A_674 : i32 to index
      %get3A_795 = arith.constant 112 : index
      %get3A_796 = tpu.vector_load %arg10[%get3A_794, %get3A_795] {strides = array<i32>} : memref<200x128xf32, #tpu.memory_space<vmem>>, vector<1x16xf32>,
      %get3A_797 = vector.shape_cast %get3A_796 : vector<1x16xf32> to vector<16xf32>
      %mul3A_798 = arith.constant 11.3137083 : f32
      %mul3A_799 = vector.broadcast %mul3A_798 : f32 to vector<16xf32>
      %mul3A_800 = arith.mulf %get3A_797, %mul3A_799 : vector<16xf32>
      %get3A_801 = arith.index_cast %add3A_674 : i32 to index
      %get3A_802 = arith.constant 112 : index
      %get3A_803 = tpu.vector_load %arg6[%get3A_801, %get3A_802] {strides = array<i32>} : memref<200x128xf32, #tpu.memory_space<vmem>>, vector<1x16xf32>,
      %get3A_804 = vector.shape_cast %get3A_803 : vector<1x16xf32> to vector<16xf32>
      %add3A_805 = arith.addf %mul3A_800, %get3A_804 : vector<16xf32>
      %swap3A_806 = arith.index_cast %add3A_674 : i32 to index
      %swap3A_807 = arith.constant 112 : index
      %swap3A_808 = tpu.vector_load %arg10[%swap3A_806, %swap3A_807] {strides = array<i32>} : memref<200x128xf32, #tpu.memory_space<vmem>>, vector<1x16xf32>,
      %swap3A_809 = vector.shape_cast %swap3A_808 : vector<1x16xf32> to vector<16xf32>
      %swap3A_810 = vector.shape_cast %add3A_805 : vector<16xf32> to vector<1x16xf32>
      tpu.vector_store %arg10[%swap3A_806, %swap3A_807], %swap3A_810 {strides = array<i32>} : memref<200x128xf32, #tpu.memory_space<vmem>>, vector<1x16xf32>,
    }
    %scan3A_305 = arith.constant 100 : i32
    %add3A_306 = arith.constant 96 : i32
    %add3A_307 = arith.addi %add3A_306, %add3A : i32
    %mul3A_308 = arith.constant 200 : i32
    %mul3A_309 = arith.muli %add3A_307, %mul3A_308 : i32
    %dma_start3A_310 = arith.constant 0 : i32
    %dma_start3A_311 = tpu.memref_slice %arg5[%mul3A_309, %dma_start3A_310] : memref<204800x128xf32, #tpu.memory_space<hbm>> -> memref<200x128xf32, #tpu.memory_space<hbm>>
    %dma_start3A_312 = arith.constant 0 : i32
    %dma_start3A_313 = tpu.memref_slice %arg5[%mul3A_309, %dma_start3A_312] : memref<204800x128xf32, #tpu.memory_space<hbm>> -> memref<200x128xf32, #tpu.memory_space<hbm>>
    tpu.enqueue_dma source(%arg10 : memref<200x128xf32, #tpu.memory_space<vmem>>) target(%dma_start3A_313 : memref<200x128xf32, #tpu.memory_space<hbm>>) target_semaphore(%arg22 : memref<!tpu.dma_semaphore, #tpu.memory_space<semaphore_mem>>)
    %scan3A_314 = arith.constant 0 : i32
    %scan3A_315 = arith.constant 1 : i32
    %scan3A_316 = arith.constant 6 : i32
    %scan3A_317 = arith.addi %scan3A_315, %scan3A_316 : i32
    %scan3A_318 = arith.constant 1 : i32
    scf.for %scan3A_532 = %scan3A_315 to %scan3A_317 step %scan3A_318  : i32 {
      %mul3A_533 = arith.constant 4 : i32
      %mul3A_534 = arith.muli %scan3A_532, %mul3A_533 : i32
      %add3A_535 = arith.constant 0 : i32
      %add3A_536 = arith.addi %mul3A_534, %add3A_535 : i32
      %dma_wait3A_537 = arith.constant 0 : i32
      %dma_wait3A_538 = arith.constant 0 : i32
      %dma_wait3A_539 = tpu.memref_slice %arg7[%dma_wait3A_537, %dma_wait3A_538] : memref<200x128xf32, #tpu.memory_space<vmem>> -> memref<104x128xf32, #tpu.memory_space<vmem>>
      %dma_wait3A_540 = arith.constant 0 : i32
      %dma_wait3A_541 = tpu.memref_slice %arg11[%dma_wait3A_540] : memref<200xi32, #tpu.memory_space<vmem>> -> memref<104xi32, #tpu.memory_space<vmem>>
      %dma_wait3A_542 = arith.constant 0 : i32
      %dma_wait3A_543 = arith.constant 0 : i32
      %dma_wait3A_544 = tpu.memref_slice %arg3[%dma_wait3A_542, %dma_wait3A_543] : memref<100000x128xf32, #tpu.memory_space<hbm>> -> memref<100000x128xf32, #tpu.memory_space<hbm>>
      tpu.wait_indirect_dma semaphore(%arg15 : memref<!tpu.dma_semaphore, #tpu.memory_space<semaphore_mem>>) src(%dma_wait3A_544 : memref<100000x128xf32, #tpu.memory_space<hbm>>) dst(%dma_wait3A_539 : memref<104x128xf32, #tpu.memory_space<vmem>>)
      %dma_wait3A_545 = arith.constant 104 : i32
      %dma_wait3A_546 = arith.constant 0 : i32
      %dma_wait3A_547 = tpu.memref_slice %arg7[%dma_wait3A_545, %dma_wait3A_546] : memref<200x128xf32, #tpu.memory_space<vmem>> -> memref<96x128xf32, #tpu.memory_space<vmem>>
      %dma_wait3A_548 = arith.constant 104 : i32
      %dma_wait3A_549 = tpu.memref_slice %arg11[%dma_wait3A_548] : memref<200xi32, #tpu.memory_space<vmem>> -> memref<96xi32, #tpu.memory_space<vmem>>
      %dma_wait3A_550 = arith.constant 0 : i32
      %dma_wait3A_551 = arith.constant 0 : i32
      %dma_wait3A_552 = tpu.memref_slice %arg3[%dma_wait3A_550, %dma_wait3A_551] : memref<100000x128xf32, #tpu.memory_space<hbm>> -> memref<100000x128xf32, #tpu.memory_space<hbm>>
      tpu.wait_indirect_dma semaphore(%arg15 : memref<!tpu.dma_semaphore, #tpu.memory_space<semaphore_mem>>) src(%dma_wait3A_552 : memref<100000x128xf32, #tpu.memory_space<hbm>>) dst(%dma_wait3A_547 : memref<96x128xf32, #tpu.memory_space<vmem>>)
      %add3A_553 = arith.constant 4 : i32
      %add3A_554 = arith.addi %add3A_536, %add3A_553 : i32
      %mul3A_555 = arith.constant 32 : i32
      %mul3A_556 = arith.muli %add3A_554, %mul3A_555 : i32
      %add3A_557 = arith.addi %mul3A_556, %add3A : i32
      %mul3A_558 = arith.constant 200 : i32
      %mul3A_559 = arith.muli %add3A_557, %mul3A_558 : i32
      %dma_start3A_560 = tpu.memref_slice %arg2[%mul3A_559] : memref<204800xi32, #tpu.memory_space<hbm>> -> memref<200xi32, #tpu.memory_space<hbm>>
      %dma_start3A_561 = tpu.memref_slice %arg2[%mul3A_559] : memref<204800xi32, #tpu.memory_space<hbm>> -> memref<200xi32, #tpu.memory_space<hbm>>
      tpu.enqueue_dma source(%dma_start3A_561 : memref<200xi32, #tpu.memory_space<hbm>>) target(%arg11 : memref<200xi32, #tpu.memory_space<vmem>>) target_semaphore(%arg23 : memref<!tpu.dma_semaphore, #tpu.memory_space<semaphore_mem>>)
      %sub3A = arith.constant 2 : i32
      %sub3A_562 = arith.subi %add3A_536, %sub3A : i32
      %mul3A_563 = arith.constant 32 : i32
      %mul3A_564 = arith.muli %sub3A_562, %mul3A_563 : i32
      %add3A_565 = arith.addi %mul3A_564, %add3A : i32
      %mul3A_566 = arith.constant 200 : i32
      %mul3A_567 = arith.muli %add3A_565, %mul3A_566 : i32
      %dma_wait3A_568 = arith.constant 0 : i32
      %dma_wait3A_569 = tpu.memref_slice %arg5[%mul3A_567, %dma_wait3A_568] : memref<204800x128xf32, #tpu.memory_space<hbm>> -> memref<200x128xf32, #tpu.memory_space<hbm>>
      %dma_wait3A_570 = arith.constant 0 : i32
      %dma_wait3A_571 = tpu.memref_slice %arg5[%mul3A_567, %dma_wait3A_570] : memref<204800x128xf32, #tpu.memory_space<hbm>> -> memref<200x128xf32, #tpu.memory_space<hbm>>
      tpu.wait_dma2 semaphore(%arg21 : memref<!tpu.dma_semaphore, #tpu.memory_space<semaphore_mem>>) src(%arg9 : memref<200x128xf32, #tpu.memory_space<vmem>>) dst(%dma_wait3A_571 : memref<200x128xf32, #tpu.memory_space<hbm>>)
      %add3A_572 = arith.constant 2 : i32
      %add3A_573 = arith.addi %add3A_536, %add3A_572 : i32
      %mul3A_574 = arith.constant 32 : i32
      %mul3A_575 = arith.muli %add3A_573, %mul3A_574 : i32
      %add3A_576 = arith.addi %mul3A_575, %add3A : i32
      %mul3A_577 = arith.constant 200 : i32
      %mul3A_578 = arith.muli %add3A_576, %mul3A_577 : i32
      %dma_wait3A_579 = tpu.memref_slice %arg2[%mul3A_578] : memref<204800xi32, #tpu.memory_space<hbm>> -> memref<200xi32, #tpu.memory_space<hbm>>
      %dma_wait3A_580 = tpu.memref_slice %arg2[%mul3A_578] : memref<204800xi32, #tpu.memory_space<hbm>> -> memref<200xi32, #tpu.memory_space<hbm>>
      tpu.wait_dma2 semaphore(%arg25 : memref<!tpu.dma_semaphore, #tpu.memory_space<semaphore_mem>>) src(%dma_wait3A_580 : memref<200xi32, #tpu.memory_space<hbm>>) dst(%arg13 : memref<200xi32, #tpu.memory_space<vmem>>)
      %add3A_581 = arith.constant 2 : i32
      %add3A_582 = arith.addi %add3A_536, %add3A_581 : i32
      %dma_start3A_583 = arith.constant 0 : i32
      %dma_start3A_584 = arith.constant 0 : i32
      %dma_start3A_585 = tpu.memref_slice %arg9[%dma_start3A_583, %dma_start3A_584] : memref<200x128xf32, #tpu.memory_space<vmem>> -> memref<104x128xf32, #tpu.memory_space<vmem>>
      %dma_start3A_586 = arith.constant 0 : i32
      %dma_start3A_587 = tpu.memref_slice %arg13[%dma_start3A_586] : memref<200xi32, #tpu.memory_space<vmem>> -> memref<104xi32, #tpu.memory_space<vmem>>
      %dma_start3A_588 = arith.constant 0 : i32
      %dma_start3A_589 = arith.constant 0 : i32
      %dma_start3A_590 = tpu.memref_slice %arg3[%dma_start3A_588, %dma_start3A_589] : memref<100000x128xf32, #tpu.memory_space<hbm>> -> memref<100000x128xf32, #tpu.memory_space<hbm>>
      tpu.enqueue_indirect_dma source(%dma_start3A_590 : memref<100000x128xf32, #tpu.memory_space<hbm>>) target(%dma_start3A_585 : memref<104x128xf32, #tpu.memory_space<vmem>>) offsets(%dma_start3A_587 : memref<104xi32, #tpu.memory_space<vmem>>) semaphore(%arg17 : memref<!tpu.dma_semaphore, #tpu.memory_space<semaphore_mem>>)
      %dma_start3A_591 = arith.constant 104 : i32
      %dma_start3A_592 = arith.constant 0 : i32
      %dma_start3A_593 = tpu.memref_slice %arg9[%dma_start3A_591, %dma_start3A_592] : memref<200x128xf32, #tpu.memory_space<vmem>> -> memref<96x128xf32, #tpu.memory_space<vmem>>
      %dma_start3A_594 = arith.constant 104 : i32
      %dma_start3A_595 = tpu.memref_slice %arg13[%dma_start3A_594] : memref<200xi32, #tpu.memory_space<vmem>> -> memref<96xi32, #tpu.memory_space<vmem>>
      %dma_start3A_596 = arith.constant 0 : i32
      %dma_start3A_597 = arith.constant 0 : i32
      %dma_start3A_598 = tpu.memref_slice %arg3[%dma_start3A_596, %dma_start3A_597] : memref<100000x128xf32, #tpu.memory_space<hbm>> -> memref<100000x128xf32, #tpu.memory_space<hbm>>
      tpu.enqueue_indirect_dma source(%dma_start3A_598 : memref<100000x128xf32, #tpu.memory_space<hbm>>) target(%dma_start3A_593 : memref<96x128xf32, #tpu.memory_space<vmem>>) offsets(%dma_start3A_595 : memref<96xi32, #tpu.memory_space<vmem>>) semaphore(%arg17 : memref<!tpu.dma_semaphore, #tpu.memory_space<semaphore_mem>>)
      %scan3A_599 = arith.constant 0 : i32
      %scan3A_600 = arith.constant 0 : i32
      %scan3A_601 = arith.constant 100 : i32
      %scan3A_602 = arith.addi %scan3A_600, %scan3A_601 : i32
      %scan3A_603 = arith.constant 1 : i32
      scf.for %scan3A_860 = %scan3A_600 to %scan3A_602 step %scan3A_603  : i32 {
        %mul3A_861 = arith.constant 2 : i32
        %mul3A_862 = arith.muli %scan3A_860, %mul3A_861 : i32
        %add3A_863 = arith.constant 0 : i32
        %add3A_864 = arith.addi %mul3A_862, %add3A_863 : i32
        %get3A = arith.index_cast %add3A_864 : i32 to index
        %get3A_865 = arith.constant 0 : index
        %get3A_866 = tpu.vector_load %arg7[%get3A, %get3A_865] {strides = array<i32>} : memref<200x128xf32, #tpu.memory_space<vmem>>, vector<1x16xf32>,
        %get3A_867 = vector.shape_cast %get3A_866 : vector<1x16xf32> to vector<16xf32>
        %mul3A_868 = arith.constant 11.3137083 : f32
        %mul3A_869 = vector.broadcast %mul3A_868 : f32 to vector<16xf32>
        %mul3A_870 = arith.mulf %get3A_867, %mul3A_869 : vector<16xf32>
        %get3A_871 = arith.index_cast %add3A_864 : i32 to index
        %get3A_872 = arith.constant 0 : index
        %get3A_873 = tpu.vector_load %arg6[%get3A_871, %get3A_872] {strides = array<i32>} : memref<200x128xf32, #tpu.memory_space<vmem>>, vector<1x16xf32>,
        %get3A_874 = vector.shape_cast %get3A_873 : vector<1x16xf32> to vector<16xf32>
        %add3A_875 = arith.addf %mul3A_870, %get3A_874 : vector<16xf32>
        %swap3A = arith.index_cast %add3A_864 : i32 to index
        %swap3A_876 = arith.constant 0 : index
        %swap3A_877 = tpu.vector_load %arg7[%swap3A, %swap3A_876] {strides = array<i32>} : memref<200x128xf32, #tpu.memory_space<vmem>>, vector<1x16xf32>,
        %swap3A_878 = vector.shape_cast %swap3A_877 : vector<1x16xf32> to vector<16xf32>
        %swap3A_879 = vector.shape_cast %add3A_875 : vector<16xf32> to vector<1x16xf32>
        tpu.vector_store %arg7[%swap3A, %swap3A_876], %swap3A_879 {strides = array<i32>} : memref<200x128xf32, #tpu.memory_space<vmem>>, vector<1x16xf32>,
        %get3A_880 = arith.index_cast %add3A_864 : i32 to index
        %get3A_881 = arith.constant 16 : index
        %get3A_882 = tpu.vector_load %arg7[%get3A_880, %get3A_881] {strides = array<i32>} : memref<200x128xf32, #tpu.memory_space<vmem>>, vector<1x16xf32>,
        %get3A_883 = vector.shape_cast %get3A_882 : vector<1x16xf32> to vector<16xf32>
        %mul3A_884 = arith.constant 11.3137083 : f32
        %mul3A_885 = vector.broadcast %mul3A_884 : f32 to vector<16xf32>
        %mul3A_886 = arith.mulf %get3A_883, %mul3A_885 : vector<16xf32>
        %get3A_887 = arith.index_cast %add3A_864 : i32 to index
        %get3A_888 = arith.constant 16 : index
        %get3A_889 = tpu.vector_load %arg6[%get3A_887, %get3A_888] {strides = array<i32>} : memref<200x128xf32, #tpu.memory_space<vmem>>, vector<1x16xf32>,
        %get3A_890 = vector.shape_cast %get3A_889 : vector<1x16xf32> to vector<16xf32>
        %add3A_891 = arith.addf %mul3A_886, %get3A_890 : vector<16xf32>
        %swap3A_892 = arith.index_cast %add3A_864 : i32 to index
        %swap3A_893 = arith.constant 16 : index
        %swap3A_894 = tpu.vector_load %arg7[%swap3A_892, %swap3A_893] {strides = array<i32>} : memref<200x128xf32, #tpu.memory_space<vmem>>, vector<1x16xf32>,
        %swap3A_895 = vector.shape_cast %swap3A_894 : vector<1x16xf32> to vector<16xf32>
        %swap3A_896 = vector.shape_cast %add3A_891 : vector<16xf32> to vector<1x16xf32>
        tpu.vector_store %arg7[%swap3A_892, %swap3A_893], %swap3A_896 {strides = array<i32>} : memref<200x128xf32, #tpu.memory_space<vmem>>, vector<1x16xf32>,
        %get3A_897 = arith.index_cast %add3A_864 : i32 to index
        %get3A_898 = arith.constant 32 : index
        %get3A_899 = tpu.vector_load %arg7[%get3A_897, %get3A_898] {strides = array<i32>} : memref<200x128xf32, #tpu.memory_space<vmem>>, vector<1x16xf32>,
        %get3A_900 = vector.shape_cast %get3A_899 : vector<1x16xf32> to vector<16xf32>
        %mul3A_901 = arith.constant 11.3137083 : f32
        %mul3A_902 = vector.broadcast %mul3A_901 : f32 to vector<16xf32>
        %mul3A_903 = arith.mulf %get3A_900, %mul3A_902 : vector<16xf32>
        %get3A_904 = arith.index_cast %add3A_864 : i32 to index
        %get3A_905 = arith.constant 32 : index
        %get3A_906 = tpu.vector_load %arg6[%get3A_904, %get3A_905] {strides = array<i32>} : memref<200x128xf32, #tpu.memory_space<vmem>>, vector<1x16xf32>,
        %get3A_907 = vector.shape_cast %get3A_906 : vector<1x16xf32> to vector<16xf32>
        %add3A_908 = arith.addf %mul3A_903, %get3A_907 : vector<16xf32>
        %swap3A_909 = arith.index_cast %add3A_864 : i32 to index
        %swap3A_910 = arith.constant 32 : index
        %swap3A_911 = tpu.vector_load %arg7[%swap3A_909, %swap3A_910] {strides = array<i32>} : memref<200x128xf32, #tpu.memory_space<vmem>>, vector<1x16xf32>,
        %swap3A_912 = vector.shape_cast %swap3A_911 : vector<1x16xf32> to vector<16xf32>
        %swap3A_913 = vector.shape_cast %add3A_908 : vector<16xf32> to vector<1x16xf32>
        tpu.vector_store %arg7[%swap3A_909, %swap3A_910], %swap3A_913 {strides = array<i32>} : memref<200x128xf32, #tpu.memory_space<vmem>>, vector<1x16xf32>,
        %get3A_914 = arith.index_cast %add3A_864 : i32 to index
        %get3A_915 = arith.constant 48 : index
        %get3A_916 = tpu.vector_load %arg7[%get3A_914, %get3A_915] {strides = array<i32>} : memref<200x128xf32, #tpu.memory_space<vmem>>, vector<1x16xf32>,
        %get3A_917 = vector.shape_cast %get3A_916 : vector<1x16xf32> to vector<16xf32>
        %mul3A_918 = arith.constant 11.3137083 : f32
        %mul3A_919 = vector.broadcast %mul3A_918 : f32 to vector<16xf32>
        %mul3A_920 = arith.mulf %get3A_917, %mul3A_919 : vector<16xf32>
        %get3A_921 = arith.index_cast %add3A_864 : i32 to index
        %get3A_922 = arith.constant 48 : index
        %get3A_923 = tpu.vector_load %arg6[%get3A_921, %get3A_922] {strides = array<i32>} : memref<200x128xf32, #tpu.memory_space<vmem>>, vector<1x16xf32>,
        %get3A_924 = vector.shape_cast %get3A_923 : vector<1x16xf32> to vector<16xf32>
        %add3A_925 = arith.addf %mul3A_920, %get3A_924 : vector<16xf32>
        %swap3A_926 = arith.index_cast %add3A_864 : i32 to index
        %swap3A_927 = arith.constant 48 : index
        %swap3A_928 = tpu.vector_load %arg7[%swap3A_926, %swap3A_927] {strides = array<i32>} : memref<200x128xf32, #tpu.memory_space<vmem>>, vector<1x16xf32>,
        %swap3A_929 = vector.shape_cast %swap3A_928 : vector<1x16xf32> to vector<16xf32>
        %swap3A_930 = vector.shape_cast %add3A_925 : vector<16xf32> to vector<1x16xf32>
        tpu.vector_store %arg7[%swap3A_926, %swap3A_927], %swap3A_930 {strides = array<i32>} : memref<200x128xf32, #tpu.memory_space<vmem>>, vector<1x16xf32>,
        %get3A_931 = arith.index_cast %add3A_864 : i32 to index
        %get3A_932 = arith.constant 64 : index
        %get3A_933 = tpu.vector_load %arg7[%get3A_931, %get3A_932] {strides = array<i32>} : memref<200x128xf32, #tpu.memory_space<vmem>>, vector<1x16xf32>,
        %get3A_934 = vector.shape_cast %get3A_933 : vector<1x16xf32> to vector<16xf32>
        %mul3A_935 = arith.constant 11.3137083 : f32
        %mul3A_936 = vector.broadcast %mul3A_935 : f32 to vector<16xf32>
        %mul3A_937 = arith.mulf %get3A_934, %mul3A_936 : vector<16xf32>
        %get3A_938 = arith.index_cast %add3A_864 : i32 to index
        %get3A_939 = arith.constant 64 : index
        %get3A_940 = tpu.vector_load %arg6[%get3A_938, %get3A_939] {strides = array<i32>} : memref<200x128xf32, #tpu.memory_space<vmem>>, vector<1x16xf32>,
        %get3A_941 = vector.shape_cast %get3A_940 : vector<1x16xf32> to vector<16xf32>
        %add3A_942 = arith.addf %mul3A_937, %get3A_941 : vector<16xf32>
        %swap3A_943 = arith.index_cast %add3A_864 : i32 to index
        %swap3A_944 = arith.constant 64 : index
        %swap3A_945 = tpu.vector_load %arg7[%swap3A_943, %swap3A_944] {strides = array<i32>} : memref<200x128xf32, #tpu.memory_space<vmem>>, vector<1x16xf32>,
        %swap3A_946 = vector.shape_cast %swap3A_945 : vector<1x16xf32> to vector<16xf32>
        %swap3A_947 = vector.shape_cast %add3A_942 : vector<16xf32> to vector<1x16xf32>
        tpu.vector_store %arg7[%swap3A_943, %swap3A_944], %swap3A_947 {strides = array<i32>} : memref<200x128xf32, #tpu.memory_space<vmem>>, vector<1x16xf32>,
        %get3A_948 = arith.index_cast %add3A_864 : i32 to index
        %get3A_949 = arith.constant 80 : index
        %get3A_950 = tpu.vector_load %arg7[%get3A_948, %get3A_949] {strides = array<i32>} : memref<200x128xf32, #tpu.memory_space<vmem>>, vector<1x16xf32>,
        %get3A_951 = vector.shape_cast %get3A_950 : vector<1x16xf32> to vector<16xf32>
        %mul3A_952 = arith.constant 11.3137083 : f32
        %mul3A_953 = vector.broadcast %mul3A_952 : f32 to vector<16xf32>
        %mul3A_954 = arith.mulf %get3A_951, %mul3A_953 : vector<16xf32>
        %get3A_955 = arith.index_cast %add3A_864 : i32 to index
        %get3A_956 = arith.constant 80 : index
        %get3A_957 = tpu.vector_load %arg6[%get3A_955, %get3A_956] {strides = array<i32>} : memref<200x128xf32, #tpu.memory_space<vmem>>, vector<1x16xf32>,
        %get3A_958 = vector.shape_cast %get3A_957 : vector<1x16xf32> to vector<16xf32>
        %add3A_959 = arith.addf %mul3A_954, %get3A_958 : vector<16xf32>
        %swap3A_960 = arith.index_cast %add3A_864 : i32 to index
        %swap3A_961 = arith.constant 80 : index
        %swap3A_962 = tpu.vector_load %arg7[%swap3A_960, %swap3A_961] {strides = array<i32>} : memref<200x128xf32, #tpu.memory_space<vmem>>, vector<1x16xf32>,
        %swap3A_963 = vector.shape_cast %swap3A_962 : vector<1x16xf32> to vector<16xf32>
        %swap3A_964 = vector.shape_cast %add3A_959 : vector<16xf32> to vector<1x16xf32>
        tpu.vector_store %arg7[%swap3A_960, %swap3A_961], %swap3A_964 {strides = array<i32>} : memref<200x128xf32, #tpu.memory_space<vmem>>, vector<1x16xf32>,
        %get3A_965 = arith.index_cast %add3A_864 : i32 to index
        %get3A_966 = arith.constant 96 : index
        %get3A_967 = tpu.vector_load %arg7[%get3A_965, %get3A_966] {strides = array<i32>} : memref<200x128xf32, #tpu.memory_space<vmem>>, vector<1x16xf32>,
        %get3A_968 = vector.shape_cast %get3A_967 : vector<1x16xf32> to vector<16xf32>
        %mul3A_969 = arith.constant 11.3137083 : f32
        %mul3A_970 = vector.broadcast %mul3A_969 : f32 to vector<16xf32>
        %mul3A_971 = arith.mulf %get3A_968, %mul3A_970 : vector<16xf32>
        %get3A_972 = arith.index_cast %add3A_864 : i32 to index
        %get3A_973 = arith.constant 96 : index
        %get3A_974 = tpu.vector_load %arg6[%get3A_972, %get3A_973] {strides = array<i32>} : memref<200x128xf32, #tpu.memory_space<vmem>>, vector<1x16xf32>,
        %get3A_975 = vector.shape_cast %get3A_974 : vector<1x16xf32> to vector<16xf32>
        %add3A_976 = arith.addf %mul3A_971, %get3A_975 : vector<16xf32>
        %swap3A_977 = arith.index_cast %add3A_864 : i32 to index
        %swap3A_978 = arith.constant 96 : index
        %swap3A_979 = tpu.vector_load %arg7[%swap3A_977, %swap3A_978] {strides = array<i32>} : memref<200x128xf32, #tpu.memory_space<vmem>>, vector<1x16xf32>,
        %swap3A_980 = vector.shape_cast %swap3A_979 : vector<1x16xf32> to vector<16xf32>
        %swap3A_981 = vector.shape_cast %add3A_976 : vector<16xf32> to vector<1x16xf32>
        tpu.vector_store %arg7[%swap3A_977, %swap3A_978], %swap3A_981 {strides = array<i32>} : memref<200x128xf32, #tpu.memory_space<vmem>>, vector<1x16xf32>,
        %get3A_982 = arith.index_cast %add3A_864 : i32 to index
        %get3A_983 = arith.constant 112 : index
        %get3A_984 = tpu.vector_load %arg7[%get3A_982, %get3A_983] {strides = array<i32>} : memref<200x128xf32, #tpu.memory_space<vmem>>, vector<1x16xf32>,
        %get3A_985 = vector.shape_cast %get3A_984 : vector<1x16xf32> to vector<16xf32>
        %mul3A_986 = arith.constant 11.3137083 : f32
        %mul3A_987 = vector.broadcast %mul3A_986 : f32 to vector<16xf32>
        %mul3A_988 = arith.mulf %get3A_985, %mul3A_987 : vector<16xf32>
        %get3A_989 = arith.index_cast %add3A_864 : i32 to index
        %get3A_990 = arith.constant 112 : index
        %get3A_991 = tpu.vector_load %arg6[%get3A_989, %get3A_990] {strides = array<i32>} : memref<200x128xf32, #tpu.memory_space<vmem>>, vector<1x16xf32>,
        %get3A_992 = vector.shape_cast %get3A_991 : vector<1x16xf32> to vector<16xf32>
        %add3A_993 = arith.addf %mul3A_988, %get3A_992 : vector<16xf32>
        %swap3A_994 = arith.index_cast %add3A_864 : i32 to index
        %swap3A_995 = arith.constant 112 : index
        %swap3A_996 = tpu.vector_load %arg7[%swap3A_994, %swap3A_995] {strides = array<i32>} : memref<200x128xf32, #tpu.memory_space<vmem>>, vector<1x16xf32>,
        %swap3A_997 = vector.shape_cast %swap3A_996 : vector<1x16xf32> to vector<16xf32>
        %swap3A_998 = vector.shape_cast %add3A_993 : vector<16xf32> to vector<1x16xf32>
        tpu.vector_store %arg7[%swap3A_994, %swap3A_995], %swap3A_998 {strides = array<i32>} : memref<200x128xf32, #tpu.memory_space<vmem>>, vector<1x16xf32>,
        %mul3A_999 = arith.constant 2 : i32
        %mul3A_1000 = arith.muli %scan3A_860, %mul3A_999 : i32
        %add3A_1001 = arith.constant 1 : i32
        %add3A_1002 = arith.addi %mul3A_1000, %add3A_1001 : i32
        %get3A_1003 = arith.index_cast %add3A_1002 : i32 to index
        %get3A_1004 = arith.constant 0 : index
        %get3A_1005 = tpu.vector_load %arg7[%get3A_1003, %get3A_1004] {strides = array<i32>} : memref<200x128xf32, #tpu.memory_space<vmem>>, vector<1x16xf32>,
        %get3A_1006 = vector.shape_cast %get3A_1005 : vector<1x16xf32> to vector<16xf32>
        %mul3A_1007 = arith.constant 11.3137083 : f32
        %mul3A_1008 = vector.broadcast %mul3A_1007 : f32 to vector<16xf32>
        %mul3A_1009 = arith.mulf %get3A_1006, %mul3A_1008 : vector<16xf32>
        %get3A_1010 = arith.index_cast %add3A_1002 : i32 to index
        %get3A_1011 = arith.constant 0 : index
        %get3A_1012 = tpu.vector_load %arg6[%get3A_1010, %get3A_1011] {strides = array<i32>} : memref<200x128xf32, #tpu.memory_space<vmem>>, vector<1x16xf32>,
        %get3A_1013 = vector.shape_cast %get3A_1012 : vector<1x16xf32> to vector<16xf32>
        %add3A_1014 = arith.addf %mul3A_1009, %get3A_1013 : vector<16xf32>
        %swap3A_1015 = arith.index_cast %add3A_1002 : i32 to index
        %swap3A_1016 = arith.constant 0 : index
        %swap3A_1017 = tpu.vector_load %arg7[%swap3A_1015, %swap3A_1016] {strides = array<i32>} : memref<200x128xf32, #tpu.memory_space<vmem>>, vector<1x16xf32>,
        %swap3A_1018 = vector.shape_cast %swap3A_1017 : vector<1x16xf32> to vector<16xf32>
        %swap3A_1019 = vector.shape_cast %add3A_1014 : vector<16xf32> to vector<1x16xf32>
        tpu.vector_store %arg7[%swap3A_1015, %swap3A_1016], %swap3A_1019 {strides = array<i32>} : memref<200x128xf32, #tpu.memory_space<vmem>>, vector<1x16xf32>,
        %get3A_1020 = arith.index_cast %add3A_1002 : i32 to index
        %get3A_1021 = arith.constant 16 : index
        %get3A_1022 = tpu.vector_load %arg7[%get3A_1020, %get3A_1021] {strides = array<i32>} : memref<200x128xf32, #tpu.memory_space<vmem>>, vector<1x16xf32>,
        %get3A_1023 = vector.shape_cast %get3A_1022 : vector<1x16xf32> to vector<16xf32>
        %mul3A_1024 = arith.constant 11.3137083 : f32
        %mul3A_1025 = vector.broadcast %mul3A_1024 : f32 to vector<16xf32>
        %mul3A_1026 = arith.mulf %get3A_1023, %mul3A_1025 : vector<16xf32>
        %get3A_1027 = arith.index_cast %add3A_1002 : i32 to index
        %get3A_1028 = arith.constant 16 : index
        %get3A_1029 = tpu.vector_load %arg6[%get3A_1027, %get3A_1028] {strides = array<i32>} : memref<200x128xf32, #tpu.memory_space<vmem>>, vector<1x16xf32>,
        %get3A_1030 = vector.shape_cast %get3A_1029 : vector<1x16xf32> to vector<16xf32>
        %add3A_1031 = arith.addf %mul3A_1026, %get3A_1030 : vector<16xf32>
        %swap3A_1032 = arith.index_cast %add3A_1002 : i32 to index
        %swap3A_1033 = arith.constant 16 : index
        %swap3A_1034 = tpu.vector_load %arg7[%swap3A_1032, %swap3A_1033] {strides = array<i32>} : memref<200x128xf32, #tpu.memory_space<vmem>>, vector<1x16xf32>,
        %swap3A_1035 = vector.shape_cast %swap3A_1034 : vector<1x16xf32> to vector<16xf32>
        %swap3A_1036 = vector.shape_cast %add3A_1031 : vector<16xf32> to vector<1x16xf32>
        tpu.vector_store %arg7[%swap3A_1032, %swap3A_1033], %swap3A_1036 {strides = array<i32>} : memref<200x128xf32, #tpu.memory_space<vmem>>, vector<1x16xf32>,
        %get3A_1037 = arith.index_cast %add3A_1002 : i32 to index
        %get3A_1038 = arith.constant 32 : index
        %get3A_1039 = tpu.vector_load %arg7[%get3A_1037, %get3A_1038] {strides = array<i32>} : memref<200x128xf32, #tpu.memory_space<vmem>>, vector<1x16xf32>,
        %get3A_1040 = vector.shape_cast %get3A_1039 : vector<1x16xf32> to vector<16xf32>
        %mul3A_1041 = arith.constant 11.3137083 : f32
        %mul3A_1042 = vector.broadcast %mul3A_1041 : f32 to vector<16xf32>
        %mul3A_1043 = arith.mulf %get3A_1040, %mul3A_1042 : vector<16xf32>
        %get3A_1044 = arith.index_cast %add3A_1002 : i32 to index
        %get3A_1045 = arith.constant 32 : index
        %get3A_1046 = tpu.vector_load %arg6[%get3A_1044, %get3A_1045] {strides = array<i32>} : memref<200x128xf32, #tpu.memory_space<vmem>>, vector<1x16xf32>,
        %get3A_1047 = vector.shape_cast %get3A_1046 : vector<1x16xf32> to vector<16xf32>
        %add3A_1048 = arith.addf %mul3A_1043, %get3A_1047 : vector<16xf32>
        %swap3A_1049 = arith.index_cast %add3A_1002 : i32 to index
        %swap3A_1050 = arith.constant 32 : index
        %swap3A_1051 = tpu.vector_load %arg7[%swap3A_1049, %swap3A_1050] {strides = array<i32>} : memref<200x128xf32, #tpu.memory_space<vmem>>, vector<1x16xf32>,
        %swap3A_1052 = vector.shape_cast %swap3A_1051 : vector<1x16xf32> to vector<16xf32>
        %swap3A_1053 = vector.shape_cast %add3A_1048 : vector<16xf32> to vector<1x16xf32>
        tpu.vector_store %arg7[%swap3A_1049, %swap3A_1050], %swap3A_1053 {strides = array<i32>} : memref<200x128xf32, #tpu.memory_space<vmem>>, vector<1x16xf32>,
        %get3A_1054 = arith.index_cast %add3A_1002 : i32 to index
        %get3A_1055 = arith.constant 48 : index
        %get3A_1056 = tpu.vector_load %arg7[%get3A_1054, %get3A_1055] {strides = array<i32>} : memref<200x128xf32, #tpu.memory_space<vmem>>, vector<1x16xf32>,
        %get3A_1057 = vector.shape_cast %get3A_1056 : vector<1x16xf32> to vector<16xf32>
        %mul3A_1058 = arith.constant 11.3137083 : f32
        %mul3A_1059 = vector.broadcast %mul3A_1058 : f32 to vector<16xf32>
        %mul3A_1060 = arith.mulf %get3A_1057, %mul3A_1059 : vector<16xf32>
        %get3A_1061 = arith.index_cast %add3A_1002 : i32 to index
        %get3A_1062 = arith.constant 48 : index
        %get3A_1063 = tpu.vector_load %arg6[%get3A_1061, %get3A_1062] {strides = array<i32>} : memref<200x128xf32, #tpu.memory_space<vmem>>, vector<1x16xf32>,
        %get3A_1064 = vector.shape_cast %get3A_1063 : vector<1x16xf32> to vector<16xf32>
        %add3A_1065 = arith.addf %mul3A_1060, %get3A_1064 : vector<16xf32>
        %swap3A_1066 = arith.index_cast %add3A_1002 : i32 to index
        %swap3A_1067 = arith.constant 48 : index
        %swap3A_1068 = tpu.vector_load %arg7[%swap3A_1066, %swap3A_1067] {strides = array<i32>} : memref<200x128xf32, #tpu.memory_space<vmem>>, vector<1x16xf32>,
        %swap3A_1069 = vector.shape_cast %swap3A_1068 : vector<1x16xf32> to vector<16xf32>
        %swap3A_1070 = vector.shape_cast %add3A_1065 : vector<16xf32> to vector<1x16xf32>
        tpu.vector_store %arg7[%swap3A_1066, %swap3A_1067], %swap3A_1070 {strides = array<i32>} : memref<200x128xf32, #tpu.memory_space<vmem>>, vector<1x16xf32>,
        %get3A_1071 = arith.index_cast %add3A_1002 : i32 to index
        %get3A_1072 = arith.constant 64 : index
        %get3A_1073 = tpu.vector_load %arg7[%get3A_1071, %get3A_1072] {strides = array<i32>} : memref<200x128xf32, #tpu.memory_space<vmem>>, vector<1x16xf32>,
        %get3A_1074 = vector.shape_cast %get3A_1073 : vector<1x16xf32> to vector<16xf32>
        %mul3A_1075 = arith.constant 11.3137083 : f32
        %mul3A_1076 = vector.broadcast %mul3A_1075 : f32 to vector<16xf32>
        %mul3A_1077 = arith.mulf %get3A_1074, %mul3A_1076 : vector<16xf32>
        %get3A_1078 = arith.index_cast %add3A_1002 : i32 to index
        %get3A_1079 = arith.constant 64 : index
        %get3A_1080 = tpu.vector_load %arg6[%get3A_1078, %get3A_1079] {strides = array<i32>} : memref<200x128xf32, #tpu.memory_space<vmem>>, vector<1x16xf32>,
        %get3A_1081 = vector.shape_cast %get3A_1080 : vector<1x16xf32> to vector<16xf32>
        %add3A_1082 = arith.addf %mul3A_1077, %get3A_1081 : vector<16xf32>
        %swap3A_1083 = arith.index_cast %add3A_1002 : i32 to index
        %swap3A_1084 = arith.constant 64 : index
        %swap3A_1085 = tpu.vector_load %arg7[%swap3A_1083, %swap3A_1084] {strides = array<i32>} : memref<200x128xf32, #tpu.memory_space<vmem>>, vector<1x16xf32>,
        %swap3A_1086 = vector.shape_cast %swap3A_1085 : vector<1x16xf32> to vector<16xf32>
        %swap3A_1087 = vector.shape_cast %add3A_1082 : vector<16xf32> to vector<1x16xf32>
        tpu.vector_store %arg7[%swap3A_1083, %swap3A_1084], %swap3A_1087 {strides = array<i32>} : memref<200x128xf32, #tpu.memory_space<vmem>>, vector<1x16xf32>,
        %get3A_1088 = arith.index_cast %add3A_1002 : i32 to index
        %get3A_1089 = arith.constant 80 : index
        %get3A_1090 = tpu.vector_load %arg7[%get3A_1088, %get3A_1089] {strides = array<i32>} : memref<200x128xf32, #tpu.memory_space<vmem>>, vector<1x16xf32>,
        %get3A_1091 = vector.shape_cast %get3A_1090 : vector<1x16xf32> to vector<16xf32>
        %mul3A_1092 = arith.constant 11.3137083 : f32
        %mul3A_1093 = vector.broadcast %mul3A_1092 : f32 to vector<16xf32>
        %mul3A_1094 = arith.mulf %get3A_1091, %mul3A_1093 : vector<16xf32>
        %get3A_1095 = arith.index_cast %add3A_1002 : i32 to index
        %get3A_1096 = arith.constant 80 : index
        %get3A_1097 = tpu.vector_load %arg6[%get3A_1095, %get3A_1096] {strides = array<i32>} : memref<200x128xf32, #tpu.memory_space<vmem>>, vector<1x16xf32>,
        %get3A_1098 = vector.shape_cast %get3A_1097 : vector<1x16xf32> to vector<16xf32>
        %add3A_1099 = arith.addf %mul3A_1094, %get3A_1098 : vector<16xf32>
        %swap3A_1100 = arith.index_cast %add3A_1002 : i32 to index
        %swap3A_1101 = arith.constant 80 : index
        %swap3A_1102 = tpu.vector_load %arg7[%swap3A_1100, %swap3A_1101] {strides = array<i32>} : memref<200x128xf32, #tpu.memory_space<vmem>>, vector<1x16xf32>,
        %swap3A_1103 = vector.shape_cast %swap3A_1102 : vector<1x16xf32> to vector<16xf32>
        %swap3A_1104 = vector.shape_cast %add3A_1099 : vector<16xf32> to vector<1x16xf32>
        tpu.vector_store %arg7[%swap3A_1100, %swap3A_1101], %swap3A_1104 {strides = array<i32>} : memref<200x128xf32, #tpu.memory_space<vmem>>, vector<1x16xf32>,
        %get3A_1105 = arith.index_cast %add3A_1002 : i32 to index
        %get3A_1106 = arith.constant 96 : index
        %get3A_1107 = tpu.vector_load %arg7[%get3A_1105, %get3A_1106] {strides = array<i32>} : memref<200x128xf32, #tpu.memory_space<vmem>>, vector<1x16xf32>,
        %get3A_1108 = vector.shape_cast %get3A_1107 : vector<1x16xf32> to vector<16xf32>
        %mul3A_1109 = arith.constant 11.3137083 : f32
        %mul3A_1110 = vector.broadcast %mul3A_1109 : f32 to vector<16xf32>
        %mul3A_1111 = arith.mulf %get3A_1108, %mul3A_1110 : vector<16xf32>
        %get3A_1112 = arith.index_cast %add3A_1002 : i32 to index
        %get3A_1113 = arith.constant 96 : index
        %get3A_1114 = tpu.vector_load %arg6[%get3A_1112, %get3A_1113] {strides = array<i32>} : memref<200x128xf32, #tpu.memory_space<vmem>>, vector<1x16xf32>,
        %get3A_1115 = vector.shape_cast %get3A_1114 : vector<1x16xf32> to vector<16xf32>
        %add3A_1116 = arith.addf %mul3A_1111, %get3A_1115 : vector<16xf32>
        %swap3A_1117 = arith.index_cast %add3A_1002 : i32 to index
        %swap3A_1118 = arith.constant 96 : index
        %swap3A_1119 = tpu.vector_load %arg7[%swap3A_1117, %swap3A_1118] {strides = array<i32>} : memref<200x128xf32, #tpu.memory_space<vmem>>, vector<1x16xf32>,
        %swap3A_1120 = vector.shape_cast %swap3A_1119 : vector<1x16xf32> to vector<16xf32>
        %swap3A_1121 = vector.shape_cast %add3A_1116 : vector<16xf32> to vector<1x16xf32>
        tpu.vector_store %arg7[%swap3A_1117, %swap3A_1118], %swap3A_1121 {strides = array<i32>} : memref<200x128xf32, #tpu.memory_space<vmem>>, vector<1x16xf32>,
        %get3A_1122 = arith.index_cast %add3A_1002 : i32 to index
        %get3A_1123 = arith.constant 112 : index
        %get3A_1124 = tpu.vector_load %arg7[%get3A_1122, %get3A_1123] {strides = array<i32>} : memref<200x128xf32, #tpu.memory_space<vmem>>, vector<1x16xf32>,
        %get3A_1125 = vector.shape_cast %get3A_1124 : vector<1x16xf32> to vector<16xf32>
        %mul3A_1126 = arith.constant 11.3137083 : f32
        %mul3A_1127 = vector.broadcast %mul3A_1126 : f32 to vector<16xf32>
        %mul3A_1128 = arith.mulf %get3A_1125, %mul3A_1127 : vector<16xf32>
        %get3A_1129 = arith.index_cast %add3A_1002 : i32 to index
        %get3A_1130 = arith.constant 112 : index
        %get3A_1131 = tpu.vector_load %arg6[%get3A_1129, %get3A_1130] {strides = array<i32>} : memref<200x128xf32, #tpu.memory_space<vmem>>, vector<1x16xf32>,
        %get3A_1132 = vector.shape_cast %get3A_1131 : vector<1x16xf32> to vector<16xf32>
        %add3A_1133 = arith.addf %mul3A_1128, %get3A_1132 : vector<16xf32>
        %swap3A_1134 = arith.index_cast %add3A_1002 : i32 to index
        %swap3A_1135 = arith.constant 112 : index
        %swap3A_1136 = tpu.vector_load %arg7[%swap3A_1134, %swap3A_1135] {strides = array<i32>} : memref<200x128xf32, #tpu.memory_space<vmem>>, vector<1x16xf32>,
        %swap3A_1137 = vector.shape_cast %swap3A_1136 : vector<1x16xf32> to vector<16xf32>
        %swap3A_1138 = vector.shape_cast %add3A_1133 : vector<16xf32> to vector<1x16xf32>
        tpu.vector_store %arg7[%swap3A_1134, %swap3A_1135], %swap3A_1138 {strides = array<i32>} : memref<200x128xf32, #tpu.memory_space<vmem>>, vector<1x16xf32>,
      }
      %scan3A_604 = arith.constant 100 : i32
      %mul3A_605 = arith.constant 32 : i32
      %mul3A_606 = arith.muli %add3A_536, %mul3A_605 : i32
      %add3A_607 = arith.addi %mul3A_606, %add3A : i32
      %mul3A_608 = arith.constant 200 : i32
      %mul3A_609 = arith.muli %add3A_607, %mul3A_608 : i32
      %dma_start3A_610 = arith.constant 0 : i32
      %dma_start3A_611 = tpu.memref_slice %arg5[%mul3A_609, %dma_start3A_610] : memref<204800x128xf32, #tpu.memory_space<hbm>> -> memref<200x128xf32, #tpu.memory_space<hbm>>
      %dma_start3A_612 = arith.constant 0 : i32
      %dma_start3A_613 = tpu.memref_slice %arg5[%mul3A_609, %dma_start3A_612] : memref<204800x128xf32, #tpu.memory_space<hbm>> -> memref<200x128xf32, #tpu.memory_space<hbm>>
      tpu.enqueue_dma source(%arg7 : memref<200x128xf32, #tpu.memory_space<vmem>>) target(%dma_start3A_613 : memref<200x128xf32, #tpu.memory_space<hbm>>) target_semaphore(%arg19 : memref<!tpu.dma_semaphore, #tpu.memory_space<semaphore_mem>>)
      %mul3A_614 = arith.constant 4 : i32
      %mul3A_615 = arith.muli %scan3A_532, %mul3A_614 : i32
      %add3A_616 = arith.constant 1 : i32
      %add3A_617 = arith.addi %mul3A_615, %add3A_616 : i32
      %dma_wait3A_618 = arith.constant 0 : i32
      %dma_wait3A_619 = arith.constant 0 : i32
      %dma_wait3A_620 = tpu.memref_slice %arg8[%dma_wait3A_618, %dma_wait3A_619] : memref<200x128xf32, #tpu.memory_space<vmem>> -> memref<104x128xf32, #tpu.memory_space<vmem>>
      %dma_wait3A_621 = arith.constant 0 : i32
      %dma_wait3A_622 = tpu.memref_slice %arg12[%dma_wait3A_621] : memref<200xi32, #tpu.memory_space<vmem>> -> memref<104xi32, #tpu.memory_space<vmem>>
      %dma_wait3A_623 = arith.constant 0 : i32
      %dma_wait3A_624 = arith.constant 0 : i32
      %dma_wait3A_625 = tpu.memref_slice %arg3[%dma_wait3A_623, %dma_wait3A_624] : memref<100000x128xf32, #tpu.memory_space<hbm>> -> memref<100000x128xf32, #tpu.memory_space<hbm>>
      tpu.wait_indirect_dma semaphore(%arg16 : memref<!tpu.dma_semaphore, #tpu.memory_space<semaphore_mem>>) src(%dma_wait3A_625 : memref<100000x128xf32, #tpu.memory_space<hbm>>) dst(%dma_wait3A_620 : memref<104x128xf32, #tpu.memory_space<vmem>>)
      %dma_wait3A_626 = arith.constant 104 : i32
      %dma_wait3A_627 = arith.constant 0 : i32
      %dma_wait3A_628 = tpu.memref_slice %arg8[%dma_wait3A_626, %dma_wait3A_627] : memref<200x128xf32, #tpu.memory_space<vmem>> -> memref<96x128xf32, #tpu.memory_space<vmem>>
      %dma_wait3A_629 = arith.constant 104 : i32
      %dma_wait3A_630 = tpu.memref_slice %arg12[%dma_wait3A_629] : memref<200xi32, #tpu.memory_space<vmem>> -> memref<96xi32, #tpu.memory_space<vmem>>
      %dma_wait3A_631 = arith.constant 0 : i32
      %dma_wait3A_632 = arith.constant 0 : i32
      %dma_wait3A_633 = tpu.memref_slice %arg3[%dma_wait3A_631, %dma_wait3A_632] : memref<100000x128xf32, #tpu.memory_space<hbm>> -> memref<100000x128xf32, #tpu.memory_space<hbm>>
      tpu.wait_indirect_dma semaphore(%arg16 : memref<!tpu.dma_semaphore, #tpu.memory_space<semaphore_mem>>) src(%dma_wait3A_633 : memref<100000x128xf32, #tpu.memory_space<hbm>>) dst(%dma_wait3A_628 : memref<96x128xf32, #tpu.memory_space<vmem>>)
      %add3A_634 = arith.constant 4 : i32
      %add3A_635 = arith.addi %add3A_617, %add3A_634 : i32
      %mul3A_636 = arith.constant 32 : i32
      %mul3A_637 = arith.muli %add3A_635, %mul3A_636 : i32
      %add3A_638 = arith.addi %mul3A_637, %add3A : i32
      %mul3A_639 = arith.constant 200 : i32
      %mul3A_640 = arith.muli %add3A_638, %mul3A_639 : i32
      %dma_start3A_641 = tpu.memref_slice %arg2[%mul3A_640] : memref<204800xi32, #tpu.memory_space<hbm>> -> memref<200xi32, #tpu.memory_space<hbm>>
      %dma_start3A_642 = tpu.memref_slice %arg2[%mul3A_640] : memref<204800xi32, #tpu.memory_space<hbm>> -> memref<200xi32, #tpu.memory_space<hbm>>
      tpu.enqueue_dma source(%dma_start3A_642 : memref<200xi32, #tpu.memory_space<hbm>>) target(%arg12 : memref<200xi32, #tpu.memory_space<vmem>>) target_semaphore(%arg24 : memref<!tpu.dma_semaphore, #tpu.memory_space<semaphore_mem>>)
      %sub3A_643 = arith.constant 2 : i32
      %sub3A_644 = arith.subi %add3A_617, %sub3A_643 : i32
      %mul3A_645 = arith.constant 32 : i32
      %mul3A_646 = arith.muli %sub3A_644, %mul3A_645 : i32
      %add3A_647 = arith.addi %mul3A_646, %add3A : i32
      %mul3A_648 = arith.constant 200 : i32
      %mul3A_649 = arith.muli %add3A_647, %mul3A_648 : i32
      %dma_wait3A_650 = arith.constant 0 : i32
      %dma_wait3A_651 = tpu.memref_slice %arg5[%mul3A_649, %dma_wait3A_650] : memref<204800x128xf32, #tpu.memory_space<hbm>> -> memref<200x128xf32, #tpu.memory_space<hbm>>
      %dma_wait3A_652 = arith.constant 0 : i32
      %dma_wait3A_653 = tpu.memref_slice %arg5[%mul3A_649, %dma_wait3A_652] : memref<204800x128xf32, #tpu.memory_space<hbm>> -> memref<200x128xf32, #tpu.memory_space<hbm>>
      tpu.wait_dma2 semaphore(%arg22 : memref<!tpu.dma_semaphore, #tpu.memory_space<semaphore_mem>>) src(%arg10 : memref<200x128xf32, #tpu.memory_space<vmem>>) dst(%dma_wait3A_653 : memref<200x128xf32, #tpu.memory_space<hbm>>)
      %add3A_654 = arith.constant 2 : i32
      %add3A_655 = arith.addi %add3A_617, %add3A_654 : i32
      %mul3A_656 = arith.constant 32 : i32
      %mul3A_657 = arith.muli %add3A_655, %mul3A_656 : i32
      %add3A_658 = arith.addi %mul3A_657, %add3A : i32
      %mul3A_659 = arith.constant 200 : i32
      %mul3A_660 = arith.muli %add3A_658, %mul3A_659 : i32
      %dma_wait3A_661 = tpu.memref_slice %arg2[%mul3A_660] : memref<204800xi32, #tpu.memory_space<hbm>> -> memref<200xi32, #tpu.memory_space<hbm>>
      %dma_wait3A_662 = tpu.memref_slice %arg2[%mul3A_660] : memref<204800xi32, #tpu.memory_space<hbm>> -> memref<200xi32, #tpu.memory_space<hbm>>
      tpu.wait_dma2 semaphore(%arg26 : memref<!tpu.dma_semaphore, #tpu.memory_space<semaphore_mem>>) src(%dma_wait3A_662 : memref<200xi32, #tpu.memory_space<hbm>>) dst(%arg14 : memref<200xi32, #tpu.memory_space<vmem>>)
      %add3A_663 = arith.constant 2 : i32
      %add3A_664 = arith.addi %add3A_617, %add3A_663 : i32
      %dma_start3A_665 = arith.constant 0 : i32
      %dma_start3A_666 = arith.constant 0 : i32
      %dma_start3A_667 = tpu.memref_slice %arg10[%dma_start3A_665, %dma_start3A_666] : memref<200x128xf32, #tpu.memory_space<vmem>> -> memref<104x128xf32, #tpu.memory_space<vmem>>
      %dma_start3A_668 = arith.constant 0 : i32
      %dma_start3A_669 = tpu.memref_slice %arg14[%dma_start3A_668] : memref<200xi32, #tpu.memory_space<vmem>> -> memref<104xi32, #tpu.memory_space<vmem>>
      %dma_start3A_670 = arith.constant 0 : i32
      %dma_start3A_671 = arith.constant 0 : i32
      %dma_start3A_672 = tpu.memref_slice %arg3[%dma_start3A_670, %dma_start3A_671] : memref<100000x128xf32, #tpu.memory_space<hbm>> -> memref<100000x128xf32, #tpu.memory_space<hbm>>
      tpu.enqueue_indirect_dma source(%dma_start3A_672 : memref<100000x128xf32, #tpu.memory_space<hbm>>) target(%dma_start3A_667 : memref<104x128xf32, #tpu.memory_space<vmem>>) offsets(%dma_start3A_669 : memref<104xi32, #tpu.memory_space<vmem>>) semaphore(%arg18 : memref<!tpu.dma_semaphore, #tpu.memory_space<semaphore_mem>>)
      %dma_start3A_673 = arith.constant 104 : i32
      %dma_start3A_674 = arith.constant 0 : i32
      %dma_start3A_675 = tpu.memref_slice %arg10[%dma_start3A_673, %dma_start3A_674] : memref<200x128xf32, #tpu.memory_space<vmem>> -> memref<96x128xf32, #tpu.memory_space<vmem>>
      %dma_start3A_676 = arith.constant 104 : i32
      %dma_start3A_677 = tpu.memref_slice %arg14[%dma_start3A_676] : memref<200xi32, #tpu.memory_space<vmem>> -> memref<96xi32, #tpu.memory_space<vmem>>
      %dma_start3A_678 = arith.constant 0 : i32
      %dma_start3A_679 = arith.constant 0 : i32
      %dma_start3A_680 = tpu.memref_slice %arg3[%dma_start3A_678, %dma_start3A_679] : memref<100000x128xf32, #tpu.memory_space<hbm>> -> memref<100000x128xf32, #tpu.memory_space<hbm>>
      tpu.enqueue_indirect_dma source(%dma_start3A_680 : memref<100000x128xf32, #tpu.memory_space<hbm>>) target(%dma_start3A_675 : memref<96x128xf32, #tpu.memory_space<vmem>>) offsets(%dma_start3A_677 : memref<96xi32, #tpu.memory_space<vmem>>) semaphore(%arg18 : memref<!tpu.dma_semaphore, #tpu.memory_space<semaphore_mem>>)
      %scan3A_681 = arith.constant 0 : i32
      %scan3A_682 = arith.constant 0 : i32
      %scan3A_683 = arith.constant 100 : i32
      %scan3A_684 = arith.addi %scan3A_682, %scan3A_683 : i32
      %scan3A_685 = arith.constant 1 : i32
      scf.for %scan3A_860 = %scan3A_682 to %scan3A_684 step %scan3A_685  : i32 {
        %mul3A_861 = arith.constant 2 : i32
        %mul3A_862 = arith.muli %scan3A_860, %mul3A_861 : i32
        %add3A_863 = arith.constant 0 : i32
        %add3A_864 = arith.addi %mul3A_862, %add3A_863 : i32
        %get3A = arith.index_cast %add3A_864 : i32 to index
        %get3A_865 = arith.constant 0 : index
        %get3A_866 = tpu.vector_load %arg8[%get3A, %get3A_865] {strides = array<i32>} : memref<200x128xf32, #tpu.memory_space<vmem>>, vector<1x16xf32>,
        %get3A_867 = vector.shape_cast %get3A_866 : vector<1x16xf32> to vector<16xf32>
        %mul3A_868 = arith.constant 11.3137083 : f32
        %mul3A_869 = vector.broadcast %mul3A_868 : f32 to vector<16xf32>
        %mul3A_870 = arith.mulf %get3A_867, %mul3A_869 : vector<16xf32>
        %get3A_871 = arith.index_cast %add3A_864 : i32 to index
        %get3A_872 = arith.constant 0 : index
        %get3A_873 = tpu.vector_load %arg6[%get3A_871, %get3A_872] {strides = array<i32>} : memref<200x128xf32, #tpu.memory_space<vmem>>, vector<1x16xf32>,
        %get3A_874 = vector.shape_cast %get3A_873 : vector<1x16xf32> to vector<16xf32>
        %add3A_875 = arith.addf %mul3A_870, %get3A_874 : vector<16xf32>
        %swap3A = arith.index_cast %add3A_864 : i32 to index
        %swap3A_876 = arith.constant 0 : index
        %swap3A_877 = tpu.vector_load %arg8[%swap3A, %swap3A_876] {strides = array<i32>} : memref<200x128xf32, #tpu.memory_space<vmem>>, vector<1x16xf32>,
        %swap3A_878 = vector.shape_cast %swap3A_877 : vector<1x16xf32> to vector<16xf32>
        %swap3A_879 = vector.shape_cast %add3A_875 : vector<16xf32> to vector<1x16xf32>
        tpu.vector_store %arg8[%swap3A, %swap3A_876], %swap3A_879 {strides = array<i32>} : memref<200x128xf32, #tpu.memory_space<vmem>>, vector<1x16xf32>,
        %get3A_880 = arith.index_cast %add3A_864 : i32 to index
        %get3A_881 = arith.constant 16 : index
        %get3A_882 = tpu.vector_load %arg8[%get3A_880, %get3A_881] {strides = array<i32>} : memref<200x128xf32, #tpu.memory_space<vmem>>, vector<1x16xf32>,
        %get3A_883 = vector.shape_cast %get3A_882 : vector<1x16xf32> to vector<16xf32>
        %mul3A_884 = arith.constant 11.3137083 : f32
        %mul3A_885 = vector.broadcast %mul3A_884 : f32 to vector<16xf32>
        %mul3A_886 = arith.mulf %get3A_883, %mul3A_885 : vector<16xf32>
        %get3A_887 = arith.index_cast %add3A_864 : i32 to index
        %get3A_888 = arith.constant 16 : index
        %get3A_889 = tpu.vector_load %arg6[%get3A_887, %get3A_888] {strides = array<i32>} : memref<200x128xf32, #tpu.memory_space<vmem>>, vector<1x16xf32>,
        %get3A_890 = vector.shape_cast %get3A_889 : vector<1x16xf32> to vector<16xf32>
        %add3A_891 = arith.addf %mul3A_886, %get3A_890 : vector<16xf32>
        %swap3A_892 = arith.index_cast %add3A_864 : i32 to index
        %swap3A_893 = arith.constant 16 : index
        %swap3A_894 = tpu.vector_load %arg8[%swap3A_892, %swap3A_893] {strides = array<i32>} : memref<200x128xf32, #tpu.memory_space<vmem>>, vector<1x16xf32>,
        %swap3A_895 = vector.shape_cast %swap3A_894 : vector<1x16xf32> to vector<16xf32>
        %swap3A_896 = vector.shape_cast %add3A_891 : vector<16xf32> to vector<1x16xf32>
        tpu.vector_store %arg8[%swap3A_892, %swap3A_893], %swap3A_896 {strides = array<i32>} : memref<200x128xf32, #tpu.memory_space<vmem>>, vector<1x16xf32>,
        %get3A_897 = arith.index_cast %add3A_864 : i32 to index
        %get3A_898 = arith.constant 32 : index
        %get3A_899 = tpu.vector_load %arg8[%get3A_897, %get3A_898] {strides = array<i32>} : memref<200x128xf32, #tpu.memory_space<vmem>>, vector<1x16xf32>,
        %get3A_900 = vector.shape_cast %get3A_899 : vector<1x16xf32> to vector<16xf32>
        %mul3A_901 = arith.constant 11.3137083 : f32
        %mul3A_902 = vector.broadcast %mul3A_901 : f32 to vector<16xf32>
        %mul3A_903 = arith.mulf %get3A_900, %mul3A_902 : vector<16xf32>
        %get3A_904 = arith.index_cast %add3A_864 : i32 to index
        %get3A_905 = arith.constant 32 : index
        %get3A_906 = tpu.vector_load %arg6[%get3A_904, %get3A_905] {strides = array<i32>} : memref<200x128xf32, #tpu.memory_space<vmem>>, vector<1x16xf32>,
        %get3A_907 = vector.shape_cast %get3A_906 : vector<1x16xf32> to vector<16xf32>
        %add3A_908 = arith.addf %mul3A_903, %get3A_907 : vector<16xf32>
        %swap3A_909 = arith.index_cast %add3A_864 : i32 to index
        %swap3A_910 = arith.constant 32 : index
        %swap3A_911 = tpu.vector_load %arg8[%swap3A_909, %swap3A_910] {strides = array<i32>} : memref<200x128xf32, #tpu.memory_space<vmem>>, vector<1x16xf32>,
        %swap3A_912 = vector.shape_cast %swap3A_911 : vector<1x16xf32> to vector<16xf32>
        %swap3A_913 = vector.shape_cast %add3A_908 : vector<16xf32> to vector<1x16xf32>
        tpu.vector_store %arg8[%swap3A_909, %swap3A_910], %swap3A_913 {strides = array<i32>} : memref<200x128xf32, #tpu.memory_space<vmem>>, vector<1x16xf32>,
        %get3A_914 = arith.index_cast %add3A_864 : i32 to index
        %get3A_915 = arith.constant 48 : index
        %get3A_916 = tpu.vector_load %arg8[%get3A_914, %get3A_915] {strides = array<i32>} : memref<200x128xf32, #tpu.memory_space<vmem>>, vector<1x16xf32>,
        %get3A_917 = vector.shape_cast %get3A_916 : vector<1x16xf32> to vector<16xf32>
        %mul3A_918 = arith.constant 11.3137083 : f32
        %mul3A_919 = vector.broadcast %mul3A_918 : f32 to vector<16xf32>
        %mul3A_920 = arith.mulf %get3A_917, %mul3A_919 : vector<16xf32>
        %get3A_921 = arith.index_cast %add3A_864 : i32 to index
        %get3A_922 = arith.constant 48 : index
        %get3A_923 = tpu.vector_load %arg6[%get3A_921, %get3A_922] {strides = array<i32>} : memref<200x128xf32, #tpu.memory_space<vmem>>, vector<1x16xf32>,
        %get3A_924 = vector.shape_cast %get3A_923 : vector<1x16xf32> to vector<16xf32>
        %add3A_925 = arith.addf %mul3A_920, %get3A_924 : vector<16xf32>
        %swap3A_926 = arith.index_cast %add3A_864 : i32 to index
        %swap3A_927 = arith.constant 48 : index
        %swap3A_928 = tpu.vector_load %arg8[%swap3A_926, %swap3A_927] {strides = array<i32>} : memref<200x128xf32, #tpu.memory_space<vmem>>, vector<1x16xf32>,
        %swap3A_929 = vector.shape_cast %swap3A_928 : vector<1x16xf32> to vector<16xf32>
        %swap3A_930 = vector.shape_cast %add3A_925 : vector<16xf32> to vector<1x16xf32>
        tpu.vector_store %arg8[%swap3A_926, %swap3A_927], %swap3A_930 {strides = array<i32>} : memref<200x128xf32, #tpu.memory_space<vmem>>, vector<1x16xf32>,
        %get3A_931 = arith.index_cast %add3A_864 : i32 to index
        %get3A_932 = arith.constant 64 : index
        %get3A_933 = tpu.vector_load %arg8[%get3A_931, %get3A_932] {strides = array<i32>} : memref<200x128xf32, #tpu.memory_space<vmem>>, vector<1x16xf32>,
        %get3A_934 = vector.shape_cast %get3A_933 : vector<1x16xf32> to vector<16xf32>
        %mul3A_935 = arith.constant 11.3137083 : f32
        %mul3A_936 = vector.broadcast %mul3A_935 : f32 to vector<16xf32>
        %mul3A_937 = arith.mulf %get3A_934, %mul3A_936 : vector<16xf32>
        %get3A_938 = arith.index_cast %add3A_864 : i32 to index
        %get3A_939 = arith.constant 64 : index
        %get3A_940 = tpu.vector_load %arg6[%get3A_938, %get3A_939] {strides = array<i32>} : memref<200x128xf32, #tpu.memory_space<vmem>>, vector<1x16xf32>,
        %get3A_941 = vector.shape_cast %get3A_940 : vector<1x16xf32> to vector<16xf32>
        %add3A_942 = arith.addf %mul3A_937, %get3A_941 : vector<16xf32>
        %swap3A_943 = arith.index_cast %add3A_864 : i32 to index
        %swap3A_944 = arith.constant 64 : index
        %swap3A_945 = tpu.vector_load %arg8[%swap3A_943, %swap3A_944] {strides = array<i32>} : memref<200x128xf32, #tpu.memory_space<vmem>>, vector<1x16xf32>,
        %swap3A_946 = vector.shape_cast %swap3A_945 : vector<1x16xf32> to vector<16xf32>
        %swap3A_947 = vector.shape_cast %add3A_942 : vector<16xf32> to vector<1x16xf32>
        tpu.vector_store %arg8[%swap3A_943, %swap3A_944], %swap3A_947 {strides = array<i32>} : memref<200x128xf32, #tpu.memory_space<vmem>>, vector<1x16xf32>,
        %get3A_948 = arith.index_cast %add3A_864 : i32 to index
        %get3A_949 = arith.constant 80 : index
        %get3A_950 = tpu.vector_load %arg8[%get3A_948, %get3A_949] {strides = array<i32>} : memref<200x128xf32, #tpu.memory_space<vmem>>, vector<1x16xf32>,
        %get3A_951 = vector.shape_cast %get3A_950 : vector<1x16xf32> to vector<16xf32>
        %mul3A_952 = arith.constant 11.3137083 : f32
        %mul3A_953 = vector.broadcast %mul3A_952 : f32 to vector<16xf32>
        %mul3A_954 = arith.mulf %get3A_951, %mul3A_953 : vector<16xf32>
        %get3A_955 = arith.index_cast %add3A_864 : i32 to index
        %get3A_956 = arith.constant 80 : index
        %get3A_957 = tpu.vector_load %arg6[%get3A_955, %get3A_956] {strides = array<i32>} : memref<200x128xf32, #tpu.memory_space<vmem>>, vector<1x16xf32>,
        %get3A_958 = vector.shape_cast %get3A_957 : vector<1x16xf32> to vector<16xf32>
        %add3A_959 = arith.addf %mul3A_954, %get3A_958 : vector<16xf32>
        %swap3A_960 = arith.index_cast %add3A_864 : i32 to index
        %swap3A_961 = arith.constant 80 : index
        %swap3A_962 = tpu.vector_load %arg8[%swap3A_960, %swap3A_961] {strides = array<i32>} : memref<200x128xf32, #tpu.memory_space<vmem>>, vector<1x16xf32>,
        %swap3A_963 = vector.shape_cast %swap3A_962 : vector<1x16xf32> to vector<16xf32>
        %swap3A_964 = vector.shape_cast %add3A_959 : vector<16xf32> to vector<1x16xf32>
        tpu.vector_store %arg8[%swap3A_960, %swap3A_961], %swap3A_964 {strides = array<i32>} : memref<200x128xf32, #tpu.memory_space<vmem>>, vector<1x16xf32>,
        %get3A_965 = arith.index_cast %add3A_864 : i32 to index
        %get3A_966 = arith.constant 96 : index
        %get3A_967 = tpu.vector_load %arg8[%get3A_965, %get3A_966] {strides = array<i32>} : memref<200x128xf32, #tpu.memory_space<vmem>>, vector<1x16xf32>,
        %get3A_968 = vector.shape_cast %get3A_967 : vector<1x16xf32> to vector<16xf32>
        %mul3A_969 = arith.constant 11.3137083 : f32
        %mul3A_970 = vector.broadcast %mul3A_969 : f32 to vector<16xf32>
        %mul3A_971 = arith.mulf %get3A_968, %mul3A_970 : vector<16xf32>
        %get3A_972 = arith.index_cast %add3A_864 : i32 to index
        %get3A_973 = arith.constant 96 : index
        %get3A_974 = tpu.vector_load %arg6[%get3A_972, %get3A_973] {strides = array<i32>} : memref<200x128xf32, #tpu.memory_space<vmem>>, vector<1x16xf32>,
        %get3A_975 = vector.shape_cast %get3A_974 : vector<1x16xf32> to vector<16xf32>
        %add3A_976 = arith.addf %mul3A_971, %get3A_975 : vector<16xf32>
        %swap3A_977 = arith.index_cast %add3A_864 : i32 to index
        %swap3A_978 = arith.constant 96 : index
        %swap3A_979 = tpu.vector_load %arg8[%swap3A_977, %swap3A_978] {strides = array<i32>} : memref<200x128xf32, #tpu.memory_space<vmem>>, vector<1x16xf32>,
        %swap3A_980 = vector.shape_cast %swap3A_979 : vector<1x16xf32> to vector<16xf32>
        %swap3A_981 = vector.shape_cast %add3A_976 : vector<16xf32> to vector<1x16xf32>
        tpu.vector_store %arg8[%swap3A_977, %swap3A_978], %swap3A_981 {strides = array<i32>} : memref<200x128xf32, #tpu.memory_space<vmem>>, vector<1x16xf32>,
        %get3A_982 = arith.index_cast %add3A_864 : i32 to index
        %get3A_983 = arith.constant 112 : index
        %get3A_984 = tpu.vector_load %arg8[%get3A_982, %get3A_983] {strides = array<i32>} : memref<200x128xf32, #tpu.memory_space<vmem>>, vector<1x16xf32>,
        %get3A_985 = vector.shape_cast %get3A_984 : vector<1x16xf32> to vector<16xf32>
        %mul3A_986 = arith.constant 11.3137083 : f32
        %mul3A_987 = vector.broadcast %mul3A_986 : f32 to vector<16xf32>
        %mul3A_988 = arith.mulf %get3A_985, %mul3A_987 : vector<16xf32>
        %get3A_989 = arith.index_cast %add3A_864 : i32 to index
        %get3A_990 = arith.constant 112 : index
        %get3A_991 = tpu.vector_load %arg6[%get3A_989, %get3A_990] {strides = array<i32>} : memref<200x128xf32, #tpu.memory_space<vmem>>, vector<1x16xf32>,
        %get3A_992 = vector.shape_cast %get3A_991 : vector<1x16xf32> to vector<16xf32>
        %add3A_993 = arith.addf %mul3A_988, %get3A_992 : vector<16xf32>
        %swap3A_994 = arith.index_cast %add3A_864 : i32 to index
        %swap3A_995 = arith.constant 112 : index
        %swap3A_996 = tpu.vector_load %arg8[%swap3A_994, %swap3A_995] {strides = array<i32>} : memref<200x128xf32, #tpu.memory_space<vmem>>, vector<1x16xf32>,
        %swap3A_997 = vector.shape_cast %swap3A_996 : vector<1x16xf32> to vector<16xf32>
        %swap3A_998 = vector.shape_cast %add3A_993 : vector<16xf32> to vector<1x16xf32>
        tpu.vector_store %arg8[%swap3A_994, %swap3A_995], %swap3A_998 {strides = array<i32>} : memref<200x128xf32, #tpu.memory_space<vmem>>, vector<1x16xf32>,
        %mul3A_999 = arith.constant 2 : i32
        %mul3A_1000 = arith.muli %scan3A_860, %mul3A_999 : i32
        %add3A_1001 = arith.constant 1 : i32
        %add3A_1002 = arith.addi %mul3A_1000, %add3A_1001 : i32
        %get3A_1003 = arith.index_cast %add3A_1002 : i32 to index
        %get3A_1004 = arith.constant 0 : index
        %get3A_1005 = tpu.vector_load %arg8[%get3A_1003, %get3A_1004] {strides = array<i32>} : memref<200x128xf32, #tpu.memory_space<vmem>>, vector<1x16xf32>,
        %get3A_1006 = vector.shape_cast %get3A_1005 : vector<1x16xf32> to vector<16xf32>
        %mul3A_1007 = arith.constant 11.3137083 : f32
        %mul3A_1008 = vector.broadcast %mul3A_1007 : f32 to vector<16xf32>
        %mul3A_1009 = arith.mulf %get3A_1006, %mul3A_1008 : vector<16xf32>
        %get3A_1010 = arith.index_cast %add3A_1002 : i32 to index
        %get3A_1011 = arith.constant 0 : index
        %get3A_1012 = tpu.vector_load %arg6[%get3A_1010, %get3A_1011] {strides = array<i32>} : memref<200x128xf32, #tpu.memory_space<vmem>>, vector<1x16xf32>,
        %get3A_1013 = vector.shape_cast %get3A_1012 : vector<1x16xf32> to vector<16xf32>
        %add3A_1014 = arith.addf %mul3A_1009, %get3A_1013 : vector<16xf32>
        %swap3A_1015 = arith.index_cast %add3A_1002 : i32 to index
        %swap3A_1016 = arith.constant 0 : index
        %swap3A_1017 = tpu.vector_load %arg8[%swap3A_1015, %swap3A_1016] {strides = array<i32>} : memref<200x128xf32, #tpu.memory_space<vmem>>, vector<1x16xf32>,
        %swap3A_1018 = vector.shape_cast %swap3A_1017 : vector<1x16xf32> to vector<16xf32>
        %swap3A_1019 = vector.shape_cast %add3A_1014 : vector<16xf32> to vector<1x16xf32>
        tpu.vector_store %arg8[%swap3A_1015, %swap3A_1016], %swap3A_1019 {strides = array<i32>} : memref<200x128xf32, #tpu.memory_space<vmem>>, vector<1x16xf32>,
        %get3A_1020 = arith.index_cast %add3A_1002 : i32 to index
        %get3A_1021 = arith.constant 16 : index
        %get3A_1022 = tpu.vector_load %arg8[%get3A_1020, %get3A_1021] {strides = array<i32>} : memref<200x128xf32, #tpu.memory_space<vmem>>, vector<1x16xf32>,
        %get3A_1023 = vector.shape_cast %get3A_1022 : vector<1x16xf32> to vector<16xf32>
        %mul3A_1024 = arith.constant 11.3137083 : f32
        %mul3A_1025 = vector.broadcast %mul3A_1024 : f32 to vector<16xf32>
        %mul3A_1026 = arith.mulf %get3A_1023, %mul3A_1025 : vector<16xf32>
        %get3A_1027 = arith.index_cast %add3A_1002 : i32 to index
        %get3A_1028 = arith.constant 16 : index
        %get3A_1029 = tpu.vector_load %arg6[%get3A_1027, %get3A_1028] {strides = array<i32>} : memref<200x128xf32, #tpu.memory_space<vmem>>, vector<1x16xf32>,
        %get3A_1030 = vector.shape_cast %get3A_1029 : vector<1x16xf32> to vector<16xf32>
        %add3A_1031 = arith.addf %mul3A_1026, %get3A_1030 : vector<16xf32>
        %swap3A_1032 = arith.index_cast %add3A_1002 : i32 to index
        %swap3A_1033 = arith.constant 16 : index
        %swap3A_1034 = tpu.vector_load %arg8[%swap3A_1032, %swap3A_1033] {strides = array<i32>} : memref<200x128xf32, #tpu.memory_space<vmem>>, vector<1x16xf32>,
        %swap3A_1035 = vector.shape_cast %swap3A_1034 : vector<1x16xf32> to vector<16xf32>
        %swap3A_1036 = vector.shape_cast %add3A_1031 : vector<16xf32> to vector<1x16xf32>
        tpu.vector_store %arg8[%swap3A_1032, %swap3A_1033], %swap3A_1036 {strides = array<i32>} : memref<200x128xf32, #tpu.memory_space<vmem>>, vector<1x16xf32>,
        %get3A_1037 = arith.index_cast %add3A_1002 : i32 to index
        %get3A_1038 = arith.constant 32 : index
        %get3A_1039 = tpu.vector_load %arg8[%get3A_1037, %get3A_1038] {strides = array<i32>} : memref<200x128xf32, #tpu.memory_space<vmem>>, vector<1x16xf32>,
        %get3A_1040 = vector.shape_cast %get3A_1039 : vector<1x16xf32> to vector<16xf32>
        %mul3A_1041 = arith.constant 11.3137083 : f32
        %mul3A_1042 = vector.broadcast %mul3A_1041 : f32 to vector<16xf32>
        %mul3A_1043 = arith.mulf %get3A_1040, %mul3A_1042 : vector<16xf32>
        %get3A_1044 = arith.index_cast %add3A_1002 : i32 to index
        %get3A_1045 = arith.constant 32 : index
        %get3A_1046 = tpu.vector_load %arg6[%get3A_1044, %get3A_1045] {strides = array<i32>} : memref<200x128xf32, #tpu.memory_space<vmem>>, vector<1x16xf32>,
        %get3A_1047 = vector.shape_cast %get3A_1046 : vector<1x16xf32> to vector<16xf32>
        %add3A_1048 = arith.addf %mul3A_1043, %get3A_1047 : vector<16xf32>
        %swap3A_1049 = arith.index_cast %add3A_1002 : i32 to index
        %swap3A_1050 = arith.constant 32 : index
        %swap3A_1051 = tpu.vector_load %arg8[%swap3A_1049, %swap3A_1050] {strides = array<i32>} : memref<200x128xf32, #tpu.memory_space<vmem>>, vector<1x16xf32>,
        %swap3A_1052 = vector.shape_cast %swap3A_1051 : vector<1x16xf32> to vector<16xf32>
        %swap3A_1053 = vector.shape_cast %add3A_1048 : vector<16xf32> to vector<1x16xf32>
        tpu.vector_store %arg8[%swap3A_1049, %swap3A_1050], %swap3A_1053 {strides = array<i32>} : memref<200x128xf32, #tpu.memory_space<vmem>>, vector<1x16xf32>,
        %get3A_1054 = arith.index_cast %add3A_1002 : i32 to index
        %get3A_1055 = arith.constant 48 : index
        %get3A_1056 = tpu.vector_load %arg8[%get3A_1054, %get3A_1055] {strides = array<i32>} : memref<200x128xf32, #tpu.memory_space<vmem>>, vector<1x16xf32>,
        %get3A_1057 = vector.shape_cast %get3A_1056 : vector<1x16xf32> to vector<16xf32>
        %mul3A_1058 = arith.constant 11.3137083 : f32
        %mul3A_1059 = vector.broadcast %mul3A_1058 : f32 to vector<16xf32>
        %mul3A_1060 = arith.mulf %get3A_1057, %mul3A_1059 : vector<16xf32>
        %get3A_1061 = arith.index_cast %add3A_1002 : i32 to index
        %get3A_1062 = arith.constant 48 : index
        %get3A_1063 = tpu.vector_load %arg6[%get3A_1061, %get3A_1062] {strides = array<i32>} : memref<200x128xf32, #tpu.memory_space<vmem>>, vector<1x16xf32>,
        %get3A_1064 = vector.shape_cast %get3A_1063 : vector<1x16xf32> to vector<16xf32>
        %add3A_1065 = arith.addf %mul3A_1060, %get3A_1064 : vector<16xf32>
        %swap3A_1066 = arith.index_cast %add3A_1002 : i32 to index
        %swap3A_1067 = arith.constant 48 : index
        %swap3A_1068 = tpu.vector_load %arg8[%swap3A_1066, %swap3A_1067] {strides = array<i32>} : memref<200x128xf32, #tpu.memory_space<vmem>>, vector<1x16xf32>,
        %swap3A_1069 = vector.shape_cast %swap3A_1068 : vector<1x16xf32> to vector<16xf32>
        %swap3A_1070 = vector.shape_cast %add3A_1065 : vector<16xf32> to vector<1x16xf32>
        tpu.vector_store %arg8[%swap3A_1066, %swap3A_1067], %swap3A_1070 {strides = array<i32>} : memref<200x128xf32, #tpu.memory_space<vmem>>, vector<1x16xf32>,
        %get3A_1071 = arith.index_cast %add3A_1002 : i32 to index
        %get3A_1072 = arith.constant 64 : index
        %get3A_1073 = tpu.vector_load %arg8[%get3A_1071, %get3A_1072] {strides = array<i32>} : memref<200x128xf32, #tpu.memory_space<vmem>>, vector<1x16xf32>,
        %get3A_1074 = vector.shape_cast %get3A_1073 : vector<1x16xf32> to vector<16xf32>
        %mul3A_1075 = arith.constant 11.3137083 : f32
        %mul3A_1076 = vector.broadcast %mul3A_1075 : f32 to vector<16xf32>
        %mul3A_1077 = arith.mulf %get3A_1074, %mul3A_1076 : vector<16xf32>
        %get3A_1078 = arith.index_cast %add3A_1002 : i32 to index
        %get3A_1079 = arith.constant 64 : index
        %get3A_1080 = tpu.vector_load %arg6[%get3A_1078, %get3A_1079] {strides = array<i32>} : memref<200x128xf32, #tpu.memory_space<vmem>>, vector<1x16xf32>,
        %get3A_1081 = vector.shape_cast %get3A_1080 : vector<1x16xf32> to vector<16xf32>
        %add3A_1082 = arith.addf %mul3A_1077, %get3A_1081 : vector<16xf32>
        %swap3A_1083 = arith.index_cast %add3A_1002 : i32 to index
        %swap3A_1084 = arith.constant 64 : index
        %swap3A_1085 = tpu.vector_load %arg8[%swap3A_1083, %swap3A_1084] {strides = array<i32>} : memref<200x128xf32, #tpu.memory_space<vmem>>, vector<1x16xf32>,
        %swap3A_1086 = vector.shape_cast %swap3A_1085 : vector<1x16xf32> to vector<16xf32>
        %swap3A_1087 = vector.shape_cast %add3A_1082 : vector<16xf32> to vector<1x16xf32>
        tpu.vector_store %arg8[%swap3A_1083, %swap3A_1084], %swap3A_1087 {strides = array<i32>} : memref<200x128xf32, #tpu.memory_space<vmem>>, vector<1x16xf32>,
        %get3A_1088 = arith.index_cast %add3A_1002 : i32 to index
        %get3A_1089 = arith.constant 80 : index
        %get3A_1090 = tpu.vector_load %arg8[%get3A_1088, %get3A_1089] {strides = array<i32>} : memref<200x128xf32, #tpu.memory_space<vmem>>, vector<1x16xf32>,
        %get3A_1091 = vector.shape_cast %get3A_1090 : vector<1x16xf32> to vector<16xf32>
        %mul3A_1092 = arith.constant 11.3137083 : f32
        %mul3A_1093 = vector.broadcast %mul3A_1092 : f32 to vector<16xf32>
        %mul3A_1094 = arith.mulf %get3A_1091, %mul3A_1093 : vector<16xf32>
        %get3A_1095 = arith.index_cast %add3A_1002 : i32 to index
        %get3A_1096 = arith.constant 80 : index
        %get3A_1097 = tpu.vector_load %arg6[%get3A_1095, %get3A_1096] {strides = array<i32>} : memref<200x128xf32, #tpu.memory_space<vmem>>, vector<1x16xf32>,
        %get3A_1098 = vector.shape_cast %get3A_1097 : vector<1x16xf32> to vector<16xf32>
        %add3A_1099 = arith.addf %mul3A_1094, %get3A_1098 : vector<16xf32>
        %swap3A_1100 = arith.index_cast %add3A_1002 : i32 to index
        %swap3A_1101 = arith.constant 80 : index
        %swap3A_1102 = tpu.vector_load %arg8[%swap3A_1100, %swap3A_1101] {strides = array<i32>} : memref<200x128xf32, #tpu.memory_space<vmem>>, vector<1x16xf32>,
        %swap3A_1103 = vector.shape_cast %swap3A_1102 : vector<1x16xf32> to vector<16xf32>
        %swap3A_1104 = vector.shape_cast %add3A_1099 : vector<16xf32> to vector<1x16xf32>
        tpu.vector_store %arg8[%swap3A_1100, %swap3A_1101], %swap3A_1104 {strides = array<i32>} : memref<200x128xf32, #tpu.memory_space<vmem>>, vector<1x16xf32>,
        %get3A_1105 = arith.index_cast %add3A_1002 : i32 to index
        %get3A_1106 = arith.constant 96 : index
        %get3A_1107 = tpu.vector_load %arg8[%get3A_1105, %get3A_1106] {strides = array<i32>} : memref<200x128xf32, #tpu.memory_space<vmem>>, vector<1x16xf32>,
        %get3A_1108 = vector.shape_cast %get3A_1107 : vector<1x16xf32> to vector<16xf32>
        %mul3A_1109 = arith.constant 11.3137083 : f32
        %mul3A_1110 = vector.broadcast %mul3A_1109 : f32 to vector<16xf32>
        %mul3A_1111 = arith.mulf %get3A_1108, %mul3A_1110 : vector<16xf32>
        %get3A_1112 = arith.index_cast %add3A_1002 : i32 to index
        %get3A_1113 = arith.constant 96 : index
        %get3A_1114 = tpu.vector_load %arg6[%get3A_1112, %get3A_1113] {strides = array<i32>} : memref<200x128xf32, #tpu.memory_space<vmem>>, vector<1x16xf32>,
        %get3A_1115 = vector.shape_cast %get3A_1114 : vector<1x16xf32> to vector<16xf32>
        %add3A_1116 = arith.addf %mul3A_1111, %get3A_1115 : vector<16xf32>
        %swap3A_1117 = arith.index_cast %add3A_1002 : i32 to index
        %swap3A_1118 = arith.constant 96 : index
        %swap3A_1119 = tpu.vector_load %arg8[%swap3A_1117, %swap3A_1118] {strides = array<i32>} : memref<200x128xf32, #tpu.memory_space<vmem>>, vector<1x16xf32>,
        %swap3A_1120 = vector.shape_cast %swap3A_1119 : vector<1x16xf32> to vector<16xf32>
        %swap3A_1121 = vector.shape_cast %add3A_1116 : vector<16xf32> to vector<1x16xf32>
        tpu.vector_store %arg8[%swap3A_1117, %swap3A_1118], %swap3A_1121 {strides = array<i32>} : memref<200x128xf32, #tpu.memory_space<vmem>>, vector<1x16xf32>,
        %get3A_1122 = arith.index_cast %add3A_1002 : i32 to index
        %get3A_1123 = arith.constant 112 : index
        %get3A_1124 = tpu.vector_load %arg8[%get3A_1122, %get3A_1123] {strides = array<i32>} : memref<200x128xf32, #tpu.memory_space<vmem>>, vector<1x16xf32>,
        %get3A_1125 = vector.shape_cast %get3A_1124 : vector<1x16xf32> to vector<16xf32>
        %mul3A_1126 = arith.constant 11.3137083 : f32
        %mul3A_1127 = vector.broadcast %mul3A_1126 : f32 to vector<16xf32>
        %mul3A_1128 = arith.mulf %get3A_1125, %mul3A_1127 : vector<16xf32>
        %get3A_1129 = arith.index_cast %add3A_1002 : i32 to index
        %get3A_1130 = arith.constant 112 : index
        %get3A_1131 = tpu.vector_load %arg6[%get3A_1129, %get3A_1130] {strides = array<i32>} : memref<200x128xf32, #tpu.memory_space<vmem>>, vector<1x16xf32>,
        %get3A_1132 = vector.shape_cast %get3A_1131 : vector<1x16xf32> to vector<16xf32>
        %add3A_1133 = arith.addf %mul3A_1128, %get3A_1132 : vector<16xf32>
        %swap3A_1134 = arith.index_cast %add3A_1002 : i32 to index
        %swap3A_1135 = arith.constant 112 : index
        %swap3A_1136 = tpu.vector_load %arg8[%swap3A_1134, %swap3A_1135] {strides = array<i32>} : memref<200x128xf32, #tpu.memory_space<vmem>>, vector<1x16xf32>,
        %swap3A_1137 = vector.shape_cast %swap3A_1136 : vector<1x16xf32> to vector<16xf32>
        %swap3A_1138 = vector.shape_cast %add3A_1133 : vector<16xf32> to vector<1x16xf32>
        tpu.vector_store %arg8[%swap3A_1134, %swap3A_1135], %swap3A_1138 {strides = array<i32>} : memref<200x128xf32, #tpu.memory_space<vmem>>, vector<1x16xf32>,
      }
      %scan3A_686 = arith.constant 100 : i32
      %mul3A_687 = arith.constant 32 : i32
      %mul3A_688 = arith.muli %add3A_617, %mul3A_687 : i32
      %add3A_689 = arith.addi %mul3A_688, %add3A : i32
      %mul3A_690 = arith.constant 200 : i32
      %mul3A_691 = arith.muli %add3A_689, %mul3A_690 : i32
      %dma_start3A_692 = arith.constant 0 : i32
      %dma_start3A_693 = tpu.memref_slice %arg5[%mul3A_691, %dma_start3A_692] : memref<204800x128xf32, #tpu.memory_space<hbm>> -> memref<200x128xf32, #tpu.memory_space<hbm>>
      %dma_start3A_694 = arith.constant 0 : i32
      %dma_start3A_695 = tpu.memref_slice %arg5[%mul3A_691, %dma_start3A_694] : memref<204800x128xf32, #tpu.memory_space<hbm>> -> memref<200x128xf32, #tpu.memory_space<hbm>>
      tpu.enqueue_dma source(%arg8 : memref<200x128xf32, #tpu.memory_space<vmem>>) target(%dma_start3A_695 : memref<200x128xf32, #tpu.memory_space<hbm>>) target_semaphore(%arg20 : memref<!tpu.dma_semaphore, #tpu.memory_space<semaphore_mem>>)
      %mul3A_696 = arith.constant 4 : i32
      %mul3A_697 = arith.muli %scan3A_532, %mul3A_696 : i32
      %add3A_698 = arith.constant 2 : i32
      %add3A_699 = arith.addi %mul3A_697, %add3A_698 : i32
      %dma_wait3A_700 = arith.constant 0 : i32
      %dma_wait3A_701 = arith.constant 0 : i32
      %dma_wait3A_702 = tpu.memref_slice %arg9[%dma_wait3A_700, %dma_wait3A_701] : memref<200x128xf32, #tpu.memory_space<vmem>> -> memref<104x128xf32, #tpu.memory_space<vmem>>
      %dma_wait3A_703 = arith.constant 0 : i32
      %dma_wait3A_704 = tpu.memref_slice %arg13[%dma_wait3A_703] : memref<200xi32, #tpu.memory_space<vmem>> -> memref<104xi32, #tpu.memory_space<vmem>>
      %dma_wait3A_705 = arith.constant 0 : i32
      %dma_wait3A_706 = arith.constant 0 : i32
      %dma_wait3A_707 = tpu.memref_slice %arg3[%dma_wait3A_705, %dma_wait3A_706] : memref<100000x128xf32, #tpu.memory_space<hbm>> -> memref<100000x128xf32, #tpu.memory_space<hbm>>
      tpu.wait_indirect_dma semaphore(%arg17 : memref<!tpu.dma_semaphore, #tpu.memory_space<semaphore_mem>>) src(%dma_wait3A_707 : memref<100000x128xf32, #tpu.memory_space<hbm>>) dst(%dma_wait3A_702 : memref<104x128xf32, #tpu.memory_space<vmem>>)
      %dma_wait3A_708 = arith.constant 104 : i32
      %dma_wait3A_709 = arith.constant 0 : i32
      %dma_wait3A_710 = tpu.memref_slice %arg9[%dma_wait3A_708, %dma_wait3A_709] : memref<200x128xf32, #tpu.memory_space<vmem>> -> memref<96x128xf32, #tpu.memory_space<vmem>>
      %dma_wait3A_711 = arith.constant 104 : i32
      %dma_wait3A_712 = tpu.memref_slice %arg13[%dma_wait3A_711] : memref<200xi32, #tpu.memory_space<vmem>> -> memref<96xi32, #tpu.memory_space<vmem>>
      %dma_wait3A_713 = arith.constant 0 : i32
      %dma_wait3A_714 = arith.constant 0 : i32
      %dma_wait3A_715 = tpu.memref_slice %arg3[%dma_wait3A_713, %dma_wait3A_714] : memref<100000x128xf32, #tpu.memory_space<hbm>> -> memref<100000x128xf32, #tpu.memory_space<hbm>>
      tpu.wait_indirect_dma semaphore(%arg17 : memref<!tpu.dma_semaphore, #tpu.memory_space<semaphore_mem>>) src(%dma_wait3A_715 : memref<100000x128xf32, #tpu.memory_space<hbm>>) dst(%dma_wait3A_710 : memref<96x128xf32, #tpu.memory_space<vmem>>)
      %add3A_716 = arith.constant 4 : i32
      %add3A_717 = arith.addi %add3A_699, %add3A_716 : i32
      %mul3A_718 = arith.constant 32 : i32
      %mul3A_719 = arith.muli %add3A_717, %mul3A_718 : i32
      %add3A_720 = arith.addi %mul3A_719, %add3A : i32
      %mul3A_721 = arith.constant 200 : i32
      %mul3A_722 = arith.muli %add3A_720, %mul3A_721 : i32
      %dma_start3A_723 = tpu.memref_slice %arg2[%mul3A_722] : memref<204800xi32, #tpu.memory_space<hbm>> -> memref<200xi32, #tpu.memory_space<hbm>>
      %dma_start3A_724 = tpu.memref_slice %arg2[%mul3A_722] : memref<204800xi32, #tpu.memory_space<hbm>> -> memref<200xi32, #tpu.memory_space<hbm>>
      tpu.enqueue_dma source(%dma_start3A_724 : memref<200xi32, #tpu.memory_space<hbm>>) target(%arg13 : memref<200xi32, #tpu.memory_space<vmem>>) target_semaphore(%arg25 : memref<!tpu.dma_semaphore, #tpu.memory_space<semaphore_mem>>)
      %sub3A_725 = arith.constant 2 : i32
      %sub3A_726 = arith.subi %add3A_699, %sub3A_725 : i32
      %mul3A_727 = arith.constant 32 : i32
      %mul3A_728 = arith.muli %sub3A_726, %mul3A_727 : i32
      %add3A_729 = arith.addi %mul3A_728, %add3A : i32
      %mul3A_730 = arith.constant 200 : i32
      %mul3A_731 = arith.muli %add3A_729, %mul3A_730 : i32
      %dma_wait3A_732 = arith.constant 0 : i32
      %dma_wait3A_733 = tpu.memref_slice %arg5[%mul3A_731, %dma_wait3A_732] : memref<204800x128xf32, #tpu.memory_space<hbm>> -> memref<200x128xf32, #tpu.memory_space<hbm>>
      %dma_wait3A_734 = arith.constant 0 : i32
      %dma_wait3A_735 = tpu.memref_slice %arg5[%mul3A_731, %dma_wait3A_734] : memref<204800x128xf32, #tpu.memory_space<hbm>> -> memref<200x128xf32, #tpu.memory_space<hbm>>
      tpu.wait_dma2 semaphore(%arg19 : memref<!tpu.dma_semaphore, #tpu.memory_space<semaphore_mem>>) src(%arg7 : memref<200x128xf32, #tpu.memory_space<vmem>>) dst(%dma_wait3A_735 : memref<200x128xf32, #tpu.memory_space<hbm>>)
      %add3A_736 = arith.constant 2 : i32
      %add3A_737 = arith.addi %add3A_699, %add3A_736 : i32
      %mul3A_738 = arith.constant 32 : i32
      %mul3A_739 = arith.muli %add3A_737, %mul3A_738 : i32
      %add3A_740 = arith.addi %mul3A_739, %add3A : i32
      %mul3A_741 = arith.constant 200 : i32
      %mul3A_742 = arith.muli %add3A_740, %mul3A_741 : i32
      %dma_wait3A_743 = tpu.memref_slice %arg2[%mul3A_742] : memref<204800xi32, #tpu.memory_space<hbm>> -> memref<200xi32, #tpu.memory_space<hbm>>
      %dma_wait3A_744 = tpu.memref_slice %arg2[%mul3A_742] : memref<204800xi32, #tpu.memory_space<hbm>> -> memref<200xi32, #tpu.memory_space<hbm>>
      tpu.wait_dma2 semaphore(%arg23 : memref<!tpu.dma_semaphore, #tpu.memory_space<semaphore_mem>>) src(%dma_wait3A_744 : memref<200xi32, #tpu.memory_space<hbm>>) dst(%arg11 : memref<200xi32, #tpu.memory_space<vmem>>)
      %add3A_745 = arith.constant 2 : i32
      %add3A_746 = arith.addi %add3A_699, %add3A_745 : i32
      %dma_start3A_747 = arith.constant 0 : i32
      %dma_start3A_748 = arith.constant 0 : i32
      %dma_start3A_749 = tpu.memref_slice %arg7[%dma_start3A_747, %dma_start3A_748] : memref<200x128xf32, #tpu.memory_space<vmem>> -> memref<104x128xf32, #tpu.memory_space<vmem>>
      %dma_start3A_750 = arith.constant 0 : i32
      %dma_start3A_751 = tpu.memref_slice %arg11[%dma_start3A_750] : memref<200xi32, #tpu.memory_space<vmem>> -> memref<104xi32, #tpu.memory_space<vmem>>
      %dma_start3A_752 = arith.constant 0 : i32
      %dma_start3A_753 = arith.constant 0 : i32
      %dma_start3A_754 = tpu.memref_slice %arg3[%dma_start3A_752, %dma_start3A_753] : memref<100000x128xf32, #tpu.memory_space<hbm>> -> memref<100000x128xf32, #tpu.memory_space<hbm>>
      tpu.enqueue_indirect_dma source(%dma_start3A_754 : memref<100000x128xf32, #tpu.memory_space<hbm>>) target(%dma_start3A_749 : memref<104x128xf32, #tpu.memory_space<vmem>>) offsets(%dma_start3A_751 : memref<104xi32, #tpu.memory_space<vmem>>) semaphore(%arg15 : memref<!tpu.dma_semaphore, #tpu.memory_space<semaphore_mem>>)
      %dma_start3A_755 = arith.constant 104 : i32
      %dma_start3A_756 = arith.constant 0 : i32
      %dma_start3A_757 = tpu.memref_slice %arg7[%dma_start3A_755, %dma_start3A_756] : memref<200x128xf32, #tpu.memory_space<vmem>> -> memref<96x128xf32, #tpu.memory_space<vmem>>
      %dma_start3A_758 = arith.constant 104 : i32
      %dma_start3A_759 = tpu.memref_slice %arg11[%dma_start3A_758] : memref<200xi32, #tpu.memory_space<vmem>> -> memref<96xi32, #tpu.memory_space<vmem>>
      %dma_start3A_760 = arith.constant 0 : i32
      %dma_start3A_761 = arith.constant 0 : i32
      %dma_start3A_762 = tpu.memref_slice %arg3[%dma_start3A_760, %dma_start3A_761] : memref<100000x128xf32, #tpu.memory_space<hbm>> -> memref<100000x128xf32, #tpu.memory_space<hbm>>
      tpu.enqueue_indirect_dma source(%dma_start3A_762 : memref<100000x128xf32, #tpu.memory_space<hbm>>) target(%dma_start3A_757 : memref<96x128xf32, #tpu.memory_space<vmem>>) offsets(%dma_start3A_759 : memref<96xi32, #tpu.memory_space<vmem>>) semaphore(%arg15 : memref<!tpu.dma_semaphore, #tpu.memory_space<semaphore_mem>>)
      %scan3A_763 = arith.constant 0 : i32
      %scan3A_764 = arith.constant 0 : i32
      %scan3A_765 = arith.constant 100 : i32
      %scan3A_766 = arith.addi %scan3A_764, %scan3A_765 : i32
      %scan3A_767 = arith.constant 1 : i32
      scf.for %scan3A_860 = %scan3A_764 to %scan3A_766 step %scan3A_767  : i32 {
        %mul3A_861 = arith.constant 2 : i32
        %mul3A_862 = arith.muli %scan3A_860, %mul3A_861 : i32
        %add3A_863 = arith.constant 0 : i32
        %add3A_864 = arith.addi %mul3A_862, %add3A_863 : i32
        %get3A = arith.index_cast %add3A_864 : i32 to index
        %get3A_865 = arith.constant 0 : index
        %get3A_866 = tpu.vector_load %arg9[%get3A, %get3A_865] {strides = array<i32>} : memref<200x128xf32, #tpu.memory_space<vmem>>, vector<1x16xf32>,
        %get3A_867 = vector.shape_cast %get3A_866 : vector<1x16xf32> to vector<16xf32>
        %mul3A_868 = arith.constant 11.3137083 : f32
        %mul3A_869 = vector.broadcast %mul3A_868 : f32 to vector<16xf32>
        %mul3A_870 = arith.mulf %get3A_867, %mul3A_869 : vector<16xf32>
        %get3A_871 = arith.index_cast %add3A_864 : i32 to index
        %get3A_872 = arith.constant 0 : index
        %get3A_873 = tpu.vector_load %arg6[%get3A_871, %get3A_872] {strides = array<i32>} : memref<200x128xf32, #tpu.memory_space<vmem>>, vector<1x16xf32>,
        %get3A_874 = vector.shape_cast %get3A_873 : vector<1x16xf32> to vector<16xf32>
        %add3A_875 = arith.addf %mul3A_870, %get3A_874 : vector<16xf32>
        %swap3A = arith.index_cast %add3A_864 : i32 to index
        %swap3A_876 = arith.constant 0 : index
        %swap3A_877 = tpu.vector_load %arg9[%swap3A, %swap3A_876] {strides = array<i32>} : memref<200x128xf32, #tpu.memory_space<vmem>>, vector<1x16xf32>,
        %swap3A_878 = vector.shape_cast %swap3A_877 : vector<1x16xf32> to vector<16xf32>
        %swap3A_879 = vector.shape_cast %add3A_875 : vector<16xf32> to vector<1x16xf32>
        tpu.vector_store %arg9[%swap3A, %swap3A_876], %swap3A_879 {strides = array<i32>} : memref<200x128xf32, #tpu.memory_space<vmem>>, vector<1x16xf32>,
        %get3A_880 = arith.index_cast %add3A_864 : i32 to index
        %get3A_881 = arith.constant 16 : index
        %get3A_882 = tpu.vector_load %arg9[%get3A_880, %get3A_881] {strides = array<i32>} : memref<200x128xf32, #tpu.memory_space<vmem>>, vector<1x16xf32>,
        %get3A_883 = vector.shape_cast %get3A_882 : vector<1x16xf32> to vector<16xf32>
        %mul3A_884 = arith.constant 11.3137083 : f32
        %mul3A_885 = vector.broadcast %mul3A_884 : f32 to vector<16xf32>
        %mul3A_886 = arith.mulf %get3A_883, %mul3A_885 : vector<16xf32>
        %get3A_887 = arith.index_cast %add3A_864 : i32 to index
        %get3A_888 = arith.constant 16 : index
        %get3A_889 = tpu.vector_load %arg6[%get3A_887, %get3A_888] {strides = array<i32>} : memref<200x128xf32, #tpu.memory_space<vmem>>, vector<1x16xf32>,
        %get3A_890 = vector.shape_cast %get3A_889 : vector<1x16xf32> to vector<16xf32>
        %add3A_891 = arith.addf %mul3A_886, %get3A_890 : vector<16xf32>
        %swap3A_892 = arith.index_cast %add3A_864 : i32 to index
        %swap3A_893 = arith.constant 16 : index
        %swap3A_894 = tpu.vector_load %arg9[%swap3A_892, %swap3A_893] {strides = array<i32>} : memref<200x128xf32, #tpu.memory_space<vmem>>, vector<1x16xf32>,
        %swap3A_895 = vector.shape_cast %swap3A_894 : vector<1x16xf32> to vector<16xf32>
        %swap3A_896 = vector.shape_cast %add3A_891 : vector<16xf32> to vector<1x16xf32>
        tpu.vector_store %arg9[%swap3A_892, %swap3A_893], %swap3A_896 {strides = array<i32>} : memref<200x128xf32, #tpu.memory_space<vmem>>, vector<1x16xf32>,
        %get3A_897 = arith.index_cast %add3A_864 : i32 to index
        %get3A_898 = arith.constant 32 : index
        %get3A_899 = tpu.vector_load %arg9[%get3A_897, %get3A_898] {strides = array<i32>} : memref<200x128xf32, #tpu.memory_space<vmem>>, vector<1x16xf32>,
        %get3A_900 = vector.shape_cast %get3A_899 : vector<1x16xf32> to vector<16xf32>
        %mul3A_901 = arith.constant 11.3137083 : f32
        %mul3A_902 = vector.broadcast %mul3A_901 : f32 to vector<16xf32>
        %mul3A_903 = arith.mulf %get3A_900, %mul3A_902 : vector<16xf32>
        %get3A_904 = arith.index_cast %add3A_864 : i32 to index
        %get3A_905 = arith.constant 32 : index
        %get3A_906 = tpu.vector_load %arg6[%get3A_904, %get3A_905] {strides = array<i32>} : memref<200x128xf32, #tpu.memory_space<vmem>>, vector<1x16xf32>,
        %get3A_907 = vector.shape_cast %get3A_906 : vector<1x16xf32> to vector<16xf32>
        %add3A_908 = arith.addf %mul3A_903, %get3A_907 : vector<16xf32>
        %swap3A_909 = arith.index_cast %add3A_864 : i32 to index
        %swap3A_910 = arith.constant 32 : index
        %swap3A_911 = tpu.vector_load %arg9[%swap3A_909, %swap3A_910] {strides = array<i32>} : memref<200x128xf32, #tpu.memory_space<vmem>>, vector<1x16xf32>,
        %swap3A_912 = vector.shape_cast %swap3A_911 : vector<1x16xf32> to vector<16xf32>
        %swap3A_913 = vector.shape_cast %add3A_908 : vector<16xf32> to vector<1x16xf32>
        tpu.vector_store %arg9[%swap3A_909, %swap3A_910], %swap3A_913 {strides = array<i32>} : memref<200x128xf32, #tpu.memory_space<vmem>>, vector<1x16xf32>,
        %get3A_914 = arith.index_cast %add3A_864 : i32 to index
        %get3A_915 = arith.constant 48 : index
        %get3A_916 = tpu.vector_load %arg9[%get3A_914, %get3A_915] {strides = array<i32>} : memref<200x128xf32, #tpu.memory_space<vmem>>, vector<1x16xf32>,
        %get3A_917 = vector.shape_cast %get3A_916 : vector<1x16xf32> to vector<16xf32>
        %mul3A_918 = arith.constant 11.3137083 : f32
        %mul3A_919 = vector.broadcast %mul3A_918 : f32 to vector<16xf32>
        %mul3A_920 = arith.mulf %get3A_917, %mul3A_919 : vector<16xf32>
        %get3A_921 = arith.index_cast %add3A_864 : i32 to index
        %get3A_922 = arith.constant 48 : index
        %get3A_923 = tpu.vector_load %arg6[%get3A_921, %get3A_922] {strides = array<i32>} : memref<200x128xf32, #tpu.memory_space<vmem>>, vector<1x16xf32>,
        %get3A_924 = vector.shape_cast %get3A_923 : vector<1x16xf32> to vector<16xf32>
        %add3A_925 = arith.addf %mul3A_920, %get3A_924 : vector<16xf32>
        %swap3A_926 = arith.index_cast %add3A_864 : i32 to index
        %swap3A_927 = arith.constant 48 : index
        %swap3A_928 = tpu.vector_load %arg9[%swap3A_926, %swap3A_927] {strides = array<i32>} : memref<200x128xf32, #tpu.memory_space<vmem>>, vector<1x16xf32>,
        %swap3A_929 = vector.shape_cast %swap3A_928 : vector<1x16xf32> to vector<16xf32>
        %swap3A_930 = vector.shape_cast %add3A_925 : vector<16xf32> to vector<1x16xf32>
        tpu.vector_store %arg9[%swap3A_926, %swap3A_927], %swap3A_930 {strides = array<i32>} : memref<200x128xf32, #tpu.memory_space<vmem>>, vector<1x16xf32>,
        %get3A_931 = arith.index_cast %add3A_864 : i32 to index
        %get3A_932 = arith.constant 64 : index
        %get3A_933 = tpu.vector_load %arg9[%get3A_931, %get3A_932] {strides = array<i32>} : memref<200x128xf32, #tpu.memory_space<vmem>>, vector<1x16xf32>,
        %get3A_934 = vector.shape_cast %get3A_933 : vector<1x16xf32> to vector<16xf32>
        %mul3A_935 = arith.constant 11.3137083 : f32
        %mul3A_936 = vector.broadcast %mul3A_935 : f32 to vector<16xf32>
        %mul3A_937 = arith.mulf %get3A_934, %mul3A_936 : vector<16xf32>
        %get3A_938 = arith.index_cast %add3A_864 : i32 to index
        %get3A_939 = arith.constant 64 : index
        %get3A_940 = tpu.vector_load %arg6[%get3A_938, %get3A_939] {strides = array<i32>} : memref<200x128xf32, #tpu.memory_space<vmem>>, vector<1x16xf32>,
        %get3A_941 = vector.shape_cast %get3A_940 : vector<1x16xf32> to vector<16xf32>
        %add3A_942 = arith.addf %mul3A_937, %get3A_941 : vector<16xf32>
        %swap3A_943 = arith.index_cast %add3A_864 : i32 to index
        %swap3A_944 = arith.constant 64 : index
        %swap3A_945 = tpu.vector_load %arg9[%swap3A_943, %swap3A_944] {strides = array<i32>} : memref<200x128xf32, #tpu.memory_space<vmem>>, vector<1x16xf32>,
        %swap3A_946 = vector.shape_cast %swap3A_945 : vector<1x16xf32> to vector<16xf32>
        %swap3A_947 = vector.shape_cast %add3A_942 : vector<16xf32> to vector<1x16xf32>
        tpu.vector_store %arg9[%swap3A_943, %swap3A_944], %swap3A_947 {strides = array<i32>} : memref<200x128xf32, #tpu.memory_space<vmem>>, vector<1x16xf32>,
        %get3A_948 = arith.index_cast %add3A_864 : i32 to index
        %get3A_949 = arith.constant 80 : index
        %get3A_950 = tpu.vector_load %arg9[%get3A_948, %get3A_949] {strides = array<i32>} : memref<200x128xf32, #tpu.memory_space<vmem>>, vector<1x16xf32>,
        %get3A_951 = vector.shape_cast %get3A_950 : vector<1x16xf32> to vector<16xf32>
        %mul3A_952 = arith.constant 11.3137083 : f32
        %mul3A_953 = vector.broadcast %mul3A_952 : f32 to vector<16xf32>
        %mul3A_954 = arith.mulf %get3A_951, %mul3A_953 : vector<16xf32>
        %get3A_955 = arith.index_cast %add3A_864 : i32 to index
        %get3A_956 = arith.constant 80 : index
        %get3A_957 = tpu.vector_load %arg6[%get3A_955, %get3A_956] {strides = array<i32>} : memref<200x128xf32, #tpu.memory_space<vmem>>, vector<1x16xf32>,
        %get3A_958 = vector.shape_cast %get3A_957 : vector<1x16xf32> to vector<16xf32>
        %add3A_959 = arith.addf %mul3A_954, %get3A_958 : vector<16xf32>
        %swap3A_960 = arith.index_cast %add3A_864 : i32 to index
        %swap3A_961 = arith.constant 80 : index
        %swap3A_962 = tpu.vector_load %arg9[%swap3A_960, %swap3A_961] {strides = array<i32>} : memref<200x128xf32, #tpu.memory_space<vmem>>, vector<1x16xf32>,
        %swap3A_963 = vector.shape_cast %swap3A_962 : vector<1x16xf32> to vector<16xf32>
        %swap3A_964 = vector.shape_cast %add3A_959 : vector<16xf32> to vector<1x16xf32>
        tpu.vector_store %arg9[%swap3A_960, %swap3A_961], %swap3A_964 {strides = array<i32>} : memref<200x128xf32, #tpu.memory_space<vmem>>, vector<1x16xf32>,
        %get3A_965 = arith.index_cast %add3A_864 : i32 to index
        %get3A_966 = arith.constant 96 : index
        %get3A_967 = tpu.vector_load %arg9[%get3A_965, %get3A_966] {strides = array<i32>} : memref<200x128xf32, #tpu.memory_space<vmem>>, vector<1x16xf32>,
        %get3A_968 = vector.shape_cast %get3A_967 : vector<1x16xf32> to vector<16xf32>
        %mul3A_969 = arith.constant 11.3137083 : f32
        %mul3A_970 = vector.broadcast %mul3A_969 : f32 to vector<16xf32>
        %mul3A_971 = arith.mulf %get3A_968, %mul3A_970 : vector<16xf32>
        %get3A_972 = arith.index_cast %add3A_864 : i32 to index
        %get3A_973 = arith.constant 96 : index
        %get3A_974 = tpu.vector_load %arg6[%get3A_972, %get3A_973] {strides = array<i32>} : memref<200x128xf32, #tpu.memory_space<vmem>>, vector<1x16xf32>,
        %get3A_975 = vector.shape_cast %get3A_974 : vector<1x16xf32> to vector<16xf32>
        %add3A_976 = arith.addf %mul3A_971, %get3A_975 : vector<16xf32>
        %swap3A_977 = arith.index_cast %add3A_864 : i32 to index
        %swap3A_978 = arith.constant 96 : index
        %swap3A_979 = tpu.vector_load %arg9[%swap3A_977, %swap3A_978] {strides = array<i32>} : memref<200x128xf32, #tpu.memory_space<vmem>>, vector<1x16xf32>,
        %swap3A_980 = vector.shape_cast %swap3A_979 : vector<1x16xf32> to vector<16xf32>
        %swap3A_981 = vector.shape_cast %add3A_976 : vector<16xf32> to vector<1x16xf32>
        tpu.vector_store %arg9[%swap3A_977, %swap3A_978], %swap3A_981 {strides = array<i32>} : memref<200x128xf32, #tpu.memory_space<vmem>>, vector<1x16xf32>,
        %get3A_982 = arith.index_cast %add3A_864 : i32 to index
        %get3A_983 = arith.constant 112 : index
        %get3A_984 = tpu.vector_load %arg9[%get3A_982, %get3A_983] {strides = array<i32>} : memref<200x128xf32, #tpu.memory_space<vmem>>, vector<1x16xf32>,
        %get3A_985 = vector.shape_cast %get3A_984 : vector<1x16xf32> to vector<16xf32>
        %mul3A_986 = arith.constant 11.3137083 : f32
        %mul3A_987 = vector.broadcast %mul3A_986 : f32 to vector<16xf32>
        %mul3A_988 = arith.mulf %get3A_985, %mul3A_987 : vector<16xf32>
        %get3A_989 = arith.index_cast %add3A_864 : i32 to index
        %get3A_990 = arith.constant 112 : index
        %get3A_991 = tpu.vector_load %arg6[%get3A_989, %get3A_990] {strides = array<i32>} : memref<200x128xf32, #tpu.memory_space<vmem>>, vector<1x16xf32>,
        %get3A_992 = vector.shape_cast %get3A_991 : vector<1x16xf32> to vector<16xf32>
        %add3A_993 = arith.addf %mul3A_988, %get3A_992 : vector<16xf32>
        %swap3A_994 = arith.index_cast %add3A_864 : i32 to index
        %swap3A_995 = arith.constant 112 : index
        %swap3A_996 = tpu.vector_load %arg9[%swap3A_994, %swap3A_995] {strides = array<i32>} : memref<200x128xf32, #tpu.memory_space<vmem>>, vector<1x16xf32>,
        %swap3A_997 = vector.shape_cast %swap3A_996 : vector<1x16xf32> to vector<16xf32>
        %swap3A_998 = vector.shape_cast %add3A_993 : vector<16xf32> to vector<1x16xf32>
        tpu.vector_store %arg9[%swap3A_994, %swap3A_995], %swap3A_998 {strides = array<i32>} : memref<200x128xf32, #tpu.memory_space<vmem>>, vector<1x16xf32>,
        %mul3A_999 = arith.constant 2 : i32
        %mul3A_1000 = arith.muli %scan3A_860, %mul3A_999 : i32
        %add3A_1001 = arith.constant 1 : i32
        %add3A_1002 = arith.addi %mul3A_1000, %add3A_1001 : i32
        %get3A_1003 = arith.index_cast %add3A_1002 : i32 to index
        %get3A_1004 = arith.constant 0 : index
        %get3A_1005 = tpu.vector_load %arg9[%get3A_1003, %get3A_1004] {strides = array<i32>} : memref<200x128xf32, #tpu.memory_space<vmem>>, vector<1x16xf32>,
        %get3A_1006 = vector.shape_cast %get3A_1005 : vector<1x16xf32> to vector<16xf32>
        %mul3A_1007 = arith.constant 11.3137083 : f32
        %mul3A_1008 = vector.broadcast %mul3A_1007 : f32 to vector<16xf32>
        %mul3A_1009 = arith.mulf %get3A_1006, %mul3A_1008 : vector<16xf32>
        %get3A_1010 = arith.index_cast %add3A_1002 : i32 to index
        %get3A_1011 = arith.constant 0 : index
        %get3A_1012 = tpu.vector_load %arg6[%get3A_1010, %get3A_1011] {strides = array<i32>} : memref<200x128xf32, #tpu.memory_space<vmem>>, vector<1x16xf32>,
        %get3A_1013 = vector.shape_cast %get3A_1012 : vector<1x16xf32> to vector<16xf32>
        %add3A_1014 = arith.addf %mul3A_1009, %get3A_1013 : vector<16xf32>
        %swap3A_1015 = arith.index_cast %add3A_1002 : i32 to index
        %swap3A_1016 = arith.constant 0 : index
        %swap3A_1017 = tpu.vector_load %arg9[%swap3A_1015, %swap3A_1016] {strides = array<i32>} : memref<200x128xf32, #tpu.memory_space<vmem>>, vector<1x16xf32>,
        %swap3A_1018 = vector.shape_cast %swap3A_1017 : vector<1x16xf32> to vector<16xf32>
        %swap3A_1019 = vector.shape_cast %add3A_1014 : vector<16xf32> to vector<1x16xf32>
        tpu.vector_store %arg9[%swap3A_1015, %swap3A_1016], %swap3A_1019 {strides = array<i32>} : memref<200x128xf32, #tpu.memory_space<vmem>>, vector<1x16xf32>,
        %get3A_1020 = arith.index_cast %add3A_1002 : i32 to index
        %get3A_1021 = arith.constant 16 : index
        %get3A_1022 = tpu.vector_load %arg9[%get3A_1020, %get3A_1021] {strides = array<i32>} : memref<200x128xf32, #tpu.memory_space<vmem>>, vector<1x16xf32>,
        %get3A_1023 = vector.shape_cast %get3A_1022 : vector<1x16xf32> to vector<16xf32>
        %mul3A_1024 = arith.constant 11.3137083 : f32
        %mul3A_1025 = vector.broadcast %mul3A_1024 : f32 to vector<16xf32>
        %mul3A_1026 = arith.mulf %get3A_1023, %mul3A_1025 : vector<16xf32>
        %get3A_1027 = arith.index_cast %add3A_1002 : i32 to index
        %get3A_1028 = arith.constant 16 : index
        %get3A_1029 = tpu.vector_load %arg6[%get3A_1027, %get3A_1028] {strides = array<i32>} : memref<200x128xf32, #tpu.memory_space<vmem>>, vector<1x16xf32>,
        %get3A_1030 = vector.shape_cast %get3A_1029 : vector<1x16xf32> to vector<16xf32>
        %add3A_1031 = arith.addf %mul3A_1026, %get3A_1030 : vector<16xf32>
        %swap3A_1032 = arith.index_cast %add3A_1002 : i32 to index
        %swap3A_1033 = arith.constant 16 : index
        %swap3A_1034 = tpu.vector_load %arg9[%swap3A_1032, %swap3A_1033] {strides = array<i32>} : memref<200x128xf32, #tpu.memory_space<vmem>>, vector<1x16xf32>,
        %swap3A_1035 = vector.shape_cast %swap3A_1034 : vector<1x16xf32> to vector<16xf32>
        %swap3A_1036 = vector.shape_cast %add3A_1031 : vector<16xf32> to vector<1x16xf32>
        tpu.vector_store %arg9[%swap3A_1032, %swap3A_1033], %swap3A_1036 {strides = array<i32>} : memref<200x128xf32, #tpu.memory_space<vmem>>, vector<1x16xf32>,
        %get3A_1037 = arith.index_cast %add3A_1002 : i32 to index
        %get3A_1038 = arith.constant 32 : index
        %get3A_1039 = tpu.vector_load %arg9[%get3A_1037, %get3A_1038] {strides = array<i32>} : memref<200x128xf32, #tpu.memory_space<vmem>>, vector<1x16xf32>,
        %get3A_1040 = vector.shape_cast %get3A_1039 : vector<1x16xf32> to vector<16xf32>
        %mul3A_1041 = arith.constant 11.3137083 : f32
        %mul3A_1042 = vector.broadcast %mul3A_1041 : f32 to vector<16xf32>
        %mul3A_1043 = arith.mulf %get3A_1040, %mul3A_1042 : vector<16xf32>
        %get3A_1044 = arith.index_cast %add3A_1002 : i32 to index
        %get3A_1045 = arith.constant 32 : index
        %get3A_1046 = tpu.vector_load %arg6[%get3A_1044, %get3A_1045] {strides = array<i32>} : memref<200x128xf32, #tpu.memory_space<vmem>>, vector<1x16xf32>,
        %get3A_1047 = vector.shape_cast %get3A_1046 : vector<1x16xf32> to vector<16xf32>
        %add3A_1048 = arith.addf %mul3A_1043, %get3A_1047 : vector<16xf32>
        %swap3A_1049 = arith.index_cast %add3A_1002 : i32 to index
        %swap3A_1050 = arith.constant 32 : index
        %swap3A_1051 = tpu.vector_load %arg9[%swap3A_1049, %swap3A_1050] {strides = array<i32>} : memref<200x128xf32, #tpu.memory_space<vmem>>, vector<1x16xf32>,
        %swap3A_1052 = vector.shape_cast %swap3A_1051 : vector<1x16xf32> to vector<16xf32>
        %swap3A_1053 = vector.shape_cast %add3A_1048 : vector<16xf32> to vector<1x16xf32>
        tpu.vector_store %arg9[%swap3A_1049, %swap3A_1050], %swap3A_1053 {strides = array<i32>} : memref<200x128xf32, #tpu.memory_space<vmem>>, vector<1x16xf32>,
        %get3A_1054 = arith.index_cast %add3A_1002 : i32 to index
        %get3A_1055 = arith.constant 48 : index
        %get3A_1056 = tpu.vector_load %arg9[%get3A_1054, %get3A_1055] {strides = array<i32>} : memref<200x128xf32, #tpu.memory_space<vmem>>, vector<1x16xf32>,
        %get3A_1057 = vector.shape_cast %get3A_1056 : vector<1x16xf32> to vector<16xf32>
        %mul3A_1058 = arith.constant 11.3137083 : f32
        %mul3A_1059 = vector.broadcast %mul3A_1058 : f32 to vector<16xf32>
        %mul3A_1060 = arith.mulf %get3A_1057, %mul3A_1059 : vector<16xf32>
        %get3A_1061 = arith.index_cast %add3A_1002 : i32 to index
        %get3A_1062 = arith.constant 48 : index
        %get3A_1063 = tpu.vector_load %arg6[%get3A_1061, %get3A_1062] {strides = array<i32>} : memref<200x128xf32, #tpu.memory_space<vmem>>, vector<1x16xf32>,
        %get3A_1064 = vector.shape_cast %get3A_1063 : vector<1x16xf32> to vector<16xf32>
        %add3A_1065 = arith.addf %mul3A_1060, %get3A_1064 : vector<16xf32>
        %swap3A_1066 = arith.index_cast %add3A_1002 : i32 to index
        %swap3A_1067 = arith.constant 48 : index
        %swap3A_1068 = tpu.vector_load %arg9[%swap3A_1066, %swap3A_1067] {strides = array<i32>} : memref<200x128xf32, #tpu.memory_space<vmem>>, vector<1x16xf32>,
        %swap3A_1069 = vector.shape_cast %swap3A_1068 : vector<1x16xf32> to vector<16xf32>
        %swap3A_1070 = vector.shape_cast %add3A_1065 : vector<16xf32> to vector<1x16xf32>
        tpu.vector_store %arg9[%swap3A_1066, %swap3A_1067], %swap3A_1070 {strides = array<i32>} : memref<200x128xf32, #tpu.memory_space<vmem>>, vector<1x16xf32>,
        %get3A_1071 = arith.index_cast %add3A_1002 : i32 to index
        %get3A_1072 = arith.constant 64 : index
        %get3A_1073 = tpu.vector_load %arg9[%get3A_1071, %get3A_1072] {strides = array<i32>} : memref<200x128xf32, #tpu.memory_space<vmem>>, vector<1x16xf32>,
        %get3A_1074 = vector.shape_cast %get3A_1073 : vector<1x16xf32> to vector<16xf32>
        %mul3A_1075 = arith.constant 11.3137083 : f32
        %mul3A_1076 = vector.broadcast %mul3A_1075 : f32 to vector<16xf32>
        %mul3A_1077 = arith.mulf %get3A_1074, %mul3A_1076 : vector<16xf32>
        %get3A_1078 = arith.index_cast %add3A_1002 : i32 to index
        %get3A_1079 = arith.constant 64 : index
        %get3A_1080 = tpu.vector_load %arg6[%get3A_1078, %get3A_1079] {strides = array<i32>} : memref<200x128xf32, #tpu.memory_space<vmem>>, vector<1x16xf32>,
        %get3A_1081 = vector.shape_cast %get3A_1080 : vector<1x16xf32> to vector<16xf32>
        %add3A_1082 = arith.addf %mul3A_1077, %get3A_1081 : vector<16xf32>
        %swap3A_1083 = arith.index_cast %add3A_1002 : i32 to index
        %swap3A_1084 = arith.constant 64 : index
        %swap3A_1085 = tpu.vector_load %arg9[%swap3A_1083, %swap3A_1084] {strides = array<i32>} : memref<200x128xf32, #tpu.memory_space<vmem>>, vector<1x16xf32>,
        %swap3A_1086 = vector.shape_cast %swap3A_1085 : vector<1x16xf32> to vector<16xf32>
        %swap3A_1087 = vector.shape_cast %add3A_1082 : vector<16xf32> to vector<1x16xf32>
        tpu.vector_store %arg9[%swap3A_1083, %swap3A_1084], %swap3A_1087 {strides = array<i32>} : memref<200x128xf32, #tpu.memory_space<vmem>>, vector<1x16xf32>,
        %get3A_1088 = arith.index_cast %add3A_1002 : i32 to index
        %get3A_1089 = arith.constant 80 : index
        %get3A_1090 = tpu.vector_load %arg9[%get3A_1088, %get3A_1089] {strides = array<i32>} : memref<200x128xf32, #tpu.memory_space<vmem>>, vector<1x16xf32>,
        %get3A_1091 = vector.shape_cast %get3A_1090 : vector<1x16xf32> to vector<16xf32>
        %mul3A_1092 = arith.constant 11.3137083 : f32
        %mul3A_1093 = vector.broadcast %mul3A_1092 : f32 to vector<16xf32>
        %mul3A_1094 = arith.mulf %get3A_1091, %mul3A_1093 : vector<16xf32>
        %get3A_1095 = arith.index_cast %add3A_1002 : i32 to index
        %get3A_1096 = arith.constant 80 : index
        %get3A_1097 = tpu.vector_load %arg6[%get3A_1095, %get3A_1096] {strides = array<i32>} : memref<200x128xf32, #tpu.memory_space<vmem>>, vector<1x16xf32>,
        %get3A_1098 = vector.shape_cast %get3A_1097 : vector<1x16xf32> to vector<16xf32>
        %add3A_1099 = arith.addf %mul3A_1094, %get3A_1098 : vector<16xf32>
        %swap3A_1100 = arith.index_cast %add3A_1002 : i32 to index
        %swap3A_1101 = arith.constant 80 : index
        %swap3A_1102 = tpu.vector_load %arg9[%swap3A_1100, %swap3A_1101] {strides = array<i32>} : memref<200x128xf32, #tpu.memory_space<vmem>>, vector<1x16xf32>,
        %swap3A_1103 = vector.shape_cast %swap3A_1102 : vector<1x16xf32> to vector<16xf32>
        %swap3A_1104 = vector.shape_cast %add3A_1099 : vector<16xf32> to vector<1x16xf32>
        tpu.vector_store %arg9[%swap3A_1100, %swap3A_1101], %swap3A_1104 {strides = array<i32>} : memref<200x128xf32, #tpu.memory_space<vmem>>, vector<1x16xf32>,
        %get3A_1105 = arith.index_cast %add3A_1002 : i32 to index
        %get3A_1106 = arith.constant 96 : index
        %get3A_1107 = tpu.vector_load %arg9[%get3A_1105, %get3A_1106] {strides = array<i32>} : memref<200x128xf32, #tpu.memory_space<vmem>>, vector<1x16xf32>,
        %get3A_1108 = vector.shape_cast %get3A_1107 : vector<1x16xf32> to vector<16xf32>
        %mul3A_1109 = arith.constant 11.3137083 : f32
        %mul3A_1110 = vector.broadcast %mul3A_1109 : f32 to vector<16xf32>
        %mul3A_1111 = arith.mulf %get3A_1108, %mul3A_1110 : vector<16xf32>
        %get3A_1112 = arith.index_cast %add3A_1002 : i32 to index
        %get3A_1113 = arith.constant 96 : index
        %get3A_1114 = tpu.vector_load %arg6[%get3A_1112, %get3A_1113] {strides = array<i32>} : memref<200x128xf32, #tpu.memory_space<vmem>>, vector<1x16xf32>,
        %get3A_1115 = vector.shape_cast %get3A_1114 : vector<1x16xf32> to vector<16xf32>
        %add3A_1116 = arith.addf %mul3A_1111, %get3A_1115 : vector<16xf32>
        %swap3A_1117 = arith.index_cast %add3A_1002 : i32 to index
        %swap3A_1118 = arith.constant 96 : index
        %swap3A_1119 = tpu.vector_load %arg9[%swap3A_1117, %swap3A_1118] {strides = array<i32>} : memref<200x128xf32, #tpu.memory_space<vmem>>, vector<1x16xf32>,
        %swap3A_1120 = vector.shape_cast %swap3A_1119 : vector<1x16xf32> to vector<16xf32>
        %swap3A_1121 = vector.shape_cast %add3A_1116 : vector<16xf32> to vector<1x16xf32>
        tpu.vector_store %arg9[%swap3A_1117, %swap3A_1118], %swap3A_1121 {strides = array<i32>} : memref<200x128xf32, #tpu.memory_space<vmem>>, vector<1x16xf32>,
        %get3A_1122 = arith.index_cast %add3A_1002 : i32 to index
        %get3A_1123 = arith.constant 112 : index
        %get3A_1124 = tpu.vector_load %arg9[%get3A_1122, %get3A_1123] {strides = array<i32>} : memref<200x128xf32, #tpu.memory_space<vmem>>, vector<1x16xf32>,
        %get3A_1125 = vector.shape_cast %get3A_1124 : vector<1x16xf32> to vector<16xf32>
        %mul3A_1126 = arith.constant 11.3137083 : f32
        %mul3A_1127 = vector.broadcast %mul3A_1126 : f32 to vector<16xf32>
        %mul3A_1128 = arith.mulf %get3A_1125, %mul3A_1127 : vector<16xf32>
        %get3A_1129 = arith.index_cast %add3A_1002 : i32 to index
        %get3A_1130 = arith.constant 112 : index
        %get3A_1131 = tpu.vector_load %arg6[%get3A_1129, %get3A_1130] {strides = array<i32>} : memref<200x128xf32, #tpu.memory_space<vmem>>, vector<1x16xf32>,
        %get3A_1132 = vector.shape_cast %get3A_1131 : vector<1x16xf32> to vector<16xf32>
        %add3A_1133 = arith.addf %mul3A_1128, %get3A_1132 : vector<16xf32>
        %swap3A_1134 = arith.index_cast %add3A_1002 : i32 to index
        %swap3A_1135 = arith.constant 112 : index
        %swap3A_1136 = tpu.vector_load %arg9[%swap3A_1134, %swap3A_1135] {strides = array<i32>} : memref<200x128xf32, #tpu.memory_space<vmem>>, vector<1x16xf32>,
        %swap3A_1137 = vector.shape_cast %swap3A_1136 : vector<1x16xf32> to vector<16xf32>
        %swap3A_1138 = vector.shape_cast %add3A_1133 : vector<16xf32> to vector<1x16xf32>
        tpu.vector_store %arg9[%swap3A_1134, %swap3A_1135], %swap3A_1138 {strides = array<i32>} : memref<200x128xf32, #tpu.memory_space<vmem>>, vector<1x16xf32>,
      }
      %scan3A_768 = arith.constant 100 : i32
      %mul3A_769 = arith.constant 32 : i32
      %mul3A_770 = arith.muli %add3A_699, %mul3A_769 : i32
      %add3A_771 = arith.addi %mul3A_770, %add3A : i32
      %mul3A_772 = arith.constant 200 : i32
      %mul3A_773 = arith.muli %add3A_771, %mul3A_772 : i32
      %dma_start3A_774 = arith.constant 0 : i32
      %dma_start3A_775 = tpu.memref_slice %arg5[%mul3A_773, %dma_start3A_774] : memref<204800x128xf32, #tpu.memory_space<hbm>> -> memref<200x128xf32, #tpu.memory_space<hbm>>
      %dma_start3A_776 = arith.constant 0 : i32
      %dma_start3A_777 = tpu.memref_slice %arg5[%mul3A_773, %dma_start3A_776] : memref<204800x128xf32, #tpu.memory_space<hbm>> -> memref<200x128xf32, #tpu.memory_space<hbm>>
      tpu.enqueue_dma source(%arg9 : memref<200x128xf32, #tpu.memory_space<vmem>>) target(%dma_start3A_777 : memref<200x128xf32, #tpu.memory_space<hbm>>) target_semaphore(%arg21 : memref<!tpu.dma_semaphore, #tpu.memory_space<semaphore_mem>>)
      %mul3A_778 = arith.constant 4 : i32
      %mul3A_779 = arith.muli %scan3A_532, %mul3A_778 : i32
      %add3A_780 = arith.constant 3 : i32
      %add3A_781 = arith.addi %mul3A_779, %add3A_780 : i32
      %dma_wait3A_782 = arith.constant 0 : i32
      %dma_wait3A_783 = arith.constant 0 : i32
      %dma_wait3A_784 = tpu.memref_slice %arg10[%dma_wait3A_782, %dma_wait3A_783] : memref<200x128xf32, #tpu.memory_space<vmem>> -> memref<104x128xf32, #tpu.memory_space<vmem>>
      %dma_wait3A_785 = arith.constant 0 : i32
      %dma_wait3A_786 = tpu.memref_slice %arg14[%dma_wait3A_785] : memref<200xi32, #tpu.memory_space<vmem>> -> memref<104xi32, #tpu.memory_space<vmem>>
      %dma_wait3A_787 = arith.constant 0 : i32
      %dma_wait3A_788 = arith.constant 0 : i32
      %dma_wait3A_789 = tpu.memref_slice %arg3[%dma_wait3A_787, %dma_wait3A_788] : memref<100000x128xf32, #tpu.memory_space<hbm>> -> memref<100000x128xf32, #tpu.memory_space<hbm>>
      tpu.wait_indirect_dma semaphore(%arg18 : memref<!tpu.dma_semaphore, #tpu.memory_space<semaphore_mem>>) src(%dma_wait3A_789 : memref<100000x128xf32, #tpu.memory_space<hbm>>) dst(%dma_wait3A_784 : memref<104x128xf32, #tpu.memory_space<vmem>>)
      %dma_wait3A_790 = arith.constant 104 : i32
      %dma_wait3A_791 = arith.constant 0 : i32
      %dma_wait3A_792 = tpu.memref_slice %arg10[%dma_wait3A_790, %dma_wait3A_791] : memref<200x128xf32, #tpu.memory_space<vmem>> -> memref<96x128xf32, #tpu.memory_space<vmem>>
      %dma_wait3A_793 = arith.constant 104 : i32
      %dma_wait3A_794 = tpu.memref_slice %arg14[%dma_wait3A_793] : memref<200xi32, #tpu.memory_space<vmem>> -> memref<96xi32, #tpu.memory_space<vmem>>
      %dma_wait3A_795 = arith.constant 0 : i32
      %dma_wait3A_796 = arith.constant 0 : i32
      %dma_wait3A_797 = tpu.memref_slice %arg3[%dma_wait3A_795, %dma_wait3A_796] : memref<100000x128xf32, #tpu.memory_space<hbm>> -> memref<100000x128xf32, #tpu.memory_space<hbm>>
      tpu.wait_indirect_dma semaphore(%arg18 : memref<!tpu.dma_semaphore, #tpu.memory_space<semaphore_mem>>) src(%dma_wait3A_797 : memref<100000x128xf32, #tpu.memory_space<hbm>>) dst(%dma_wait3A_792 : memref<96x128xf32, #tpu.memory_space<vmem>>)
      %add3A_798 = arith.constant 4 : i32
      %add3A_799 = arith.addi %add3A_781, %add3A_798 : i32
      %mul3A_800 = arith.constant 32 : i32
      %mul3A_801 = arith.muli %add3A_799, %mul3A_800 : i32
      %add3A_802 = arith.addi %mul3A_801, %add3A : i32
      %mul3A_803 = arith.constant 200 : i32
      %mul3A_804 = arith.muli %add3A_802, %mul3A_803 : i32
      %dma_start3A_805 = tpu.memref_slice %arg2[%mul3A_804] : memref<204800xi32, #tpu.memory_space<hbm>> -> memref<200xi32, #tpu.memory_space<hbm>>
      %dma_start3A_806 = tpu.memref_slice %arg2[%mul3A_804] : memref<204800xi32, #tpu.memory_space<hbm>> -> memref<200xi32, #tpu.memory_space<hbm>>
      tpu.enqueue_dma source(%dma_start3A_806 : memref<200xi32, #tpu.memory_space<hbm>>) target(%arg14 : memref<200xi32, #tpu.memory_space<vmem>>) target_semaphore(%arg26 : memref<!tpu.dma_semaphore, #tpu.memory_space<semaphore_mem>>)
      %sub3A_807 = arith.constant 2 : i32
      %sub3A_808 = arith.subi %add3A_781, %sub3A_807 : i32
      %mul3A_809 = arith.constant 32 : i32
      %mul3A_810 = arith.muli %sub3A_808, %mul3A_809 : i32
      %add3A_811 = arith.addi %mul3A_810, %add3A : i32
      %mul3A_812 = arith.constant 200 : i32
      %mul3A_813 = arith.muli %add3A_811, %mul3A_812 : i32
      %dma_wait3A_814 = arith.constant 0 : i32
      %dma_wait3A_815 = tpu.memref_slice %arg5[%mul3A_813, %dma_wait3A_814] : memref<204800x128xf32, #tpu.memory_space<hbm>> -> memref<200x128xf32, #tpu.memory_space<hbm>>
      %dma_wait3A_816 = arith.constant 0 : i32
      %dma_wait3A_817 = tpu.memref_slice %arg5[%mul3A_813, %dma_wait3A_816] : memref<204800x128xf32, #tpu.memory_space<hbm>> -> memref<200x128xf32, #tpu.memory_space<hbm>>
      tpu.wait_dma2 semaphore(%arg20 : memref<!tpu.dma_semaphore, #tpu.memory_space<semaphore_mem>>) src(%arg8 : memref<200x128xf32, #tpu.memory_space<vmem>>) dst(%dma_wait3A_817 : memref<200x128xf32, #tpu.memory_space<hbm>>)
      %add3A_818 = arith.constant 2 : i32
      %add3A_819 = arith.addi %add3A_781, %add3A_818 : i32
      %mul3A_820 = arith.constant 32 : i32
      %mul3A_821 = arith.muli %add3A_819, %mul3A_820 : i32
      %add3A_822 = arith.addi %mul3A_821, %add3A : i32
      %mul3A_823 = arith.constant 200 : i32
      %mul3A_824 = arith.muli %add3A_822, %mul3A_823 : i32
      %dma_wait3A_825 = tpu.memref_slice %arg2[%mul3A_824] : memref<204800xi32, #tpu.memory_space<hbm>> -> memref<200xi32, #tpu.memory_space<hbm>>
      %dma_wait3A_826 = tpu.memref_slice %arg2[%mul3A_824] : memref<204800xi32, #tpu.memory_space<hbm>> -> memref<200xi32, #tpu.memory_space<hbm>>
      tpu.wait_dma2 semaphore(%arg24 : memref<!tpu.dma_semaphore, #tpu.memory_space<semaphore_mem>>) src(%dma_wait3A_826 : memref<200xi32, #tpu.memory_space<hbm>>) dst(%arg12 : memref<200xi32, #tpu.memory_space<vmem>>)
      %add3A_827 = arith.constant 2 : i32
      %add3A_828 = arith.addi %add3A_781, %add3A_827 : i32
      %dma_start3A_829 = arith.constant 0 : i32
      %dma_start3A_830 = arith.constant 0 : i32
      %dma_start3A_831 = tpu.memref_slice %arg8[%dma_start3A_829, %dma_start3A_830] : memref<200x128xf32, #tpu.memory_space<vmem>> -> memref<104x128xf32, #tpu.memory_space<vmem>>
      %dma_start3A_832 = arith.constant 0 : i32
      %dma_start3A_833 = tpu.memref_slice %arg12[%dma_start3A_832] : memref<200xi32, #tpu.memory_space<vmem>> -> memref<104xi32, #tpu.memory_space<vmem>>
      %dma_start3A_834 = arith.constant 0 : i32
      %dma_start3A_835 = arith.constant 0 : i32
      %dma_start3A_836 = tpu.memref_slice %arg3[%dma_start3A_834, %dma_start3A_835] : memref<100000x128xf32, #tpu.memory_space<hbm>> -> memref<100000x128xf32, #tpu.memory_space<hbm>>
      tpu.enqueue_indirect_dma source(%dma_start3A_836 : memref<100000x128xf32, #tpu.memory_space<hbm>>) target(%dma_start3A_831 : memref<104x128xf32, #tpu.memory_space<vmem>>) offsets(%dma_start3A_833 : memref<104xi32, #tpu.memory_space<vmem>>) semaphore(%arg16 : memref<!tpu.dma_semaphore, #tpu.memory_space<semaphore_mem>>)
      %dma_start3A_837 = arith.constant 104 : i32
      %dma_start3A_838 = arith.constant 0 : i32
      %dma_start3A_839 = tpu.memref_slice %arg8[%dma_start3A_837, %dma_start3A_838] : memref<200x128xf32, #tpu.memory_space<vmem>> -> memref<96x128xf32, #tpu.memory_space<vmem>>
      %dma_start3A_840 = arith.constant 104 : i32
      %dma_start3A_841 = tpu.memref_slice %arg12[%dma_start3A_840] : memref<200xi32, #tpu.memory_space<vmem>> -> memref<96xi32, #tpu.memory_space<vmem>>
      %dma_start3A_842 = arith.constant 0 : i32
      %dma_start3A_843 = arith.constant 0 : i32
      %dma_start3A_844 = tpu.memref_slice %arg3[%dma_start3A_842, %dma_start3A_843] : memref<100000x128xf32, #tpu.memory_space<hbm>> -> memref<100000x128xf32, #tpu.memory_space<hbm>>
      tpu.enqueue_indirect_dma source(%dma_start3A_844 : memref<100000x128xf32, #tpu.memory_space<hbm>>) target(%dma_start3A_839 : memref<96x128xf32, #tpu.memory_space<vmem>>) offsets(%dma_start3A_841 : memref<96xi32, #tpu.memory_space<vmem>>) semaphore(%arg16 : memref<!tpu.dma_semaphore, #tpu.memory_space<semaphore_mem>>)
      %scan3A_845 = arith.constant 0 : i32
      %scan3A_846 = arith.constant 0 : i32
      %scan3A_847 = arith.constant 100 : i32
      %scan3A_848 = arith.addi %scan3A_846, %scan3A_847 : i32
      %scan3A_849 = arith.constant 1 : i32
      scf.for %scan3A_860 = %scan3A_846 to %scan3A_848 step %scan3A_849  : i32 {
        %mul3A_861 = arith.constant 2 : i32
        %mul3A_862 = arith.muli %scan3A_860, %mul3A_861 : i32
        %add3A_863 = arith.constant 0 : i32
        %add3A_864 = arith.addi %mul3A_862, %add3A_863 : i32
        %get3A = arith.index_cast %add3A_864 : i32 to index
        %get3A_865 = arith.constant 0 : index
        %get3A_866 = tpu.vector_load %arg10[%get3A, %get3A_865] {strides = array<i32>} : memref<200x128xf32, #tpu.memory_space<vmem>>, vector<1x16xf32>,
        %get3A_867 = vector.shape_cast %get3A_866 : vector<1x16xf32> to vector<16xf32>
        %mul3A_868 = arith.constant 11.3137083 : f32
        %mul3A_869 = vector.broadcast %mul3A_868 : f32 to vector<16xf32>
        %mul3A_870 = arith.mulf %get3A_867, %mul3A_869 : vector<16xf32>
        %get3A_871 = arith.index_cast %add3A_864 : i32 to index
        %get3A_872 = arith.constant 0 : index
        %get3A_873 = tpu.vector_load %arg6[%get3A_871, %get3A_872] {strides = array<i32>} : memref<200x128xf32, #tpu.memory_space<vmem>>, vector<1x16xf32>,
        %get3A_874 = vector.shape_cast %get3A_873 : vector<1x16xf32> to vector<16xf32>
        %add3A_875 = arith.addf %mul3A_870, %get3A_874 : vector<16xf32>
        %swap3A = arith.index_cast %add3A_864 : i32 to index
        %swap3A_876 = arith.constant 0 : index
        %swap3A_877 = tpu.vector_load %arg10[%swap3A, %swap3A_876] {strides = array<i32>} : memref<200x128xf32, #tpu.memory_space<vmem>>, vector<1x16xf32>,
        %swap3A_878 = vector.shape_cast %swap3A_877 : vector<1x16xf32> to vector<16xf32>
        %swap3A_879 = vector.shape_cast %add3A_875 : vector<16xf32> to vector<1x16xf32>
        tpu.vector_store %arg10[%swap3A, %swap3A_876], %swap3A_879 {strides = array<i32>} : memref<200x128xf32, #tpu.memory_space<vmem>>, vector<1x16xf32>,
        %get3A_880 = arith.index_cast %add3A_864 : i32 to index
        %get3A_881 = arith.constant 16 : index
        %get3A_882 = tpu.vector_load %arg10[%get3A_880, %get3A_881] {strides = array<i32>} : memref<200x128xf32, #tpu.memory_space<vmem>>, vector<1x16xf32>,
        %get3A_883 = vector.shape_cast %get3A_882 : vector<1x16xf32> to vector<16xf32>
        %mul3A_884 = arith.constant 11.3137083 : f32
        %mul3A_885 = vector.broadcast %mul3A_884 : f32 to vector<16xf32>
        %mul3A_886 = arith.mulf %get3A_883, %mul3A_885 : vector<16xf32>
        %get3A_887 = arith.index_cast %add3A_864 : i32 to index
        %get3A_888 = arith.constant 16 : index
        %get3A_889 = tpu.vector_load %arg6[%get3A_887, %get3A_888] {strides = array<i32>} : memref<200x128xf32, #tpu.memory_space<vmem>>, vector<1x16xf32>,
        %get3A_890 = vector.shape_cast %get3A_889 : vector<1x16xf32> to vector<16xf32>
        %add3A_891 = arith.addf %mul3A_886, %get3A_890 : vector<16xf32>
        %swap3A_892 = arith.index_cast %add3A_864 : i32 to index
        %swap3A_893 = arith.constant 16 : index
        %swap3A_894 = tpu.vector_load %arg10[%swap3A_892, %swap3A_893] {strides = array<i32>} : memref<200x128xf32, #tpu.memory_space<vmem>>, vector<1x16xf32>,
        %swap3A_895 = vector.shape_cast %swap3A_894 : vector<1x16xf32> to vector<16xf32>
        %swap3A_896 = vector.shape_cast %add3A_891 : vector<16xf32> to vector<1x16xf32>
        tpu.vector_store %arg10[%swap3A_892, %swap3A_893], %swap3A_896 {strides = array<i32>} : memref<200x128xf32, #tpu.memory_space<vmem>>, vector<1x16xf32>,
        %get3A_897 = arith.index_cast %add3A_864 : i32 to index
        %get3A_898 = arith.constant 32 : index
        %get3A_899 = tpu.vector_load %arg10[%get3A_897, %get3A_898] {strides = array<i32>} : memref<200x128xf32, #tpu.memory_space<vmem>>, vector<1x16xf32>,
        %get3A_900 = vector.shape_cast %get3A_899 : vector<1x16xf32> to vector<16xf32>
        %mul3A_901 = arith.constant 11.3137083 : f32
        %mul3A_902 = vector.broadcast %mul3A_901 : f32 to vector<16xf32>
        %mul3A_903 = arith.mulf %get3A_900, %mul3A_902 : vector<16xf32>
        %get3A_904 = arith.index_cast %add3A_864 : i32 to index
        %get3A_905 = arith.constant 32 : index
        %get3A_906 = tpu.vector_load %arg6[%get3A_904, %get3A_905] {strides = array<i32>} : memref<200x128xf32, #tpu.memory_space<vmem>>, vector<1x16xf32>,
        %get3A_907 = vector.shape_cast %get3A_906 : vector<1x16xf32> to vector<16xf32>
        %add3A_908 = arith.addf %mul3A_903, %get3A_907 : vector<16xf32>
        %swap3A_909 = arith.index_cast %add3A_864 : i32 to index
        %swap3A_910 = arith.constant 32 : index
        %swap3A_911 = tpu.vector_load %arg10[%swap3A_909, %swap3A_910] {strides = array<i32>} : memref<200x128xf32, #tpu.memory_space<vmem>>, vector<1x16xf32>,
        %swap3A_912 = vector.shape_cast %swap3A_911 : vector<1x16xf32> to vector<16xf32>
        %swap3A_913 = vector.shape_cast %add3A_908 : vector<16xf32> to vector<1x16xf32>
        tpu.vector_store %arg10[%swap3A_909, %swap3A_910], %swap3A_913 {strides = array<i32>} : memref<200x128xf32, #tpu.memory_space<vmem>>, vector<1x16xf32>,
        %get3A_914 = arith.index_cast %add3A_864 : i32 to index
        %get3A_915 = arith.constant 48 : index
        %get3A_916 = tpu.vector_load %arg10[%get3A_914, %get3A_915] {strides = array<i32>} : memref<200x128xf32, #tpu.memory_space<vmem>>, vector<1x16xf32>,
        %get3A_917 = vector.shape_cast %get3A_916 : vector<1x16xf32> to vector<16xf32>
        %mul3A_918 = arith.constant 11.3137083 : f32
        %mul3A_919 = vector.broadcast %mul3A_918 : f32 to vector<16xf32>
        %mul3A_920 = arith.mulf %get3A_917, %mul3A_919 : vector<16xf32>
        %get3A_921 = arith.index_cast %add3A_864 : i32 to index
        %get3A_922 = arith.constant 48 : index
        %get3A_923 = tpu.vector_load %arg6[%get3A_921, %get3A_922] {strides = array<i32>} : memref<200x128xf32, #tpu.memory_space<vmem>>, vector<1x16xf32>,
        %get3A_924 = vector.shape_cast %get3A_923 : vector<1x16xf32> to vector<16xf32>
        %add3A_925 = arith.addf %mul3A_920, %get3A_924 : vector<16xf32>
        %swap3A_926 = arith.index_cast %add3A_864 : i32 to index
        %swap3A_927 = arith.constant 48 : index
        %swap3A_928 = tpu.vector_load %arg10[%swap3A_926, %swap3A_927] {strides = array<i32>} : memref<200x128xf32, #tpu.memory_space<vmem>>, vector<1x16xf32>,
        %swap3A_929 = vector.shape_cast %swap3A_928 : vector<1x16xf32> to vector<16xf32>
        %swap3A_930 = vector.shape_cast %add3A_925 : vector<16xf32> to vector<1x16xf32>
        tpu.vector_store %arg10[%swap3A_926, %swap3A_927], %swap3A_930 {strides = array<i32>} : memref<200x128xf32, #tpu.memory_space<vmem>>, vector<1x16xf32>,
        %get3A_931 = arith.index_cast %add3A_864 : i32 to index
        %get3A_932 = arith.constant 64 : index
        %get3A_933 = tpu.vector_load %arg10[%get3A_931, %get3A_932] {strides = array<i32>} : memref<200x128xf32, #tpu.memory_space<vmem>>, vector<1x16xf32>,
        %get3A_934 = vector.shape_cast %get3A_933 : vector<1x16xf32> to vector<16xf32>
        %mul3A_935 = arith.constant 11.3137083 : f32
        %mul3A_936 = vector.broadcast %mul3A_935 : f32 to vector<16xf32>
        %mul3A_937 = arith.mulf %get3A_934, %mul3A_936 : vector<16xf32>
        %get3A_938 = arith.index_cast %add3A_864 : i32 to index
        %get3A_939 = arith.constant 64 : index
        %get3A_940 = tpu.vector_load %arg6[%get3A_938, %get3A_939] {strides = array<i32>} : memref<200x128xf32, #tpu.memory_space<vmem>>, vector<1x16xf32>,
        %get3A_941 = vector.shape_cast %get3A_940 : vector<1x16xf32> to vector<16xf32>
        %add3A_942 = arith.addf %mul3A_937, %get3A_941 : vector<16xf32>
        %swap3A_943 = arith.index_cast %add3A_864 : i32 to index
        %swap3A_944 = arith.constant 64 : index
        %swap3A_945 = tpu.vector_load %arg10[%swap3A_943, %swap3A_944] {strides = array<i32>} : memref<200x128xf32, #tpu.memory_space<vmem>>, vector<1x16xf32>,
        %swap3A_946 = vector.shape_cast %swap3A_945 : vector<1x16xf32> to vector<16xf32>
        %swap3A_947 = vector.shape_cast %add3A_942 : vector<16xf32> to vector<1x16xf32>
        tpu.vector_store %arg10[%swap3A_943, %swap3A_944], %swap3A_947 {strides = array<i32>} : memref<200x128xf32, #tpu.memory_space<vmem>>, vector<1x16xf32>,
        %get3A_948 = arith.index_cast %add3A_864 : i32 to index
        %get3A_949 = arith.constant 80 : index
        %get3A_950 = tpu.vector_load %arg10[%get3A_948, %get3A_949] {strides = array<i32>} : memref<200x128xf32, #tpu.memory_space<vmem>>, vector<1x16xf32>,
        %get3A_951 = vector.shape_cast %get3A_950 : vector<1x16xf32> to vector<16xf32>
        %mul3A_952 = arith.constant 11.3137083 : f32
        %mul3A_953 = vector.broadcast %mul3A_952 : f32 to vector<16xf32>
        %mul3A_954 = arith.mulf %get3A_951, %mul3A_953 : vector<16xf32>
        %get3A_955 = arith.index_cast %add3A_864 : i32 to index
        %get3A_956 = arith.constant 80 : index
        %get3A_957 = tpu.vector_load %arg6[%get3A_955, %get3A_956] {strides = array<i32>} : memref<200x128xf32, #tpu.memory_space<vmem>>, vector<1x16xf32>,
        %get3A_958 = vector.shape_cast %get3A_957 : vector<1x16xf32> to vector<16xf32>
        %add3A_959 = arith.addf %mul3A_954, %get3A_958 : vector<16xf32>
        %swap3A_960 = arith.index_cast %add3A_864 : i32 to index
        %swap3A_961 = arith.constant 80 : index
        %swap3A_962 = tpu.vector_load %arg10[%swap3A_960, %swap3A_961] {strides = array<i32>} : memref<200x128xf32, #tpu.memory_space<vmem>>, vector<1x16xf32>,
        %swap3A_963 = vector.shape_cast %swap3A_962 : vector<1x16xf32> to vector<16xf32>
        %swap3A_964 = vector.shape_cast %add3A_959 : vector<16xf32> to vector<1x16xf32>
        tpu.vector_store %arg10[%swap3A_960, %swap3A_961], %swap3A_964 {strides = array<i32>} : memref<200x128xf32, #tpu.memory_space<vmem>>, vector<1x16xf32>,
        %get3A_965 = arith.index_cast %add3A_864 : i32 to index
        %get3A_966 = arith.constant 96 : index
        %get3A_967 = tpu.vector_load %arg10[%get3A_965, %get3A_966] {strides = array<i32>} : memref<200x128xf32, #tpu.memory_space<vmem>>, vector<1x16xf32>,
        %get3A_968 = vector.shape_cast %get3A_967 : vector<1x16xf32> to vector<16xf32>
        %mul3A_969 = arith.constant 11.3137083 : f32
        %mul3A_970 = vector.broadcast %mul3A_969 : f32 to vector<16xf32>
        %mul3A_971 = arith.mulf %get3A_968, %mul3A_970 : vector<16xf32>
        %get3A_972 = arith.index_cast %add3A_864 : i32 to index
        %get3A_973 = arith.constant 96 : index
        %get3A_974 = tpu.vector_load %arg6[%get3A_972, %get3A_973] {strides = array<i32>} : memref<200x128xf32, #tpu.memory_space<vmem>>, vector<1x16xf32>,
        %get3A_975 = vector.shape_cast %get3A_974 : vector<1x16xf32> to vector<16xf32>
        %add3A_976 = arith.addf %mul3A_971, %get3A_975 : vector<16xf32>
        %swap3A_977 = arith.index_cast %add3A_864 : i32 to index
        %swap3A_978 = arith.constant 96 : index
        %swap3A_979 = tpu.vector_load %arg10[%swap3A_977, %swap3A_978] {strides = array<i32>} : memref<200x128xf32, #tpu.memory_space<vmem>>, vector<1x16xf32>,
        %swap3A_980 = vector.shape_cast %swap3A_979 : vector<1x16xf32> to vector<16xf32>
        %swap3A_981 = vector.shape_cast %add3A_976 : vector<16xf32> to vector<1x16xf32>
        tpu.vector_store %arg10[%swap3A_977, %swap3A_978], %swap3A_981 {strides = array<i32>} : memref<200x128xf32, #tpu.memory_space<vmem>>, vector<1x16xf32>,
        %get3A_982 = arith.index_cast %add3A_864 : i32 to index
        %get3A_983 = arith.constant 112 : index
        %get3A_984 = tpu.vector_load %arg10[%get3A_982, %get3A_983] {strides = array<i32>} : memref<200x128xf32, #tpu.memory_space<vmem>>, vector<1x16xf32>,
        %get3A_985 = vector.shape_cast %get3A_984 : vector<1x16xf32> to vector<16xf32>
        %mul3A_986 = arith.constant 11.3137083 : f32
        %mul3A_987 = vector.broadcast %mul3A_986 : f32 to vector<16xf32>
        %mul3A_988 = arith.mulf %get3A_985, %mul3A_987 : vector<16xf32>
        %get3A_989 = arith.index_cast %add3A_864 : i32 to index
        %get3A_990 = arith.constant 112 : index
        %get3A_991 = tpu.vector_load %arg6[%get3A_989, %get3A_990] {strides = array<i32>} : memref<200x128xf32, #tpu.memory_space<vmem>>, vector<1x16xf32>,
        %get3A_992 = vector.shape_cast %get3A_991 : vector<1x16xf32> to vector<16xf32>
        %add3A_993 = arith.addf %mul3A_988, %get3A_992 : vector<16xf32>
        %swap3A_994 = arith.index_cast %add3A_864 : i32 to index
        %swap3A_995 = arith.constant 112 : index
        %swap3A_996 = tpu.vector_load %arg10[%swap3A_994, %swap3A_995] {strides = array<i32>} : memref<200x128xf32, #tpu.memory_space<vmem>>, vector<1x16xf32>,
        %swap3A_997 = vector.shape_cast %swap3A_996 : vector<1x16xf32> to vector<16xf32>
        %swap3A_998 = vector.shape_cast %add3A_993 : vector<16xf32> to vector<1x16xf32>
        tpu.vector_store %arg10[%swap3A_994, %swap3A_995], %swap3A_998 {strides = array<i32>} : memref<200x128xf32, #tpu.memory_space<vmem>>, vector<1x16xf32>,
        %mul3A_999 = arith.constant 2 : i32
        %mul3A_1000 = arith.muli %scan3A_860, %mul3A_999 : i32
        %add3A_1001 = arith.constant 1 : i32
        %add3A_1002 = arith.addi %mul3A_1000, %add3A_1001 : i32
        %get3A_1003 = arith.index_cast %add3A_1002 : i32 to index
        %get3A_1004 = arith.constant 0 : index
        %get3A_1005 = tpu.vector_load %arg10[%get3A_1003, %get3A_1004] {strides = array<i32>} : memref<200x128xf32, #tpu.memory_space<vmem>>, vector<1x16xf32>,
        %get3A_1006 = vector.shape_cast %get3A_1005 : vector<1x16xf32> to vector<16xf32>
        %mul3A_1007 = arith.constant 11.3137083 : f32
        %mul3A_1008 = vector.broadcast %mul3A_1007 : f32 to vector<16xf32>
        %mul3A_1009 = arith.mulf %get3A_1006, %mul3A_1008 : vector<16xf32>
        %get3A_1010 = arith.index_cast %add3A_1002 : i32 to index
        %get3A_1011 = arith.constant 0 : index
        %get3A_1012 = tpu.vector_load %arg6[%get3A_1010, %get3A_1011] {strides = array<i32>} : memref<200x128xf32, #tpu.memory_space<vmem>>, vector<1x16xf32>,
        %get3A_1013 = vector.shape_cast %get3A_1012 : vector<1x16xf32> to vector<16xf32>
        %add3A_1014 = arith.addf %mul3A_1009, %get3A_1013 : vector<16xf32>
        %swap3A_1015 = arith.index_cast %add3A_1002 : i32 to index
        %swap3A_1016 = arith.constant 0 : index
        %swap3A_1017 = tpu.vector_load %arg10[%swap3A_1015, %swap3A_1016] {strides = array<i32>} : memref<200x128xf32, #tpu.memory_space<vmem>>, vector<1x16xf32>,
        %swap3A_1018 = vector.shape_cast %swap3A_1017 : vector<1x16xf32> to vector<16xf32>
        %swap3A_1019 = vector.shape_cast %add3A_1014 : vector<16xf32> to vector<1x16xf32>
        tpu.vector_store %arg10[%swap3A_1015, %swap3A_1016], %swap3A_1019 {strides = array<i32>} : memref<200x128xf32, #tpu.memory_space<vmem>>, vector<1x16xf32>,
        %get3A_1020 = arith.index_cast %add3A_1002 : i32 to index
        %get3A_1021 = arith.constant 16 : index
        %get3A_1022 = tpu.vector_load %arg10[%get3A_1020, %get3A_1021] {strides = array<i32>} : memref<200x128xf32, #tpu.memory_space<vmem>>, vector<1x16xf32>,
        %get3A_1023 = vector.shape_cast %get3A_1022 : vector<1x16xf32> to vector<16xf32>
        %mul3A_1024 = arith.constant 11.3137083 : f32
        %mul3A_1025 = vector.broadcast %mul3A_1024 : f32 to vector<16xf32>
        %mul3A_1026 = arith.mulf %get3A_1023, %mul3A_1025 : vector<16xf32>
        %get3A_1027 = arith.index_cast %add3A_1002 : i32 to index
        %get3A_1028 = arith.constant 16 : index
        %get3A_1029 = tpu.vector_load %arg6[%get3A_1027, %get3A_1028] {strides = array<i32>} : memref<200x128xf32, #tpu.memory_space<vmem>>, vector<1x16xf32>,
        %get3A_1030 = vector.shape_cast %get3A_1029 : vector<1x16xf32> to vector<16xf32>
        %add3A_1031 = arith.addf %mul3A_1026, %get3A_1030 : vector<16xf32>
        %swap3A_1032 = arith.index_cast %add3A_1002 : i32 to index
        %swap3A_1033 = arith.constant 16 : index
        %swap3A_1034 = tpu.vector_load %arg10[%swap3A_1032, %swap3A_1033] {strides = array<i32>} : memref<200x128xf32, #tpu.memory_space<vmem>>, vector<1x16xf32>,
        %swap3A_1035 = vector.shape_cast %swap3A_1034 : vector<1x16xf32> to vector<16xf32>
        %swap3A_1036 = vector.shape_cast %add3A_1031 : vector<16xf32> to vector<1x16xf32>
        tpu.vector_store %arg10[%swap3A_1032, %swap3A_1033], %swap3A_1036 {strides = array<i32>} : memref<200x128xf32, #tpu.memory_space<vmem>>, vector<1x16xf32>,
        %get3A_1037 = arith.index_cast %add3A_1002 : i32 to index
        %get3A_1038 = arith.constant 32 : index
        %get3A_1039 = tpu.vector_load %arg10[%get3A_1037, %get3A_1038] {strides = array<i32>} : memref<200x128xf32, #tpu.memory_space<vmem>>, vector<1x16xf32>,
        %get3A_1040 = vector.shape_cast %get3A_1039 : vector<1x16xf32> to vector<16xf32>
        %mul3A_1041 = arith.constant 11.3137083 : f32
        %mul3A_1042 = vector.broadcast %mul3A_1041 : f32 to vector<16xf32>
        %mul3A_1043 = arith.mulf %get3A_1040, %mul3A_1042 : vector<16xf32>
        %get3A_1044 = arith.index_cast %add3A_1002 : i32 to index
        %get3A_1045 = arith.constant 32 : index
        %get3A_1046 = tpu.vector_load %arg6[%get3A_1044, %get3A_1045] {strides = array<i32>} : memref<200x128xf32, #tpu.memory_space<vmem>>, vector<1x16xf32>,
        %get3A_1047 = vector.shape_cast %get3A_1046 : vector<1x16xf32> to vector<16xf32>
        %add3A_1048 = arith.addf %mul3A_1043, %get3A_1047 : vector<16xf32>
        %swap3A_1049 = arith.index_cast %add3A_1002 : i32 to index
        %swap3A_1050 = arith.constant 32 : index
        %swap3A_1051 = tpu.vector_load %arg10[%swap3A_1049, %swap3A_1050] {strides = array<i32>} : memref<200x128xf32, #tpu.memory_space<vmem>>, vector<1x16xf32>,
        %swap3A_1052 = vector.shape_cast %swap3A_1051 : vector<1x16xf32> to vector<16xf32>
        %swap3A_1053 = vector.shape_cast %add3A_1048 : vector<16xf32> to vector<1x16xf32>
        tpu.vector_store %arg10[%swap3A_1049, %swap3A_1050], %swap3A_1053 {strides = array<i32>} : memref<200x128xf32, #tpu.memory_space<vmem>>, vector<1x16xf32>,
        %get3A_1054 = arith.index_cast %add3A_1002 : i32 to index
        %get3A_1055 = arith.constant 48 : index
        %get3A_1056 = tpu.vector_load %arg10[%get3A_1054, %get3A_1055] {strides = array<i32>} : memref<200x128xf32, #tpu.memory_space<vmem>>, vector<1x16xf32>,
        %get3A_1057 = vector.shape_cast %get3A_1056 : vector<1x16xf32> to vector<16xf32>
        %mul3A_1058 = arith.constant 11.3137083 : f32
        %mul3A_1059 = vector.broadcast %mul3A_1058 : f32 to vector<16xf32>
        %mul3A_1060 = arith.mulf %get3A_1057, %mul3A_1059 : vector<16xf32>
        %get3A_1061 = arith.index_cast %add3A_1002 : i32 to index
        %get3A_1062 = arith.constant 48 : index
        %get3A_1063 = tpu.vector_load %arg6[%get3A_1061, %get3A_1062] {strides = array<i32>} : memref<200x128xf32, #tpu.memory_space<vmem>>, vector<1x16xf32>,
        %get3A_1064 = vector.shape_cast %get3A_1063 : vector<1x16xf32> to vector<16xf32>
        %add3A_1065 = arith.addf %mul3A_1060, %get3A_1064 : vector<16xf32>
        %swap3A_1066 = arith.index_cast %add3A_1002 : i32 to index
        %swap3A_1067 = arith.constant 48 : index
        %swap3A_1068 = tpu.vector_load %arg10[%swap3A_1066, %swap3A_1067] {strides = array<i32>} : memref<200x128xf32, #tpu.memory_space<vmem>>, vector<1x16xf32>,
        %swap3A_1069 = vector.shape_cast %swap3A_1068 : vector<1x16xf32> to vector<16xf32>
        %swap3A_1070 = vector.shape_cast %add3A_1065 : vector<16xf32> to vector<1x16xf32>
        tpu.vector_store %arg10[%swap3A_1066, %swap3A_1067], %swap3A_1070 {strides = array<i32>} : memref<200x128xf32, #tpu.memory_space<vmem>>, vector<1x16xf32>,
        %get3A_1071 = arith.index_cast %add3A_1002 : i32 to index
        %get3A_1072 = arith.constant 64 : index
        %get3A_1073 = tpu.vector_load %arg10[%get3A_1071, %get3A_1072] {strides = array<i32>} : memref<200x128xf32, #tpu.memory_space<vmem>>, vector<1x16xf32>,
        %get3A_1074 = vector.shape_cast %get3A_1073 : vector<1x16xf32> to vector<16xf32>
        %mul3A_1075 = arith.constant 11.3137083 : f32
        %mul3A_1076 = vector.broadcast %mul3A_1075 : f32 to vector<16xf32>
        %mul3A_1077 = arith.mulf %get3A_1074, %mul3A_1076 : vector<16xf32>
        %get3A_1078 = arith.index_cast %add3A_1002 : i32 to index
        %get3A_1079 = arith.constant 64 : index
        %get3A_1080 = tpu.vector_load %arg6[%get3A_1078, %get3A_1079] {strides = array<i32>} : memref<200x128xf32, #tpu.memory_space<vmem>>, vector<1x16xf32>,
        %get3A_1081 = vector.shape_cast %get3A_1080 : vector<1x16xf32> to vector<16xf32>
        %add3A_1082 = arith.addf %mul3A_1077, %get3A_1081 : vector<16xf32>
        %swap3A_1083 = arith.index_cast %add3A_1002 : i32 to index
        %swap3A_1084 = arith.constant 64 : index
        %swap3A_1085 = tpu.vector_load %arg10[%swap3A_1083, %swap3A_1084] {strides = array<i32>} : memref<200x128xf32, #tpu.memory_space<vmem>>, vector<1x16xf32>,
        %swap3A_1086 = vector.shape_cast %swap3A_1085 : vector<1x16xf32> to vector<16xf32>
        %swap3A_1087 = vector.shape_cast %add3A_1082 : vector<16xf32> to vector<1x16xf32>
        tpu.vector_store %arg10[%swap3A_1083, %swap3A_1084], %swap3A_1087 {strides = array<i32>} : memref<200x128xf32, #tpu.memory_space<vmem>>, vector<1x16xf32>,
        %get3A_1088 = arith.index_cast %add3A_1002 : i32 to index
        %get3A_1089 = arith.constant 80 : index
        %get3A_1090 = tpu.vector_load %arg10[%get3A_1088, %get3A_1089] {strides = array<i32>} : memref<200x128xf32, #tpu.memory_space<vmem>>, vector<1x16xf32>,
        %get3A_1091 = vector.shape_cast %get3A_1090 : vector<1x16xf32> to vector<16xf32>
        %mul3A_1092 = arith.constant 11.3137083 : f32
        %mul3A_1093 = vector.broadcast %mul3A_1092 : f32 to vector<16xf32>
        %mul3A_1094 = arith.mulf %get3A_1091, %mul3A_1093 : vector<16xf32>
        %get3A_1095 = arith.index_cast %add3A_1002 : i32 to index
        %get3A_1096 = arith.constant 80 : index
        %get3A_1097 = tpu.vector_load %arg6[%get3A_1095, %get3A_1096] {strides = array<i32>} : memref<200x128xf32, #tpu.memory_space<vmem>>, vector<1x16xf32>,
        %get3A_1098 = vector.shape_cast %get3A_1097 : vector<1x16xf32> to vector<16xf32>
        %add3A_1099 = arith.addf %mul3A_1094, %get3A_1098 : vector<16xf32>
        %swap3A_1100 = arith.index_cast %add3A_1002 : i32 to index
        %swap3A_1101 = arith.constant 80 : index
        %swap3A_1102 = tpu.vector_load %arg10[%swap3A_1100, %swap3A_1101] {strides = array<i32>} : memref<200x128xf32, #tpu.memory_space<vmem>>, vector<1x16xf32>,
        %swap3A_1103 = vector.shape_cast %swap3A_1102 : vector<1x16xf32> to vector<16xf32>
        %swap3A_1104 = vector.shape_cast %add3A_1099 : vector<16xf32> to vector<1x16xf32>
        tpu.vector_store %arg10[%swap3A_1100, %swap3A_1101], %swap3A_1104 {strides = array<i32>} : memref<200x128xf32, #tpu.memory_space<vmem>>, vector<1x16xf32>,
        %get3A_1105 = arith.index_cast %add3A_1002 : i32 to index
        %get3A_1106 = arith.constant 96 : index
        %get3A_1107 = tpu.vector_load %arg10[%get3A_1105, %get3A_1106] {strides = array<i32>} : memref<200x128xf32, #tpu.memory_space<vmem>>, vector<1x16xf32>,
        %get3A_1108 = vector.shape_cast %get3A_1107 : vector<1x16xf32> to vector<16xf32>
        %mul3A_1109 = arith.constant 11.3137083 : f32
        %mul3A_1110 = vector.broadcast %mul3A_1109 : f32 to vector<16xf32>
        %mul3A_1111 = arith.mulf %get3A_1108, %mul3A_1110 : vector<16xf32>
        %get3A_1112 = arith.index_cast %add3A_1002 : i32 to index
        %get3A_1113 = arith.constant 96 : index
        %get3A_1114 = tpu.vector_load %arg6[%get3A_1112, %get3A_1113] {strides = array<i32>} : memref<200x128xf32, #tpu.memory_space<vmem>>, vector<1x16xf32>,
        %get3A_1115 = vector.shape_cast %get3A_1114 : vector<1x16xf32> to vector<16xf32>
        %add3A_1116 = arith.addf %mul3A_1111, %get3A_1115 : vector<16xf32>
        %swap3A_1117 = arith.index_cast %add3A_1002 : i32 to index
        %swap3A_1118 = arith.constant 96 : index
        %swap3A_1119 = tpu.vector_load %arg10[%swap3A_1117, %swap3A_1118] {strides = array<i32>} : memref<200x128xf32, #tpu.memory_space<vmem>>, vector<1x16xf32>,
        %swap3A_1120 = vector.shape_cast %swap3A_1119 : vector<1x16xf32> to vector<16xf32>
        %swap3A_1121 = vector.shape_cast %add3A_1116 : vector<16xf32> to vector<1x16xf32>
        tpu.vector_store %arg10[%swap3A_1117, %swap3A_1118], %swap3A_1121 {strides = array<i32>} : memref<200x128xf32, #tpu.memory_space<vmem>>, vector<1x16xf32>,
        %get3A_1122 = arith.index_cast %add3A_1002 : i32 to index
        %get3A_1123 = arith.constant 112 : index
        %get3A_1124 = tpu.vector_load %arg10[%get3A_1122, %get3A_1123] {strides = array<i32>} : memref<200x128xf32, #tpu.memory_space<vmem>>, vector<1x16xf32>,
        %get3A_1125 = vector.shape_cast %get3A_1124 : vector<1x16xf32> to vector<16xf32>
        %mul3A_1126 = arith.constant 11.3137083 : f32
        %mul3A_1127 = vector.broadcast %mul3A_1126 : f32 to vector<16xf32>
        %mul3A_1128 = arith.mulf %get3A_1125, %mul3A_1127 : vector<16xf32>
        %get3A_1129 = arith.index_cast %add3A_1002 : i32 to index
        %get3A_1130 = arith.constant 112 : index
        %get3A_1131 = tpu.vector_load %arg6[%get3A_1129, %get3A_1130] {strides = array<i32>} : memref<200x128xf32, #tpu.memory_space<vmem>>, vector<1x16xf32>,
        %get3A_1132 = vector.shape_cast %get3A_1131 : vector<1x16xf32> to vector<16xf32>
        %add3A_1133 = arith.addf %mul3A_1128, %get3A_1132 : vector<16xf32>
        %swap3A_1134 = arith.index_cast %add3A_1002 : i32 to index
        %swap3A_1135 = arith.constant 112 : index
        %swap3A_1136 = tpu.vector_load %arg10[%swap3A_1134, %swap3A_1135] {strides = array<i32>} : memref<200x128xf32, #tpu.memory_space<vmem>>, vector<1x16xf32>,
        %swap3A_1137 = vector.shape_cast %swap3A_1136 : vector<1x16xf32> to vector<16xf32>
        %swap3A_1138 = vector.shape_cast %add3A_1133 : vector<16xf32> to vector<1x16xf32>
        tpu.vector_store %arg10[%swap3A_1134, %swap3A_1135], %swap3A_1138 {strides = array<i32>} : memref<200x128xf32, #tpu.memory_space<vmem>>, vector<1x16xf32>,
      }
      %scan3A_850 = arith.constant 100 : i32
      %mul3A_851 = arith.constant 32 : i32
      %mul3A_852 = arith.muli %add3A_781, %mul3A_851 : i32
      %add3A_853 = arith.addi %mul3A_852, %add3A : i32
      %mul3A_854 = arith.constant 200 : i32
      %mul3A_855 = arith.muli %add3A_853, %mul3A_854 : i32
      %dma_start3A_856 = arith.constant 0 : i32
      %dma_start3A_857 = tpu.memref_slice %arg5[%mul3A_855, %dma_start3A_856] : memref<204800x128xf32, #tpu.memory_space<hbm>> -> memref<200x128xf32, #tpu.memory_space<hbm>>
      %dma_start3A_858 = arith.constant 0 : i32
      %dma_start3A_859 = tpu.memref_slice %arg5[%mul3A_855, %dma_start3A_858] : memref<204800x128xf32, #tpu.memory_space<hbm>> -> memref<200x128xf32, #tpu.memory_space<hbm>>
      tpu.enqueue_dma source(%arg10 : memref<200x128xf32, #tpu.memory_space<vmem>>) target(%dma_start3A_859 : memref<200x128xf32, #tpu.memory_space<hbm>>) target_semaphore(%arg22 : memref<!tpu.dma_semaphore, #tpu.memory_space<semaphore_mem>>)
    }
    %scan3A_319 = arith.constant 6 : i32
    %dma_wait3A_320 = arith.constant 0 : i32
    %dma_wait3A_321 = arith.constant 0 : i32
    %dma_wait3A_322 = tpu.memref_slice %arg7[%dma_wait3A_320, %dma_wait3A_321] : memref<200x128xf32, #tpu.memory_space<vmem>> -> memref<104x128xf32, #tpu.memory_space<vmem>>
    %dma_wait3A_323 = arith.constant 0 : i32
    %dma_wait3A_324 = tpu.memref_slice %arg11[%dma_wait3A_323] : memref<200xi32, #tpu.memory_space<vmem>> -> memref<104xi32, #tpu.memory_space<vmem>>
    %dma_wait3A_325 = arith.constant 0 : i32
    %dma_wait3A_326 = arith.constant 0 : i32
    %dma_wait3A_327 = tpu.memref_slice %arg3[%dma_wait3A_325, %dma_wait3A_326] : memref<100000x128xf32, #tpu.memory_space<hbm>> -> memref<100000x128xf32, #tpu.memory_space<hbm>>
    tpu.wait_indirect_dma semaphore(%arg15 : memref<!tpu.dma_semaphore, #tpu.memory_space<semaphore_mem>>) src(%dma_wait3A_327 : memref<100000x128xf32, #tpu.memory_space<hbm>>) dst(%dma_wait3A_322 : memref<104x128xf32, #tpu.memory_space<vmem>>)
    %dma_wait3A_328 = arith.constant 104 : i32
    %dma_wait3A_329 = arith.constant 0 : i32
    %dma_wait3A_330 = tpu.memref_slice %arg7[%dma_wait3A_328, %dma_wait3A_329] : memref<200x128xf32, #tpu.memory_space<vmem>> -> memref<96x128xf32, #tpu.memory_space<vmem>>
    %dma_wait3A_331 = arith.constant 104 : i32
    %dma_wait3A_332 = tpu.memref_slice %arg11[%dma_wait3A_331] : memref<200xi32, #tpu.memory_space<vmem>> -> memref<96xi32, #tpu.memory_space<vmem>>
    %dma_wait3A_333 = arith.constant 0 : i32
    %dma_wait3A_334 = arith.constant 0 : i32
    %dma_wait3A_335 = tpu.memref_slice %arg3[%dma_wait3A_333, %dma_wait3A_334] : memref<100000x128xf32, #tpu.memory_space<hbm>> -> memref<100000x128xf32, #tpu.memory_space<hbm>>
    tpu.wait_indirect_dma semaphore(%arg15 : memref<!tpu.dma_semaphore, #tpu.memory_space<semaphore_mem>>) src(%dma_wait3A_335 : memref<100000x128xf32, #tpu.memory_space<hbm>>) dst(%dma_wait3A_330 : memref<96x128xf32, #tpu.memory_space<vmem>>)
    %add3A_336 = arith.constant 832 : i32
    %add3A_337 = arith.addi %add3A_336, %add3A : i32
    %mul3A_338 = arith.constant 200 : i32
    %mul3A_339 = arith.muli %add3A_337, %mul3A_338 : i32
    %dma_wait3A_340 = arith.constant 0 : i32
    %dma_wait3A_341 = tpu.memref_slice %arg5[%mul3A_339, %dma_wait3A_340] : memref<204800x128xf32, #tpu.memory_space<hbm>> -> memref<200x128xf32, #tpu.memory_space<hbm>>
    %dma_wait3A_342 = arith.constant 0 : i32
    %dma_wait3A_343 = tpu.memref_slice %arg5[%mul3A_339, %dma_wait3A_342] : memref<204800x128xf32, #tpu.memory_space<hbm>> -> memref<200x128xf32, #tpu.memory_space<hbm>>
    tpu.wait_dma2 semaphore(%arg21 : memref<!tpu.dma_semaphore, #tpu.memory_space<semaphore_mem>>) src(%arg9 : memref<200x128xf32, #tpu.memory_space<vmem>>) dst(%dma_wait3A_343 : memref<200x128xf32, #tpu.memory_space<hbm>>)
    %add3A_344 = arith.constant 960 : i32
    %add3A_345 = arith.addi %add3A_344, %add3A : i32
    %mul3A_346 = arith.constant 200 : i32
    %mul3A_347 = arith.muli %add3A_345, %mul3A_346 : i32
    %dma_wait3A_348 = tpu.memref_slice %arg2[%mul3A_347] : memref<204800xi32, #tpu.memory_space<hbm>> -> memref<200xi32, #tpu.memory_space<hbm>>
    %dma_wait3A_349 = tpu.memref_slice %arg2[%mul3A_347] : memref<204800xi32, #tpu.memory_space<hbm>> -> memref<200xi32, #tpu.memory_space<hbm>>
    tpu.wait_dma2 semaphore(%arg25 : memref<!tpu.dma_semaphore, #tpu.memory_space<semaphore_mem>>) src(%dma_wait3A_349 : memref<200xi32, #tpu.memory_space<hbm>>) dst(%arg13 : memref<200xi32, #tpu.memory_space<vmem>>)
    %dma_start3A_350 = arith.constant 0 : i32
    %dma_start3A_351 = arith.constant 0 : i32
    %dma_start3A_352 = tpu.memref_slice %arg9[%dma_start3A_350, %dma_start3A_351] : memref<200x128xf32, #tpu.memory_space<vmem>> -> memref<104x128xf32, #tpu.memory_space<vmem>>
    %dma_start3A_353 = arith.constant 0 : i32
    %dma_start3A_354 = tpu.memref_slice %arg13[%dma_start3A_353] : memref<200xi32, #tpu.memory_space<vmem>> -> memref<104xi32, #tpu.memory_space<vmem>>
    %dma_start3A_355 = arith.constant 0 : i32
    %dma_start3A_356 = arith.constant 0 : i32
    %dma_start3A_357 = tpu.memref_slice %arg3[%dma_start3A_355, %dma_start3A_356] : memref<100000x128xf32, #tpu.memory_space<hbm>> -> memref<100000x128xf32, #tpu.memory_space<hbm>>
    tpu.enqueue_indirect_dma source(%dma_start3A_357 : memref<100000x128xf32, #tpu.memory_space<hbm>>) target(%dma_start3A_352 : memref<104x128xf32, #tpu.memory_space<vmem>>) offsets(%dma_start3A_354 : memref<104xi32, #tpu.memory_space<vmem>>) semaphore(%arg17 : memref<!tpu.dma_semaphore, #tpu.memory_space<semaphore_mem>>)
    %dma_start3A_358 = arith.constant 104 : i32
    %dma_start3A_359 = arith.constant 0 : i32
    %dma_start3A_360 = tpu.memref_slice %arg9[%dma_start3A_358, %dma_start3A_359] : memref<200x128xf32, #tpu.memory_space<vmem>> -> memref<96x128xf32, #tpu.memory_space<vmem>>
    %dma_start3A_361 = arith.constant 104 : i32
    %dma_start3A_362 = tpu.memref_slice %arg13[%dma_start3A_361] : memref<200xi32, #tpu.memory_space<vmem>> -> memref<96xi32, #tpu.memory_space<vmem>>
    %dma_start3A_363 = arith.constant 0 : i32
    %dma_start3A_364 = arith.constant 0 : i32
    %dma_start3A_365 = tpu.memref_slice %arg3[%dma_start3A_363, %dma_start3A_364] : memref<100000x128xf32, #tpu.memory_space<hbm>> -> memref<100000x128xf32, #tpu.memory_space<hbm>>
    tpu.enqueue_indirect_dma source(%dma_start3A_365 : memref<100000x128xf32, #tpu.memory_space<hbm>>) target(%dma_start3A_360 : memref<96x128xf32, #tpu.memory_space<vmem>>) offsets(%dma_start3A_362 : memref<96xi32, #tpu.memory_space<vmem>>) semaphore(%arg17 : memref<!tpu.dma_semaphore, #tpu.memory_space<semaphore_mem>>)
    %scan3A_366 = arith.constant 0 : i32
    %scan3A_367 = arith.constant 0 : i32
    %scan3A_368 = arith.constant 100 : i32
    %scan3A_369 = arith.addi %scan3A_367, %scan3A_368 : i32
    %scan3A_370 = arith.constant 1 : i32
    scf.for %scan3A_532 = %scan3A_367 to %scan3A_369 step %scan3A_370  : i32 {
      %mul3A_533 = arith.constant 2 : i32
      %mul3A_534 = arith.muli %scan3A_532, %mul3A_533 : i32
      %add3A_535 = arith.constant 0 : i32
      %add3A_536 = arith.addi %mul3A_534, %add3A_535 : i32
      %get3A = arith.index_cast %add3A_536 : i32 to index
      %get3A_537 = arith.constant 0 : index
      %get3A_538 = tpu.vector_load %arg7[%get3A, %get3A_537] {strides = array<i32>} : memref<200x128xf32, #tpu.memory_space<vmem>>, vector<1x16xf32>,
      %get3A_539 = vector.shape_cast %get3A_538 : vector<1x16xf32> to vector<16xf32>
      %mul3A_540 = arith.constant 11.3137083 : f32
      %mul3A_541 = vector.broadcast %mul3A_540 : f32 to vector<16xf32>
      %mul3A_542 = arith.mulf %get3A_539, %mul3A_541 : vector<16xf32>
      %get3A_543 = arith.index_cast %add3A_536 : i32 to index
      %get3A_544 = arith.constant 0 : index
      %get3A_545 = tpu.vector_load %arg6[%get3A_543, %get3A_544] {strides = array<i32>} : memref<200x128xf32, #tpu.memory_space<vmem>>, vector<1x16xf32>,
      %get3A_546 = vector.shape_cast %get3A_545 : vector<1x16xf32> to vector<16xf32>
      %add3A_547 = arith.addf %mul3A_542, %get3A_546 : vector<16xf32>
      %swap3A = arith.index_cast %add3A_536 : i32 to index
      %swap3A_548 = arith.constant 0 : index
      %swap3A_549 = tpu.vector_load %arg7[%swap3A, %swap3A_548] {strides = array<i32>} : memref<200x128xf32, #tpu.memory_space<vmem>>, vector<1x16xf32>,
      %swap3A_550 = vector.shape_cast %swap3A_549 : vector<1x16xf32> to vector<16xf32>
      %swap3A_551 = vector.shape_cast %add3A_547 : vector<16xf32> to vector<1x16xf32>
      tpu.vector_store %arg7[%swap3A, %swap3A_548], %swap3A_551 {strides = array<i32>} : memref<200x128xf32, #tpu.memory_space<vmem>>, vector<1x16xf32>,
      %get3A_552 = arith.index_cast %add3A_536 : i32 to index
      %get3A_553 = arith.constant 16 : index
      %get3A_554 = tpu.vector_load %arg7[%get3A_552, %get3A_553] {strides = array<i32>} : memref<200x128xf32, #tpu.memory_space<vmem>>, vector<1x16xf32>,
      %get3A_555 = vector.shape_cast %get3A_554 : vector<1x16xf32> to vector<16xf32>
      %mul3A_556 = arith.constant 11.3137083 : f32
      %mul3A_557 = vector.broadcast %mul3A_556 : f32 to vector<16xf32>
      %mul3A_558 = arith.mulf %get3A_555, %mul3A_557 : vector<16xf32>
      %get3A_559 = arith.index_cast %add3A_536 : i32 to index
      %get3A_560 = arith.constant 16 : index
      %get3A_561 = tpu.vector_load %arg6[%get3A_559, %get3A_560] {strides = array<i32>} : memref<200x128xf32, #tpu.memory_space<vmem>>, vector<1x16xf32>,
      %get3A_562 = vector.shape_cast %get3A_561 : vector<1x16xf32> to vector<16xf32>
      %add3A_563 = arith.addf %mul3A_558, %get3A_562 : vector<16xf32>
      %swap3A_564 = arith.index_cast %add3A_536 : i32 to index
      %swap3A_565 = arith.constant 16 : index
      %swap3A_566 = tpu.vector_load %arg7[%swap3A_564, %swap3A_565] {strides = array<i32>} : memref<200x128xf32, #tpu.memory_space<vmem>>, vector<1x16xf32>,
      %swap3A_567 = vector.shape_cast %swap3A_566 : vector<1x16xf32> to vector<16xf32>
      %swap3A_568 = vector.shape_cast %add3A_563 : vector<16xf32> to vector<1x16xf32>
      tpu.vector_store %arg7[%swap3A_564, %swap3A_565], %swap3A_568 {strides = array<i32>} : memref<200x128xf32, #tpu.memory_space<vmem>>, vector<1x16xf32>,
      %get3A_569 = arith.index_cast %add3A_536 : i32 to index
      %get3A_570 = arith.constant 32 : index
      %get3A_571 = tpu.vector_load %arg7[%get3A_569, %get3A_570] {strides = array<i32>} : memref<200x128xf32, #tpu.memory_space<vmem>>, vector<1x16xf32>,
      %get3A_572 = vector.shape_cast %get3A_571 : vector<1x16xf32> to vector<16xf32>
      %mul3A_573 = arith.constant 11.3137083 : f32
      %mul3A_574 = vector.broadcast %mul3A_573 : f32 to vector<16xf32>
      %mul3A_575 = arith.mulf %get3A_572, %mul3A_574 : vector<16xf32>
      %get3A_576 = arith.index_cast %add3A_536 : i32 to index
      %get3A_577 = arith.constant 32 : index
      %get3A_578 = tpu.vector_load %arg6[%get3A_576, %get3A_577] {strides = array<i32>} : memref<200x128xf32, #tpu.memory_space<vmem>>, vector<1x16xf32>,
      %get3A_579 = vector.shape_cast %get3A_578 : vector<1x16xf32> to vector<16xf32>
      %add3A_580 = arith.addf %mul3A_575, %get3A_579 : vector<16xf32>
      %swap3A_581 = arith.index_cast %add3A_536 : i32 to index
      %swap3A_582 = arith.constant 32 : index
      %swap3A_583 = tpu.vector_load %arg7[%swap3A_581, %swap3A_582] {strides = array<i32>} : memref<200x128xf32, #tpu.memory_space<vmem>>, vector<1x16xf32>,
      %swap3A_584 = vector.shape_cast %swap3A_583 : vector<1x16xf32> to vector<16xf32>
      %swap3A_585 = vector.shape_cast %add3A_580 : vector<16xf32> to vector<1x16xf32>
      tpu.vector_store %arg7[%swap3A_581, %swap3A_582], %swap3A_585 {strides = array<i32>} : memref<200x128xf32, #tpu.memory_space<vmem>>, vector<1x16xf32>,
      %get3A_586 = arith.index_cast %add3A_536 : i32 to index
      %get3A_587 = arith.constant 48 : index
      %get3A_588 = tpu.vector_load %arg7[%get3A_586, %get3A_587] {strides = array<i32>} : memref<200x128xf32, #tpu.memory_space<vmem>>, vector<1x16xf32>,
      %get3A_589 = vector.shape_cast %get3A_588 : vector<1x16xf32> to vector<16xf32>
      %mul3A_590 = arith.constant 11.3137083 : f32
      %mul3A_591 = vector.broadcast %mul3A_590 : f32 to vector<16xf32>
      %mul3A_592 = arith.mulf %get3A_589, %mul3A_591 : vector<16xf32>
      %get3A_593 = arith.index_cast %add3A_536 : i32 to index
      %get3A_594 = arith.constant 48 : index
      %get3A_595 = tpu.vector_load %arg6[%get3A_593, %get3A_594] {strides = array<i32>} : memref<200x128xf32, #tpu.memory_space<vmem>>, vector<1x16xf32>,
      %get3A_596 = vector.shape_cast %get3A_595 : vector<1x16xf32> to vector<16xf32>
      %add3A_597 = arith.addf %mul3A_592, %get3A_596 : vector<16xf32>
      %swap3A_598 = arith.index_cast %add3A_536 : i32 to index
      %swap3A_599 = arith.constant 48 : index
      %swap3A_600 = tpu.vector_load %arg7[%swap3A_598, %swap3A_599] {strides = array<i32>} : memref<200x128xf32, #tpu.memory_space<vmem>>, vector<1x16xf32>,
      %swap3A_601 = vector.shape_cast %swap3A_600 : vector<1x16xf32> to vector<16xf32>
      %swap3A_602 = vector.shape_cast %add3A_597 : vector<16xf32> to vector<1x16xf32>
      tpu.vector_store %arg7[%swap3A_598, %swap3A_599], %swap3A_602 {strides = array<i32>} : memref<200x128xf32, #tpu.memory_space<vmem>>, vector<1x16xf32>,
      %get3A_603 = arith.index_cast %add3A_536 : i32 to index
      %get3A_604 = arith.constant 64 : index
      %get3A_605 = tpu.vector_load %arg7[%get3A_603, %get3A_604] {strides = array<i32>} : memref<200x128xf32, #tpu.memory_space<vmem>>, vector<1x16xf32>,
      %get3A_606 = vector.shape_cast %get3A_605 : vector<1x16xf32> to vector<16xf32>
      %mul3A_607 = arith.constant 11.3137083 : f32
      %mul3A_608 = vector.broadcast %mul3A_607 : f32 to vector<16xf32>
      %mul3A_609 = arith.mulf %get3A_606, %mul3A_608 : vector<16xf32>
      %get3A_610 = arith.index_cast %add3A_536 : i32 to index
      %get3A_611 = arith.constant 64 : index
      %get3A_612 = tpu.vector_load %arg6[%get3A_610, %get3A_611] {strides = array<i32>} : memref<200x128xf32, #tpu.memory_space<vmem>>, vector<1x16xf32>,
      %get3A_613 = vector.shape_cast %get3A_612 : vector<1x16xf32> to vector<16xf32>
      %add3A_614 = arith.addf %mul3A_609, %get3A_613 : vector<16xf32>
      %swap3A_615 = arith.index_cast %add3A_536 : i32 to index
      %swap3A_616 = arith.constant 64 : index
      %swap3A_617 = tpu.vector_load %arg7[%swap3A_615, %swap3A_616] {strides = array<i32>} : memref<200x128xf32, #tpu.memory_space<vmem>>, vector<1x16xf32>,
      %swap3A_618 = vector.shape_cast %swap3A_617 : vector<1x16xf32> to vector<16xf32>
      %swap3A_619 = vector.shape_cast %add3A_614 : vector<16xf32> to vector<1x16xf32>
      tpu.vector_store %arg7[%swap3A_615, %swap3A_616], %swap3A_619 {strides = array<i32>} : memref<200x128xf32, #tpu.memory_space<vmem>>, vector<1x16xf32>,
      %get3A_620 = arith.index_cast %add3A_536 : i32 to index
      %get3A_621 = arith.constant 80 : index
      %get3A_622 = tpu.vector_load %arg7[%get3A_620, %get3A_621] {strides = array<i32>} : memref<200x128xf32, #tpu.memory_space<vmem>>, vector<1x16xf32>,
      %get3A_623 = vector.shape_cast %get3A_622 : vector<1x16xf32> to vector<16xf32>
      %mul3A_624 = arith.constant 11.3137083 : f32
      %mul3A_625 = vector.broadcast %mul3A_624 : f32 to vector<16xf32>
      %mul3A_626 = arith.mulf %get3A_623, %mul3A_625 : vector<16xf32>
      %get3A_627 = arith.index_cast %add3A_536 : i32 to index
      %get3A_628 = arith.constant 80 : index
      %get3A_629 = tpu.vector_load %arg6[%get3A_627, %get3A_628] {strides = array<i32>} : memref<200x128xf32, #tpu.memory_space<vmem>>, vector<1x16xf32>,
      %get3A_630 = vector.shape_cast %get3A_629 : vector<1x16xf32> to vector<16xf32>
      %add3A_631 = arith.addf %mul3A_626, %get3A_630 : vector<16xf32>
      %swap3A_632 = arith.index_cast %add3A_536 : i32 to index
      %swap3A_633 = arith.constant 80 : index
      %swap3A_634 = tpu.vector_load %arg7[%swap3A_632, %swap3A_633] {strides = array<i32>} : memref<200x128xf32, #tpu.memory_space<vmem>>, vector<1x16xf32>,
      %swap3A_635 = vector.shape_cast %swap3A_634 : vector<1x16xf32> to vector<16xf32>
      %swap3A_636 = vector.shape_cast %add3A_631 : vector<16xf32> to vector<1x16xf32>
      tpu.vector_store %arg7[%swap3A_632, %swap3A_633], %swap3A_636 {strides = array<i32>} : memref<200x128xf32, #tpu.memory_space<vmem>>, vector<1x16xf32>,
      %get3A_637 = arith.index_cast %add3A_536 : i32 to index
      %get3A_638 = arith.constant 96 : index
      %get3A_639 = tpu.vector_load %arg7[%get3A_637, %get3A_638] {strides = array<i32>} : memref<200x128xf32, #tpu.memory_space<vmem>>, vector<1x16xf32>,
      %get3A_640 = vector.shape_cast %get3A_639 : vector<1x16xf32> to vector<16xf32>
      %mul3A_641 = arith.constant 11.3137083 : f32
      %mul3A_642 = vector.broadcast %mul3A_641 : f32 to vector<16xf32>
      %mul3A_643 = arith.mulf %get3A_640, %mul3A_642 : vector<16xf32>
      %get3A_644 = arith.index_cast %add3A_536 : i32 to index
      %get3A_645 = arith.constant 96 : index
      %get3A_646 = tpu.vector_load %arg6[%get3A_644, %get3A_645] {strides = array<i32>} : memref<200x128xf32, #tpu.memory_space<vmem>>, vector<1x16xf32>,
      %get3A_647 = vector.shape_cast %get3A_646 : vector<1x16xf32> to vector<16xf32>
      %add3A_648 = arith.addf %mul3A_643, %get3A_647 : vector<16xf32>
      %swap3A_649 = arith.index_cast %add3A_536 : i32 to index
      %swap3A_650 = arith.constant 96 : index
      %swap3A_651 = tpu.vector_load %arg7[%swap3A_649, %swap3A_650] {strides = array<i32>} : memref<200x128xf32, #tpu.memory_space<vmem>>, vector<1x16xf32>,
      %swap3A_652 = vector.shape_cast %swap3A_651 : vector<1x16xf32> to vector<16xf32>
      %swap3A_653 = vector.shape_cast %add3A_648 : vector<16xf32> to vector<1x16xf32>
      tpu.vector_store %arg7[%swap3A_649, %swap3A_650], %swap3A_653 {strides = array<i32>} : memref<200x128xf32, #tpu.memory_space<vmem>>, vector<1x16xf32>,
      %get3A_654 = arith.index_cast %add3A_536 : i32 to index
      %get3A_655 = arith.constant 112 : index
      %get3A_656 = tpu.vector_load %arg7[%get3A_654, %get3A_655] {strides = array<i32>} : memref<200x128xf32, #tpu.memory_space<vmem>>, vector<1x16xf32>,
      %get3A_657 = vector.shape_cast %get3A_656 : vector<1x16xf32> to vector<16xf32>
      %mul3A_658 = arith.constant 11.3137083 : f32
      %mul3A_659 = vector.broadcast %mul3A_658 : f32 to vector<16xf32>
      %mul3A_660 = arith.mulf %get3A_657, %mul3A_659 : vector<16xf32>
      %get3A_661 = arith.index_cast %add3A_536 : i32 to index
      %get3A_662 = arith.constant 112 : index
      %get3A_663 = tpu.vector_load %arg6[%get3A_661, %get3A_662] {strides = array<i32>} : memref<200x128xf32, #tpu.memory_space<vmem>>, vector<1x16xf32>,
      %get3A_664 = vector.shape_cast %get3A_663 : vector<1x16xf32> to vector<16xf32>
      %add3A_665 = arith.addf %mul3A_660, %get3A_664 : vector<16xf32>
      %swap3A_666 = arith.index_cast %add3A_536 : i32 to index
      %swap3A_667 = arith.constant 112 : index
      %swap3A_668 = tpu.vector_load %arg7[%swap3A_666, %swap3A_667] {strides = array<i32>} : memref<200x128xf32, #tpu.memory_space<vmem>>, vector<1x16xf32>,
      %swap3A_669 = vector.shape_cast %swap3A_668 : vector<1x16xf32> to vector<16xf32>
      %swap3A_670 = vector.shape_cast %add3A_665 : vector<16xf32> to vector<1x16xf32>
      tpu.vector_store %arg7[%swap3A_666, %swap3A_667], %swap3A_670 {strides = array<i32>} : memref<200x128xf32, #tpu.memory_space<vmem>>, vector<1x16xf32>,
      %mul3A_671 = arith.constant 2 : i32
      %mul3A_672 = arith.muli %scan3A_532, %mul3A_671 : i32
      %add3A_673 = arith.constant 1 : i32
      %add3A_674 = arith.addi %mul3A_672, %add3A_673 : i32
      %get3A_675 = arith.index_cast %add3A_674 : i32 to index
      %get3A_676 = arith.constant 0 : index
      %get3A_677 = tpu.vector_load %arg7[%get3A_675, %get3A_676] {strides = array<i32>} : memref<200x128xf32, #tpu.memory_space<vmem>>, vector<1x16xf32>,
      %get3A_678 = vector.shape_cast %get3A_677 : vector<1x16xf32> to vector<16xf32>
      %mul3A_679 = arith.constant 11.3137083 : f32
      %mul3A_680 = vector.broadcast %mul3A_679 : f32 to vector<16xf32>
      %mul3A_681 = arith.mulf %get3A_678, %mul3A_680 : vector<16xf32>
      %get3A_682 = arith.index_cast %add3A_674 : i32 to index
      %get3A_683 = arith.constant 0 : index
      %get3A_684 = tpu.vector_load %arg6[%get3A_682, %get3A_683] {strides = array<i32>} : memref<200x128xf32, #tpu.memory_space<vmem>>, vector<1x16xf32>,
      %get3A_685 = vector.shape_cast %get3A_684 : vector<1x16xf32> to vector<16xf32>
      %add3A_686 = arith.addf %mul3A_681, %get3A_685 : vector<16xf32>
      %swap3A_687 = arith.index_cast %add3A_674 : i32 to index
      %swap3A_688 = arith.constant 0 : index
      %swap3A_689 = tpu.vector_load %arg7[%swap3A_687, %swap3A_688] {strides = array<i32>} : memref<200x128xf32, #tpu.memory_space<vmem>>, vector<1x16xf32>,
      %swap3A_690 = vector.shape_cast %swap3A_689 : vector<1x16xf32> to vector<16xf32>
      %swap3A_691 = vector.shape_cast %add3A_686 : vector<16xf32> to vector<1x16xf32>
      tpu.vector_store %arg7[%swap3A_687, %swap3A_688], %swap3A_691 {strides = array<i32>} : memref<200x128xf32, #tpu.memory_space<vmem>>, vector<1x16xf32>,
      %get3A_692 = arith.index_cast %add3A_674 : i32 to index
      %get3A_693 = arith.constant 16 : index
      %get3A_694 = tpu.vector_load %arg7[%get3A_692, %get3A_693] {strides = array<i32>} : memref<200x128xf32, #tpu.memory_space<vmem>>, vector<1x16xf32>,
      %get3A_695 = vector.shape_cast %get3A_694 : vector<1x16xf32> to vector<16xf32>
      %mul3A_696 = arith.constant 11.3137083 : f32
      %mul3A_697 = vector.broadcast %mul3A_696 : f32 to vector<16xf32>
      %mul3A_698 = arith.mulf %get3A_695, %mul3A_697 : vector<16xf32>
      %get3A_699 = arith.index_cast %add3A_674 : i32 to index
      %get3A_700 = arith.constant 16 : index
      %get3A_701 = tpu.vector_load %arg6[%get3A_699, %get3A_700] {strides = array<i32>} : memref<200x128xf32, #tpu.memory_space<vmem>>, vector<1x16xf32>,
      %get3A_702 = vector.shape_cast %get3A_701 : vector<1x16xf32> to vector<16xf32>
      %add3A_703 = arith.addf %mul3A_698, %get3A_702 : vector<16xf32>
      %swap3A_704 = arith.index_cast %add3A_674 : i32 to index
      %swap3A_705 = arith.constant 16 : index
      %swap3A_706 = tpu.vector_load %arg7[%swap3A_704, %swap3A_705] {strides = array<i32>} : memref<200x128xf32, #tpu.memory_space<vmem>>, vector<1x16xf32>,
      %swap3A_707 = vector.shape_cast %swap3A_706 : vector<1x16xf32> to vector<16xf32>
      %swap3A_708 = vector.shape_cast %add3A_703 : vector<16xf32> to vector<1x16xf32>
      tpu.vector_store %arg7[%swap3A_704, %swap3A_705], %swap3A_708 {strides = array<i32>} : memref<200x128xf32, #tpu.memory_space<vmem>>, vector<1x16xf32>,
      %get3A_709 = arith.index_cast %add3A_674 : i32 to index
      %get3A_710 = arith.constant 32 : index
      %get3A_711 = tpu.vector_load %arg7[%get3A_709, %get3A_710] {strides = array<i32>} : memref<200x128xf32, #tpu.memory_space<vmem>>, vector<1x16xf32>,
      %get3A_712 = vector.shape_cast %get3A_711 : vector<1x16xf32> to vector<16xf32>
      %mul3A_713 = arith.constant 11.3137083 : f32
      %mul3A_714 = vector.broadcast %mul3A_713 : f32 to vector<16xf32>
      %mul3A_715 = arith.mulf %get3A_712, %mul3A_714 : vector<16xf32>
      %get3A_716 = arith.index_cast %add3A_674 : i32 to index
      %get3A_717 = arith.constant 32 : index
      %get3A_718 = tpu.vector_load %arg6[%get3A_716, %get3A_717] {strides = array<i32>} : memref<200x128xf32, #tpu.memory_space<vmem>>, vector<1x16xf32>,
      %get3A_719 = vector.shape_cast %get3A_718 : vector<1x16xf32> to vector<16xf32>
      %add3A_720 = arith.addf %mul3A_715, %get3A_719 : vector<16xf32>
      %swap3A_721 = arith.index_cast %add3A_674 : i32 to index
      %swap3A_722 = arith.constant 32 : index
      %swap3A_723 = tpu.vector_load %arg7[%swap3A_721, %swap3A_722] {strides = array<i32>} : memref<200x128xf32, #tpu.memory_space<vmem>>, vector<1x16xf32>,
      %swap3A_724 = vector.shape_cast %swap3A_723 : vector<1x16xf32> to vector<16xf32>
      %swap3A_725 = vector.shape_cast %add3A_720 : vector<16xf32> to vector<1x16xf32>
      tpu.vector_store %arg7[%swap3A_721, %swap3A_722], %swap3A_725 {strides = array<i32>} : memref<200x128xf32, #tpu.memory_space<vmem>>, vector<1x16xf32>,
      %get3A_726 = arith.index_cast %add3A_674 : i32 to index
      %get3A_727 = arith.constant 48 : index
      %get3A_728 = tpu.vector_load %arg7[%get3A_726, %get3A_727] {strides = array<i32>} : memref<200x128xf32, #tpu.memory_space<vmem>>, vector<1x16xf32>,
      %get3A_729 = vector.shape_cast %get3A_728 : vector<1x16xf32> to vector<16xf32>
      %mul3A_730 = arith.constant 11.3137083 : f32
      %mul3A_731 = vector.broadcast %mul3A_730 : f32 to vector<16xf32>
      %mul3A_732 = arith.mulf %get3A_729, %mul3A_731 : vector<16xf32>
      %get3A_733 = arith.index_cast %add3A_674 : i32 to index
      %get3A_734 = arith.constant 48 : index
      %get3A_735 = tpu.vector_load %arg6[%get3A_733, %get3A_734] {strides = array<i32>} : memref<200x128xf32, #tpu.memory_space<vmem>>, vector<1x16xf32>,
      %get3A_736 = vector.shape_cast %get3A_735 : vector<1x16xf32> to vector<16xf32>
      %add3A_737 = arith.addf %mul3A_732, %get3A_736 : vector<16xf32>
      %swap3A_738 = arith.index_cast %add3A_674 : i32 to index
      %swap3A_739 = arith.constant 48 : index
      %swap3A_740 = tpu.vector_load %arg7[%swap3A_738, %swap3A_739] {strides = array<i32>} : memref<200x128xf32, #tpu.memory_space<vmem>>, vector<1x16xf32>,
      %swap3A_741 = vector.shape_cast %swap3A_740 : vector<1x16xf32> to vector<16xf32>
      %swap3A_742 = vector.shape_cast %add3A_737 : vector<16xf32> to vector<1x16xf32>
      tpu.vector_store %arg7[%swap3A_738, %swap3A_739], %swap3A_742 {strides = array<i32>} : memref<200x128xf32, #tpu.memory_space<vmem>>, vector<1x16xf32>,
      %get3A_743 = arith.index_cast %add3A_674 : i32 to index
      %get3A_744 = arith.constant 64 : index
      %get3A_745 = tpu.vector_load %arg7[%get3A_743, %get3A_744] {strides = array<i32>} : memref<200x128xf32, #tpu.memory_space<vmem>>, vector<1x16xf32>,
      %get3A_746 = vector.shape_cast %get3A_745 : vector<1x16xf32> to vector<16xf32>
      %mul3A_747 = arith.constant 11.3137083 : f32
      %mul3A_748 = vector.broadcast %mul3A_747 : f32 to vector<16xf32>
      %mul3A_749 = arith.mulf %get3A_746, %mul3A_748 : vector<16xf32>
      %get3A_750 = arith.index_cast %add3A_674 : i32 to index
      %get3A_751 = arith.constant 64 : index
      %get3A_752 = tpu.vector_load %arg6[%get3A_750, %get3A_751] {strides = array<i32>} : memref<200x128xf32, #tpu.memory_space<vmem>>, vector<1x16xf32>,
      %get3A_753 = vector.shape_cast %get3A_752 : vector<1x16xf32> to vector<16xf32>
      %add3A_754 = arith.addf %mul3A_749, %get3A_753 : vector<16xf32>
      %swap3A_755 = arith.index_cast %add3A_674 : i32 to index
      %swap3A_756 = arith.constant 64 : index
      %swap3A_757 = tpu.vector_load %arg7[%swap3A_755, %swap3A_756] {strides = array<i32>} : memref<200x128xf32, #tpu.memory_space<vmem>>, vector<1x16xf32>,
      %swap3A_758 = vector.shape_cast %swap3A_757 : vector<1x16xf32> to vector<16xf32>
      %swap3A_759 = vector.shape_cast %add3A_754 : vector<16xf32> to vector<1x16xf32>
      tpu.vector_store %arg7[%swap3A_755, %swap3A_756], %swap3A_759 {strides = array<i32>} : memref<200x128xf32, #tpu.memory_space<vmem>>, vector<1x16xf32>,
      %get3A_760 = arith.index_cast %add3A_674 : i32 to index
      %get3A_761 = arith.constant 80 : index
      %get3A_762 = tpu.vector_load %arg7[%get3A_760, %get3A_761] {strides = array<i32>} : memref<200x128xf32, #tpu.memory_space<vmem>>, vector<1x16xf32>,
      %get3A_763 = vector.shape_cast %get3A_762 : vector<1x16xf32> to vector<16xf32>
      %mul3A_764 = arith.constant 11.3137083 : f32
      %mul3A_765 = vector.broadcast %mul3A_764 : f32 to vector<16xf32>
      %mul3A_766 = arith.mulf %get3A_763, %mul3A_765 : vector<16xf32>
      %get3A_767 = arith.index_cast %add3A_674 : i32 to index
      %get3A_768 = arith.constant 80 : index
      %get3A_769 = tpu.vector_load %arg6[%get3A_767, %get3A_768] {strides = array<i32>} : memref<200x128xf32, #tpu.memory_space<vmem>>, vector<1x16xf32>,
      %get3A_770 = vector.shape_cast %get3A_769 : vector<1x16xf32> to vector<16xf32>
      %add3A_771 = arith.addf %mul3A_766, %get3A_770 : vector<16xf32>
      %swap3A_772 = arith.index_cast %add3A_674 : i32 to index
      %swap3A_773 = arith.constant 80 : index
      %swap3A_774 = tpu.vector_load %arg7[%swap3A_772, %swap3A_773] {strides = array<i32>} : memref<200x128xf32, #tpu.memory_space<vmem>>, vector<1x16xf32>,
      %swap3A_775 = vector.shape_cast %swap3A_774 : vector<1x16xf32> to vector<16xf32>
      %swap3A_776 = vector.shape_cast %add3A_771 : vector<16xf32> to vector<1x16xf32>
      tpu.vector_store %arg7[%swap3A_772, %swap3A_773], %swap3A_776 {strides = array<i32>} : memref<200x128xf32, #tpu.memory_space<vmem>>, vector<1x16xf32>,
      %get3A_777 = arith.index_cast %add3A_674 : i32 to index
      %get3A_778 = arith.constant 96 : index
      %get3A_779 = tpu.vector_load %arg7[%get3A_777, %get3A_778] {strides = array<i32>} : memref<200x128xf32, #tpu.memory_space<vmem>>, vector<1x16xf32>,
      %get3A_780 = vector.shape_cast %get3A_779 : vector<1x16xf32> to vector<16xf32>
      %mul3A_781 = arith.constant 11.3137083 : f32
      %mul3A_782 = vector.broadcast %mul3A_781 : f32 to vector<16xf32>
      %mul3A_783 = arith.mulf %get3A_780, %mul3A_782 : vector<16xf32>
      %get3A_784 = arith.index_cast %add3A_674 : i32 to index
      %get3A_785 = arith.constant 96 : index
      %get3A_786 = tpu.vector_load %arg6[%get3A_784, %get3A_785] {strides = array<i32>} : memref<200x128xf32, #tpu.memory_space<vmem>>, vector<1x16xf32>,
      %get3A_787 = vector.shape_cast %get3A_786 : vector<1x16xf32> to vector<16xf32>
      %add3A_788 = arith.addf %mul3A_783, %get3A_787 : vector<16xf32>
      %swap3A_789 = arith.index_cast %add3A_674 : i32 to index
      %swap3A_790 = arith.constant 96 : index
      %swap3A_791 = tpu.vector_load %arg7[%swap3A_789, %swap3A_790] {strides = array<i32>} : memref<200x128xf32, #tpu.memory_space<vmem>>, vector<1x16xf32>,
      %swap3A_792 = vector.shape_cast %swap3A_791 : vector<1x16xf32> to vector<16xf32>
      %swap3A_793 = vector.shape_cast %add3A_788 : vector<16xf32> to vector<1x16xf32>
      tpu.vector_store %arg7[%swap3A_789, %swap3A_790], %swap3A_793 {strides = array<i32>} : memref<200x128xf32, #tpu.memory_space<vmem>>, vector<1x16xf32>,
      %get3A_794 = arith.index_cast %add3A_674 : i32 to index
      %get3A_795 = arith.constant 112 : index
      %get3A_796 = tpu.vector_load %arg7[%get3A_794, %get3A_795] {strides = array<i32>} : memref<200x128xf32, #tpu.memory_space<vmem>>, vector<1x16xf32>,
      %get3A_797 = vector.shape_cast %get3A_796 : vector<1x16xf32> to vector<16xf32>
      %mul3A_798 = arith.constant 11.3137083 : f32
      %mul3A_799 = vector.broadcast %mul3A_798 : f32 to vector<16xf32>
      %mul3A_800 = arith.mulf %get3A_797, %mul3A_799 : vector<16xf32>
      %get3A_801 = arith.index_cast %add3A_674 : i32 to index
      %get3A_802 = arith.constant 112 : index
      %get3A_803 = tpu.vector_load %arg6[%get3A_801, %get3A_802] {strides = array<i32>} : memref<200x128xf32, #tpu.memory_space<vmem>>, vector<1x16xf32>,
      %get3A_804 = vector.shape_cast %get3A_803 : vector<1x16xf32> to vector<16xf32>
      %add3A_805 = arith.addf %mul3A_800, %get3A_804 : vector<16xf32>
      %swap3A_806 = arith.index_cast %add3A_674 : i32 to index
      %swap3A_807 = arith.constant 112 : index
      %swap3A_808 = tpu.vector_load %arg7[%swap3A_806, %swap3A_807] {strides = array<i32>} : memref<200x128xf32, #tpu.memory_space<vmem>>, vector<1x16xf32>,
      %swap3A_809 = vector.shape_cast %swap3A_808 : vector<1x16xf32> to vector<16xf32>
      %swap3A_810 = vector.shape_cast %add3A_805 : vector<16xf32> to vector<1x16xf32>
      tpu.vector_store %arg7[%swap3A_806, %swap3A_807], %swap3A_810 {strides = array<i32>} : memref<200x128xf32, #tpu.memory_space<vmem>>, vector<1x16xf32>,
    }
    %scan3A_371 = arith.constant 100 : i32
    %add3A_372 = arith.constant 896 : i32
    %add3A_373 = arith.addi %add3A_372, %add3A : i32
    %mul3A_374 = arith.constant 200 : i32
    %mul3A_375 = arith.muli %add3A_373, %mul3A_374 : i32
    %dma_start3A_376 = arith.constant 0 : i32
    %dma_start3A_377 = tpu.memref_slice %arg5[%mul3A_375, %dma_start3A_376] : memref<204800x128xf32, #tpu.memory_space<hbm>> -> memref<200x128xf32, #tpu.memory_space<hbm>>
    %dma_start3A_378 = arith.constant 0 : i32
    %dma_start3A_379 = tpu.memref_slice %arg5[%mul3A_375, %dma_start3A_378] : memref<204800x128xf32, #tpu.memory_space<hbm>> -> memref<200x128xf32, #tpu.memory_space<hbm>>
    tpu.enqueue_dma source(%arg7 : memref<200x128xf32, #tpu.memory_space<vmem>>) target(%dma_start3A_379 : memref<200x128xf32, #tpu.memory_space<hbm>>) target_semaphore(%arg19 : memref<!tpu.dma_semaphore, #tpu.memory_space<semaphore_mem>>)
    %dma_wait3A_380 = arith.constant 0 : i32
    %dma_wait3A_381 = arith.constant 0 : i32
    %dma_wait3A_382 = tpu.memref_slice %arg8[%dma_wait3A_380, %dma_wait3A_381] : memref<200x128xf32, #tpu.memory_space<vmem>> -> memref<104x128xf32, #tpu.memory_space<vmem>>
    %dma_wait3A_383 = arith.constant 0 : i32
    %dma_wait3A_384 = tpu.memref_slice %arg12[%dma_wait3A_383] : memref<200xi32, #tpu.memory_space<vmem>> -> memref<104xi32, #tpu.memory_space<vmem>>
    %dma_wait3A_385 = arith.constant 0 : i32
    %dma_wait3A_386 = arith.constant 0 : i32
    %dma_wait3A_387 = tpu.memref_slice %arg3[%dma_wait3A_385, %dma_wait3A_386] : memref<100000x128xf32, #tpu.memory_space<hbm>> -> memref<100000x128xf32, #tpu.memory_space<hbm>>
    tpu.wait_indirect_dma semaphore(%arg16 : memref<!tpu.dma_semaphore, #tpu.memory_space<semaphore_mem>>) src(%dma_wait3A_387 : memref<100000x128xf32, #tpu.memory_space<hbm>>) dst(%dma_wait3A_382 : memref<104x128xf32, #tpu.memory_space<vmem>>)
    %dma_wait3A_388 = arith.constant 104 : i32
    %dma_wait3A_389 = arith.constant 0 : i32
    %dma_wait3A_390 = tpu.memref_slice %arg8[%dma_wait3A_388, %dma_wait3A_389] : memref<200x128xf32, #tpu.memory_space<vmem>> -> memref<96x128xf32, #tpu.memory_space<vmem>>
    %dma_wait3A_391 = arith.constant 104 : i32
    %dma_wait3A_392 = tpu.memref_slice %arg12[%dma_wait3A_391] : memref<200xi32, #tpu.memory_space<vmem>> -> memref<96xi32, #tpu.memory_space<vmem>>
    %dma_wait3A_393 = arith.constant 0 : i32
    %dma_wait3A_394 = arith.constant 0 : i32
    %dma_wait3A_395 = tpu.memref_slice %arg3[%dma_wait3A_393, %dma_wait3A_394] : memref<100000x128xf32, #tpu.memory_space<hbm>> -> memref<100000x128xf32, #tpu.memory_space<hbm>>
    tpu.wait_indirect_dma semaphore(%arg16 : memref<!tpu.dma_semaphore, #tpu.memory_space<semaphore_mem>>) src(%dma_wait3A_395 : memref<100000x128xf32, #tpu.memory_space<hbm>>) dst(%dma_wait3A_390 : memref<96x128xf32, #tpu.memory_space<vmem>>)
    %add3A_396 = arith.constant 864 : i32
    %add3A_397 = arith.addi %add3A_396, %add3A : i32
    %mul3A_398 = arith.constant 200 : i32
    %mul3A_399 = arith.muli %add3A_397, %mul3A_398 : i32
    %dma_wait3A_400 = arith.constant 0 : i32
    %dma_wait3A_401 = tpu.memref_slice %arg5[%mul3A_399, %dma_wait3A_400] : memref<204800x128xf32, #tpu.memory_space<hbm>> -> memref<200x128xf32, #tpu.memory_space<hbm>>
    %dma_wait3A_402 = arith.constant 0 : i32
    %dma_wait3A_403 = tpu.memref_slice %arg5[%mul3A_399, %dma_wait3A_402] : memref<204800x128xf32, #tpu.memory_space<hbm>> -> memref<200x128xf32, #tpu.memory_space<hbm>>
    tpu.wait_dma2 semaphore(%arg22 : memref<!tpu.dma_semaphore, #tpu.memory_space<semaphore_mem>>) src(%arg10 : memref<200x128xf32, #tpu.memory_space<vmem>>) dst(%dma_wait3A_403 : memref<200x128xf32, #tpu.memory_space<hbm>>)
    %add3A_404 = arith.constant 992 : i32
    %add3A_405 = arith.addi %add3A_404, %add3A : i32
    %mul3A_406 = arith.constant 200 : i32
    %mul3A_407 = arith.muli %add3A_405, %mul3A_406 : i32
    %dma_wait3A_408 = tpu.memref_slice %arg2[%mul3A_407] : memref<204800xi32, #tpu.memory_space<hbm>> -> memref<200xi32, #tpu.memory_space<hbm>>
    %dma_wait3A_409 = tpu.memref_slice %arg2[%mul3A_407] : memref<204800xi32, #tpu.memory_space<hbm>> -> memref<200xi32, #tpu.memory_space<hbm>>
    tpu.wait_dma2 semaphore(%arg26 : memref<!tpu.dma_semaphore, #tpu.memory_space<semaphore_mem>>) src(%dma_wait3A_409 : memref<200xi32, #tpu.memory_space<hbm>>) dst(%arg14 : memref<200xi32, #tpu.memory_space<vmem>>)
    %dma_start3A_410 = arith.constant 0 : i32
    %dma_start3A_411 = arith.constant 0 : i32
    %dma_start3A_412 = tpu.memref_slice %arg10[%dma_start3A_410, %dma_start3A_411] : memref<200x128xf32, #tpu.memory_space<vmem>> -> memref<104x128xf32, #tpu.memory_space<vmem>>
    %dma_start3A_413 = arith.constant 0 : i32
    %dma_start3A_414 = tpu.memref_slice %arg14[%dma_start3A_413] : memref<200xi32, #tpu.memory_space<vmem>> -> memref<104xi32, #tpu.memory_space<vmem>>
    %dma_start3A_415 = arith.constant 0 : i32
    %dma_start3A_416 = arith.constant 0 : i32
    %dma_start3A_417 = tpu.memref_slice %arg3[%dma_start3A_415, %dma_start3A_416] : memref<100000x128xf32, #tpu.memory_space<hbm>> -> memref<100000x128xf32, #tpu.memory_space<hbm>>
    tpu.enqueue_indirect_dma source(%dma_start3A_417 : memref<100000x128xf32, #tpu.memory_space<hbm>>) target(%dma_start3A_412 : memref<104x128xf32, #tpu.memory_space<vmem>>) offsets(%dma_start3A_414 : memref<104xi32, #tpu.memory_space<vmem>>) semaphore(%arg18 : memref<!tpu.dma_semaphore, #tpu.memory_space<semaphore_mem>>)
    %dma_start3A_418 = arith.constant 104 : i32
    %dma_start3A_419 = arith.constant 0 : i32
    %dma_start3A_420 = tpu.memref_slice %arg10[%dma_start3A_418, %dma_start3A_419] : memref<200x128xf32, #tpu.memory_space<vmem>> -> memref<96x128xf32, #tpu.memory_space<vmem>>
    %dma_start3A_421 = arith.constant 104 : i32
    %dma_start3A_422 = tpu.memref_slice %arg14[%dma_start3A_421] : memref<200xi32, #tpu.memory_space<vmem>> -> memref<96xi32, #tpu.memory_space<vmem>>
    %dma_start3A_423 = arith.constant 0 : i32
    %dma_start3A_424 = arith.constant 0 : i32
    %dma_start3A_425 = tpu.memref_slice %arg3[%dma_start3A_423, %dma_start3A_424] : memref<100000x128xf32, #tpu.memory_space<hbm>> -> memref<100000x128xf32, #tpu.memory_space<hbm>>
    tpu.enqueue_indirect_dma source(%dma_start3A_425 : memref<100000x128xf32, #tpu.memory_space<hbm>>) target(%dma_start3A_420 : memref<96x128xf32, #tpu.memory_space<vmem>>) offsets(%dma_start3A_422 : memref<96xi32, #tpu.memory_space<vmem>>) semaphore(%arg18 : memref<!tpu.dma_semaphore, #tpu.memory_space<semaphore_mem>>)
    %scan3A_426 = arith.constant 0 : i32
    %scan3A_427 = arith.constant 0 : i32
    %scan3A_428 = arith.constant 100 : i32
    %scan3A_429 = arith.addi %scan3A_427, %scan3A_428 : i32
    %scan3A_430 = arith.constant 1 : i32
    scf.for %scan3A_532 = %scan3A_427 to %scan3A_429 step %scan3A_430  : i32 {
      %mul3A_533 = arith.constant 2 : i32
      %mul3A_534 = arith.muli %scan3A_532, %mul3A_533 : i32
      %add3A_535 = arith.constant 0 : i32
      %add3A_536 = arith.addi %mul3A_534, %add3A_535 : i32
      %get3A = arith.index_cast %add3A_536 : i32 to index
      %get3A_537 = arith.constant 0 : index
      %get3A_538 = tpu.vector_load %arg8[%get3A, %get3A_537] {strides = array<i32>} : memref<200x128xf32, #tpu.memory_space<vmem>>, vector<1x16xf32>,
      %get3A_539 = vector.shape_cast %get3A_538 : vector<1x16xf32> to vector<16xf32>
      %mul3A_540 = arith.constant 11.3137083 : f32
      %mul3A_541 = vector.broadcast %mul3A_540 : f32 to vector<16xf32>
      %mul3A_542 = arith.mulf %get3A_539, %mul3A_541 : vector<16xf32>
      %get3A_543 = arith.index_cast %add3A_536 : i32 to index
      %get3A_544 = arith.constant 0 : index
      %get3A_545 = tpu.vector_load %arg6[%get3A_543, %get3A_544] {strides = array<i32>} : memref<200x128xf32, #tpu.memory_space<vmem>>, vector<1x16xf32>,
      %get3A_546 = vector.shape_cast %get3A_545 : vector<1x16xf32> to vector<16xf32>
      %add3A_547 = arith.addf %mul3A_542, %get3A_546 : vector<16xf32>
      %swap3A = arith.index_cast %add3A_536 : i32 to index
      %swap3A_548 = arith.constant 0 : index
      %swap3A_549 = tpu.vector_load %arg8[%swap3A, %swap3A_548] {strides = array<i32>} : memref<200x128xf32, #tpu.memory_space<vmem>>, vector<1x16xf32>,
      %swap3A_550 = vector.shape_cast %swap3A_549 : vector<1x16xf32> to vector<16xf32>
      %swap3A_551 = vector.shape_cast %add3A_547 : vector<16xf32> to vector<1x16xf32>
      tpu.vector_store %arg8[%swap3A, %swap3A_548], %swap3A_551 {strides = array<i32>} : memref<200x128xf32, #tpu.memory_space<vmem>>, vector<1x16xf32>,
      %get3A_552 = arith.index_cast %add3A_536 : i32 to index
      %get3A_553 = arith.constant 16 : index
      %get3A_554 = tpu.vector_load %arg8[%get3A_552, %get3A_553] {strides = array<i32>} : memref<200x128xf32, #tpu.memory_space<vmem>>, vector<1x16xf32>,
      %get3A_555 = vector.shape_cast %get3A_554 : vector<1x16xf32> to vector<16xf32>
      %mul3A_556 = arith.constant 11.3137083 : f32
      %mul3A_557 = vector.broadcast %mul3A_556 : f32 to vector<16xf32>
      %mul3A_558 = arith.mulf %get3A_555, %mul3A_557 : vector<16xf32>
      %get3A_559 = arith.index_cast %add3A_536 : i32 to index
      %get3A_560 = arith.constant 16 : index
      %get3A_561 = tpu.vector_load %arg6[%get3A_559, %get3A_560] {strides = array<i32>} : memref<200x128xf32, #tpu.memory_space<vmem>>, vector<1x16xf32>,
      %get3A_562 = vector.shape_cast %get3A_561 : vector<1x16xf32> to vector<16xf32>
      %add3A_563 = arith.addf %mul3A_558, %get3A_562 : vector<16xf32>
      %swap3A_564 = arith.index_cast %add3A_536 : i32 to index
      %swap3A_565 = arith.constant 16 : index
      %swap3A_566 = tpu.vector_load %arg8[%swap3A_564, %swap3A_565] {strides = array<i32>} : memref<200x128xf32, #tpu.memory_space<vmem>>, vector<1x16xf32>,
      %swap3A_567 = vector.shape_cast %swap3A_566 : vector<1x16xf32> to vector<16xf32>
      %swap3A_568 = vector.shape_cast %add3A_563 : vector<16xf32> to vector<1x16xf32>
      tpu.vector_store %arg8[%swap3A_564, %swap3A_565], %swap3A_568 {strides = array<i32>} : memref<200x128xf32, #tpu.memory_space<vmem>>, vector<1x16xf32>,
      %get3A_569 = arith.index_cast %add3A_536 : i32 to index
      %get3A_570 = arith.constant 32 : index
      %get3A_571 = tpu.vector_load %arg8[%get3A_569, %get3A_570] {strides = array<i32>} : memref<200x128xf32, #tpu.memory_space<vmem>>, vector<1x16xf32>,
      %get3A_572 = vector.shape_cast %get3A_571 : vector<1x16xf32> to vector<16xf32>
      %mul3A_573 = arith.constant 11.3137083 : f32
      %mul3A_574 = vector.broadcast %mul3A_573 : f32 to vector<16xf32>
      %mul3A_575 = arith.mulf %get3A_572, %mul3A_574 : vector<16xf32>
      %get3A_576 = arith.index_cast %add3A_536 : i32 to index
      %get3A_577 = arith.constant 32 : index
      %get3A_578 = tpu.vector_load %arg6[%get3A_576, %get3A_577] {strides = array<i32>} : memref<200x128xf32, #tpu.memory_space<vmem>>, vector<1x16xf32>,
      %get3A_579 = vector.shape_cast %get3A_578 : vector<1x16xf32> to vector<16xf32>
      %add3A_580 = arith.addf %mul3A_575, %get3A_579 : vector<16xf32>
      %swap3A_581 = arith.index_cast %add3A_536 : i32 to index
      %swap3A_582 = arith.constant 32 : index
      %swap3A_583 = tpu.vector_load %arg8[%swap3A_581, %swap3A_582] {strides = array<i32>} : memref<200x128xf32, #tpu.memory_space<vmem>>, vector<1x16xf32>,
      %swap3A_584 = vector.shape_cast %swap3A_583 : vector<1x16xf32> to vector<16xf32>
      %swap3A_585 = vector.shape_cast %add3A_580 : vector<16xf32> to vector<1x16xf32>
      tpu.vector_store %arg8[%swap3A_581, %swap3A_582], %swap3A_585 {strides = array<i32>} : memref<200x128xf32, #tpu.memory_space<vmem>>, vector<1x16xf32>,
      %get3A_586 = arith.index_cast %add3A_536 : i32 to index
      %get3A_587 = arith.constant 48 : index
      %get3A_588 = tpu.vector_load %arg8[%get3A_586, %get3A_587] {strides = array<i32>} : memref<200x128xf32, #tpu.memory_space<vmem>>, vector<1x16xf32>,
      %get3A_589 = vector.shape_cast %get3A_588 : vector<1x16xf32> to vector<16xf32>
      %mul3A_590 = arith.constant 11.3137083 : f32
      %mul3A_591 = vector.broadcast %mul3A_590 : f32 to vector<16xf32>
      %mul3A_592 = arith.mulf %get3A_589, %mul3A_591 : vector<16xf32>
      %get3A_593 = arith.index_cast %add3A_536 : i32 to index
      %get3A_594 = arith.constant 48 : index
      %get3A_595 = tpu.vector_load %arg6[%get3A_593, %get3A_594] {strides = array<i32>} : memref<200x128xf32, #tpu.memory_space<vmem>>, vector<1x16xf32>,
      %get3A_596 = vector.shape_cast %get3A_595 : vector<1x16xf32> to vector<16xf32>
      %add3A_597 = arith.addf %mul3A_592, %get3A_596 : vector<16xf32>
      %swap3A_598 = arith.index_cast %add3A_536 : i32 to index
      %swap3A_599 = arith.constant 48 : index
      %swap3A_600 = tpu.vector_load %arg8[%swap3A_598, %swap3A_599] {strides = array<i32>} : memref<200x128xf32, #tpu.memory_space<vmem>>, vector<1x16xf32>,
      %swap3A_601 = vector.shape_cast %swap3A_600 : vector<1x16xf32> to vector<16xf32>
      %swap3A_602 = vector.shape_cast %add3A_597 : vector<16xf32> to vector<1x16xf32>
      tpu.vector_store %arg8[%swap3A_598, %swap3A_599], %swap3A_602 {strides = array<i32>} : memref<200x128xf32, #tpu.memory_space<vmem>>, vector<1x16xf32>,
      %get3A_603 = arith.index_cast %add3A_536 : i32 to index
      %get3A_604 = arith.constant 64 : index
      %get3A_605 = tpu.vector_load %arg8[%get3A_603, %get3A_604] {strides = array<i32>} : memref<200x128xf32, #tpu.memory_space<vmem>>, vector<1x16xf32>,
      %get3A_606 = vector.shape_cast %get3A_605 : vector<1x16xf32> to vector<16xf32>
      %mul3A_607 = arith.constant 11.3137083 : f32
      %mul3A_608 = vector.broadcast %mul3A_607 : f32 to vector<16xf32>
      %mul3A_609 = arith.mulf %get3A_606, %mul3A_608 : vector<16xf32>
      %get3A_610 = arith.index_cast %add3A_536 : i32 to index
      %get3A_611 = arith.constant 64 : index
      %get3A_612 = tpu.vector_load %arg6[%get3A_610, %get3A_611] {strides = array<i32>} : memref<200x128xf32, #tpu.memory_space<vmem>>, vector<1x16xf32>,
      %get3A_613 = vector.shape_cast %get3A_612 : vector<1x16xf32> to vector<16xf32>
      %add3A_614 = arith.addf %mul3A_609, %get3A_613 : vector<16xf32>
      %swap3A_615 = arith.index_cast %add3A_536 : i32 to index
      %swap3A_616 = arith.constant 64 : index
      %swap3A_617 = tpu.vector_load %arg8[%swap3A_615, %swap3A_616] {strides = array<i32>} : memref<200x128xf32, #tpu.memory_space<vmem>>, vector<1x16xf32>,
      %swap3A_618 = vector.shape_cast %swap3A_617 : vector<1x16xf32> to vector<16xf32>
      %swap3A_619 = vector.shape_cast %add3A_614 : vector<16xf32> to vector<1x16xf32>
      tpu.vector_store %arg8[%swap3A_615, %swap3A_616], %swap3A_619 {strides = array<i32>} : memref<200x128xf32, #tpu.memory_space<vmem>>, vector<1x16xf32>,
      %get3A_620 = arith.index_cast %add3A_536 : i32 to index
      %get3A_621 = arith.constant 80 : index
      %get3A_622 = tpu.vector_load %arg8[%get3A_620, %get3A_621] {strides = array<i32>} : memref<200x128xf32, #tpu.memory_space<vmem>>, vector<1x16xf32>,
      %get3A_623 = vector.shape_cast %get3A_622 : vector<1x16xf32> to vector<16xf32>
      %mul3A_624 = arith.constant 11.3137083 : f32
      %mul3A_625 = vector.broadcast %mul3A_624 : f32 to vector<16xf32>
      %mul3A_626 = arith.mulf %get3A_623, %mul3A_625 : vector<16xf32>
      %get3A_627 = arith.index_cast %add3A_536 : i32 to index
      %get3A_628 = arith.constant 80 : index
      %get3A_629 = tpu.vector_load %arg6[%get3A_627, %get3A_628] {strides = array<i32>} : memref<200x128xf32, #tpu.memory_space<vmem>>, vector<1x16xf32>,
      %get3A_630 = vector.shape_cast %get3A_629 : vector<1x16xf32> to vector<16xf32>
      %add3A_631 = arith.addf %mul3A_626, %get3A_630 : vector<16xf32>
      %swap3A_632 = arith.index_cast %add3A_536 : i32 to index
      %swap3A_633 = arith.constant 80 : index
      %swap3A_634 = tpu.vector_load %arg8[%swap3A_632, %swap3A_633] {strides = array<i32>} : memref<200x128xf32, #tpu.memory_space<vmem>>, vector<1x16xf32>,
      %swap3A_635 = vector.shape_cast %swap3A_634 : vector<1x16xf32> to vector<16xf32>
      %swap3A_636 = vector.shape_cast %add3A_631 : vector<16xf32> to vector<1x16xf32>
      tpu.vector_store %arg8[%swap3A_632, %swap3A_633], %swap3A_636 {strides = array<i32>} : memref<200x128xf32, #tpu.memory_space<vmem>>, vector<1x16xf32>,
      %get3A_637 = arith.index_cast %add3A_536 : i32 to index
      %get3A_638 = arith.constant 96 : index
      %get3A_639 = tpu.vector_load %arg8[%get3A_637, %get3A_638] {strides = array<i32>} : memref<200x128xf32, #tpu.memory_space<vmem>>, vector<1x16xf32>,
      %get3A_640 = vector.shape_cast %get3A_639 : vector<1x16xf32> to vector<16xf32>
      %mul3A_641 = arith.constant 11.3137083 : f32
      %mul3A_642 = vector.broadcast %mul3A_641 : f32 to vector<16xf32>
      %mul3A_643 = arith.mulf %get3A_640, %mul3A_642 : vector<16xf32>
      %get3A_644 = arith.index_cast %add3A_536 : i32 to index
      %get3A_645 = arith.constant 96 : index
      %get3A_646 = tpu.vector_load %arg6[%get3A_644, %get3A_645] {strides = array<i32>} : memref<200x128xf32, #tpu.memory_space<vmem>>, vector<1x16xf32>,
      %get3A_647 = vector.shape_cast %get3A_646 : vector<1x16xf32> to vector<16xf32>
      %add3A_648 = arith.addf %mul3A_643, %get3A_647 : vector<16xf32>
      %swap3A_649 = arith.index_cast %add3A_536 : i32 to index
      %swap3A_650 = arith.constant 96 : index
      %swap3A_651 = tpu.vector_load %arg8[%swap3A_649, %swap3A_650] {strides = array<i32>} : memref<200x128xf32, #tpu.memory_space<vmem>>, vector<1x16xf32>,
      %swap3A_652 = vector.shape_cast %swap3A_651 : vector<1x16xf32> to vector<16xf32>
      %swap3A_653 = vector.shape_cast %add3A_648 : vector<16xf32> to vector<1x16xf32>
      tpu.vector_store %arg8[%swap3A_649, %swap3A_650], %swap3A_653 {strides = array<i32>} : memref<200x128xf32, #tpu.memory_space<vmem>>, vector<1x16xf32>,
      %get3A_654 = arith.index_cast %add3A_536 : i32 to index
      %get3A_655 = arith.constant 112 : index
      %get3A_656 = tpu.vector_load %arg8[%get3A_654, %get3A_655] {strides = array<i32>} : memref<200x128xf32, #tpu.memory_space<vmem>>, vector<1x16xf32>,
      %get3A_657 = vector.shape_cast %get3A_656 : vector<1x16xf32> to vector<16xf32>
      %mul3A_658 = arith.constant 11.3137083 : f32
      %mul3A_659 = vector.broadcast %mul3A_658 : f32 to vector<16xf32>
      %mul3A_660 = arith.mulf %get3A_657, %mul3A_659 : vector<16xf32>
      %get3A_661 = arith.index_cast %add3A_536 : i32 to index
      %get3A_662 = arith.constant 112 : index
      %get3A_663 = tpu.vector_load %arg6[%get3A_661, %get3A_662] {strides = array<i32>} : memref<200x128xf32, #tpu.memory_space<vmem>>, vector<1x16xf32>,
      %get3A_664 = vector.shape_cast %get3A_663 : vector<1x16xf32> to vector<16xf32>
      %add3A_665 = arith.addf %mul3A_660, %get3A_664 : vector<16xf32>
      %swap3A_666 = arith.index_cast %add3A_536 : i32 to index
      %swap3A_667 = arith.constant 112 : index
      %swap3A_668 = tpu.vector_load %arg8[%swap3A_666, %swap3A_667] {strides = array<i32>} : memref<200x128xf32, #tpu.memory_space<vmem>>, vector<1x16xf32>,
      %swap3A_669 = vector.shape_cast %swap3A_668 : vector<1x16xf32> to vector<16xf32>
      %swap3A_670 = vector.shape_cast %add3A_665 : vector<16xf32> to vector<1x16xf32>
      tpu.vector_store %arg8[%swap3A_666, %swap3A_667], %swap3A_670 {strides = array<i32>} : memref<200x128xf32, #tpu.memory_space<vmem>>, vector<1x16xf32>,
      %mul3A_671 = arith.constant 2 : i32
      %mul3A_672 = arith.muli %scan3A_532, %mul3A_671 : i32
      %add3A_673 = arith.constant 1 : i32
      %add3A_674 = arith.addi %mul3A_672, %add3A_673 : i32
      %get3A_675 = arith.index_cast %add3A_674 : i32 to index
      %get3A_676 = arith.constant 0 : index
      %get3A_677 = tpu.vector_load %arg8[%get3A_675, %get3A_676] {strides = array<i32>} : memref<200x128xf32, #tpu.memory_space<vmem>>, vector<1x16xf32>,
      %get3A_678 = vector.shape_cast %get3A_677 : vector<1x16xf32> to vector<16xf32>
      %mul3A_679 = arith.constant 11.3137083 : f32
      %mul3A_680 = vector.broadcast %mul3A_679 : f32 to vector<16xf32>
      %mul3A_681 = arith.mulf %get3A_678, %mul3A_680 : vector<16xf32>
      %get3A_682 = arith.index_cast %add3A_674 : i32 to index
      %get3A_683 = arith.constant 0 : index
      %get3A_684 = tpu.vector_load %arg6[%get3A_682, %get3A_683] {strides = array<i32>} : memref<200x128xf32, #tpu.memory_space<vmem>>, vector<1x16xf32>,
      %get3A_685 = vector.shape_cast %get3A_684 : vector<1x16xf32> to vector<16xf32>
      %add3A_686 = arith.addf %mul3A_681, %get3A_685 : vector<16xf32>
      %swap3A_687 = arith.index_cast %add3A_674 : i32 to index
      %swap3A_688 = arith.constant 0 : index
      %swap3A_689 = tpu.vector_load %arg8[%swap3A_687, %swap3A_688] {strides = array<i32>} : memref<200x128xf32, #tpu.memory_space<vmem>>, vector<1x16xf32>,
      %swap3A_690 = vector.shape_cast %swap3A_689 : vector<1x16xf32> to vector<16xf32>
      %swap3A_691 = vector.shape_cast %add3A_686 : vector<16xf32> to vector<1x16xf32>
      tpu.vector_store %arg8[%swap3A_687, %swap3A_688], %swap3A_691 {strides = array<i32>} : memref<200x128xf32, #tpu.memory_space<vmem>>, vector<1x16xf32>,
      %get3A_692 = arith.index_cast %add3A_674 : i32 to index
      %get3A_693 = arith.constant 16 : index
      %get3A_694 = tpu.vector_load %arg8[%get3A_692, %get3A_693] {strides = array<i32>} : memref<200x128xf32, #tpu.memory_space<vmem>>, vector<1x16xf32>,
      %get3A_695 = vector.shape_cast %get3A_694 : vector<1x16xf32> to vector<16xf32>
      %mul3A_696 = arith.constant 11.3137083 : f32
      %mul3A_697 = vector.broadcast %mul3A_696 : f32 to vector<16xf32>
      %mul3A_698 = arith.mulf %get3A_695, %mul3A_697 : vector<16xf32>
      %get3A_699 = arith.index_cast %add3A_674 : i32 to index
      %get3A_700 = arith.constant 16 : index
      %get3A_701 = tpu.vector_load %arg6[%get3A_699, %get3A_700] {strides = array<i32>} : memref<200x128xf32, #tpu.memory_space<vmem>>, vector<1x16xf32>,
      %get3A_702 = vector.shape_cast %get3A_701 : vector<1x16xf32> to vector<16xf32>
      %add3A_703 = arith.addf %mul3A_698, %get3A_702 : vector<16xf32>
      %swap3A_704 = arith.index_cast %add3A_674 : i32 to index
      %swap3A_705 = arith.constant 16 : index
      %swap3A_706 = tpu.vector_load %arg8[%swap3A_704, %swap3A_705] {strides = array<i32>} : memref<200x128xf32, #tpu.memory_space<vmem>>, vector<1x16xf32>,
      %swap3A_707 = vector.shape_cast %swap3A_706 : vector<1x16xf32> to vector<16xf32>
      %swap3A_708 = vector.shape_cast %add3A_703 : vector<16xf32> to vector<1x16xf32>
      tpu.vector_store %arg8[%swap3A_704, %swap3A_705], %swap3A_708 {strides = array<i32>} : memref<200x128xf32, #tpu.memory_space<vmem>>, vector<1x16xf32>,
      %get3A_709 = arith.index_cast %add3A_674 : i32 to index
      %get3A_710 = arith.constant 32 : index
      %get3A_711 = tpu.vector_load %arg8[%get3A_709, %get3A_710] {strides = array<i32>} : memref<200x128xf32, #tpu.memory_space<vmem>>, vector<1x16xf32>,
      %get3A_712 = vector.shape_cast %get3A_711 : vector<1x16xf32> to vector<16xf32>
      %mul3A_713 = arith.constant 11.3137083 : f32
      %mul3A_714 = vector.broadcast %mul3A_713 : f32 to vector<16xf32>
      %mul3A_715 = arith.mulf %get3A_712, %mul3A_714 : vector<16xf32>
      %get3A_716 = arith.index_cast %add3A_674 : i32 to index
      %get3A_717 = arith.constant 32 : index
      %get3A_718 = tpu.vector_load %arg6[%get3A_716, %get3A_717] {strides = array<i32>} : memref<200x128xf32, #tpu.memory_space<vmem>>, vector<1x16xf32>,
      %get3A_719 = vector.shape_cast %get3A_718 : vector<1x16xf32> to vector<16xf32>
      %add3A_720 = arith.addf %mul3A_715, %get3A_719 : vector<16xf32>
      %swap3A_721 = arith.index_cast %add3A_674 : i32 to index
      %swap3A_722 = arith.constant 32 : index
      %swap3A_723 = tpu.vector_load %arg8[%swap3A_721, %swap3A_722] {strides = array<i32>} : memref<200x128xf32, #tpu.memory_space<vmem>>, vector<1x16xf32>,
      %swap3A_724 = vector.shape_cast %swap3A_723 : vector<1x16xf32> to vector<16xf32>
      %swap3A_725 = vector.shape_cast %add3A_720 : vector<16xf32> to vector<1x16xf32>
      tpu.vector_store %arg8[%swap3A_721, %swap3A_722], %swap3A_725 {strides = array<i32>} : memref<200x128xf32, #tpu.memory_space<vmem>>, vector<1x16xf32>,
      %get3A_726 = arith.index_cast %add3A_674 : i32 to index
      %get3A_727 = arith.constant 48 : index
      %get3A_728 = tpu.vector_load %arg8[%get3A_726, %get3A_727] {strides = array<i32>} : memref<200x128xf32, #tpu.memory_space<vmem>>, vector<1x16xf32>,
      %get3A_729 = vector.shape_cast %get3A_728 : vector<1x16xf32> to vector<16xf32>
      %mul3A_730 = arith.constant 11.3137083 : f32
      %mul3A_731 = vector.broadcast %mul3A_730 : f32 to vector<16xf32>
      %mul3A_732 = arith.mulf %get3A_729, %mul3A_731 : vector<16xf32>
      %get3A_733 = arith.index_cast %add3A_674 : i32 to index
      %get3A_734 = arith.constant 48 : index
      %get3A_735 = tpu.vector_load %arg6[%get3A_733, %get3A_734] {strides = array<i32>} : memref<200x128xf32, #tpu.memory_space<vmem>>, vector<1x16xf32>,
      %get3A_736 = vector.shape_cast %get3A_735 : vector<1x16xf32> to vector<16xf32>
      %add3A_737 = arith.addf %mul3A_732, %get3A_736 : vector<16xf32>
      %swap3A_738 = arith.index_cast %add3A_674 : i32 to index
      %swap3A_739 = arith.constant 48 : index
      %swap3A_740 = tpu.vector_load %arg8[%swap3A_738, %swap3A_739] {strides = array<i32>} : memref<200x128xf32, #tpu.memory_space<vmem>>, vector<1x16xf32>,
      %swap3A_741 = vector.shape_cast %swap3A_740 : vector<1x16xf32> to vector<16xf32>
      %swap3A_742 = vector.shape_cast %add3A_737 : vector<16xf32> to vector<1x16xf32>
      tpu.vector_store %arg8[%swap3A_738, %swap3A_739], %swap3A_742 {strides = array<i32>} : memref<200x128xf32, #tpu.memory_space<vmem>>, vector<1x16xf32>,
      %get3A_743 = arith.index_cast %add3A_674 : i32 to index
      %get3A_744 = arith.constant 64 : index
      %get3A_745 = tpu.vector_load %arg8[%get3A_743, %get3A_744] {strides = array<i32>} : memref<200x128xf32, #tpu.memory_space<vmem>>, vector<1x16xf32>,
      %get3A_746 = vector.shape_cast %get3A_745 : vector<1x16xf32> to vector<16xf32>
      %mul3A_747 = arith.constant 11.3137083 : f32
      %mul3A_748 = vector.broadcast %mul3A_747 : f32 to vector<16xf32>
      %mul3A_749 = arith.mulf %get3A_746, %mul3A_748 : vector<16xf32>
      %get3A_750 = arith.index_cast %add3A_674 : i32 to index
      %get3A_751 = arith.constant 64 : index
      %get3A_752 = tpu.vector_load %arg6[%get3A_750, %get3A_751] {strides = array<i32>} : memref<200x128xf32, #tpu.memory_space<vmem>>, vector<1x16xf32>,
      %get3A_753 = vector.shape_cast %get3A_752 : vector<1x16xf32> to vector<16xf32>
      %add3A_754 = arith.addf %mul3A_749, %get3A_753 : vector<16xf32>
      %swap3A_755 = arith.index_cast %add3A_674 : i32 to index
      %swap3A_756 = arith.constant 64 : index
      %swap3A_757 = tpu.vector_load %arg8[%swap3A_755, %swap3A_756] {strides = array<i32>} : memref<200x128xf32, #tpu.memory_space<vmem>>, vector<1x16xf32>,
      %swap3A_758 = vector.shape_cast %swap3A_757 : vector<1x16xf32> to vector<16xf32>
      %swap3A_759 = vector.shape_cast %add3A_754 : vector<16xf32> to vector<1x16xf32>
      tpu.vector_store %arg8[%swap3A_755, %swap3A_756], %swap3A_759 {strides = array<i32>} : memref<200x128xf32, #tpu.memory_space<vmem>>, vector<1x16xf32>,
      %get3A_760 = arith.index_cast %add3A_674 : i32 to index
      %get3A_761 = arith.constant 80 : index
      %get3A_762 = tpu.vector_load %arg8[%get3A_760, %get3A_761] {strides = array<i32>} : memref<200x128xf32, #tpu.memory_space<vmem>>, vector<1x16xf32>,
      %get3A_763 = vector.shape_cast %get3A_762 : vector<1x16xf32> to vector<16xf32>
      %mul3A_764 = arith.constant 11.3137083 : f32
      %mul3A_765 = vector.broadcast %mul3A_764 : f32 to vector<16xf32>
      %mul3A_766 = arith.mulf %get3A_763, %mul3A_765 : vector<16xf32>
      %get3A_767 = arith.index_cast %add3A_674 : i32 to index
      %get3A_768 = arith.constant 80 : index
      %get3A_769 = tpu.vector_load %arg6[%get3A_767, %get3A_768] {strides = array<i32>} : memref<200x128xf32, #tpu.memory_space<vmem>>, vector<1x16xf32>,
      %get3A_770 = vector.shape_cast %get3A_769 : vector<1x16xf32> to vector<16xf32>
      %add3A_771 = arith.addf %mul3A_766, %get3A_770 : vector<16xf32>
      %swap3A_772 = arith.index_cast %add3A_674 : i32 to index
      %swap3A_773 = arith.constant 80 : index
      %swap3A_774 = tpu.vector_load %arg8[%swap3A_772, %swap3A_773] {strides = array<i32>} : memref<200x128xf32, #tpu.memory_space<vmem>>, vector<1x16xf32>,
      %swap3A_775 = vector.shape_cast %swap3A_774 : vector<1x16xf32> to vector<16xf32>
      %swap3A_776 = vector.shape_cast %add3A_771 : vector<16xf32> to vector<1x16xf32>
      tpu.vector_store %arg8[%swap3A_772, %swap3A_773], %swap3A_776 {strides = array<i32>} : memref<200x128xf32, #tpu.memory_space<vmem>>, vector<1x16xf32>,
      %get3A_777 = arith.index_cast %add3A_674 : i32 to index
      %get3A_778 = arith.constant 96 : index
      %get3A_779 = tpu.vector_load %arg8[%get3A_777, %get3A_778] {strides = array<i32>} : memref<200x128xf32, #tpu.memory_space<vmem>>, vector<1x16xf32>,
      %get3A_780 = vector.shape_cast %get3A_779 : vector<1x16xf32> to vector<16xf32>
      %mul3A_781 = arith.constant 11.3137083 : f32
      %mul3A_782 = vector.broadcast %mul3A_781 : f32 to vector<16xf32>
      %mul3A_783 = arith.mulf %get3A_780, %mul3A_782 : vector<16xf32>
      %get3A_784 = arith.index_cast %add3A_674 : i32 to index
      %get3A_785 = arith.constant 96 : index
      %get3A_786 = tpu.vector_load %arg6[%get3A_784, %get3A_785] {strides = array<i32>} : memref<200x128xf32, #tpu.memory_space<vmem>>, vector<1x16xf32>,
      %get3A_787 = vector.shape_cast %get3A_786 : vector<1x16xf32> to vector<16xf32>
      %add3A_788 = arith.addf %mul3A_783, %get3A_787 : vector<16xf32>
      %swap3A_789 = arith.index_cast %add3A_674 : i32 to index
      %swap3A_790 = arith.constant 96 : index
      %swap3A_791 = tpu.vector_load %arg8[%swap3A_789, %swap3A_790] {strides = array<i32>} : memref<200x128xf32, #tpu.memory_space<vmem>>, vector<1x16xf32>,
      %swap3A_792 = vector.shape_cast %swap3A_791 : vector<1x16xf32> to vector<16xf32>
      %swap3A_793 = vector.shape_cast %add3A_788 : vector<16xf32> to vector<1x16xf32>
      tpu.vector_store %arg8[%swap3A_789, %swap3A_790], %swap3A_793 {strides = array<i32>} : memref<200x128xf32, #tpu.memory_space<vmem>>, vector<1x16xf32>,
      %get3A_794 = arith.index_cast %add3A_674 : i32 to index
      %get3A_795 = arith.constant 112 : index
      %get3A_796 = tpu.vector_load %arg8[%get3A_794, %get3A_795] {strides = array<i32>} : memref<200x128xf32, #tpu.memory_space<vmem>>, vector<1x16xf32>,
      %get3A_797 = vector.shape_cast %get3A_796 : vector<1x16xf32> to vector<16xf32>
      %mul3A_798 = arith.constant 11.3137083 : f32
      %mul3A_799 = vector.broadcast %mul3A_798 : f32 to vector<16xf32>
      %mul3A_800 = arith.mulf %get3A_797, %mul3A_799 : vector<16xf32>
      %get3A_801 = arith.index_cast %add3A_674 : i32 to index
      %get3A_802 = arith.constant 112 : index
      %get3A_803 = tpu.vector_load %arg6[%get3A_801, %get3A_802] {strides = array<i32>} : memref<200x128xf32, #tpu.memory_space<vmem>>, vector<1x16xf32>,
      %get3A_804 = vector.shape_cast %get3A_803 : vector<1x16xf32> to vector<16xf32>
      %add3A_805 = arith.addf %mul3A_800, %get3A_804 : vector<16xf32>
      %swap3A_806 = arith.index_cast %add3A_674 : i32 to index
      %swap3A_807 = arith.constant 112 : index
      %swap3A_808 = tpu.vector_load %arg8[%swap3A_806, %swap3A_807] {strides = array<i32>} : memref<200x128xf32, #tpu.memory_space<vmem>>, vector<1x16xf32>,
      %swap3A_809 = vector.shape_cast %swap3A_808 : vector<1x16xf32> to vector<16xf32>
      %swap3A_810 = vector.shape_cast %add3A_805 : vector<16xf32> to vector<1x16xf32>
      tpu.vector_store %arg8[%swap3A_806, %swap3A_807], %swap3A_810 {strides = array<i32>} : memref<200x128xf32, #tpu.memory_space<vmem>>, vector<1x16xf32>,
    }
    %scan3A_431 = arith.constant 100 : i32
    %add3A_432 = arith.constant 928 : i32
    %add3A_433 = arith.addi %add3A_432, %add3A : i32
    %mul3A_434 = arith.constant 200 : i32
    %mul3A_435 = arith.muli %add3A_433, %mul3A_434 : i32
    %dma_start3A_436 = arith.constant 0 : i32
    %dma_start3A_437 = tpu.memref_slice %arg5[%mul3A_435, %dma_start3A_436] : memref<204800x128xf32, #tpu.memory_space<hbm>> -> memref<200x128xf32, #tpu.memory_space<hbm>>
    %dma_start3A_438 = arith.constant 0 : i32
    %dma_start3A_439 = tpu.memref_slice %arg5[%mul3A_435, %dma_start3A_438] : memref<204800x128xf32, #tpu.memory_space<hbm>> -> memref<200x128xf32, #tpu.memory_space<hbm>>
    tpu.enqueue_dma source(%arg8 : memref<200x128xf32, #tpu.memory_space<vmem>>) target(%dma_start3A_439 : memref<200x128xf32, #tpu.memory_space<hbm>>) target_semaphore(%arg20 : memref<!tpu.dma_semaphore, #tpu.memory_space<semaphore_mem>>)
    %dma_wait3A_440 = arith.constant 0 : i32
    %dma_wait3A_441 = arith.constant 0 : i32
    %dma_wait3A_442 = tpu.memref_slice %arg9[%dma_wait3A_440, %dma_wait3A_441] : memref<200x128xf32, #tpu.memory_space<vmem>> -> memref<104x128xf32, #tpu.memory_space<vmem>>
    %dma_wait3A_443 = arith.constant 0 : i32
    %dma_wait3A_444 = tpu.memref_slice %arg13[%dma_wait3A_443] : memref<200xi32, #tpu.memory_space<vmem>> -> memref<104xi32, #tpu.memory_space<vmem>>
    %dma_wait3A_445 = arith.constant 0 : i32
    %dma_wait3A_446 = arith.constant 0 : i32
    %dma_wait3A_447 = tpu.memref_slice %arg3[%dma_wait3A_445, %dma_wait3A_446] : memref<100000x128xf32, #tpu.memory_space<hbm>> -> memref<100000x128xf32, #tpu.memory_space<hbm>>
    tpu.wait_indirect_dma semaphore(%arg17 : memref<!tpu.dma_semaphore, #tpu.memory_space<semaphore_mem>>) src(%dma_wait3A_447 : memref<100000x128xf32, #tpu.memory_space<hbm>>) dst(%dma_wait3A_442 : memref<104x128xf32, #tpu.memory_space<vmem>>)
    %dma_wait3A_448 = arith.constant 104 : i32
    %dma_wait3A_449 = arith.constant 0 : i32
    %dma_wait3A_450 = tpu.memref_slice %arg9[%dma_wait3A_448, %dma_wait3A_449] : memref<200x128xf32, #tpu.memory_space<vmem>> -> memref<96x128xf32, #tpu.memory_space<vmem>>
    %dma_wait3A_451 = arith.constant 104 : i32
    %dma_wait3A_452 = tpu.memref_slice %arg13[%dma_wait3A_451] : memref<200xi32, #tpu.memory_space<vmem>> -> memref<96xi32, #tpu.memory_space<vmem>>
    %dma_wait3A_453 = arith.constant 0 : i32
    %dma_wait3A_454 = arith.constant 0 : i32
    %dma_wait3A_455 = tpu.memref_slice %arg3[%dma_wait3A_453, %dma_wait3A_454] : memref<100000x128xf32, #tpu.memory_space<hbm>> -> memref<100000x128xf32, #tpu.memory_space<hbm>>
    tpu.wait_indirect_dma semaphore(%arg17 : memref<!tpu.dma_semaphore, #tpu.memory_space<semaphore_mem>>) src(%dma_wait3A_455 : memref<100000x128xf32, #tpu.memory_space<hbm>>) dst(%dma_wait3A_450 : memref<96x128xf32, #tpu.memory_space<vmem>>)
    %scan3A_456 = arith.constant 0 : i32
    %scan3A_457 = arith.constant 0 : i32
    %scan3A_458 = arith.constant 100 : i32
    %scan3A_459 = arith.addi %scan3A_457, %scan3A_458 : i32
    %scan3A_460 = arith.constant 1 : i32
    scf.for %scan3A_532 = %scan3A_457 to %scan3A_459 step %scan3A_460  : i32 {
      %mul3A_533 = arith.constant 2 : i32
      %mul3A_534 = arith.muli %scan3A_532, %mul3A_533 : i32
      %add3A_535 = arith.constant 0 : i32
      %add3A_536 = arith.addi %mul3A_534, %add3A_535 : i32
      %get3A = arith.index_cast %add3A_536 : i32 to index
      %get3A_537 = arith.constant 0 : index
      %get3A_538 = tpu.vector_load %arg9[%get3A, %get3A_537] {strides = array<i32>} : memref<200x128xf32, #tpu.memory_space<vmem>>, vector<1x16xf32>,
      %get3A_539 = vector.shape_cast %get3A_538 : vector<1x16xf32> to vector<16xf32>
      %mul3A_540 = arith.constant 11.3137083 : f32
      %mul3A_541 = vector.broadcast %mul3A_540 : f32 to vector<16xf32>
      %mul3A_542 = arith.mulf %get3A_539, %mul3A_541 : vector<16xf32>
      %get3A_543 = arith.index_cast %add3A_536 : i32 to index
      %get3A_544 = arith.constant 0 : index
      %get3A_545 = tpu.vector_load %arg6[%get3A_543, %get3A_544] {strides = array<i32>} : memref<200x128xf32, #tpu.memory_space<vmem>>, vector<1x16xf32>,
      %get3A_546 = vector.shape_cast %get3A_545 : vector<1x16xf32> to vector<16xf32>
      %add3A_547 = arith.addf %mul3A_542, %get3A_546 : vector<16xf32>
      %swap3A = arith.index_cast %add3A_536 : i32 to index
      %swap3A_548 = arith.constant 0 : index
      %swap3A_549 = tpu.vector_load %arg9[%swap3A, %swap3A_548] {strides = array<i32>} : memref<200x128xf32, #tpu.memory_space<vmem>>, vector<1x16xf32>,
      %swap3A_550 = vector.shape_cast %swap3A_549 : vector<1x16xf32> to vector<16xf32>
      %swap3A_551 = vector.shape_cast %add3A_547 : vector<16xf32> to vector<1x16xf32>
      tpu.vector_store %arg9[%swap3A, %swap3A_548], %swap3A_551 {strides = array<i32>} : memref<200x128xf32, #tpu.memory_space<vmem>>, vector<1x16xf32>,
      %get3A_552 = arith.index_cast %add3A_536 : i32 to index
      %get3A_553 = arith.constant 16 : index
      %get3A_554 = tpu.vector_load %arg9[%get3A_552, %get3A_553] {strides = array<i32>} : memref<200x128xf32, #tpu.memory_space<vmem>>, vector<1x16xf32>,
      %get3A_555 = vector.shape_cast %get3A_554 : vector<1x16xf32> to vector<16xf32>
      %mul3A_556 = arith.constant 11.3137083 : f32
      %mul3A_557 = vector.broadcast %mul3A_556 : f32 to vector<16xf32>
      %mul3A_558 = arith.mulf %get3A_555, %mul3A_557 : vector<16xf32>
      %get3A_559 = arith.index_cast %add3A_536 : i32 to index
      %get3A_560 = arith.constant 16 : index
      %get3A_561 = tpu.vector_load %arg6[%get3A_559, %get3A_560] {strides = array<i32>} : memref<200x128xf32, #tpu.memory_space<vmem>>, vector<1x16xf32>,
      %get3A_562 = vector.shape_cast %get3A_561 : vector<1x16xf32> to vector<16xf32>
      %add3A_563 = arith.addf %mul3A_558, %get3A_562 : vector<16xf32>
      %swap3A_564 = arith.index_cast %add3A_536 : i32 to index
      %swap3A_565 = arith.constant 16 : index
      %swap3A_566 = tpu.vector_load %arg9[%swap3A_564, %swap3A_565] {strides = array<i32>} : memref<200x128xf32, #tpu.memory_space<vmem>>, vector<1x16xf32>,
      %swap3A_567 = vector.shape_cast %swap3A_566 : vector<1x16xf32> to vector<16xf32>
      %swap3A_568 = vector.shape_cast %add3A_563 : vector<16xf32> to vector<1x16xf32>
      tpu.vector_store %arg9[%swap3A_564, %swap3A_565], %swap3A_568 {strides = array<i32>} : memref<200x128xf32, #tpu.memory_space<vmem>>, vector<1x16xf32>,
      %get3A_569 = arith.index_cast %add3A_536 : i32 to index
      %get3A_570 = arith.constant 32 : index
      %get3A_571 = tpu.vector_load %arg9[%get3A_569, %get3A_570] {strides = array<i32>} : memref<200x128xf32, #tpu.memory_space<vmem>>, vector<1x16xf32>,
      %get3A_572 = vector.shape_cast %get3A_571 : vector<1x16xf32> to vector<16xf32>
      %mul3A_573 = arith.constant 11.3137083 : f32
      %mul3A_574 = vector.broadcast %mul3A_573 : f32 to vector<16xf32>
      %mul3A_575 = arith.mulf %get3A_572, %mul3A_574 : vector<16xf32>
      %get3A_576 = arith.index_cast %add3A_536 : i32 to index
      %get3A_577 = arith.constant 32 : index
      %get3A_578 = tpu.vector_load %arg6[%get3A_576, %get3A_577] {strides = array<i32>} : memref<200x128xf32, #tpu.memory_space<vmem>>, vector<1x16xf32>,
      %get3A_579 = vector.shape_cast %get3A_578 : vector<1x16xf32> to vector<16xf32>
      %add3A_580 = arith.addf %mul3A_575, %get3A_579 : vector<16xf32>
      %swap3A_581 = arith.index_cast %add3A_536 : i32 to index
      %swap3A_582 = arith.constant 32 : index
      %swap3A_583 = tpu.vector_load %arg9[%swap3A_581, %swap3A_582] {strides = array<i32>} : memref<200x128xf32, #tpu.memory_space<vmem>>, vector<1x16xf32>,
      %swap3A_584 = vector.shape_cast %swap3A_583 : vector<1x16xf32> to vector<16xf32>
      %swap3A_585 = vector.shape_cast %add3A_580 : vector<16xf32> to vector<1x16xf32>
      tpu.vector_store %arg9[%swap3A_581, %swap3A_582], %swap3A_585 {strides = array<i32>} : memref<200x128xf32, #tpu.memory_space<vmem>>, vector<1x16xf32>,
      %get3A_586 = arith.index_cast %add3A_536 : i32 to index
      %get3A_587 = arith.constant 48 : index
      %get3A_588 = tpu.vector_load %arg9[%get3A_586, %get3A_587] {strides = array<i32>} : memref<200x128xf32, #tpu.memory_space<vmem>>, vector<1x16xf32>,
      %get3A_589 = vector.shape_cast %get3A_588 : vector<1x16xf32> to vector<16xf32>
      %mul3A_590 = arith.constant 11.3137083 : f32
      %mul3A_591 = vector.broadcast %mul3A_590 : f32 to vector<16xf32>
      %mul3A_592 = arith.mulf %get3A_589, %mul3A_591 : vector<16xf32>
      %get3A_593 = arith.index_cast %add3A_536 : i32 to index
      %get3A_594 = arith.constant 48 : index
      %get3A_595 = tpu.vector_load %arg6[%get3A_593, %get3A_594] {strides = array<i32>} : memref<200x128xf32, #tpu.memory_space<vmem>>, vector<1x16xf32>,
      %get3A_596 = vector.shape_cast %get3A_595 : vector<1x16xf32> to vector<16xf32>
      %add3A_597 = arith.addf %mul3A_592, %get3A_596 : vector<16xf32>
      %swap3A_598 = arith.index_cast %add3A_536 : i32 to index
      %swap3A_599 = arith.constant 48 : index
      %swap3A_600 = tpu.vector_load %arg9[%swap3A_598, %swap3A_599] {strides = array<i32>} : memref<200x128xf32, #tpu.memory_space<vmem>>, vector<1x16xf32>,
      %swap3A_601 = vector.shape_cast %swap3A_600 : vector<1x16xf32> to vector<16xf32>
      %swap3A_602 = vector.shape_cast %add3A_597 : vector<16xf32> to vector<1x16xf32>
      tpu.vector_store %arg9[%swap3A_598, %swap3A_599], %swap3A_602 {strides = array<i32>} : memref<200x128xf32, #tpu.memory_space<vmem>>, vector<1x16xf32>,
      %get3A_603 = arith.index_cast %add3A_536 : i32 to index
      %get3A_604 = arith.constant 64 : index
      %get3A_605 = tpu.vector_load %arg9[%get3A_603, %get3A_604] {strides = array<i32>} : memref<200x128xf32, #tpu.memory_space<vmem>>, vector<1x16xf32>,
      %get3A_606 = vector.shape_cast %get3A_605 : vector<1x16xf32> to vector<16xf32>
      %mul3A_607 = arith.constant 11.3137083 : f32
      %mul3A_608 = vector.broadcast %mul3A_607 : f32 to vector<16xf32>
      %mul3A_609 = arith.mulf %get3A_606, %mul3A_608 : vector<16xf32>
      %get3A_610 = arith.index_cast %add3A_536 : i32 to index
      %get3A_611 = arith.constant 64 : index
      %get3A_612 = tpu.vector_load %arg6[%get3A_610, %get3A_611] {strides = array<i32>} : memref<200x128xf32, #tpu.memory_space<vmem>>, vector<1x16xf32>,
      %get3A_613 = vector.shape_cast %get3A_612 : vector<1x16xf32> to vector<16xf32>
      %add3A_614 = arith.addf %mul3A_609, %get3A_613 : vector<16xf32>
      %swap3A_615 = arith.index_cast %add3A_536 : i32 to index
      %swap3A_616 = arith.constant 64 : index
      %swap3A_617 = tpu.vector_load %arg9[%swap3A_615, %swap3A_616] {strides = array<i32>} : memref<200x128xf32, #tpu.memory_space<vmem>>, vector<1x16xf32>,
      %swap3A_618 = vector.shape_cast %swap3A_617 : vector<1x16xf32> to vector<16xf32>
      %swap3A_619 = vector.shape_cast %add3A_614 : vector<16xf32> to vector<1x16xf32>
      tpu.vector_store %arg9[%swap3A_615, %swap3A_616], %swap3A_619 {strides = array<i32>} : memref<200x128xf32, #tpu.memory_space<vmem>>, vector<1x16xf32>,
      %get3A_620 = arith.index_cast %add3A_536 : i32 to index
      %get3A_621 = arith.constant 80 : index
      %get3A_622 = tpu.vector_load %arg9[%get3A_620, %get3A_621] {strides = array<i32>} : memref<200x128xf32, #tpu.memory_space<vmem>>, vector<1x16xf32>,
      %get3A_623 = vector.shape_cast %get3A_622 : vector<1x16xf32> to vector<16xf32>
      %mul3A_624 = arith.constant 11.3137083 : f32
      %mul3A_625 = vector.broadcast %mul3A_624 : f32 to vector<16xf32>
      %mul3A_626 = arith.mulf %get3A_623, %mul3A_625 : vector<16xf32>
      %get3A_627 = arith.index_cast %add3A_536 : i32 to index
      %get3A_628 = arith.constant 80 : index
      %get3A_629 = tpu.vector_load %arg6[%get3A_627, %get3A_628] {strides = array<i32>} : memref<200x128xf32, #tpu.memory_space<vmem>>, vector<1x16xf32>,
      %get3A_630 = vector.shape_cast %get3A_629 : vector<1x16xf32> to vector<16xf32>
      %add3A_631 = arith.addf %mul3A_626, %get3A_630 : vector<16xf32>
      %swap3A_632 = arith.index_cast %add3A_536 : i32 to index
      %swap3A_633 = arith.constant 80 : index
      %swap3A_634 = tpu.vector_load %arg9[%swap3A_632, %swap3A_633] {strides = array<i32>} : memref<200x128xf32, #tpu.memory_space<vmem>>, vector<1x16xf32>,
      %swap3A_635 = vector.shape_cast %swap3A_634 : vector<1x16xf32> to vector<16xf32>
      %swap3A_636 = vector.shape_cast %add3A_631 : vector<16xf32> to vector<1x16xf32>
      tpu.vector_store %arg9[%swap3A_632, %swap3A_633], %swap3A_636 {strides = array<i32>} : memref<200x128xf32, #tpu.memory_space<vmem>>, vector<1x16xf32>,
      %get3A_637 = arith.index_cast %add3A_536 : i32 to index
      %get3A_638 = arith.constant 96 : index
      %get3A_639 = tpu.vector_load %arg9[%get3A_637, %get3A_638] {strides = array<i32>} : memref<200x128xf32, #tpu.memory_space<vmem>>, vector<1x16xf32>,
      %get3A_640 = vector.shape_cast %get3A_639 : vector<1x16xf32> to vector<16xf32>
      %mul3A_641 = arith.constant 11.3137083 : f32
      %mul3A_642 = vector.broadcast %mul3A_641 : f32 to vector<16xf32>
      %mul3A_643 = arith.mulf %get3A_640, %mul3A_642 : vector<16xf32>
      %get3A_644 = arith.index_cast %add3A_536 : i32 to index
      %get3A_645 = arith.constant 96 : index
      %get3A_646 = tpu.vector_load %arg6[%get3A_644, %get3A_645] {strides = array<i32>} : memref<200x128xf32, #tpu.memory_space<vmem>>, vector<1x16xf32>,
      %get3A_647 = vector.shape_cast %get3A_646 : vector<1x16xf32> to vector<16xf32>
      %add3A_648 = arith.addf %mul3A_643, %get3A_647 : vector<16xf32>
      %swap3A_649 = arith.index_cast %add3A_536 : i32 to index
      %swap3A_650 = arith.constant 96 : index
      %swap3A_651 = tpu.vector_load %arg9[%swap3A_649, %swap3A_650] {strides = array<i32>} : memref<200x128xf32, #tpu.memory_space<vmem>>, vector<1x16xf32>,
      %swap3A_652 = vector.shape_cast %swap3A_651 : vector<1x16xf32> to vector<16xf32>
      %swap3A_653 = vector.shape_cast %add3A_648 : vector<16xf32> to vector<1x16xf32>
      tpu.vector_store %arg9[%swap3A_649, %swap3A_650], %swap3A_653 {strides = array<i32>} : memref<200x128xf32, #tpu.memory_space<vmem>>, vector<1x16xf32>,
      %get3A_654 = arith.index_cast %add3A_536 : i32 to index
      %get3A_655 = arith.constant 112 : index
      %get3A_656 = tpu.vector_load %arg9[%get3A_654, %get3A_655] {strides = array<i32>} : memref<200x128xf32, #tpu.memory_space<vmem>>, vector<1x16xf32>,
      %get3A_657 = vector.shape_cast %get3A_656 : vector<1x16xf32> to vector<16xf32>
      %mul3A_658 = arith.constant 11.3137083 : f32
      %mul3A_659 = vector.broadcast %mul3A_658 : f32 to vector<16xf32>
      %mul3A_660 = arith.mulf %get3A_657, %mul3A_659 : vector<16xf32>
      %get3A_661 = arith.index_cast %add3A_536 : i32 to index
      %get3A_662 = arith.constant 112 : index
      %get3A_663 = tpu.vector_load %arg6[%get3A_661, %get3A_662] {strides = array<i32>} : memref<200x128xf32, #tpu.memory_space<vmem>>, vector<1x16xf32>,
      %get3A_664 = vector.shape_cast %get3A_663 : vector<1x16xf32> to vector<16xf32>
      %add3A_665 = arith.addf %mul3A_660, %get3A_664 : vector<16xf32>
      %swap3A_666 = arith.index_cast %add3A_536 : i32 to index
      %swap3A_667 = arith.constant 112 : index
      %swap3A_668 = tpu.vector_load %arg9[%swap3A_666, %swap3A_667] {strides = array<i32>} : memref<200x128xf32, #tpu.memory_space<vmem>>, vector<1x16xf32>,
      %swap3A_669 = vector.shape_cast %swap3A_668 : vector<1x16xf32> to vector<16xf32>
      %swap3A_670 = vector.shape_cast %add3A_665 : vector<16xf32> to vector<1x16xf32>
      tpu.vector_store %arg9[%swap3A_666, %swap3A_667], %swap3A_670 {strides = array<i32>} : memref<200x128xf32, #tpu.memory_space<vmem>>, vector<1x16xf32>,
      %mul3A_671 = arith.constant 2 : i32
      %mul3A_672 = arith.muli %scan3A_532, %mul3A_671 : i32
      %add3A_673 = arith.constant 1 : i32
      %add3A_674 = arith.addi %mul3A_672, %add3A_673 : i32
      %get3A_675 = arith.index_cast %add3A_674 : i32 to index
      %get3A_676 = arith.constant 0 : index
      %get3A_677 = tpu.vector_load %arg9[%get3A_675, %get3A_676] {strides = array<i32>} : memref<200x128xf32, #tpu.memory_space<vmem>>, vector<1x16xf32>,
      %get3A_678 = vector.shape_cast %get3A_677 : vector<1x16xf32> to vector<16xf32>
      %mul3A_679 = arith.constant 11.3137083 : f32
      %mul3A_680 = vector.broadcast %mul3A_679 : f32 to vector<16xf32>
      %mul3A_681 = arith.mulf %get3A_678, %mul3A_680 : vector<16xf32>
      %get3A_682 = arith.index_cast %add3A_674 : i32 to index
      %get3A_683 = arith.constant 0 : index
      %get3A_684 = tpu.vector_load %arg6[%get3A_682, %get3A_683] {strides = array<i32>} : memref<200x128xf32, #tpu.memory_space<vmem>>, vector<1x16xf32>,
      %get3A_685 = vector.shape_cast %get3A_684 : vector<1x16xf32> to vector<16xf32>
      %add3A_686 = arith.addf %mul3A_681, %get3A_685 : vector<16xf32>
      %swap3A_687 = arith.index_cast %add3A_674 : i32 to index
      %swap3A_688 = arith.constant 0 : index
      %swap3A_689 = tpu.vector_load %arg9[%swap3A_687, %swap3A_688] {strides = array<i32>} : memref<200x128xf32, #tpu.memory_space<vmem>>, vector<1x16xf32>,
      %swap3A_690 = vector.shape_cast %swap3A_689 : vector<1x16xf32> to vector<16xf32>
      %swap3A_691 = vector.shape_cast %add3A_686 : vector<16xf32> to vector<1x16xf32>
      tpu.vector_store %arg9[%swap3A_687, %swap3A_688], %swap3A_691 {strides = array<i32>} : memref<200x128xf32, #tpu.memory_space<vmem>>, vector<1x16xf32>,
      %get3A_692 = arith.index_cast %add3A_674 : i32 to index
      %get3A_693 = arith.constant 16 : index
      %get3A_694 = tpu.vector_load %arg9[%get3A_692, %get3A_693] {strides = array<i32>} : memref<200x128xf32, #tpu.memory_space<vmem>>, vector<1x16xf32>,
      %get3A_695 = vector.shape_cast %get3A_694 : vector<1x16xf32> to vector<16xf32>
      %mul3A_696 = arith.constant 11.3137083 : f32
      %mul3A_697 = vector.broadcast %mul3A_696 : f32 to vector<16xf32>
      %mul3A_698 = arith.mulf %get3A_695, %mul3A_697 : vector<16xf32>
      %get3A_699 = arith.index_cast %add3A_674 : i32 to index
      %get3A_700 = arith.constant 16 : index
      %get3A_701 = tpu.vector_load %arg6[%get3A_699, %get3A_700] {strides = array<i32>} : memref<200x128xf32, #tpu.memory_space<vmem>>, vector<1x16xf32>,
      %get3A_702 = vector.shape_cast %get3A_701 : vector<1x16xf32> to vector<16xf32>
      %add3A_703 = arith.addf %mul3A_698, %get3A_702 : vector<16xf32>
      %swap3A_704 = arith.index_cast %add3A_674 : i32 to index
      %swap3A_705 = arith.constant 16 : index
      %swap3A_706 = tpu.vector_load %arg9[%swap3A_704, %swap3A_705] {strides = array<i32>} : memref<200x128xf32, #tpu.memory_space<vmem>>, vector<1x16xf32>,
      %swap3A_707 = vector.shape_cast %swap3A_706 : vector<1x16xf32> to vector<16xf32>
      %swap3A_708 = vector.shape_cast %add3A_703 : vector<16xf32> to vector<1x16xf32>
      tpu.vector_store %arg9[%swap3A_704, %swap3A_705], %swap3A_708 {strides = array<i32>} : memref<200x128xf32, #tpu.memory_space<vmem>>, vector<1x16xf32>,
      %get3A_709 = arith.index_cast %add3A_674 : i32 to index
      %get3A_710 = arith.constant 32 : index
      %get3A_711 = tpu.vector_load %arg9[%get3A_709, %get3A_710] {strides = array<i32>} : memref<200x128xf32, #tpu.memory_space<vmem>>, vector<1x16xf32>,
      %get3A_712 = vector.shape_cast %get3A_711 : vector<1x16xf32> to vector<16xf32>
      %mul3A_713 = arith.constant 11.3137083 : f32
      %mul3A_714 = vector.broadcast %mul3A_713 : f32 to vector<16xf32>
      %mul3A_715 = arith.mulf %get3A_712, %mul3A_714 : vector<16xf32>
      %get3A_716 = arith.index_cast %add3A_674 : i32 to index
      %get3A_717 = arith.constant 32 : index
      %get3A_718 = tpu.vector_load %arg6[%get3A_716, %get3A_717] {strides = array<i32>} : memref<200x128xf32, #tpu.memory_space<vmem>>, vector<1x16xf32>,
      %get3A_719 = vector.shape_cast %get3A_718 : vector<1x16xf32> to vector<16xf32>
      %add3A_720 = arith.addf %mul3A_715, %get3A_719 : vector<16xf32>
      %swap3A_721 = arith.index_cast %add3A_674 : i32 to index
      %swap3A_722 = arith.constant 32 : index
      %swap3A_723 = tpu.vector_load %arg9[%swap3A_721, %swap3A_722] {strides = array<i32>} : memref<200x128xf32, #tpu.memory_space<vmem>>, vector<1x16xf32>,
      %swap3A_724 = vector.shape_cast %swap3A_723 : vector<1x16xf32> to vector<16xf32>
      %swap3A_725 = vector.shape_cast %add3A_720 : vector<16xf32> to vector<1x16xf32>
      tpu.vector_store %arg9[%swap3A_721, %swap3A_722], %swap3A_725 {strides = array<i32>} : memref<200x128xf32, #tpu.memory_space<vmem>>, vector<1x16xf32>,
      %get3A_726 = arith.index_cast %add3A_674 : i32 to index
      %get3A_727 = arith.constant 48 : index
      %get3A_728 = tpu.vector_load %arg9[%get3A_726, %get3A_727] {strides = array<i32>} : memref<200x128xf32, #tpu.memory_space<vmem>>, vector<1x16xf32>,
      %get3A_729 = vector.shape_cast %get3A_728 : vector<1x16xf32> to vector<16xf32>
      %mul3A_730 = arith.constant 11.3137083 : f32
      %mul3A_731 = vector.broadcast %mul3A_730 : f32 to vector<16xf32>
      %mul3A_732 = arith.mulf %get3A_729, %mul3A_731 : vector<16xf32>
      %get3A_733 = arith.index_cast %add3A_674 : i32 to index
      %get3A_734 = arith.constant 48 : index
      %get3A_735 = tpu.vector_load %arg6[%get3A_733, %get3A_734] {strides = array<i32>} : memref<200x128xf32, #tpu.memory_space<vmem>>, vector<1x16xf32>,
      %get3A_736 = vector.shape_cast %get3A_735 : vector<1x16xf32> to vector<16xf32>
      %add3A_737 = arith.addf %mul3A_732, %get3A_736 : vector<16xf32>
      %swap3A_738 = arith.index_cast %add3A_674 : i32 to index
      %swap3A_739 = arith.constant 48 : index
      %swap3A_740 = tpu.vector_load %arg9[%swap3A_738, %swap3A_739] {strides = array<i32>} : memref<200x128xf32, #tpu.memory_space<vmem>>, vector<1x16xf32>,
      %swap3A_741 = vector.shape_cast %swap3A_740 : vector<1x16xf32> to vector<16xf32>
      %swap3A_742 = vector.shape_cast %add3A_737 : vector<16xf32> to vector<1x16xf32>
      tpu.vector_store %arg9[%swap3A_738, %swap3A_739], %swap3A_742 {strides = array<i32>} : memref<200x128xf32, #tpu.memory_space<vmem>>, vector<1x16xf32>,
      %get3A_743 = arith.index_cast %add3A_674 : i32 to index
      %get3A_744 = arith.constant 64 : index
      %get3A_745 = tpu.vector_load %arg9[%get3A_743, %get3A_744] {strides = array<i32>} : memref<200x128xf32, #tpu.memory_space<vmem>>, vector<1x16xf32>,
      %get3A_746 = vector.shape_cast %get3A_745 : vector<1x16xf32> to vector<16xf32>
      %mul3A_747 = arith.constant 11.3137083 : f32
      %mul3A_748 = vector.broadcast %mul3A_747 : f32 to vector<16xf32>
      %mul3A_749 = arith.mulf %get3A_746, %mul3A_748 : vector<16xf32>
      %get3A_750 = arith.index_cast %add3A_674 : i32 to index
      %get3A_751 = arith.constant 64 : index
      %get3A_752 = tpu.vector_load %arg6[%get3A_750, %get3A_751] {strides = array<i32>} : memref<200x128xf32, #tpu.memory_space<vmem>>, vector<1x16xf32>,
      %get3A_753 = vector.shape_cast %get3A_752 : vector<1x16xf32> to vector<16xf32>
      %add3A_754 = arith.addf %mul3A_749, %get3A_753 : vector<16xf32>
      %swap3A_755 = arith.index_cast %add3A_674 : i32 to index
      %swap3A_756 = arith.constant 64 : index
      %swap3A_757 = tpu.vector_load %arg9[%swap3A_755, %swap3A_756] {strides = array<i32>} : memref<200x128xf32, #tpu.memory_space<vmem>>, vector<1x16xf32>,
      %swap3A_758 = vector.shape_cast %swap3A_757 : vector<1x16xf32> to vector<16xf32>
      %swap3A_759 = vector.shape_cast %add3A_754 : vector<16xf32> to vector<1x16xf32>
      tpu.vector_store %arg9[%swap3A_755, %swap3A_756], %swap3A_759 {strides = array<i32>} : memref<200x128xf32, #tpu.memory_space<vmem>>, vector<1x16xf32>,
      %get3A_760 = arith.index_cast %add3A_674 : i32 to index
      %get3A_761 = arith.constant 80 : index
      %get3A_762 = tpu.vector_load %arg9[%get3A_760, %get3A_761] {strides = array<i32>} : memref<200x128xf32, #tpu.memory_space<vmem>>, vector<1x16xf32>,
      %get3A_763 = vector.shape_cast %get3A_762 : vector<1x16xf32> to vector<16xf32>
      %mul3A_764 = arith.constant 11.3137083 : f32
      %mul3A_765 = vector.broadcast %mul3A_764 : f32 to vector<16xf32>
      %mul3A_766 = arith.mulf %get3A_763, %mul3A_765 : vector<16xf32>
      %get3A_767 = arith.index_cast %add3A_674 : i32 to index
      %get3A_768 = arith.constant 80 : index
      %get3A_769 = tpu.vector_load %arg6[%get3A_767, %get3A_768] {strides = array<i32>} : memref<200x128xf32, #tpu.memory_space<vmem>>, vector<1x16xf32>,
      %get3A_770 = vector.shape_cast %get3A_769 : vector<1x16xf32> to vector<16xf32>
      %add3A_771 = arith.addf %mul3A_766, %get3A_770 : vector<16xf32>
      %swap3A_772 = arith.index_cast %add3A_674 : i32 to index
      %swap3A_773 = arith.constant 80 : index
      %swap3A_774 = tpu.vector_load %arg9[%swap3A_772, %swap3A_773] {strides = array<i32>} : memref<200x128xf32, #tpu.memory_space<vmem>>, vector<1x16xf32>,
      %swap3A_775 = vector.shape_cast %swap3A_774 : vector<1x16xf32> to vector<16xf32>
      %swap3A_776 = vector.shape_cast %add3A_771 : vector<16xf32> to vector<1x16xf32>
      tpu.vector_store %arg9[%swap3A_772, %swap3A_773], %swap3A_776 {strides = array<i32>} : memref<200x128xf32, #tpu.memory_space<vmem>>, vector<1x16xf32>,
      %get3A_777 = arith.index_cast %add3A_674 : i32 to index
      %get3A_778 = arith.constant 96 : index
      %get3A_779 = tpu.vector_load %arg9[%get3A_777, %get3A_778] {strides = array<i32>} : memref<200x128xf32, #tpu.memory_space<vmem>>, vector<1x16xf32>,
      %get3A_780 = vector.shape_cast %get3A_779 : vector<1x16xf32> to vector<16xf32>
      %mul3A_781 = arith.constant 11.3137083 : f32
      %mul3A_782 = vector.broadcast %mul3A_781 : f32 to vector<16xf32>
      %mul3A_783 = arith.mulf %get3A_780, %mul3A_782 : vector<16xf32>
      %get3A_784 = arith.index_cast %add3A_674 : i32 to index
      %get3A_785 = arith.constant 96 : index
      %get3A_786 = tpu.vector_load %arg6[%get3A_784, %get3A_785] {strides = array<i32>} : memref<200x128xf32, #tpu.memory_space<vmem>>, vector<1x16xf32>,
      %get3A_787 = vector.shape_cast %get3A_786 : vector<1x16xf32> to vector<16xf32>
      %add3A_788 = arith.addf %mul3A_783, %get3A_787 : vector<16xf32>
      %swap3A_789 = arith.index_cast %add3A_674 : i32 to index
      %swap3A_790 = arith.constant 96 : index
      %swap3A_791 = tpu.vector_load %arg9[%swap3A_789, %swap3A_790] {strides = array<i32>} : memref<200x128xf32, #tpu.memory_space<vmem>>, vector<1x16xf32>,
      %swap3A_792 = vector.shape_cast %swap3A_791 : vector<1x16xf32> to vector<16xf32>
      %swap3A_793 = vector.shape_cast %add3A_788 : vector<16xf32> to vector<1x16xf32>
      tpu.vector_store %arg9[%swap3A_789, %swap3A_790], %swap3A_793 {strides = array<i32>} : memref<200x128xf32, #tpu.memory_space<vmem>>, vector<1x16xf32>,
      %get3A_794 = arith.index_cast %add3A_674 : i32 to index
      %get3A_795 = arith.constant 112 : index
      %get3A_796 = tpu.vector_load %arg9[%get3A_794, %get3A_795] {strides = array<i32>} : memref<200x128xf32, #tpu.memory_space<vmem>>, vector<1x16xf32>,
      %get3A_797 = vector.shape_cast %get3A_796 : vector<1x16xf32> to vector<16xf32>
      %mul3A_798 = arith.constant 11.3137083 : f32
      %mul3A_799 = vector.broadcast %mul3A_798 : f32 to vector<16xf32>
      %mul3A_800 = arith.mulf %get3A_797, %mul3A_799 : vector<16xf32>
      %get3A_801 = arith.index_cast %add3A_674 : i32 to index
      %get3A_802 = arith.constant 112 : index
      %get3A_803 = tpu.vector_load %arg6[%get3A_801, %get3A_802] {strides = array<i32>} : memref<200x128xf32, #tpu.memory_space<vmem>>, vector<1x16xf32>,
      %get3A_804 = vector.shape_cast %get3A_803 : vector<1x16xf32> to vector<16xf32>
      %add3A_805 = arith.addf %mul3A_800, %get3A_804 : vector<16xf32>
      %swap3A_806 = arith.index_cast %add3A_674 : i32 to index
      %swap3A_807 = arith.constant 112 : index
      %swap3A_808 = tpu.vector_load %arg9[%swap3A_806, %swap3A_807] {strides = array<i32>} : memref<200x128xf32, #tpu.memory_space<vmem>>, vector<1x16xf32>,
      %swap3A_809 = vector.shape_cast %swap3A_808 : vector<1x16xf32> to vector<16xf32>
      %swap3A_810 = vector.shape_cast %add3A_805 : vector<16xf32> to vector<1x16xf32>
      tpu.vector_store %arg9[%swap3A_806, %swap3A_807], %swap3A_810 {strides = array<i32>} : memref<200x128xf32, #tpu.memory_space<vmem>>, vector<1x16xf32>,
    }
    %scan3A_461 = arith.constant 100 : i32
    %add3A_462 = arith.constant 960 : i32
    %add3A_463 = arith.addi %add3A_462, %add3A : i32
    %mul3A_464 = arith.constant 200 : i32
    %mul3A_465 = arith.muli %add3A_463, %mul3A_464 : i32
    %dma_start3A_466 = arith.constant 0 : i32
    %dma_start3A_467 = tpu.memref_slice %arg5[%mul3A_465, %dma_start3A_466] : memref<204800x128xf32, #tpu.memory_space<hbm>> -> memref<200x128xf32, #tpu.memory_space<hbm>>
    %dma_start3A_468 = arith.constant 0 : i32
    %dma_start3A_469 = tpu.memref_slice %arg5[%mul3A_465, %dma_start3A_468] : memref<204800x128xf32, #tpu.memory_space<hbm>> -> memref<200x128xf32, #tpu.memory_space<hbm>>
    tpu.enqueue_dma source(%arg9 : memref<200x128xf32, #tpu.memory_space<vmem>>) target(%dma_start3A_469 : memref<200x128xf32, #tpu.memory_space<hbm>>) target_semaphore(%arg21 : memref<!tpu.dma_semaphore, #tpu.memory_space<semaphore_mem>>)
    %dma_wait3A_470 = arith.constant 0 : i32
    %dma_wait3A_471 = arith.constant 0 : i32
    %dma_wait3A_472 = tpu.memref_slice %arg10[%dma_wait3A_470, %dma_wait3A_471] : memref<200x128xf32, #tpu.memory_space<vmem>> -> memref<104x128xf32, #tpu.memory_space<vmem>>
    %dma_wait3A_473 = arith.constant 0 : i32
    %dma_wait3A_474 = tpu.memref_slice %arg14[%dma_wait3A_473] : memref<200xi32, #tpu.memory_space<vmem>> -> memref<104xi32, #tpu.memory_space<vmem>>
    %dma_wait3A_475 = arith.constant 0 : i32
    %dma_wait3A_476 = arith.constant 0 : i32
    %dma_wait3A_477 = tpu.memref_slice %arg3[%dma_wait3A_475, %dma_wait3A_476] : memref<100000x128xf32, #tpu.memory_space<hbm>> -> memref<100000x128xf32, #tpu.memory_space<hbm>>
    tpu.wait_indirect_dma semaphore(%arg18 : memref<!tpu.dma_semaphore, #tpu.memory_space<semaphore_mem>>) src(%dma_wait3A_477 : memref<100000x128xf32, #tpu.memory_space<hbm>>) dst(%dma_wait3A_472 : memref<104x128xf32, #tpu.memory_space<vmem>>)
    %dma_wait3A_478 = arith.constant 104 : i32
    %dma_wait3A_479 = arith.constant 0 : i32
    %dma_wait3A_480 = tpu.memref_slice %arg10[%dma_wait3A_478, %dma_wait3A_479] : memref<200x128xf32, #tpu.memory_space<vmem>> -> memref<96x128xf32, #tpu.memory_space<vmem>>
    %dma_wait3A_481 = arith.constant 104 : i32
    %dma_wait3A_482 = tpu.memref_slice %arg14[%dma_wait3A_481] : memref<200xi32, #tpu.memory_space<vmem>> -> memref<96xi32, #tpu.memory_space<vmem>>
    %dma_wait3A_483 = arith.constant 0 : i32
    %dma_wait3A_484 = arith.constant 0 : i32
    %dma_wait3A_485 = tpu.memref_slice %arg3[%dma_wait3A_483, %dma_wait3A_484] : memref<100000x128xf32, #tpu.memory_space<hbm>> -> memref<100000x128xf32, #tpu.memory_space<hbm>>
    tpu.wait_indirect_dma semaphore(%arg18 : memref<!tpu.dma_semaphore, #tpu.memory_space<semaphore_mem>>) src(%dma_wait3A_485 : memref<100000x128xf32, #tpu.memory_space<hbm>>) dst(%dma_wait3A_480 : memref<96x128xf32, #tpu.memory_space<vmem>>)
    %scan3A_486 = arith.constant 0 : i32
    %scan3A_487 = arith.constant 0 : i32
    %scan3A_488 = arith.constant 100 : i32
    %scan3A_489 = arith.addi %scan3A_487, %scan3A_488 : i32
    %scan3A_490 = arith.constant 1 : i32
    scf.for %scan3A_532 = %scan3A_487 to %scan3A_489 step %scan3A_490  : i32 {
      %mul3A_533 = arith.constant 2 : i32
      %mul3A_534 = arith.muli %scan3A_532, %mul3A_533 : i32
      %add3A_535 = arith.constant 0 : i32
      %add3A_536 = arith.addi %mul3A_534, %add3A_535 : i32
      %get3A = arith.index_cast %add3A_536 : i32 to index
      %get3A_537 = arith.constant 0 : index
      %get3A_538 = tpu.vector_load %arg10[%get3A, %get3A_537] {strides = array<i32>} : memref<200x128xf32, #tpu.memory_space<vmem>>, vector<1x16xf32>,
      %get3A_539 = vector.shape_cast %get3A_538 : vector<1x16xf32> to vector<16xf32>
      %mul3A_540 = arith.constant 11.3137083 : f32
      %mul3A_541 = vector.broadcast %mul3A_540 : f32 to vector<16xf32>
      %mul3A_542 = arith.mulf %get3A_539, %mul3A_541 : vector<16xf32>
      %get3A_543 = arith.index_cast %add3A_536 : i32 to index
      %get3A_544 = arith.constant 0 : index
      %get3A_545 = tpu.vector_load %arg6[%get3A_543, %get3A_544] {strides = array<i32>} : memref<200x128xf32, #tpu.memory_space<vmem>>, vector<1x16xf32>,
      %get3A_546 = vector.shape_cast %get3A_545 : vector<1x16xf32> to vector<16xf32>
      %add3A_547 = arith.addf %mul3A_542, %get3A_546 : vector<16xf32>
      %swap3A = arith.index_cast %add3A_536 : i32 to index
      %swap3A_548 = arith.constant 0 : index
      %swap3A_549 = tpu.vector_load %arg10[%swap3A, %swap3A_548] {strides = array<i32>} : memref<200x128xf32, #tpu.memory_space<vmem>>, vector<1x16xf32>,
      %swap3A_550 = vector.shape_cast %swap3A_549 : vector<1x16xf32> to vector<16xf32>
      %swap3A_551 = vector.shape_cast %add3A_547 : vector<16xf32> to vector<1x16xf32>
      tpu.vector_store %arg10[%swap3A, %swap3A_548], %swap3A_551 {strides = array<i32>} : memref<200x128xf32, #tpu.memory_space<vmem>>, vector<1x16xf32>,
      %get3A_552 = arith.index_cast %add3A_536 : i32 to index
      %get3A_553 = arith.constant 16 : index
      %get3A_554 = tpu.vector_load %arg10[%get3A_552, %get3A_553] {strides = array<i32>} : memref<200x128xf32, #tpu.memory_space<vmem>>, vector<1x16xf32>,
      %get3A_555 = vector.shape_cast %get3A_554 : vector<1x16xf32> to vector<16xf32>
      %mul3A_556 = arith.constant 11.3137083 : f32
      %mul3A_557 = vector.broadcast %mul3A_556 : f32 to vector<16xf32>
      %mul3A_558 = arith.mulf %get3A_555, %mul3A_557 : vector<16xf32>
      %get3A_559 = arith.index_cast %add3A_536 : i32 to index
      %get3A_560 = arith.constant 16 : index
      %get3A_561 = tpu.vector_load %arg6[%get3A_559, %get3A_560] {strides = array<i32>} : memref<200x128xf32, #tpu.memory_space<vmem>>, vector<1x16xf32>,
      %get3A_562 = vector.shape_cast %get3A_561 : vector<1x16xf32> to vector<16xf32>
      %add3A_563 = arith.addf %mul3A_558, %get3A_562 : vector<16xf32>
      %swap3A_564 = arith.index_cast %add3A_536 : i32 to index
      %swap3A_565 = arith.constant 16 : index
      %swap3A_566 = tpu.vector_load %arg10[%swap3A_564, %swap3A_565] {strides = array<i32>} : memref<200x128xf32, #tpu.memory_space<vmem>>, vector<1x16xf32>,
      %swap3A_567 = vector.shape_cast %swap3A_566 : vector<1x16xf32> to vector<16xf32>
      %swap3A_568 = vector.shape_cast %add3A_563 : vector<16xf32> to vector<1x16xf32>
      tpu.vector_store %arg10[%swap3A_564, %swap3A_565], %swap3A_568 {strides = array<i32>} : memref<200x128xf32, #tpu.memory_space<vmem>>, vector<1x16xf32>,
      %get3A_569 = arith.index_cast %add3A_536 : i32 to index
      %get3A_570 = arith.constant 32 : index
      %get3A_571 = tpu.vector_load %arg10[%get3A_569, %get3A_570] {strides = array<i32>} : memref<200x128xf32, #tpu.memory_space<vmem>>, vector<1x16xf32>,
      %get3A_572 = vector.shape_cast %get3A_571 : vector<1x16xf32> to vector<16xf32>
      %mul3A_573 = arith.constant 11.3137083 : f32
      %mul3A_574 = vector.broadcast %mul3A_573 : f32 to vector<16xf32>
      %mul3A_575 = arith.mulf %get3A_572, %mul3A_574 : vector<16xf32>
      %get3A_576 = arith.index_cast %add3A_536 : i32 to index
      %get3A_577 = arith.constant 32 : index
      %get3A_578 = tpu.vector_load %arg6[%get3A_576, %get3A_577] {strides = array<i32>} : memref<200x128xf32, #tpu.memory_space<vmem>>, vector<1x16xf32>,
      %get3A_579 = vector.shape_cast %get3A_578 : vector<1x16xf32> to vector<16xf32>
      %add3A_580 = arith.addf %mul3A_575, %get3A_579 : vector<16xf32>
      %swap3A_581 = arith.index_cast %add3A_536 : i32 to index
      %swap3A_582 = arith.constant 32 : index
      %swap3A_583 = tpu.vector_load %arg10[%swap3A_581, %swap3A_582] {strides = array<i32>} : memref<200x128xf32, #tpu.memory_space<vmem>>, vector<1x16xf32>,
      %swap3A_584 = vector.shape_cast %swap3A_583 : vector<1x16xf32> to vector<16xf32>
      %swap3A_585 = vector.shape_cast %add3A_580 : vector<16xf32> to vector<1x16xf32>
      tpu.vector_store %arg10[%swap3A_581, %swap3A_582], %swap3A_585 {strides = array<i32>} : memref<200x128xf32, #tpu.memory_space<vmem>>, vector<1x16xf32>,
      %get3A_586 = arith.index_cast %add3A_536 : i32 to index
      %get3A_587 = arith.constant 48 : index
      %get3A_588 = tpu.vector_load %arg10[%get3A_586, %get3A_587] {strides = array<i32>} : memref<200x128xf32, #tpu.memory_space<vmem>>, vector<1x16xf32>,
      %get3A_589 = vector.shape_cast %get3A_588 : vector<1x16xf32> to vector<16xf32>
      %mul3A_590 = arith.constant 11.3137083 : f32
      %mul3A_591 = vector.broadcast %mul3A_590 : f32 to vector<16xf32>
      %mul3A_592 = arith.mulf %get3A_589, %mul3A_591 : vector<16xf32>
      %get3A_593 = arith.index_cast %add3A_536 : i32 to index
      %get3A_594 = arith.constant 48 : index
      %get3A_595 = tpu.vector_load %arg6[%get3A_593, %get3A_594] {strides = array<i32>} : memref<200x128xf32, #tpu.memory_space<vmem>>, vector<1x16xf32>,
      %get3A_596 = vector.shape_cast %get3A_595 : vector<1x16xf32> to vector<16xf32>
      %add3A_597 = arith.addf %mul3A_592, %get3A_596 : vector<16xf32>
      %swap3A_598 = arith.index_cast %add3A_536 : i32 to index
      %swap3A_599 = arith.constant 48 : index
      %swap3A_600 = tpu.vector_load %arg10[%swap3A_598, %swap3A_599] {strides = array<i32>} : memref<200x128xf32, #tpu.memory_space<vmem>>, vector<1x16xf32>,
      %swap3A_601 = vector.shape_cast %swap3A_600 : vector<1x16xf32> to vector<16xf32>
      %swap3A_602 = vector.shape_cast %add3A_597 : vector<16xf32> to vector<1x16xf32>
      tpu.vector_store %arg10[%swap3A_598, %swap3A_599], %swap3A_602 {strides = array<i32>} : memref<200x128xf32, #tpu.memory_space<vmem>>, vector<1x16xf32>,
      %get3A_603 = arith.index_cast %add3A_536 : i32 to index
      %get3A_604 = arith.constant 64 : index
      %get3A_605 = tpu.vector_load %arg10[%get3A_603, %get3A_604] {strides = array<i32>} : memref<200x128xf32, #tpu.memory_space<vmem>>, vector<1x16xf32>,
      %get3A_606 = vector.shape_cast %get3A_605 : vector<1x16xf32> to vector<16xf32>
      %mul3A_607 = arith.constant 11.3137083 : f32
      %mul3A_608 = vector.broadcast %mul3A_607 : f32 to vector<16xf32>
      %mul3A_609 = arith.mulf %get3A_606, %mul3A_608 : vector<16xf32>
      %get3A_610 = arith.index_cast %add3A_536 : i32 to index
      %get3A_611 = arith.constant 64 : index
      %get3A_612 = tpu.vector_load %arg6[%get3A_610, %get3A_611] {strides = array<i32>} : memref<200x128xf32, #tpu.memory_space<vmem>>, vector<1x16xf32>,
      %get3A_613 = vector.shape_cast %get3A_612 : vector<1x16xf32> to vector<16xf32>
      %add3A_614 = arith.addf %mul3A_609, %get3A_613 : vector<16xf32>
      %swap3A_615 = arith.index_cast %add3A_536 : i32 to index
      %swap3A_616 = arith.constant 64 : index
      %swap3A_617 = tpu.vector_load %arg10[%swap3A_615, %swap3A_616] {strides = array<i32>} : memref<200x128xf32, #tpu.memory_space<vmem>>, vector<1x16xf32>,
      %swap3A_618 = vector.shape_cast %swap3A_617 : vector<1x16xf32> to vector<16xf32>
      %swap3A_619 = vector.shape_cast %add3A_614 : vector<16xf32> to vector<1x16xf32>
      tpu.vector_store %arg10[%swap3A_615, %swap3A_616], %swap3A_619 {strides = array<i32>} : memref<200x128xf32, #tpu.memory_space<vmem>>, vector<1x16xf32>,
      %get3A_620 = arith.index_cast %add3A_536 : i32 to index
      %get3A_621 = arith.constant 80 : index
      %get3A_622 = tpu.vector_load %arg10[%get3A_620, %get3A_621] {strides = array<i32>} : memref<200x128xf32, #tpu.memory_space<vmem>>, vector<1x16xf32>,
      %get3A_623 = vector.shape_cast %get3A_622 : vector<1x16xf32> to vector<16xf32>
      %mul3A_624 = arith.constant 11.3137083 : f32
      %mul3A_625 = vector.broadcast %mul3A_624 : f32 to vector<16xf32>
      %mul3A_626 = arith.mulf %get3A_623, %mul3A_625 : vector<16xf32>
      %get3A_627 = arith.index_cast %add3A_536 : i32 to index
      %get3A_628 = arith.constant 80 : index
      %get3A_629 = tpu.vector_load %arg6[%get3A_627, %get3A_628] {strides = array<i32>} : memref<200x128xf32, #tpu.memory_space<vmem>>, vector<1x16xf32>,
      %get3A_630 = vector.shape_cast %get3A_629 : vector<1x16xf32> to vector<16xf32>
      %add3A_631 = arith.addf %mul3A_626, %get3A_630 : vector<16xf32>
      %swap3A_632 = arith.index_cast %add3A_536 : i32 to index
      %swap3A_633 = arith.constant 80 : index
      %swap3A_634 = tpu.vector_load %arg10[%swap3A_632, %swap3A_633] {strides = array<i32>} : memref<200x128xf32, #tpu.memory_space<vmem>>, vector<1x16xf32>,
      %swap3A_635 = vector.shape_cast %swap3A_634 : vector<1x16xf32> to vector<16xf32>
      %swap3A_636 = vector.shape_cast %add3A_631 : vector<16xf32> to vector<1x16xf32>
      tpu.vector_store %arg10[%swap3A_632, %swap3A_633], %swap3A_636 {strides = array<i32>} : memref<200x128xf32, #tpu.memory_space<vmem>>, vector<1x16xf32>,
      %get3A_637 = arith.index_cast %add3A_536 : i32 to index
      %get3A_638 = arith.constant 96 : index
      %get3A_639 = tpu.vector_load %arg10[%get3A_637, %get3A_638] {strides = array<i32>} : memref<200x128xf32, #tpu.memory_space<vmem>>, vector<1x16xf32>,
      %get3A_640 = vector.shape_cast %get3A_639 : vector<1x16xf32> to vector<16xf32>
      %mul3A_641 = arith.constant 11.3137083 : f32
      %mul3A_642 = vector.broadcast %mul3A_641 : f32 to vector<16xf32>
      %mul3A_643 = arith.mulf %get3A_640, %mul3A_642 : vector<16xf32>
      %get3A_644 = arith.index_cast %add3A_536 : i32 to index
      %get3A_645 = arith.constant 96 : index
      %get3A_646 = tpu.vector_load %arg6[%get3A_644, %get3A_645] {strides = array<i32>} : memref<200x128xf32, #tpu.memory_space<vmem>>, vector<1x16xf32>,
      %get3A_647 = vector.shape_cast %get3A_646 : vector<1x16xf32> to vector<16xf32>
      %add3A_648 = arith.addf %mul3A_643, %get3A_647 : vector<16xf32>
      %swap3A_649 = arith.index_cast %add3A_536 : i32 to index
      %swap3A_650 = arith.constant 96 : index
      %swap3A_651 = tpu.vector_load %arg10[%swap3A_649, %swap3A_650] {strides = array<i32>} : memref<200x128xf32, #tpu.memory_space<vmem>>, vector<1x16xf32>,
      %swap3A_652 = vector.shape_cast %swap3A_651 : vector<1x16xf32> to vector<16xf32>
      %swap3A_653 = vector.shape_cast %add3A_648 : vector<16xf32> to vector<1x16xf32>
      tpu.vector_store %arg10[%swap3A_649, %swap3A_650], %swap3A_653 {strides = array<i32>} : memref<200x128xf32, #tpu.memory_space<vmem>>, vector<1x16xf32>,
      %get3A_654 = arith.index_cast %add3A_536 : i32 to index
      %get3A_655 = arith.constant 112 : index
      %get3A_656 = tpu.vector_load %arg10[%get3A_654, %get3A_655] {strides = array<i32>} : memref<200x128xf32, #tpu.memory_space<vmem>>, vector<1x16xf32>,
      %get3A_657 = vector.shape_cast %get3A_656 : vector<1x16xf32> to vector<16xf32>
      %mul3A_658 = arith.constant 11.3137083 : f32
      %mul3A_659 = vector.broadcast %mul3A_658 : f32 to vector<16xf32>
      %mul3A_660 = arith.mulf %get3A_657, %mul3A_659 : vector<16xf32>
      %get3A_661 = arith.index_cast %add3A_536 : i32 to index
      %get3A_662 = arith.constant 112 : index
      %get3A_663 = tpu.vector_load %arg6[%get3A_661, %get3A_662] {strides = array<i32>} : memref<200x128xf32, #tpu.memory_space<vmem>>, vector<1x16xf32>,
      %get3A_664 = vector.shape_cast %get3A_663 : vector<1x16xf32> to vector<16xf32>
      %add3A_665 = arith.addf %mul3A_660, %get3A_664 : vector<16xf32>
      %swap3A_666 = arith.index_cast %add3A_536 : i32 to index
      %swap3A_667 = arith.constant 112 : index
      %swap3A_668 = tpu.vector_load %arg10[%swap3A_666, %swap3A_667] {strides = array<i32>} : memref<200x128xf32, #tpu.memory_space<vmem>>, vector<1x16xf32>,
      %swap3A_669 = vector.shape_cast %swap3A_668 : vector<1x16xf32> to vector<16xf32>
      %swap3A_670 = vector.shape_cast %add3A_665 : vector<16xf32> to vector<1x16xf32>
      tpu.vector_store %arg10[%swap3A_666, %swap3A_667], %swap3A_670 {strides = array<i32>} : memref<200x128xf32, #tpu.memory_space<vmem>>, vector<1x16xf32>,
      %mul3A_671 = arith.constant 2 : i32
      %mul3A_672 = arith.muli %scan3A_532, %mul3A_671 : i32
      %add3A_673 = arith.constant 1 : i32
      %add3A_674 = arith.addi %mul3A_672, %add3A_673 : i32
      %get3A_675 = arith.index_cast %add3A_674 : i32 to index
      %get3A_676 = arith.constant 0 : index
      %get3A_677 = tpu.vector_load %arg10[%get3A_675, %get3A_676] {strides = array<i32>} : memref<200x128xf32, #tpu.memory_space<vmem>>, vector<1x16xf32>,
      %get3A_678 = vector.shape_cast %get3A_677 : vector<1x16xf32> to vector<16xf32>
      %mul3A_679 = arith.constant 11.3137083 : f32
      %mul3A_680 = vector.broadcast %mul3A_679 : f32 to vector<16xf32>
      %mul3A_681 = arith.mulf %get3A_678, %mul3A_680 : vector<16xf32>
      %get3A_682 = arith.index_cast %add3A_674 : i32 to index
      %get3A_683 = arith.constant 0 : index
      %get3A_684 = tpu.vector_load %arg6[%get3A_682, %get3A_683] {strides = array<i32>} : memref<200x128xf32, #tpu.memory_space<vmem>>, vector<1x16xf32>,
      %get3A_685 = vector.shape_cast %get3A_684 : vector<1x16xf32> to vector<16xf32>
      %add3A_686 = arith.addf %mul3A_681, %get3A_685 : vector<16xf32>
      %swap3A_687 = arith.index_cast %add3A_674 : i32 to index
      %swap3A_688 = arith.constant 0 : index
      %swap3A_689 = tpu.vector_load %arg10[%swap3A_687, %swap3A_688] {strides = array<i32>} : memref<200x128xf32, #tpu.memory_space<vmem>>, vector<1x16xf32>,
      %swap3A_690 = vector.shape_cast %swap3A_689 : vector<1x16xf32> to vector<16xf32>
      %swap3A_691 = vector.shape_cast %add3A_686 : vector<16xf32> to vector<1x16xf32>
      tpu.vector_store %arg10[%swap3A_687, %swap3A_688], %swap3A_691 {strides = array<i32>} : memref<200x128xf32, #tpu.memory_space<vmem>>, vector<1x16xf32>,
      %get3A_692 = arith.index_cast %add3A_674 : i32 to index
      %get3A_693 = arith.constant 16 : index
      %get3A_694 = tpu.vector_load %arg10[%get3A_692, %get3A_693] {strides = array<i32>} : memref<200x128xf32, #tpu.memory_space<vmem>>, vector<1x16xf32>,
      %get3A_695 = vector.shape_cast %get3A_694 : vector<1x16xf32> to vector<16xf32>
      %mul3A_696 = arith.constant 11.3137083 : f32
      %mul3A_697 = vector.broadcast %mul3A_696 : f32 to vector<16xf32>
      %mul3A_698 = arith.mulf %get3A_695, %mul3A_697 : vector<16xf32>
      %get3A_699 = arith.index_cast %add3A_674 : i32 to index
      %get3A_700 = arith.constant 16 : index
      %get3A_701 = tpu.vector_load %arg6[%get3A_699, %get3A_700] {strides = array<i32>} : memref<200x128xf32, #tpu.memory_space<vmem>>, vector<1x16xf32>,
      %get3A_702 = vector.shape_cast %get3A_701 : vector<1x16xf32> to vector<16xf32>
      %add3A_703 = arith.addf %mul3A_698, %get3A_702 : vector<16xf32>
      %swap3A_704 = arith.index_cast %add3A_674 : i32 to index
      %swap3A_705 = arith.constant 16 : index
      %swap3A_706 = tpu.vector_load %arg10[%swap3A_704, %swap3A_705] {strides = array<i32>} : memref<200x128xf32, #tpu.memory_space<vmem>>, vector<1x16xf32>,
      %swap3A_707 = vector.shape_cast %swap3A_706 : vector<1x16xf32> to vector<16xf32>
      %swap3A_708 = vector.shape_cast %add3A_703 : vector<16xf32> to vector<1x16xf32>
      tpu.vector_store %arg10[%swap3A_704, %swap3A_705], %swap3A_708 {strides = array<i32>} : memref<200x128xf32, #tpu.memory_space<vmem>>, vector<1x16xf32>,
      %get3A_709 = arith.index_cast %add3A_674 : i32 to index
      %get3A_710 = arith.constant 32 : index
      %get3A_711 = tpu.vector_load %arg10[%get3A_709, %get3A_710] {strides = array<i32>} : memref<200x128xf32, #tpu.memory_space<vmem>>, vector<1x16xf32>,
      %get3A_712 = vector.shape_cast %get3A_711 : vector<1x16xf32> to vector<16xf32>
      %mul3A_713 = arith.constant 11.3137083 : f32
      %mul3A_714 = vector.broadcast %mul3A_713 : f32 to vector<16xf32>
      %mul3A_715 = arith.mulf %get3A_712, %mul3A_714 : vector<16xf32>
      %get3A_716 = arith.index_cast %add3A_674 : i32 to index
      %get3A_717 = arith.constant 32 : index
      %get3A_718 = tpu.vector_load %arg6[%get3A_716, %get3A_717] {strides = array<i32>} : memref<200x128xf32, #tpu.memory_space<vmem>>, vector<1x16xf32>,
      %get3A_719 = vector.shape_cast %get3A_718 : vector<1x16xf32> to vector<16xf32>
      %add3A_720 = arith.addf %mul3A_715, %get3A_719 : vector<16xf32>
      %swap3A_721 = arith.index_cast %add3A_674 : i32 to index
      %swap3A_722 = arith.constant 32 : index
      %swap3A_723 = tpu.vector_load %arg10[%swap3A_721, %swap3A_722] {strides = array<i32>} : memref<200x128xf32, #tpu.memory_space<vmem>>, vector<1x16xf32>,
      %swap3A_724 = vector.shape_cast %swap3A_723 : vector<1x16xf32> to vector<16xf32>
      %swap3A_725 = vector.shape_cast %add3A_720 : vector<16xf32> to vector<1x16xf32>
      tpu.vector_store %arg10[%swap3A_721, %swap3A_722], %swap3A_725 {strides = array<i32>} : memref<200x128xf32, #tpu.memory_space<vmem>>, vector<1x16xf32>,
      %get3A_726 = arith.index_cast %add3A_674 : i32 to index
      %get3A_727 = arith.constant 48 : index
      %get3A_728 = tpu.vector_load %arg10[%get3A_726, %get3A_727] {strides = array<i32>} : memref<200x128xf32, #tpu.memory_space<vmem>>, vector<1x16xf32>,
      %get3A_729 = vector.shape_cast %get3A_728 : vector<1x16xf32> to vector<16xf32>
      %mul3A_730 = arith.constant 11.3137083 : f32
      %mul3A_731 = vector.broadcast %mul3A_730 : f32 to vector<16xf32>
      %mul3A_732 = arith.mulf %get3A_729, %mul3A_731 : vector<16xf32>
      %get3A_733 = arith.index_cast %add3A_674 : i32 to index
      %get3A_734 = arith.constant 48 : index
      %get3A_735 = tpu.vector_load %arg6[%get3A_733, %get3A_734] {strides = array<i32>} : memref<200x128xf32, #tpu.memory_space<vmem>>, vector<1x16xf32>,
      %get3A_736 = vector.shape_cast %get3A_735 : vector<1x16xf32> to vector<16xf32>
      %add3A_737 = arith.addf %mul3A_732, %get3A_736 : vector<16xf32>
      %swap3A_738 = arith.index_cast %add3A_674 : i32 to index
      %swap3A_739 = arith.constant 48 : index
      %swap3A_740 = tpu.vector_load %arg10[%swap3A_738, %swap3A_739] {strides = array<i32>} : memref<200x128xf32, #tpu.memory_space<vmem>>, vector<1x16xf32>,
      %swap3A_741 = vector.shape_cast %swap3A_740 : vector<1x16xf32> to vector<16xf32>
      %swap3A_742 = vector.shape_cast %add3A_737 : vector<16xf32> to vector<1x16xf32>
      tpu.vector_store %arg10[%swap3A_738, %swap3A_739], %swap3A_742 {strides = array<i32>} : memref<200x128xf32, #tpu.memory_space<vmem>>, vector<1x16xf32>,
      %get3A_743 = arith.index_cast %add3A_674 : i32 to index
      %get3A_744 = arith.constant 64 : index
      %get3A_745 = tpu.vector_load %arg10[%get3A_743, %get3A_744] {strides = array<i32>} : memref<200x128xf32, #tpu.memory_space<vmem>>, vector<1x16xf32>,
      %get3A_746 = vector.shape_cast %get3A_745 : vector<1x16xf32> to vector<16xf32>
      %mul3A_747 = arith.constant 11.3137083 : f32
      %mul3A_748 = vector.broadcast %mul3A_747 : f32 to vector<16xf32>
      %mul3A_749 = arith.mulf %get3A_746, %mul3A_748 : vector<16xf32>
      %get3A_750 = arith.index_cast %add3A_674 : i32 to index
      %get3A_751 = arith.constant 64 : index
      %get3A_752 = tpu.vector_load %arg6[%get3A_750, %get3A_751] {strides = array<i32>} : memref<200x128xf32, #tpu.memory_space<vmem>>, vector<1x16xf32>,
      %get3A_753 = vector.shape_cast %get3A_752 : vector<1x16xf32> to vector<16xf32>
      %add3A_754 = arith.addf %mul3A_749, %get3A_753 : vector<16xf32>
      %swap3A_755 = arith.index_cast %add3A_674 : i32 to index
      %swap3A_756 = arith.constant 64 : index
      %swap3A_757 = tpu.vector_load %arg10[%swap3A_755, %swap3A_756] {strides = array<i32>} : memref<200x128xf32, #tpu.memory_space<vmem>>, vector<1x16xf32>,
      %swap3A_758 = vector.shape_cast %swap3A_757 : vector<1x16xf32> to vector<16xf32>
      %swap3A_759 = vector.shape_cast %add3A_754 : vector<16xf32> to vector<1x16xf32>
      tpu.vector_store %arg10[%swap3A_755, %swap3A_756], %swap3A_759 {strides = array<i32>} : memref<200x128xf32, #tpu.memory_space<vmem>>, vector<1x16xf32>,
      %get3A_760 = arith.index_cast %add3A_674 : i32 to index
      %get3A_761 = arith.constant 80 : index
      %get3A_762 = tpu.vector_load %arg10[%get3A_760, %get3A_761] {strides = array<i32>} : memref<200x128xf32, #tpu.memory_space<vmem>>, vector<1x16xf32>,
      %get3A_763 = vector.shape_cast %get3A_762 : vector<1x16xf32> to vector<16xf32>
      %mul3A_764 = arith.constant 11.3137083 : f32
      %mul3A_765 = vector.broadcast %mul3A_764 : f32 to vector<16xf32>
      %mul3A_766 = arith.mulf %get3A_763, %mul3A_765 : vector<16xf32>
      %get3A_767 = arith.index_cast %add3A_674 : i32 to index
      %get3A_768 = arith.constant 80 : index
      %get3A_769 = tpu.vector_load %arg6[%get3A_767, %get3A_768] {strides = array<i32>} : memref<200x128xf32, #tpu.memory_space<vmem>>, vector<1x16xf32>,
      %get3A_770 = vector.shape_cast %get3A_769 : vector<1x16xf32> to vector<16xf32>
      %add3A_771 = arith.addf %mul3A_766, %get3A_770 : vector<16xf32>
      %swap3A_772 = arith.index_cast %add3A_674 : i32 to index
      %swap3A_773 = arith.constant 80 : index
      %swap3A_774 = tpu.vector_load %arg10[%swap3A_772, %swap3A_773] {strides = array<i32>} : memref<200x128xf32, #tpu.memory_space<vmem>>, vector<1x16xf32>,
      %swap3A_775 = vector.shape_cast %swap3A_774 : vector<1x16xf32> to vector<16xf32>
      %swap3A_776 = vector.shape_cast %add3A_771 : vector<16xf32> to vector<1x16xf32>
      tpu.vector_store %arg10[%swap3A_772, %swap3A_773], %swap3A_776 {strides = array<i32>} : memref<200x128xf32, #tpu.memory_space<vmem>>, vector<1x16xf32>,
      %get3A_777 = arith.index_cast %add3A_674 : i32 to index
      %get3A_778 = arith.constant 96 : index
      %get3A_779 = tpu.vector_load %arg10[%get3A_777, %get3A_778] {strides = array<i32>} : memref<200x128xf32, #tpu.memory_space<vmem>>, vector<1x16xf32>,
      %get3A_780 = vector.shape_cast %get3A_779 : vector<1x16xf32> to vector<16xf32>
      %mul3A_781 = arith.constant 11.3137083 : f32
      %mul3A_782 = vector.broadcast %mul3A_781 : f32 to vector<16xf32>
      %mul3A_783 = arith.mulf %get3A_780, %mul3A_782 : vector<16xf32>
      %get3A_784 = arith.index_cast %add3A_674 : i32 to index
      %get3A_785 = arith.constant 96 : index
      %get3A_786 = tpu.vector_load %arg6[%get3A_784, %get3A_785] {strides = array<i32>} : memref<200x128xf32, #tpu.memory_space<vmem>>, vector<1x16xf32>,
      %get3A_787 = vector.shape_cast %get3A_786 : vector<1x16xf32> to vector<16xf32>
      %add3A_788 = arith.addf %mul3A_783, %get3A_787 : vector<16xf32>
      %swap3A_789 = arith.index_cast %add3A_674 : i32 to index
      %swap3A_790 = arith.constant 96 : index
      %swap3A_791 = tpu.vector_load %arg10[%swap3A_789, %swap3A_790] {strides = array<i32>} : memref<200x128xf32, #tpu.memory_space<vmem>>, vector<1x16xf32>,
      %swap3A_792 = vector.shape_cast %swap3A_791 : vector<1x16xf32> to vector<16xf32>
      %swap3A_793 = vector.shape_cast %add3A_788 : vector<16xf32> to vector<1x16xf32>
      tpu.vector_store %arg10[%swap3A_789, %swap3A_790], %swap3A_793 {strides = array<i32>} : memref<200x128xf32, #tpu.memory_space<vmem>>, vector<1x16xf32>,
      %get3A_794 = arith.index_cast %add3A_674 : i32 to index
      %get3A_795 = arith.constant 112 : index
      %get3A_796 = tpu.vector_load %arg10[%get3A_794, %get3A_795] {strides = array<i32>} : memref<200x128xf32, #tpu.memory_space<vmem>>, vector<1x16xf32>,
      %get3A_797 = vector.shape_cast %get3A_796 : vector<1x16xf32> to vector<16xf32>
      %mul3A_798 = arith.constant 11.3137083 : f32
      %mul3A_799 = vector.broadcast %mul3A_798 : f32 to vector<16xf32>
      %mul3A_800 = arith.mulf %get3A_797, %mul3A_799 : vector<16xf32>
      %get3A_801 = arith.index_cast %add3A_674 : i32 to index
      %get3A_802 = arith.constant 112 : index
      %get3A_803 = tpu.vector_load %arg6[%get3A_801, %get3A_802] {strides = array<i32>} : memref<200x128xf32, #tpu.memory_space<vmem>>, vector<1x16xf32>,
      %get3A_804 = vector.shape_cast %get3A_803 : vector<1x16xf32> to vector<16xf32>
      %add3A_805 = arith.addf %mul3A_800, %get3A_804 : vector<16xf32>
      %swap3A_806 = arith.index_cast %add3A_674 : i32 to index
      %swap3A_807 = arith.constant 112 : index
      %swap3A_808 = tpu.vector_load %arg10[%swap3A_806, %swap3A_807] {strides = array<i32>} : memref<200x128xf32, #tpu.memory_space<vmem>>, vector<1x16xf32>,
      %swap3A_809 = vector.shape_cast %swap3A_808 : vector<1x16xf32> to vector<16xf32>
      %swap3A_810 = vector.shape_cast %add3A_805 : vector<16xf32> to vector<1x16xf32>
      tpu.vector_store %arg10[%swap3A_806, %swap3A_807], %swap3A_810 {strides = array<i32>} : memref<200x128xf32, #tpu.memory_space<vmem>>, vector<1x16xf32>,
    }
    %scan3A_491 = arith.constant 100 : i32
    %add3A_492 = arith.constant 992 : i32
    %add3A_493 = arith.addi %add3A_492, %add3A : i32
    %mul3A_494 = arith.constant 200 : i32
    %mul3A_495 = arith.muli %add3A_493, %mul3A_494 : i32
    %dma_start3A_496 = arith.constant 0 : i32
    %dma_start3A_497 = tpu.memref_slice %arg5[%mul3A_495, %dma_start3A_496] : memref<204800x128xf32, #tpu.memory_space<hbm>> -> memref<200x128xf32, #tpu.memory_space<hbm>>
    %dma_start3A_498 = arith.constant 0 : i32
    %dma_start3A_499 = tpu.memref_slice %arg5[%mul3A_495, %dma_start3A_498] : memref<204800x128xf32, #tpu.memory_space<hbm>> -> memref<200x128xf32, #tpu.memory_space<hbm>>
    tpu.enqueue_dma source(%arg10 : memref<200x128xf32, #tpu.memory_space<vmem>>) target(%dma_start3A_499 : memref<200x128xf32, #tpu.memory_space<hbm>>) target_semaphore(%arg22 : memref<!tpu.dma_semaphore, #tpu.memory_space<semaphore_mem>>)
    %add3A_500 = arith.constant 896 : i32
    %add3A_501 = arith.addi %add3A_500, %add3A : i32
    %mul3A_502 = arith.constant 200 : i32
    %mul3A_503 = arith.muli %add3A_501, %mul3A_502 : i32
    %dma_wait3A_504 = arith.constant 0 : i32
    %dma_wait3A_505 = tpu.memref_slice %arg5[%mul3A_503, %dma_wait3A_504] : memref<204800x128xf32, #tpu.memory_space<hbm>> -> memref<200x128xf32, #tpu.memory_space<hbm>>
    %dma_wait3A_506 = arith.constant 0 : i32
    %dma_wait3A_507 = tpu.memref_slice %arg5[%mul3A_503, %dma_wait3A_506] : memref<204800x128xf32, #tpu.memory_space<hbm>> -> memref<200x128xf32, #tpu.memory_space<hbm>>
    tpu.wait_dma2 semaphore(%arg19 : memref<!tpu.dma_semaphore, #tpu.memory_space<semaphore_mem>>) src(%arg7 : memref<200x128xf32, #tpu.memory_space<vmem>>) dst(%dma_wait3A_507 : memref<200x128xf32, #tpu.memory_space<hbm>>)
    %add3A_508 = arith.constant 928 : i32
    %add3A_509 = arith.addi %add3A_508, %add3A : i32
    %mul3A_510 = arith.constant 200 : i32
    %mul3A_511 = arith.muli %add3A_509, %mul3A_510 : i32
    %dma_wait3A_512 = arith.constant 0 : i32
    %dma_wait3A_513 = tpu.memref_slice %arg5[%mul3A_511, %dma_wait3A_512] : memref<204800x128xf32, #tpu.memory_space<hbm>> -> memref<200x128xf32, #tpu.memory_space<hbm>>
    %dma_wait3A_514 = arith.constant 0 : i32
    %dma_wait3A_515 = tpu.memref_slice %arg5[%mul3A_511, %dma_wait3A_514] : memref<204800x128xf32, #tpu.memory_space<hbm>> -> memref<200x128xf32, #tpu.memory_space<hbm>>
    tpu.wait_dma2 semaphore(%arg20 : memref<!tpu.dma_semaphore, #tpu.memory_space<semaphore_mem>>) src(%arg8 : memref<200x128xf32, #tpu.memory_space<vmem>>) dst(%dma_wait3A_515 : memref<200x128xf32, #tpu.memory_space<hbm>>)
    %add3A_516 = arith.constant 960 : i32
    %add3A_517 = arith.addi %add3A_516, %add3A : i32
    %mul3A_518 = arith.constant 200 : i32
    %mul3A_519 = arith.muli %add3A_517, %mul3A_518 : i32
    %dma_wait3A_520 = arith.constant 0 : i32
    %dma_wait3A_521 = tpu.memref_slice %arg5[%mul3A_519, %dma_wait3A_520] : memref<204800x128xf32, #tpu.memory_space<hbm>> -> memref<200x128xf32, #tpu.memory_space<hbm>>
    %dma_wait3A_522 = arith.constant 0 : i32
    %dma_wait3A_523 = tpu.memref_slice %arg5[%mul3A_519, %dma_wait3A_522] : memref<204800x128xf32, #tpu.memory_space<hbm>> -> memref<200x128xf32, #tpu.memory_space<hbm>>
    tpu.wait_dma2 semaphore(%arg21 : memref<!tpu.dma_semaphore, #tpu.memory_space<semaphore_mem>>) src(%arg9 : memref<200x128xf32, #tpu.memory_space<vmem>>) dst(%dma_wait3A_523 : memref<200x128xf32, #tpu.memory_space<hbm>>)
    %add3A_524 = arith.constant 992 : i32
    %add3A_525 = arith.addi %add3A_524, %add3A : i32
    %mul3A_526 = arith.constant 200 : i32
    %mul3A_527 = arith.muli %add3A_525, %mul3A_526 : i32
    %dma_wait3A_528 = arith.constant 0 : i32
    %dma_wait3A_529 = tpu.memref_slice %arg5[%mul3A_527, %dma_wait3A_528] : memref<204800x128xf32, #tpu.memory_space<hbm>> -> memref<200x128xf32, #tpu.memory_space<hbm>>
    %dma_wait3A_530 = arith.constant 0 : i32
    %dma_wait3A_531 = tpu.memref_slice %arg5[%mul3A_527, %dma_wait3A_530] : memref<204800x128xf32, #tpu.memory_space<hbm>> -> memref<200x128xf32, #tpu.memory_space<hbm>>
    tpu.wait_dma2 semaphore(%arg22 : memref<!tpu.dma_semaphore, #tpu.memory_space<semaphore_mem>>) src(%arg10 : memref<200x128xf32, #tpu.memory_space<vmem>>) dst(%dma_wait3A_531 : memref<200x128xf32, #tpu.memory_space<hbm>>)
    return
  }
}

</mosaic_0001>

<sc_bundles>
// kernel: kernel.3.cloned.1.call-start
scs
__scs_entry_jumppad:
0x0: {  	(pc) =	sbr.rel $0x88, $3  }
0x1: {  	(tag) =	ssettag $0x0;
	lr =	simm.s32 $0x1  }
0x2: {  	[smem:$0x3F9F] =	sst lr;
	_ =	strace $0xD0000000  }
0x3: {  	_ = 	snop  }
0x4: {  	_ = 	snop  }
0x5: {  	_ = 	snop  }
0x6: {  	_ = 	snop  }
0x7: {  	_ = 	snop  }
__scs_overlays_trampoline_lowered:
0x8: {  	[smem:$0x3FAE] =	sst s0  }
0x9: {  	[smem:$0x3FAF] =	sst s1  }
0xa: {  	[smem:$0x3FB0] =	sst s2  }
0xb: {  	[smem:$0x3FB1] =	sst s3  }
0xc: {  	[smem:$0x3FB2] =	sst s4  }
0xd: {  	[smem:$0x3FB3] =	sst s5  }
0xe: {  	[smem:$0x3FB4] =	sst s6  }
0xf: {  	[smem:$0x3FB5] =	sst s7  }
0x10: {  	[smem:$0x3FB6] =	sst s8  }
0x11: {  	[smem:$0x3FB7] =	sst s9;
	s0 =	simm.s32 @!p0 $0x0  }
0x12: {  	s1 =	sld [smem:$0x3F9D];
	s0 =	simm.s32 @p0 $0x1  }
0x13: {  	[smem:$0x3FB8] =	sst s0;
	s0 =	simm.s32 @!p1 $0x0  }
0x14: {  	s2 =	sld [smem:$0x3F9C];
	s0 =	simm.s32 @p1 $0x1  }
0x15: {  	[smem:$0x3FB9] =	sst s0;
	s0 =	simm.s32 @!p2 $0x0  }
0x16: {  	s3 =	sld [smem:$0x3FDB];
	s0 =	simm.s32 @p2 $0x1  }
0x17: {  	s4 =	simm.s32 $0x1BF5;
	[smem:$0x3FBB] =	sst s0  }
0x18: {  	s0 =	sld [smem:$0x3F9E];
	_ =	swait.ge [sflag:s4], $0x0  }
0x19: {  	s7 =	sld [smem:$0x3F9F]  }
0x1a: {  	s8 =	sadd.s32 $0xFFFFE003, lr  }
0x1b: {  	s9 =	sadd.s32 $0xFFFFFEF7, lr;
	s5 =	simm.s32 $0xFFFFFFFF;
	p2 =	slt.u32 s8, $0xFFFFF086  }
0x1c: {  	p1 =	slt.u32 s9, $0xF7A;
	s5 =	simm.s32 @!p2 $0x0  }
0x1d: {  	s5 =	simm.s32 @p1 $0x1;
	p0 =	seq.s32 s7, s2  }
0x1e: {  	s7 =	smul.u32 @!p0 $0xF7A, s2;
	p2 =	seq.s32 @!p0 s5, $0x0  }
0x1f: {  	s9 =	smul.u32 $0xF7A, s1;
	s8 =	simm.s32 @!p0 $0x1BF5;
	p2 =	por !p2, p0  }
0x20: {  	[sflag:s8] =	ssyncset.s32 @!p0 $0xFFFFF086;
	s6 =	sadd.s32 @!p0 s3, s7;
	s7 =	simm.s32 @!p0 $0x108  }
0x21: {  	s3 =	sadd.s32 s3, s9;
	s6 =	sadd.s32 @!p0 $0x88, s6;
	s7 =	simm.s32 @p2 $0x1082  }
0x22: {  	[simem:s7], [sflag:s8] =	dma.local @!p0 [hbm:s6], $0xF7A  }
0x23: {  	s9 =	sor.u32 $0xD0000000, s2;
	s6 =	simm.s32 $0x108;
	_ =	swait.ge @!p0 [sflag:s8], $0x0  }
0x24: {  	s3 =	sadd.s32 $0x88, s3;
	s6 =	simm.s32 @!p1 $0x1082;
	[sflag:s4] =	ssyncset.s32 $0xFFFFF086  }
0x25: {  	[simem:s6], [sflag:s4] =	dma.local [hbm:s3], $0xF7A  }
0x26: {  	[smem:$0x3F9F] =	sst s1;
	(tag) =	ssettag s2;
	_ =	strace s9  }
0x27: {  	s1 =	sld [smem:$0x3FAF]  }
0x28: {  	s2 =	sld [smem:$0x3FB0]  }
0x29: {  	s4 =	sld [smem:$0x3FB2]  }
0x2a: {  	p0 =	seq.s32 s5, $0x0;
	s5 =	sld [smem:$0x3FB3]  }
0x2b: {  	s6 =	sld [smem:$0x3FB4]  }
0x2c: {  	s7 =	sld [smem:$0x3FB5]  }
0x2d: {  	s3 =	simm.s32 $0x108;
	s8 =	sld [smem:$0x3FB6]  }
0x2e: {  	s3 =	simm.s32 @!p0 $0x1082;
	s9 =	sld [smem:$0x3FB7]  }
0x2f: {  	lr =	sadd.s32 s0, s3;
	s0 =	sld [smem:$0x3FAE]  }
0x30: {  	s3 =	sld [smem:$0x3FB1]  }
0x31: {  	[smem:$0x3FBA] =	sst s10  }
0x32: {  	s10 =	sld [smem:$0x3FB8];
	_ =	sdelay $0x3  }
0x33: {  	p0 =	seq.s32 s10, $0x1;
	s10 =	sld [smem:$0x3FBA];
	_ =	sdelay $0x3  }
0x34: {  	[smem:$0x3FBA] =	sst s10  }
0x35: {  	s10 =	sld [smem:$0x3FB9];
	_ =	sdelay $0x3  }
0x36: {  	p1 =	seq.s32 s10, $0x1;
	s10 =	sld [smem:$0x3FBA];
	_ =	sdelay $0x3  }
0x37: {  	[smem:$0x3FBA] =	sst s10  }
0x38: {  	s10 =	sld [smem:$0x3FBB]  }
0x39: {  	_ = 	snop;
	(pc) =	sbr.ind lr, $3  }
0x3a: {  	_ = 	snop  }
0x3b: {  	_ = 	snop  }
0x3c: {  	p2 =	seq.s32 s10, $0x1;
	s10 =	sld [smem:$0x3FBA]  }
0x3d: {  	_ =	shalt  }
0x3e: {  	_ =	shalt  }
0x3f: {  	_ =	shalt  }
0x40: {  	_ =	shalt  }
0x41: {  	_ =	shalt  }
0x42: {  	_ =	shalt  }
0x43: {  	_ =	shalt  }
0x44: {  	_ =	shalt  }
0x45: {  	_ =	shalt  }
0x46: {  	_ =	shalt  }
0x47: {  	_ =	shalt  }
0x48: {  	_ =	shalt  }
0x49: {  	_ =	shalt  }
0x4a: {  	_ =	shalt  }
0x4b: {  	_ =	shalt  }
0x4c: {  	_ =	shalt  }
0x4d: {  	_ =	shalt  }
0x4e: {  	_ =	shalt  }
0x4f: {  	_ =	shalt  }
0x50: {  	_ =	shalt  }
0x51: {  	_ =	shalt  }
0x52: {  	_ =	shalt  }
0x53: {  	_ =	shalt  }
0x54: {  	_ =	shalt  }
0x55: {  	_ =	shalt  }
0x56: {  	_ =	shalt  }
0x57: {  	_ =	shalt  }
0x58: {  	_ =	shalt  }
0x59: {  	_ =	shalt  }
0x5a: {  	_ =	shalt  }
0x5b: {  	_ =	shalt  }
0x5c: {  	_ =	shalt  }
0x5d: {  	_ =	shalt  }
0x5e: {  	_ =	shalt  }
0x5f: {  	_ =	shalt  }
0x60: {  	_ =	shalt  }
0x61: {  	_ =	shalt  }
0x62: {  	_ =	shalt  }
0x63: {  	_ =	shalt  }
0x64: {  	_ =	shalt  }
0x65: {  	_ =	shalt  }
0x66: {  	_ =	shalt  }
0x67: {  	_ =	shalt  }
0x68: {  	_ =	shalt  }
0x69: {  	_ =	shalt  }
0x6a: {  	_ =	shalt  }
0x6b: {  	_ =	shalt  }
0x6c: {  	_ =	shalt  }
0x6d: {  	_ =	shalt  }
0x6e: {  	_ =	shalt  }
0x6f: {  	_ =	shalt  }
0x70: {  	_ =	shalt  }
0x71: {  	_ =	shalt  }
0x72: {  	_ =	shalt  }
0x73: {  	_ =	shalt  }
0x74: {  	_ =	shalt  }
0x75: {  	_ =	shalt  }
0x76: {  	_ =	shalt  }
0x77: {  	_ =	shalt  }
0x78: {  	_ =	shalt  }
0x79: {  	_ =	shalt  }
0x7a: {  	_ =	shalt  }
0x7b: {  	_ =	shalt  }
0x7c: {  	_ =	shalt  }
0x7d: {  	_ =	shalt  }
0x7e: {  	_ =	shalt  }
0x7f: {  	_ =	shalt  }
0x80: {  	_ =	shalt  }
0x81: {  	_ =	shalt  }
0x82: {  	_ =	shalt  }
0x83: {  	_ =	shalt  }
0x84: {  	_ =	shalt  }
0x85: {  	_ =	shalt  }
0x86: {  	_ =	shalt  }
0x87: {  	_ =	shalt  }
.Lfunc_end0:
.L_simem_size_0:
called_computation_lowered:
.L_overlay_start_0:
0x88: {  	s2 =	sld [smem:$0x3FD9]  }
0x89: {  	s3 =	sld [smem:$0x3FFE];
	_ =	sdelay $0x1  }
0x8a: {  	s1 =	srdreg.scid  }
0x8b: {  	s0 =	sand.u32 $0x1, s1  }
0x8c: {  	s17 =	sshll.u32 s0, $0xA;
	s2 =	sadd.s32 s3, s2  }
0x8d: {  	s2 =	sadd.s32 s2, s17  }
0x8e: {  	[smem:$0x3FC6] =	sst s2  }
0x8f: {  	_ = 	snop  }
0x90: {  	s2 =	sld [smem:$0x3FC8]  }
0x91: {  	s18 =	sld [smem:$0x3FD0];
	(tm) =	ssettm $0x1  }
0x92: {  	s4 =	sld [smem:$0x3FFB];
	_ =	sdelay $0x3  }
0x93: {  	_ =	strace s4  }
0x94: {  	s4 =	sld [smem:$0x3FFC];
	_ =	sdelay $0x3  }
0x95: {  	_ =	strace s4  }
0x96: {  	s4 =	sld [smem:$0x3FFD];
	_ =	sdelay $0x3  }
0x97: {  	_ =	strace s4  }
0x98: {  	_ =	strace $0x8FFFFFFF  }
0x99: {  	s19 =	sld [smem:$0x3FDB];
	_ =	sdelay $0x1  }
0x9a: {  	s5 =	simm.s32 $_scs_section_size  }
0x9b: {  	s6 =	simm.s32 $_size__tile_overlayer_lowered;
	s7 =	simm.s32 $_tile_overlayer_lowered  }
0x9c: {  	s22 =	simm.s32 $0x1BFF;
	s21 =	sshll.u32 s7, $0x1;
	s4 =	sadd.s32 s5, s19  }
0x9d: {  	s8 =	simm.s32 $0x0;
	s20 =	sshll.u32 s6, $0x1;
	s6 =	sadd.s32 s21, s4  }
0x9e: {  	[timem:s8], [sflag:s22] =	dma.local [hbm:s6], s20  }
0x9f: {  	_ =	swait.ge [sflag:s22], s20  }
0xa0: {  	s5 =	ssub.s32 $0x0, s20;
	[sflag:s22] =	ssyncset.done $0x0  }
0xa1: {  	[sflag:s22] =	ssyncadd.s32 s5;
	_ =	sdelay $0x1  }
0xa2: {  	s23 =	simm.s32 $0x1B8B  }
0xa3: {  	_ =	swait.ge [sflag:s23], $0x1  }
0xa4: {  	[sflag:s23] =	ssyncset.done $0x0  }
0xa5: {  	s25 =	simm.s32 $0x1B8E;
	s24 =	sld [smem:$0x3FFE];
	[sflag:s23] =	ssyncadd.s32 $0xFFFFFFFF  }
0xa6: {  	s26 =	simm.s32 $execute0_lowered;
	[smem:$0x3FD2] =	sst s25  }
0xa7: {  	s6 =	sshll.u32 s26, $0x1;
	_ =	strace $0x80000046;
	[dreg:$0x1] =	wrdreg $0xFFFFFFFF  }
0xa8: {  	s28 =	simm.s32 $_size_execute0_lowered;
	s4 =	sadd.s32 s4, s6;
	[dreg:$0x0] =	wrdreg $0x0  }
0xa9: {  	s6 =	sshll.u32 s28, $0x1;
	[dreg:$0x2] =	wrdreg s4  }
0xaa: {  	[dreg:$0x3] =	wrdreg s6  }
0xab: {  	[dreg:$0x4] =	wrdreg $0xC0  }
0xac: {  	_ =	task [dreg:s8], $0x5FFFF  }
0xad: {  	[dreg:$0x1] =	wrdreg $0xFFFFFFFF  }
0xae: {  	[dreg:$0x0] =	wrdreg $0x60  }
0xaf: {  	[dreg:$0x2] =	wrdreg s24  }
0xb0: {  	[dreg:$0x3] =	wrdreg s2  }
0xb1: {  	[dreg:$0x4] =	wrdreg s18  }
0xb2: {  	[dreg:$0x5] =	wrdreg $0x9  }
0xb3: {  	_ =	task.clear_ibuf [dreg:s8], $0x6FFFF;
	_ =	strace $0x90000046  }
0xb4: {  	s29 =	simm.s32 $0x9;
	_ =	strace $0x80000048  }
0xb5: {  	_ =	swait.ge [sflag:s29], $0x1  }
0xb6: {  	[sflag:s29] =	ssyncadd.s32 $0xFFFFFFFF  }
0xb7: {  	_ =	strace $0x90000048  }
0xb8: {  	_ =	sfence  }
0xb9: {  	s30 =	sld [smem:$0x0];
	_ =	sdelay $0x2  }
0xba: {  	s31 =	sshll.u32 s1, $0xD;
	s1 =	sshrl.u32 s1, $0x2  }
0xbb: {  	s3 =	sand.u32 $0x4000, s31;
	s1 =	sadd.s32 s1, s30  }
0xbc: {  	s0 =	sor.u32 s3, s0;
	s1 =	sshll.u32 s1, $0x11  }
0xbd: {  	s0 =	sor.u32 s1, s0  }
0xbe: {  	s0 =	sadd.s32 $0x8F2B, s0  }
0xbf: {  	[sflag:s0] =	ssyncadd.remote.s32 $0x1  }
0xc0: {  	_ =	sfence.sel $0xFFFF  }
0xc1: {  	[dreg:$0x0] =	wrdreg $0xFFFFFFFF;
	(pc) =	sbr.abs _section_cstart, $3  }
0xc2: {  	[dreg:$0x1] =	wrdreg $0xFFFFFFFF  }
0xc3: {  	_ =	task.clear_ibuf [dreg:s8], $0x2FFFF;
	_ =	strace $0x9FFFFFFF  }
0xc4: {  	(tm) =	ssettm $0x7FFFFFFF  }
0xc5: {  	_ =	shalt  }
tec
execute0_lowered:
.L_overlay_start_1:
0x0: {  	(tag) =	ssettag $0x1  }
0x1: {  	s0 =	rddreg [dreg:$0x0]  }
0x2: {  	s2 =	rddreg [dreg:$0x1]  }
0x3: {  	s1 =	srdreg.scid;
	s3 =	stileid.u32  }
0x4: {  	s11 =	rddreg [dreg:$0x2];
	s1 =	sand.u32 $0x1, s1;
	s3 =	sshll.u32 s3, $0x1  }
0x5: {  	s4 =	simm.s32 $0x0;
	s30 =	simm.s32 $0x1F400;
	s12 =	sor.u32 s1, s3  }
0x6: {  	s31 =	simm.s32 $0x1F500;
	[smem:$0x7FF] =	sst s4;
	s3 =	smul.u32 $0xC8, s12  }
0x7: {  	s6 =	sadd.s32 $0x400, s0;
	s0 =	sadd.s32 $0x6800, s0;
	s7 =	smul.u32 $0x19, s12  }
0x8: {  	_ =	strace $0x80000047;
	s1 =	ssub.s32 $0x2, s1;
	s10 =	smul.u32 $0xC80, s12  }
0x9: {  	[dreg:$0x5] =	wrdreg s0;
	s5 =	sshrl.u32 s1, $0x1;
	s17 =	smul.u32 $0x6400, s12  }
0xa: {  	s22 =	sor.u32 $0x80, s12;
	[dreg:$0x4] =	wrdreg s12;
	s0 =	ssub.s32 s1, s5  }
0xb: {  	[dreg:$0x12] =	wrdreg s22;
	s22 =	simm.s32 $0x4;
	s8 =	sadd.s32 $0x1900, s3  }
0xc: {  	s25 =	sadd.s32 s6, s7;
	s26 =	sadd.s32 $0x3200, s3;
	s29 =	sadd.s32 $0x4B00, s3  }
0xd: {  	s3 =	sshrl.u32 s3, $0x3;
	s15 =	sadd.s32 s11, s10;
	s20 =	sshrl.u32 s17, $0x3  }
0xe: {  	s0 =	smax.u32 s0, $0x1;
	s7 =	simm.s32 $0x68;
	s17 =	simm.s32 $0x19000  }
0xf: {  	s10 =	simm.s32 $0x7;
	s24 =	sshrl.u32 s8, $0x3;
	[dreg:$0x6] =	wrdreg s25  }
0x10: {  	s28 =	sshrl.u32 s26, $0x3;
	s9 =	sshrl.u32 s29, $0x3;
	[dreg:$0xb] =	wrdreg s15  }
0x11: {  	s21 =	sshll.u32 s29, $0x4;
	[dreg:$0x17] =	wrdreg s0;
	s29 =	sor.u32 $0xE0, s12  }
0x12: {  	s3 =	sadd.s32 s6, s3;
	s1 =	sadd.s32 s6, s24;
	[dreg:$0x1a] =	wrdreg s29  }
0x13: {  	s16 =	sshll.u32 s8, $0x4;
	s5 =	sadd.s32 s6, s28;
	[dreg:$0x7] =	wrdreg s1  }
0x14: {  	s0 =	simm.s32 $0xA;
	s13 =	sadd.s32 s6, s9;
	[dreg:$0x8] =	wrdreg s5  }
0x15: {  	s8 =	simm.s32 $0x6400;
	s14 =	sadd.s32 $0xC80, s3;
	[dreg:$0x9] =	wrdreg s13  }
0x16: {  	s15 =	simm.s32 $0x1F600;
	s18 =	sadd.s32 $0xFA0, s3;
	[dreg:$0xa] =	wrdreg s14  }
0x17: {  	s19 =	sadd.s32 $0x12C0, s3;
	s3 =	sadd.s32 $0x15E0, s3;
	[dreg:$0xc] =	wrdreg s18  }
0x18: {  	s28 =	sor.u32 $0xC0, s12;
	s9 =	simm.s32 $0x60;
	[dreg:$0xe] =	wrdreg s19  }
0x19: {  	s5 =	sadd.s32 s11, s16;
	s1 =	sshll.u32 s26, $0x4;
	[dreg:$0x10] =	wrdreg s3  }
0x1a: {  	s3 =	sadd.s32 s11, s21;
	s26 =	sor.u32 $0xA0, s12;
	[dreg:$0x19] =	wrdreg s28  }
0x1b: {  	s12 =	simm.s32 $0xC800;
	s16 =	simm.s32 $0x1F700;
	[dreg:$0xd] =	wrdreg s5  }
0x1c: {  	s18 =	simm.s32 $0x1;
	s1 =	sadd.s32 s11, s1;
	[dreg:$0x11] =	wrdreg s3  }
0x1d: {  	s19 =	simm.s32 $0xB;
	[dreg:$0xf] =	wrdreg s1;
	s1 =	sadd.s32 s11, s20  }
0x1e: {  	s21 =	simm.s32 $0x12C00;
	[dreg:$0x18] =	wrdreg s26;
	s23 =	sadd.s32 $0x2BC000, s1  }
0x1f: {  	s13 =	simm.s32 $0x3;
	s24 =	sadd.s32 $0x2D5000, s1;
	[dreg:$0x13] =	wrdreg s23  }
0x20: {  	s14 =	simm.s32 $0x5;
	s25 =	sadd.s32 $0x2EE000, s1;
	[dreg:$0x14] =	wrdreg s24  }
0x21: {  	s5 =	simm.s32 $0x0;
	s1 =	sadd.s32 $0x307000, s1;
	[dreg:$0x15] =	wrdreg s25  }
0x22: {  	s11 =	simm.s32 $0x8;
	[dreg:$0x16] =	wrdreg s1;
	s1 =	simm.s32 $0x9  }
0x23: {  	s24 =	simm.s32 $0x2;
	s25 =	simm.s32 $0xC;
	s23 =	simm.s32 $0x6  }
.LBB2_1:
0x24: {  	[dreg:$0x1b] =	wrdreg s5  }
0x25: {  	s3 =	rddreg [dreg:$0x6]  }
0x26: {  	[tilespmem:s30], [sflag:$0x9] =	stream.linear.gather [hbm4b:s3+s4], $0xC8, $0x38;
	[tilespmem:$0x1F800] =	vst v63  }
0x27: {  	s26 =	rddreg [dreg:$0x7]  }
0x28: {  	[tilespmem:s31], [sflag:$0xA] =	stream.linear.gather [hbm4b:s26+s4], $0xC8, $0x38;
	[tilespmem:$0x1F800] =	vst v63  }
0x29: {  	_ =	swait.ge [sflag:s1], $0xC8  }
0x2a: {  	[sflag:s1] =	ssyncset.done $0x0  }
0x2b: {  	[sflag:s1] =	ssyncadd.s32 $0xFFFFFF38  }
0x2c: {  	_ =	swait.ge [sflag:s0], $0xC8  }
0x2d: {  	[sflag:s0] =	ssyncset.done $0x0  }
0x2e: {  	[sflag:s0] =	ssyncadd.s32 $0xFFFFFF38  }
0x2f: {  	[tilespmem:s8], [sflag:$0x1] =	stream.indirect.gather [hbm4b:s2+s7], $0x80, s30, s7, $0xb8;
	[tilespmem:$0x1F800] =	vst v63  }
0x30: {  	s28 =	simm.s32 $0x1F468;
	s29 =	simm.s32 $0x9800  }
0x31: {  	[tilespmem:s29], [sflag:$0x1] =	stream.indirect.gather [hbm4b:s2+s9], $0x80, s28, s9, $0xb8;
	[tilespmem:$0x1F800] =	vst v63  }
0x32: {  	_ = 	snop  }
0x33: {  	[tilespmem:s12], [sflag:$0x2] =	stream.indirect.gather [hbm4b:s2+s7], $0x80, s31, s7, $0xb8;
	[tilespmem:$0x1F800] =	vst v63  }
0x34: {  	s20 =	simm.s32 $0x1F568;
	s26 =	simm.s32 $0xFC00  }
0x35: {  	[tilespmem:s26], [sflag:$0x2] =	stream.indirect.gather [hbm4b:s2+s9], $0x80, s20, s9, $0xb8;
	[tilespmem:$0x1F800] =	vst v63  }
0x36: {  	s28 =	rddreg [dreg:$0x8]  }
0x37: {  	[tilespmem:s15], [sflag:$0xB] =	stream.linear.gather [hbm4b:s28+s4], $0xC8, $0x38;
	[tilespmem:$0x1F800] =	vst v63  }
0x38: {  	s29 =	rddreg [dreg:$0x9]  }
0x39: {  	[tilespmem:s16], [sflag:$0xC] =	stream.linear.gather [hbm4b:s29+s4], $0xC8, $0x38;
	[tilespmem:$0x1F800] =	vst v63  }
0x3a: {  	s5 =	rddreg [dreg:$0x5];
	s20 =	simm.s32 $0xD  }
0x3b: {  	[tilespmem:s4], [sflag:$0xD] =	stream.linear.gather [hbm4b:s5+s4], $0x6400, $0x38;
	[tilespmem:$0x1F800] =	vst v63  }
0x3c: {  	_ =	swait.ge [sflag:s20], $0x6400  }
0x3d: {  	[sflag:s20] =	ssyncset.done $0x0  }
0x3e: {  	[sflag:s20] =	ssyncadd.s32 $0xFFFF9C00  }
0x3f: {  	_ =	swait.ge [sflag:s18], $0x3400  }
0x40: {  	[sflag:s18] =	ssyncset.done $0x0  }
0x41: {  	[sflag:s18] =	ssyncadd.s32 $0xFFFFCC00  }
0x42: {  	_ =	swait.ge [sflag:s18], $0x3000  }
0x43: {  	[sflag:s18] =	ssyncset.done $0x0  }
0x44: {  	s26 =	rddreg [dreg:$0xa];
	[sflag:s18] =	ssyncadd.s32 $0xFFFFD000  }
0x45: {  	[tilespmem:s30], [sflag:$0x9] =	stream.linear.gather [hbm4b:s26+s4], $0xC8, $0x38;
	[tilespmem:$0x1F800] =	vst v63  }
0x46: {  	_ =	swait.ge [sflag:s19], $0xC8  }
0x47: {  	[sflag:s19] =	ssyncset.done $0x0  }
0x48: {  	[sflag:s19] =	ssyncadd.s32 $0xFFFFFF38  }
0x49: {  	[tilespmem:s21], [sflag:$0x3] =	stream.indirect.gather [hbm4b:s2+s7], $0x80, s15, s7, $0xb8;
	[tilespmem:$0x1F800] =	vst v63  }
0x4a: {  	s3 =	simm.s32 $0xF0;
	s28 =	simm.s32 $0x1F668;
	s29 =	simm.s32 $0x16000  }
0x4b: {  	[tilespmem:s29], [sflag:$0x3] =	stream.indirect.gather [hbm4b:s2+s9], $0x80, s28, s9, $0xb8;
	[tilespmem:$0x1F800] =	vst v63  }
0x4c: {  	v6 =	vld [tilespmem:s3+$0xFFFFFF10]  }
0x4d: {  	v7 =	vld [tilespmem:s3+$0xFFFFFF20]  }
0x4e: {  	v8 =	vld [tilespmem:s3+$0xFFFFFF30]  }
0x4f: {  	v9 =	vld [tilespmem:s3+$0xFFFFFF40]  }
0x50: {  	v10 =	vld [tilespmem:s3+$0xFFFFFF50]  }
0x51: {  	v11 =	vld [tilespmem:s3+$0xFFFFFF60]  }
0x52: {  	v12 =	vld [tilespmem:s3+$0xFFFFFF70]  }
0x53: {  	v14 =	vld [tilespmem:s3+$0xFFFFFF80]  }
0x54: {  	v5 =	vld [tilespmem:s3+$0xFFFFFF90]  }
0x55: {  	v4 =	vld [tilespmem:s3+$0xFFFFFFA0]  }
0x56: {  	v3 =	vld [tilespmem:s3+$0xFFFFFFB0]  }
0x57: {  	v2 =	vld [tilespmem:s3+$0xFFFFFFC0]  }
0x58: {  	v1 =	vld [tilespmem:s3+$0xFFFFFFD0]  }
0x59: {  	v15 =	vld [tilespmem:s3+$0x6320]  }
0x5a: {  	v13 =	vld [tilespmem:s3+$0x6310]  }
0x5b: {  	v16 =	vld [tilespmem:s3+$0x6330]  }
0x5c: {  	v0 =	vld [tilespmem:s3+$0xFFFFFFE0]  }
0x5d: {  	v18 =	vld [tilespmem:s3+$0x6350]  }
0x5e: {  	v17 =	vld [tilespmem:s3+$0x6340];
	v15 =	vmul.f32 $1.131370830e+01, v15  }
0x5f: {  	v19 =	vld [tilespmem:s3+$0x6360];
	v13 =	vmul.f32 $1.131370830e+01, v13  }
0x60: {  	v20 =	vld [tilespmem:s3+$0x6370];
	v7 =	vadd.f32 v7, v15;
	v15 =	vmul.f32 $1.131370830e+01, v16  }
0x61: {  	v6 =	vadd.f32 v6, v13;
	v13 =	vld [tilespmem:s3+$0x6380]  }
0x62: {  	v21 =	vld [tilespmem:s3+$0x6390];
	v8 =	vadd.f32 v8, v15;
	v15 =	vmul.f32 $1.131370830e+01, v18  }
0x63: {  	v62 =	vld [tilespmem:s3+$0x63A0];
	v17 =	vmul.f32 $1.131370830e+01, v17;
	[tilespmem:s3+$0x6310] =	vst v6  }
0x64: {  	v63 =	vmul.f32 $1.131370830e+01, v19;
	[tilespmem:s3+$0x6320] =	vst v7;
	v6 =	vld [tilespmem:s3+$0x63B0];
	v10 =	vadd.f32 v10, v15  }
0x65: {  	v9 =	vadd.f32 v9, v17;
	v7 =	vld [tilespmem:s3+$0x63C0];
	[tilespmem:s3+$0x6330] =	vst v8;
	v15 =	vmul.f32 $1.131370830e+01, v20  }
0x66: {  	v11 =	vadd.f32 v11, v63;
	v8 =	vld [tilespmem:s3+$0x63D0];
	[tilespmem:s3+$0x6350] =	vst v10;
	v10 =	vmul.f32 $1.131370830e+01, v13  }
0x67: {  	[tilespmem:s3+$0x6340] =	vst v9;
	v9 =	vld [tilespmem:s3+$0x63E0];
	v12 =	vadd.f32 v12, v15;
	v13 =	vmul.f32 $1.131370830e+01, v21  }
0x68: {  	s5 =	simm.s32 $0x7C0;
	[tilespmem:s3+$0x6360] =	vst v11;
	v11 =	vmul.f32 $1.131370830e+01, v62;
	v14 =	vadd.f32 v14, v10;
	v10 =	vld [tilespmem:s3+$0x63F0]  }
.LBB2_2:
0x69: {  	p0 =	sne.s32 s5, $0x18FC0;
	[tilespmem:s3+$0x6370] =	vst v12;
	v5 =	vadd.f32 v5, v13;
	v6 =	vmul.f32 $1.131370830e+01, v6;
	v12 =	vld [tilespmem:s3+$0x6400]  }
0x6a: {  	[tilespmem:s3+$0x6380] =	vst v14;
	v4 =	vadd.f32 v4, v11;
	v7 =	vmul.f32 $1.131370830e+01, v7;
	v11 =	vld [tilespmem:s3+$0xFFFFFFF0]  }
0x6b: {  	s20 =	sshra.s32 s5, $0x2;
	[tilespmem:s3+$0x6390] =	vst v5;
	v3 =	vadd.f32 v3, v6;
	v5 =	vmul.f32 $1.131370830e+01, v8;
	v6 =	vld [tilespmem:s3+$0x0]  }
0x6c: {  	v8 =	vld [tilespmem:s20+$0xFFFFFF10];
	[tilespmem:s3+$0x63A0] =	vst v4;
	v2 =	vadd.f32 v2, v7;
	v4 =	vmul.f32 $1.131370830e+01, v9  }
0x6d: {  	v7 =	vld [tilespmem:s20+$0xFFFFFF20];
	[tilespmem:s3+$0x63B0] =	vst v3;
	v1 =	vadd.f32 v1, v5;
	v3 =	vmul.f32 $1.131370830e+01, v10  }
0x6e: {  	v9 =	vld [tilespmem:s20+$0xFFFFFF30];
	[tilespmem:s3+$0x63C0] =	vst v2;
	v0 =	vadd.f32 v0, v4;
	v2 =	vmul.f32 $1.131370830e+01, v12  }
0x6f: {  	v10 =	vld [tilespmem:s20+$0xFFFFFF40];
	[tilespmem:s3+$0x63D0] =	vst v1;
	v1 =	vadd.f32 v11, v3  }
0x70: {  	v11 =	vld [tilespmem:s20+$0xFFFFFF50];
	[tilespmem:s3+$0x63E0] =	vst v0;
	v0 =	vadd.f32 v6, v2  }
0x71: {  	v12 =	vld [tilespmem:s20+$0xFFFFFF60];
	[tilespmem:s3+$0x63F0] =	vst v1  }
0x72: {  	v13 =	vld [tilespmem:s20+$0xFFFFFF70];
	[tilespmem:s3+$0x6400] =	vst v0;
	s3 =	smov.u32 s20  }
0x73: {  	v14 =	vld [tilespmem:s3+$0xFFFFFF80]  }
0x74: {  	v5 =	vld [tilespmem:s3+$0xFFFFFF90]  }
0x75: {  	v4 =	vld [tilespmem:s3+$0xFFFFFFA0]  }
0x76: {  	v3 =	vld [tilespmem:s3+$0xFFFFFFB0]  }
0x77: {  	v2 =	vld [tilespmem:s3+$0xFFFFFFC0]  }
0x78: {  	v1 =	vld [tilespmem:s3+$0xFFFFFFD0]  }
0x79: {  	v0 =	vld [tilespmem:s3+$0xFFFFFFE0]  }
0x7a: {  	v6 =	vld [tilespmem:s3+$0x6310]  }
0x7b: {  	v15 =	vld [tilespmem:s3+$0x6320]  }
0x7c: {  	v16 =	vld [tilespmem:s3+$0x6330]  }
0x7d: {  	v17 =	vld [tilespmem:s3+$0x6340]  }
0x7e: {  	v18 =	vld [tilespmem:s3+$0x6350]  }
0x7f: {  	v6 =	vmul.f32 $1.131370830e+01, v6;
	v19 =	vld [tilespmem:s3+$0x6360]  }
0x80: {  	v15 =	vmul.f32 $1.131370830e+01, v15;
	v20 =	vld [tilespmem:s3+$0x6370]  }
0x81: {  	v6 =	vadd.f32 v8, v6;
	v8 =	vmul.f32 $1.131370830e+01, v16;
	v16 =	vld [tilespmem:s3+$0x6380]  }
0x82: {  	v7 =	vadd.f32 v7, v15;
	v15 =	vmul.f32 $1.131370830e+01, v17;
	v17 =	vld [tilespmem:s3+$0x6390]  }
0x83: {  	[tilespmem:s3+$0x6310] =	vst v6;
	v8 =	vadd.f32 v9, v8;
	v9 =	vmul.f32 $1.131370830e+01, v18;
	v18 =	vld [tilespmem:s3+$0x63A0]  }
.Ltmp0:
0x84: {  	[tilespmem:s3+$0x6320] =	vst v7;
	v10 =	vadd.f32 v10, v15;
	v15 =	vmul.f32 $1.131370830e+01, v19;
	v6 =	vld [tilespmem:s3+$0x63B0];
	(pc) =	sbr.rel @p0 .LBB2_2-.Ltmp0, $4  }
0x85: {  	[tilespmem:s3+$0x6330] =	vst v8;
	v9 =	vadd.f32 v11, v9;
	v11 =	vmul.f32 $1.131370830e+01, v20;
	v7 =	vld [tilespmem:s3+$0x63C0]  }
0x86: {  	[tilespmem:s3+$0x6340] =	vst v10;
	v10 =	vadd.f32 v12, v15;
	v15 =	vmul.f32 $1.131370830e+01, v16;
	v8 =	vld [tilespmem:s3+$0x63D0]  }
0x87: {  	[tilespmem:s3+$0x6350] =	vst v9;
	v12 =	vadd.f32 v13, v11;
	v13 =	vmul.f32 $1.131370830e+01, v17;
	v9 =	vld [tilespmem:s3+$0x63E0]  }
0x88: {  	s5 =	sadd.s32 $0x400, s5;
	[tilespmem:s3+$0x6360] =	vst v10;
	v14 =	vadd.f32 v14, v15;
	v11 =	vmul.f32 $1.131370830e+01, v18;
	v10 =	vld [tilespmem:s3+$0x63F0]  }
0x89: {  	[tilespmem:s3+$0x6370] =	vst v12;
	v12 =	vld [tilespmem:s3+$0x6400];
	v5 =	vadd.f32 v5, v13;
	v6 =	vmul.f32 $1.131370830e+01, v6  }
0x8a: {  	v13 =	vld [tilespmem:s3+$0xFFFFFFF0];
	[tilespmem:s3+$0x6380] =	vst v14;
	v4 =	vadd.f32 v4, v11;
	v7 =	vmul.f32 $1.131370830e+01, v7  }
0x8b: {  	[tilespmem:s3+$0x6390] =	vst v5;
	v3 =	vadd.f32 v3, v6;
	v5 =	vmul.f32 $1.131370830e+01, v8;
	v6 =	vld [tilespmem:s3+$0x0]  }
0x8c: {  	[tilespmem:s3+$0x63A0] =	vst v4;
	v2 =	vadd.f32 v2, v7;
	v4 =	vmul.f32 $1.131370830e+01, v9  }
0x8d: {  	[tilespmem:s3+$0x63B0] =	vst v3;
	v1 =	vadd.f32 v1, v5;
	v3 =	vmul.f32 $1.131370830e+01, v10  }
0x8e: {  	[tilespmem:s3+$0x63C0] =	vst v2;
	v0 =	vadd.f32 v0, v4;
	v2 =	vmul.f32 $1.131370830e+01, v12  }
0x8f: {  	[tilespmem:s3+$0x63D0] =	vst v1;
	v1 =	vadd.f32 v13, v3  }
0x90: {  	[tilespmem:s3+$0x63E0] =	vst v0;
	v0 =	vadd.f32 v6, v2  }
0x91: {  	[tilespmem:s3+$0x63F0] =	vst v1  }
0x92: {  	s26 =	rddreg [dreg:$0xb];
	[tilespmem:s3+$0x6400] =	vst v0  }
0x93: {  	[hbm4b:s26+s4] =	stream.linear.scatter [tilespmem:s8], [sflag:$0x5], $0x6400, $0x38;
	[tilespmem:$0x1F800] =	vst v63  }
0x94: {  	_ =	swait.ge [sflag:s24], $0x3400  }
0x95: {  	[sflag:s24] =	ssyncset.done $0x0  }
0x96: {  	[sflag:s24] =	ssyncadd.s32 $0xFFFFCC00  }
0x97: {  	_ =	swait.ge [sflag:s24], $0x3000  }
0x98: {  	[sflag:s24] =	ssyncset.done $0x0  }
0x99: {  	s28 =	rddreg [dreg:$0xc];
	[sflag:s24] =	ssyncadd.s32 $0xFFFFD000  }
0x9a: {  	[tilespmem:s31], [sflag:$0xA] =	stream.linear.gather [hbm4b:s28+s4], $0xC8, $0x38;
	[tilespmem:$0x1F800] =	vst v63  }
0x9b: {  	_ =	swait.ge [sflag:s25], $0xC8  }
0x9c: {  	[sflag:s25] =	ssyncset.done $0x0  }
0x9d: {  	[sflag:s25] =	ssyncadd.s32 $0xFFFFFF38  }
0x9e: {  	[tilespmem:s17], [sflag:$0x4] =	stream.indirect.gather [hbm4b:s2+s7], $0x80, s16, s7, $0xb8;
	[tilespmem:$0x1F800] =	vst v63  }
0x9f: {  	s29 =	simm.s32 $0x1F768;
	s5 =	simm.s32 $0x1C400;
	s3 =	simm.s32 $0xF0  }
0xa0: {  	[tilespmem:s5], [sflag:$0x4] =	stream.indirect.gather [hbm4b:s2+s9], $0x80, s29, s9, $0xb8;
	[tilespmem:$0x1F800] =	vst v63  }
0xa1: {  	v6 =	vld [tilespmem:s3+$0xFFFFFF10]  }
0xa2: {  	v7 =	vld [tilespmem:s3+$0xFFFFFF20]  }
0xa3: {  	v8 =	vld [tilespmem:s3+$0xFFFFFF30]  }
0xa4: {  	v9 =	vld [tilespmem:s3+$0xFFFFFF40]  }
0xa5: {  	v10 =	vld [tilespmem:s3+$0xFFFFFF50]  }
0xa6: {  	v11 =	vld [tilespmem:s3+$0xFFFFFF60]  }
0xa7: {  	v12 =	vld [tilespmem:s3+$0xFFFFFF70]  }
0xa8: {  	v14 =	vld [tilespmem:s3+$0xFFFFFF80]  }
0xa9: {  	v5 =	vld [tilespmem:s3+$0xFFFFFF90]  }
0xaa: {  	v4 =	vld [tilespmem:s3+$0xFFFFFFA0]  }
0xab: {  	v3 =	vld [tilespmem:s3+$0xFFFFFFB0]  }
0xac: {  	v2 =	vld [tilespmem:s3+$0xFFFFFFC0]  }
0xad: {  	v1 =	vld [tilespmem:s3+$0xFFFFFFD0]  }
0xae: {  	v15 =	vld [tilespmem:s3+$0xC720]  }
0xaf: {  	v13 =	vld [tilespmem:s3+$0xC710]  }
0xb0: {  	v16 =	vld [tilespmem:s3+$0xC730]  }
0xb1: {  	v0 =	vld [tilespmem:s3+$0xFFFFFFE0]  }
0xb2: {  	v18 =	vld [tilespmem:s3+$0xC750]  }
0xb3: {  	v17 =	vld [tilespmem:s3+$0xC740];
	v15 =	vmul.f32 $1.131370830e+01, v15  }
0xb4: {  	v19 =	vld [tilespmem:s3+$0xC760];
	v13 =	vmul.f32 $1.131370830e+01, v13  }
0xb5: {  	v20 =	vld [tilespmem:s3+$0xC770];
	v7 =	vadd.f32 v7, v15;
	v15 =	vmul.f32 $1.131370830e+01, v16  }
0xb6: {  	v6 =	vadd.f32 v6, v13;
	v13 =	vld [tilespmem:s3+$0xC780]  }
0xb7: {  	v21 =	vld [tilespmem:s3+$0xC790];
	v8 =	vadd.f32 v8, v15;
	v15 =	vmul.f32 $1.131370830e+01, v18  }
0xb8: {  	v62 =	vld [tilespmem:s3+$0xC7A0];
	v17 =	vmul.f32 $1.131370830e+01, v17;
	[tilespmem:s3+$0xC710] =	vst v6  }
0xb9: {  	v63 =	vmul.f32 $1.131370830e+01, v19;
	[tilespmem:s3+$0xC720] =	vst v7;
	v6 =	vld [tilespmem:s3+$0xC7B0];
	v10 =	vadd.f32 v10, v15  }
0xba: {  	v9 =	vadd.f32 v9, v17;
	v7 =	vld [tilespmem:s3+$0xC7C0];
	[tilespmem:s3+$0xC730] =	vst v8;
	v15 =	vmul.f32 $1.131370830e+01, v20  }
0xbb: {  	v11 =	vadd.f32 v11, v63;
	v8 =	vld [tilespmem:s3+$0xC7D0];
	[tilespmem:s3+$0xC750] =	vst v10;
	v10 =	vmul.f32 $1.131370830e+01, v13  }
0xbc: {  	[tilespmem:s3+$0xC740] =	vst v9;
	v9 =	vld [tilespmem:s3+$0xC7E0];
	v12 =	vadd.f32 v12, v15;
	v13 =	vmul.f32 $1.131370830e+01, v21  }
0xbd: {  	s5 =	simm.s32 $0x7C0;
	[tilespmem:s3+$0xC760] =	vst v11;
	v11 =	vmul.f32 $1.131370830e+01, v62;
	v14 =	vadd.f32 v14, v10;
	v10 =	vld [tilespmem:s3+$0xC7F0]  }
.LBB2_4:
0xbe: {  	p0 =	sne.s32 s5, $0x18FC0;
	[tilespmem:s3+$0xC770] =	vst v12;
	v5 =	vadd.f32 v5, v13;
	v6 =	vmul.f32 $1.131370830e+01, v6;
	v12 =	vld [tilespmem:s3+$0xC800]  }
0xbf: {  	[tilespmem:s3+$0xC780] =	vst v14;
	v4 =	vadd.f32 v4, v11;
	v7 =	vmul.f32 $1.131370830e+01, v7;
	v11 =	vld [tilespmem:s3+$0xFFFFFFF0]  }
0xc0: {  	s20 =	sshra.s32 s5, $0x2;
	[tilespmem:s3+$0xC790] =	vst v5;
	v3 =	vadd.f32 v3, v6;
	v5 =	vmul.f32 $1.131370830e+01, v8;
	v6 =	vld [tilespmem:s3+$0x0]  }
0xc1: {  	v8 =	vld [tilespmem:s20+$0xFFFFFF10];
	[tilespmem:s3+$0xC7A0] =	vst v4;
	v2 =	vadd.f32 v2, v7;
	v4 =	vmul.f32 $1.131370830e+01, v9  }
0xc2: {  	v7 =	vld [tilespmem:s20+$0xFFFFFF20];
	[tilespmem:s3+$0xC7B0] =	vst v3;
	v1 =	vadd.f32 v1, v5;
	v3 =	vmul.f32 $1.131370830e+01, v10  }
0xc3: {  	v9 =	vld [tilespmem:s20+$0xFFFFFF30];
	[tilespmem:s3+$0xC7C0] =	vst v2;
	v0 =	vadd.f32 v0, v4;
	v2 =	vmul.f32 $1.131370830e+01, v12  }
0xc4: {  	v10 =	vld [tilespmem:s20+$0xFFFFFF40];
	[tilespmem:s3+$0xC7D0] =	vst v1;
	v1 =	vadd.f32 v11, v3  }
0xc5: {  	v11 =	vld [tilespmem:s20+$0xFFFFFF50];
	[tilespmem:s3+$0xC7E0] =	vst v0;
	v0 =	vadd.f32 v6, v2  }
0xc6: {  	v12 =	vld [tilespmem:s20+$0xFFFFFF60];
	[tilespmem:s3+$0xC7F0] =	vst v1  }
0xc7: {  	v13 =	vld [tilespmem:s20+$0xFFFFFF70];
	[tilespmem:s3+$0xC800] =	vst v0;
	s3 =	smov.u32 s20  }
0xc8: {  	v14 =	vld [tilespmem:s3+$0xFFFFFF80]  }
0xc9: {  	v5 =	vld [tilespmem:s3+$0xFFFFFF90]  }
0xca: {  	v4 =	vld [tilespmem:s3+$0xFFFFFFA0]  }
0xcb: {  	v3 =	vld [tilespmem:s3+$0xFFFFFFB0]  }
0xcc: {  	v2 =	vld [tilespmem:s3+$0xFFFFFFC0]  }
0xcd: {  	v1 =	vld [tilespmem:s3+$0xFFFFFFD0]  }
0xce: {  	v0 =	vld [tilespmem:s3+$0xFFFFFFE0]  }
0xcf: {  	v6 =	vld [tilespmem:s3+$0xC710]  }
0xd0: {  	v15 =	vld [tilespmem:s3+$0xC720]  }
0xd1: {  	v16 =	vld [tilespmem:s3+$0xC730]  }
0xd2: {  	v17 =	vld [tilespmem:s3+$0xC740]  }
0xd3: {  	v18 =	vld [tilespmem:s3+$0xC750]  }
0xd4: {  	v6 =	vmul.f32 $1.131370830e+01, v6;
	v19 =	vld [tilespmem:s3+$0xC760]  }
0xd5: {  	v15 =	vmul.f32 $1.131370830e+01, v15;
	v20 =	vld [tilespmem:s3+$0xC770]  }
0xd6: {  	v6 =	vadd.f32 v8, v6;
	v8 =	vmul.f32 $1.131370830e+01, v16;
	v16 =	vld [tilespmem:s3+$0xC780]  }
0xd7: {  	v7 =	vadd.f32 v7, v15;
	v15 =	vmul.f32 $1.131370830e+01, v17;
	v17 =	vld [tilespmem:s3+$0xC790]  }
0xd8: {  	[tilespmem:s3+$0xC710] =	vst v6;
	v8 =	vadd.f32 v9, v8;
	v9 =	vmul.f32 $1.131370830e+01, v18;
	v18 =	vld [tilespmem:s3+$0xC7A0]  }
.Ltmp1:
0xd9: {  	[tilespmem:s3+$0xC720] =	vst v7;
	v10 =	vadd.f32 v10, v15;
	v15 =	vmul.f32 $1.131370830e+01, v19;
	v6 =	vld [tilespmem:s3+$0xC7B0];
	(pc) =	sbr.rel @p0 .LBB2_4-.Ltmp1, $4  }
0xda: {  	[tilespmem:s3+$0xC730] =	vst v8;
	v9 =	vadd.f32 v11, v9;
	v11 =	vmul.f32 $1.131370830e+01, v20;
	v7 =	vld [tilespmem:s3+$0xC7C0]  }
0xdb: {  	[tilespmem:s3+$0xC740] =	vst v10;
	v10 =	vadd.f32 v12, v15;
	v15 =	vmul.f32 $1.131370830e+01, v16;
	v8 =	vld [tilespmem:s3+$0xC7D0]  }
0xdc: {  	[tilespmem:s3+$0xC750] =	vst v9;
	v12 =	vadd.f32 v13, v11;
	v13 =	vmul.f32 $1.131370830e+01, v17;
	v9 =	vld [tilespmem:s3+$0xC7E0]  }
0xdd: {  	s5 =	sadd.s32 $0x400, s5;
	[tilespmem:s3+$0xC760] =	vst v10;
	v14 =	vadd.f32 v14, v15;
	v11 =	vmul.f32 $1.131370830e+01, v18;
	v10 =	vld [tilespmem:s3+$0xC7F0]  }
0xde: {  	[tilespmem:s3+$0xC770] =	vst v12;
	v12 =	vld [tilespmem:s3+$0xC800];
	v5 =	vadd.f32 v5, v13;
	v6 =	vmul.f32 $1.131370830e+01, v6  }
0xdf: {  	v13 =	vld [tilespmem:s3+$0xFFFFFFF0];
	[tilespmem:s3+$0xC780] =	vst v14;
	v4 =	vadd.f32 v4, v11;
	v7 =	vmul.f32 $1.131370830e+01, v7  }
0xe0: {  	[tilespmem:s3+$0xC790] =	vst v5;
	v3 =	vadd.f32 v3, v6;
	v5 =	vmul.f32 $1.131370830e+01, v8;
	v6 =	vld [tilespmem:s3+$0x0]  }
0xe1: {  	[tilespmem:s3+$0xC7A0] =	vst v4;
	v2 =	vadd.f32 v2, v7;
	v4 =	vmul.f32 $1.131370830e+01, v9  }
0xe2: {  	[tilespmem:s3+$0xC7B0] =	vst v3;
	v1 =	vadd.f32 v1, v5;
	v3 =	vmul.f32 $1.131370830e+01, v10  }
0xe3: {  	[tilespmem:s3+$0xC7C0] =	vst v2;
	v0 =	vadd.f32 v0, v4;
	v2 =	vmul.f32 $1.131370830e+01, v12  }
0xe4: {  	[tilespmem:s3+$0xC7D0] =	vst v1;
	v1 =	vadd.f32 v13, v3  }
0xe5: {  	[tilespmem:s3+$0xC7E0] =	vst v0;
	v0 =	vadd.f32 v6, v2  }
0xe6: {  	[tilespmem:s3+$0xC7F0] =	vst v1  }
0xe7: {  	s26 =	rddreg [dreg:$0xd];
	[tilespmem:s3+$0xC800] =	vst v0  }
0xe8: {  	[hbm4b:s26+s4] =	stream.linear.scatter [tilespmem:s12], [sflag:$0x6], $0x6400, $0x38;
	[tilespmem:$0x1F800] =	vst v63  }
0xe9: {  	_ =	swait.ge [sflag:s13], $0x3400  }
0xea: {  	[sflag:s13] =	ssyncset.done $0x0  }
0xeb: {  	[sflag:s13] =	ssyncadd.s32 $0xFFFFCC00  }
0xec: {  	_ =	swait.ge [sflag:s13], $0x3000  }
0xed: {  	[sflag:s13] =	ssyncset.done $0x0  }
0xee: {  	s28 =	rddreg [dreg:$0xe];
	[sflag:s13] =	ssyncadd.s32 $0xFFFFD000  }
0xef: {  	[tilespmem:s15], [sflag:$0xB] =	stream.linear.gather [hbm4b:s28+s4], $0xC8, $0x38;
	[tilespmem:$0x1F800] =	vst v63  }
0xf0: {  	_ =	swait.ge [sflag:s14], $0x6400  }
0xf1: {  	[sflag:s14] =	ssyncset.done $0x0  }
0xf2: {  	[sflag:s14] =	ssyncadd.s32 $0xFFFF9C00  }
0xf3: {  	_ =	swait.ge [sflag:s1], $0xC8  }
0xf4: {  	[sflag:s1] =	ssyncset.done $0x0  }
0xf5: {  	[sflag:s1] =	ssyncadd.s32 $0xFFFFFF38  }
0xf6: {  	[tilespmem:s8], [sflag:$0x1] =	stream.indirect.gather [hbm4b:s2+s7], $0x80, s30, s7, $0xb8;
	[tilespmem:$0x1F800] =	vst v63  }
0xf7: {  	s29 =	simm.s32 $0x1F468;
	s5 =	simm.s32 $0x9800;
	s3 =	simm.s32 $0xF0  }
0xf8: {  	[tilespmem:s5], [sflag:$0x1] =	stream.indirect.gather [hbm4b:s2+s9], $0x80, s29, s9, $0xb8;
	[tilespmem:$0x1F800] =	vst v63  }
0xf9: {  	v6 =	vld [tilespmem:s3+$0xFFFFFF10]  }
0xfa: {  	v7 =	vld [tilespmem:s3+$0xFFFFFF20]  }
0xfb: {  	v8 =	vld [tilespmem:s3+$0xFFFFFF30]  }
0xfc: {  	v9 =	vld [tilespmem:s3+$0xFFFFFF40]  }
0xfd: {  	v10 =	vld [tilespmem:s3+$0xFFFFFF50]  }
0xfe: {  	v11 =	vld [tilespmem:s3+$0xFFFFFF60]  }
0xff: {  	v12 =	vld [tilespmem:s3+$0xFFFFFF70]  }
0x100: {  	v14 =	vld [tilespmem:s3+$0xFFFFFF80]  }
0x101: {  	v5 =	vld [tilespmem:s3+$0xFFFFFF90]  }
0x102: {  	v4 =	vld [tilespmem:s3+$0xFFFFFFA0]  }
0x103: {  	v3 =	vld [tilespmem:s3+$0xFFFFFFB0]  }
0x104: {  	v2 =	vld [tilespmem:s3+$0xFFFFFFC0]  }
0x105: {  	v1 =	vld [tilespmem:s3+$0xFFFFFFD0]  }
0x106: {  	v15 =	vld [tilespmem:s3+$0x12B20]  }
0x107: {  	v13 =	vld [tilespmem:s3+$0x12B10]  }
0x108: {  	v16 =	vld [tilespmem:s3+$0x12B30]  }
0x109: {  	v0 =	vld [tilespmem:s3+$0xFFFFFFE0]  }
0x10a: {  	v18 =	vld [tilespmem:s3+$0x12B50]  }
0x10b: {  	v17 =	vld [tilespmem:s3+$0x12B40];
	v15 =	vmul.f32 $1.131370830e+01, v15  }
0x10c: {  	v19 =	vld [tilespmem:s3+$0x12B60];
	v13 =	vmul.f32 $1.131370830e+01, v13  }
0x10d: {  	v20 =	vld [tilespmem:s3+$0x12B70];
	v7 =	vadd.f32 v7, v15;
	v15 =	vmul.f32 $1.131370830e+01, v16  }
0x10e: {  	v6 =	vadd.f32 v6, v13;
	v13 =	vld [tilespmem:s3+$0x12B80]  }
0x10f: {  	v21 =	vld [tilespmem:s3+$0x12B90];
	v8 =	vadd.f32 v8, v15;
	v15 =	vmul.f32 $1.131370830e+01, v18  }
0x110: {  	v62 =	vld [tilespmem:s3+$0x12BA0];
	v17 =	vmul.f32 $1.131370830e+01, v17;
	[tilespmem:s3+$0x12B10] =	vst v6  }
0x111: {  	v63 =	vmul.f32 $1.131370830e+01, v19;
	[tilespmem:s3+$0x12B20] =	vst v7;
	v6 =	vld [tilespmem:s3+$0x12BB0];
	v10 =	vadd.f32 v10, v15  }
0x112: {  	v9 =	vadd.f32 v9, v17;
	v7 =	vld [tilespmem:s3+$0x12BC0];
	[tilespmem:s3+$0x12B30] =	vst v8;
	v15 =	vmul.f32 $1.131370830e+01, v20  }
0x113: {  	v11 =	vadd.f32 v11, v63;
	v8 =	vld [tilespmem:s3+$0x12BD0];
	[tilespmem:s3+$0x12B50] =	vst v10;
	v10 =	vmul.f32 $1.131370830e+01, v13  }
0x114: {  	[tilespmem:s3+$0x12B40] =	vst v9;
	v9 =	vld [tilespmem:s3+$0x12BE0];
	v12 =	vadd.f32 v12, v15;
	v13 =	vmul.f32 $1.131370830e+01, v21  }
0x115: {  	s5 =	simm.s32 $0x7C0;
	[tilespmem:s3+$0x12B60] =	vst v11;
	v11 =	vmul.f32 $1.131370830e+01, v62;
	v14 =	vadd.f32 v14, v10;
	v10 =	vld [tilespmem:s3+$0x12BF0]  }
.LBB2_6:
0x116: {  	p0 =	sne.s32 s5, $0x18FC0;
	[tilespmem:s3+$0x12B70] =	vst v12;
	v5 =	vadd.f32 v5, v13;
	v6 =	vmul.f32 $1.131370830e+01, v6;
	v12 =	vld [tilespmem:s3+$0x12C00]  }
0x117: {  	[tilespmem:s3+$0x12B80] =	vst v14;
	v4 =	vadd.f32 v4, v11;
	v7 =	vmul.f32 $1.131370830e+01, v7;
	v11 =	vld [tilespmem:s3+$0xFFFFFFF0]  }
0x118: {  	s20 =	sshra.s32 s5, $0x2;
	[tilespmem:s3+$0x12B90] =	vst v5;
	v3 =	vadd.f32 v3, v6;
	v5 =	vmul.f32 $1.131370830e+01, v8;
	v6 =	vld [tilespmem:s3+$0x0]  }
0x119: {  	v8 =	vld [tilespmem:s20+$0xFFFFFF10];
	[tilespmem:s3+$0x12BA0] =	vst v4;
	v2 =	vadd.f32 v2, v7;
	v4 =	vmul.f32 $1.131370830e+01, v9  }
0x11a: {  	v7 =	vld [tilespmem:s20+$0xFFFFFF20];
	[tilespmem:s3+$0x12BB0] =	vst v3;
	v1 =	vadd.f32 v1, v5;
	v3 =	vmul.f32 $1.131370830e+01, v10  }
0x11b: {  	v9 =	vld [tilespmem:s20+$0xFFFFFF30];
	[tilespmem:s3+$0x12BC0] =	vst v2;
	v0 =	vadd.f32 v0, v4;
	v2 =	vmul.f32 $1.131370830e+01, v12  }
0x11c: {  	v10 =	vld [tilespmem:s20+$0xFFFFFF40];
	[tilespmem:s3+$0x12BD0] =	vst v1;
	v1 =	vadd.f32 v11, v3  }
0x11d: {  	v11 =	vld [tilespmem:s20+$0xFFFFFF50];
	[tilespmem:s3+$0x12BE0] =	vst v0;
	v0 =	vadd.f32 v6, v2  }
0x11e: {  	v12 =	vld [tilespmem:s20+$0xFFFFFF60];
	[tilespmem:s3+$0x12BF0] =	vst v1  }
0x11f: {  	v13 =	vld [tilespmem:s20+$0xFFFFFF70];
	[tilespmem:s3+$0x12C00] =	vst v0;
	s3 =	smov.u32 s20  }
0x120: {  	v14 =	vld [tilespmem:s3+$0xFFFFFF80]  }
0x121: {  	v5 =	vld [tilespmem:s3+$0xFFFFFF90]  }
0x122: {  	v4 =	vld [tilespmem:s3+$0xFFFFFFA0]  }
0x123: {  	v3 =	vld [tilespmem:s3+$0xFFFFFFB0]  }
0x124: {  	v2 =	vld [tilespmem:s3+$0xFFFFFFC0]  }
0x125: {  	v1 =	vld [tilespmem:s3+$0xFFFFFFD0]  }
0x126: {  	v0 =	vld [tilespmem:s3+$0xFFFFFFE0]  }
0x127: {  	v6 =	vld [tilespmem:s3+$0x12B10]  }
0x128: {  	v15 =	vld [tilespmem:s3+$0x12B20]  }
0x129: {  	v16 =	vld [tilespmem:s3+$0x12B30]  }
0x12a: {  	v17 =	vld [tilespmem:s3+$0x12B40]  }
0x12b: {  	v18 =	vld [tilespmem:s3+$0x12B50]  }
0x12c: {  	v6 =	vmul.f32 $1.131370830e+01, v6;
	v19 =	vld [tilespmem:s3+$0x12B60]  }
0x12d: {  	v15 =	vmul.f32 $1.131370830e+01, v15;
	v20 =	vld [tilespmem:s3+$0x12B70]  }
0x12e: {  	v6 =	vadd.f32 v8, v6;
	v8 =	vmul.f32 $1.131370830e+01, v16;
	v16 =	vld [tilespmem:s3+$0x12B80]  }
0x12f: {  	v7 =	vadd.f32 v7, v15;
	v15 =	vmul.f32 $1.131370830e+01, v17;
	v17 =	vld [tilespmem:s3+$0x12B90]  }
0x130: {  	[tilespmem:s3+$0x12B10] =	vst v6;
	v8 =	vadd.f32 v9, v8;
	v9 =	vmul.f32 $1.131370830e+01, v18;
	v18 =	vld [tilespmem:s3+$0x12BA0]  }
.Ltmp2:
0x131: {  	[tilespmem:s3+$0x12B20] =	vst v7;
	v10 =	vadd.f32 v10, v15;
	v15 =	vmul.f32 $1.131370830e+01, v19;
	v6 =	vld [tilespmem:s3+$0x12BB0];
	(pc) =	sbr.rel @p0 .LBB2_6-.Ltmp2, $4  }
0x132: {  	[tilespmem:s3+$0x12B30] =	vst v8;
	v9 =	vadd.f32 v11, v9;
	v11 =	vmul.f32 $1.131370830e+01, v20;
	v7 =	vld [tilespmem:s3+$0x12BC0]  }
0x133: {  	[tilespmem:s3+$0x12B40] =	vst v10;
	v10 =	vadd.f32 v12, v15;
	v15 =	vmul.f32 $1.131370830e+01, v16;
	v8 =	vld [tilespmem:s3+$0x12BD0]  }
0x134: {  	[tilespmem:s3+$0x12B50] =	vst v9;
	v12 =	vadd.f32 v13, v11;
	v13 =	vmul.f32 $1.131370830e+01, v17;
	v9 =	vld [tilespmem:s3+$0x12BE0]  }
0x135: {  	s5 =	sadd.s32 $0x400, s5;
	[tilespmem:s3+$0x12B60] =	vst v10;
	v14 =	vadd.f32 v14, v15;
	v11 =	vmul.f32 $1.131370830e+01, v18;
	v10 =	vld [tilespmem:s3+$0x12BF0]  }
0x136: {  	[tilespmem:s3+$0x12B70] =	vst v12;
	v12 =	vld [tilespmem:s3+$0x12C00];
	v5 =	vadd.f32 v5, v13;
	v6 =	vmul.f32 $1.131370830e+01, v6  }
0x137: {  	v13 =	vld [tilespmem:s3+$0xFFFFFFF0];
	[tilespmem:s3+$0x12B80] =	vst v14;
	v4 =	vadd.f32 v4, v11;
	v7 =	vmul.f32 $1.131370830e+01, v7  }
0x138: {  	[tilespmem:s3+$0x12B90] =	vst v5;
	v3 =	vadd.f32 v3, v6;
	v5 =	vmul.f32 $1.131370830e+01, v8;
	v6 =	vld [tilespmem:s3+$0x0]  }
0x139: {  	[tilespmem:s3+$0x12BA0] =	vst v4;
	v2 =	vadd.f32 v2, v7;
	v4 =	vmul.f32 $1.131370830e+01, v9  }
0x13a: {  	[tilespmem:s3+$0x12BB0] =	vst v3;
	v1 =	vadd.f32 v1, v5;
	v3 =	vmul.f32 $1.131370830e+01, v10  }
0x13b: {  	[tilespmem:s3+$0x12BC0] =	vst v2;
	v0 =	vadd.f32 v0, v4;
	v2 =	vmul.f32 $1.131370830e+01, v12  }
0x13c: {  	[tilespmem:s3+$0x12BD0] =	vst v1;
	v1 =	vadd.f32 v13, v3  }
0x13d: {  	[tilespmem:s3+$0x12BE0] =	vst v0;
	v0 =	vadd.f32 v6, v2  }
0x13e: {  	[tilespmem:s3+$0x12BF0] =	vst v1  }
0x13f: {  	s26 =	rddreg [dreg:$0xf];
	[tilespmem:s3+$0x12C00] =	vst v0  }
0x140: {  	[hbm4b:s26+s4] =	stream.linear.scatter [tilespmem:s21], [sflag:$0x7], $0x6400, $0x38;
	[tilespmem:$0x1F800] =	vst v63  }
0x141: {  	_ =	swait.ge [sflag:s22], $0x3400  }
0x142: {  	[sflag:s22] =	ssyncset.done $0x0  }
0x143: {  	[sflag:s22] =	ssyncadd.s32 $0xFFFFCC00  }
0x144: {  	_ =	swait.ge [sflag:s22], $0x3000  }
0x145: {  	[sflag:s22] =	ssyncset.done $0x0  }
0x146: {  	s28 =	rddreg [dreg:$0x10];
	[sflag:s22] =	ssyncadd.s32 $0xFFFFD000  }
0x147: {  	[tilespmem:s16], [sflag:$0xC] =	stream.linear.gather [hbm4b:s28+s4], $0xC8, $0x38;
	[tilespmem:$0x1F800] =	vst v63  }
0x148: {  	_ =	swait.ge [sflag:s23], $0x6400  }
0x149: {  	[sflag:s23] =	ssyncset.done $0x0  }
0x14a: {  	[sflag:s23] =	ssyncadd.s32 $0xFFFF9C00  }
0x14b: {  	_ =	swait.ge [sflag:s0], $0xC8  }
0x14c: {  	[sflag:s0] =	ssyncset.done $0x0  }
0x14d: {  	[sflag:s0] =	ssyncadd.s32 $0xFFFFFF38  }
0x14e: {  	[tilespmem:s12], [sflag:$0x2] =	stream.indirect.gather [hbm4b:s2+s7], $0x80, s31, s7, $0xb8;
	[tilespmem:$0x1F800] =	vst v63  }
0x14f: {  	s29 =	simm.s32 $0x1F568;
	s5 =	simm.s32 $0xFC00;
	s3 =	simm.s32 $0xF0  }
0x150: {  	[tilespmem:s5], [sflag:$0x2] =	stream.indirect.gather [hbm4b:s2+s9], $0x80, s29, s9, $0xb8;
	[tilespmem:$0x1F800] =	vst v63  }
0x151: {  	v6 =	vld [tilespmem:s3+$0xFFFFFF10]  }
0x152: {  	v7 =	vld [tilespmem:s3+$0xFFFFFF20]  }
0x153: {  	v8 =	vld [tilespmem:s3+$0xFFFFFF30]  }
0x154: {  	v9 =	vld [tilespmem:s3+$0xFFFFFF40]  }
0x155: {  	v10 =	vld [tilespmem:s3+$0xFFFFFF50]  }
0x156: {  	v11 =	vld [tilespmem:s3+$0xFFFFFF60]  }
0x157: {  	v12 =	vld [tilespmem:s3+$0xFFFFFF70]  }
0x158: {  	v14 =	vld [tilespmem:s3+$0xFFFFFF80]  }
0x159: {  	v5 =	vld [tilespmem:s3+$0xFFFFFF90]  }
0x15a: {  	v4 =	vld [tilespmem:s3+$0xFFFFFFA0]  }
0x15b: {  	v3 =	vld [tilespmem:s3+$0xFFFFFFB0]  }
0x15c: {  	v2 =	vld [tilespmem:s3+$0xFFFFFFC0]  }
0x15d: {  	v1 =	vld [tilespmem:s3+$0xFFFFFFD0]  }
0x15e: {  	v15 =	vld [tilespmem:s3+$0x18F20]  }
0x15f: {  	v13 =	vld [tilespmem:s3+$0x18F10]  }
0x160: {  	v16 =	vld [tilespmem:s3+$0x18F30]  }
0x161: {  	v0 =	vld [tilespmem:s3+$0xFFFFFFE0]  }
0x162: {  	v18 =	vld [tilespmem:s3+$0x18F50]  }
0x163: {  	v17 =	vld [tilespmem:s3+$0x18F40];
	v15 =	vmul.f32 $1.131370830e+01, v15  }
0x164: {  	v19 =	vld [tilespmem:s3+$0x18F60];
	v13 =	vmul.f32 $1.131370830e+01, v13  }
0x165: {  	v20 =	vld [tilespmem:s3+$0x18F70];
	v7 =	vadd.f32 v7, v15;
	v15 =	vmul.f32 $1.131370830e+01, v16  }
0x166: {  	v6 =	vadd.f32 v6, v13;
	v13 =	vld [tilespmem:s3+$0x18F80]  }
0x167: {  	v21 =	vld [tilespmem:s3+$0x18F90];
	v8 =	vadd.f32 v8, v15;
	v15 =	vmul.f32 $1.131370830e+01, v18  }
0x168: {  	v62 =	vld [tilespmem:s3+$0x18FA0];
	v17 =	vmul.f32 $1.131370830e+01, v17;
	[tilespmem:s3+$0x18F10] =	vst v6  }
0x169: {  	v63 =	vmul.f32 $1.131370830e+01, v19;
	[tilespmem:s3+$0x18F20] =	vst v7;
	v6 =	vld [tilespmem:s3+$0x18FB0];
	v10 =	vadd.f32 v10, v15  }
0x16a: {  	v9 =	vadd.f32 v9, v17;
	v7 =	vld [tilespmem:s3+$0x18FC0];
	[tilespmem:s3+$0x18F30] =	vst v8;
	v15 =	vmul.f32 $1.131370830e+01, v20  }
0x16b: {  	v11 =	vadd.f32 v11, v63;
	v8 =	vld [tilespmem:s3+$0x18FD0];
	[tilespmem:s3+$0x18F50] =	vst v10;
	v10 =	vmul.f32 $1.131370830e+01, v13  }
0x16c: {  	[tilespmem:s3+$0x18F40] =	vst v9;
	v9 =	vld [tilespmem:s3+$0x18FE0];
	v12 =	vadd.f32 v12, v15;
	v13 =	vmul.f32 $1.131370830e+01, v21  }
0x16d: {  	s5 =	simm.s32 $0x7C0;
	[tilespmem:s3+$0x18F60] =	vst v11;
	v11 =	vmul.f32 $1.131370830e+01, v62;
	v14 =	vadd.f32 v14, v10;
	v10 =	vld [tilespmem:s3+$0x18FF0]  }
.LBB2_8:
0x16e: {  	p0 =	sne.s32 s5, $0x18FC0;
	[tilespmem:s3+$0x18F70] =	vst v12;
	v5 =	vadd.f32 v5, v13;
	v6 =	vmul.f32 $1.131370830e+01, v6;
	v12 =	vld [tilespmem:s3+$0x19000]  }
0x16f: {  	[tilespmem:s3+$0x18F80] =	vst v14;
	v4 =	vadd.f32 v4, v11;
	v7 =	vmul.f32 $1.131370830e+01, v7;
	v11 =	vld [tilespmem:s3+$0xFFFFFFF0]  }
0x170: {  	s20 =	sshra.s32 s5, $0x2;
	[tilespmem:s3+$0x18F90] =	vst v5;
	v3 =	vadd.f32 v3, v6;
	v5 =	vmul.f32 $1.131370830e+01, v8;
	v6 =	vld [tilespmem:s3+$0x0]  }
0x171: {  	v8 =	vld [tilespmem:s20+$0xFFFFFF10];
	[tilespmem:s3+$0x18FA0] =	vst v4;
	v2 =	vadd.f32 v2, v7;
	v4 =	vmul.f32 $1.131370830e+01, v9  }
0x172: {  	v7 =	vld [tilespmem:s20+$0xFFFFFF20];
	[tilespmem:s3+$0x18FB0] =	vst v3;
	v1 =	vadd.f32 v1, v5;
	v3 =	vmul.f32 $1.131370830e+01, v10  }
0x173: {  	v9 =	vld [tilespmem:s20+$0xFFFFFF30];
	[tilespmem:s3+$0x18FC0] =	vst v2;
	v0 =	vadd.f32 v0, v4;
	v2 =	vmul.f32 $1.131370830e+01, v12  }
0x174: {  	v10 =	vld [tilespmem:s20+$0xFFFFFF40];
	[tilespmem:s3+$0x18FD0] =	vst v1;
	v1 =	vadd.f32 v11, v3  }
0x175: {  	v11 =	vld [tilespmem:s20+$0xFFFFFF50];
	[tilespmem:s3+$0x18FE0] =	vst v0;
	v0 =	vadd.f32 v6, v2  }
0x176: {  	v12 =	vld [tilespmem:s20+$0xFFFFFF60];
	[tilespmem:s3+$0x18FF0] =	vst v1  }
0x177: {  	v13 =	vld [tilespmem:s20+$0xFFFFFF70];
	[tilespmem:s3+$0x19000] =	vst v0;
	s3 =	smov.u32 s20  }
0x178: {  	v14 =	vld [tilespmem:s3+$0xFFFFFF80]  }
0x179: {  	v5 =	vld [tilespmem:s3+$0xFFFFFF90]  }
0x17a: {  	v4 =	vld [tilespmem:s3+$0xFFFFFFA0]  }
0x17b: {  	v3 =	vld [tilespmem:s3+$0xFFFFFFB0]  }
0x17c: {  	v2 =	vld [tilespmem:s3+$0xFFFFFFC0]  }
0x17d: {  	v1 =	vld [tilespmem:s3+$0xFFFFFFD0]  }
0x17e: {  	v0 =	vld [tilespmem:s3+$0xFFFFFFE0]  }
0x17f: {  	v6 =	vld [tilespmem:s3+$0x18F10]  }
0x180: {  	v15 =	vld [tilespmem:s3+$0x18F20]  }
0x181: {  	v16 =	vld [tilespmem:s3+$0x18F30]  }
0x182: {  	v17 =	vld [tilespmem:s3+$0x18F40]  }
0x183: {  	v18 =	vld [tilespmem:s3+$0x18F50]  }
0x184: {  	v6 =	vmul.f32 $1.131370830e+01, v6;
	v19 =	vld [tilespmem:s3+$0x18F60]  }
0x185: {  	v15 =	vmul.f32 $1.131370830e+01, v15;
	v20 =	vld [tilespmem:s3+$0x18F70]  }
0x186: {  	v6 =	vadd.f32 v8, v6;
	v8 =	vmul.f32 $1.131370830e+01, v16;
	v16 =	vld [tilespmem:s3+$0x18F80]  }
0x187: {  	v7 =	vadd.f32 v7, v15;
	v15 =	vmul.f32 $1.131370830e+01, v17;
	v17 =	vld [tilespmem:s3+$0x18F90]  }
0x188: {  	[tilespmem:s3+$0x18F10] =	vst v6;
	v8 =	vadd.f32 v9, v8;
	v9 =	vmul.f32 $1.131370830e+01, v18;
	v18 =	vld [tilespmem:s3+$0x18FA0]  }
.Ltmp3:
0x189: {  	[tilespmem:s3+$0x18F20] =	vst v7;
	v10 =	vadd.f32 v10, v15;
	v15 =	vmul.f32 $1.131370830e+01, v19;
	v6 =	vld [tilespmem:s3+$0x18FB0];
	(pc) =	sbr.rel @p0 .LBB2_8-.Ltmp3, $4  }
0x18a: {  	[tilespmem:s3+$0x18F30] =	vst v8;
	v9 =	vadd.f32 v11, v9;
	v11 =	vmul.f32 $1.131370830e+01, v20;
	v7 =	vld [tilespmem:s3+$0x18FC0]  }
0x18b: {  	[tilespmem:s3+$0x18F40] =	vst v10;
	v10 =	vadd.f32 v12, v15;
	v15 =	vmul.f32 $1.131370830e+01, v16;
	v8 =	vld [tilespmem:s3+$0x18FD0]  }
0x18c: {  	[tilespmem:s3+$0x18F50] =	vst v9;
	v12 =	vadd.f32 v13, v11;
	v13 =	vmul.f32 $1.131370830e+01, v17;
	v9 =	vld [tilespmem:s3+$0x18FE0]  }
0x18d: {  	s5 =	sadd.s32 $0x400, s5;
	[tilespmem:s3+$0x18F60] =	vst v10;
	v14 =	vadd.f32 v14, v15;
	v11 =	vmul.f32 $1.131370830e+01, v18;
	v10 =	vld [tilespmem:s3+$0x18FF0]  }
0x18e: {  	[tilespmem:s3+$0x18F70] =	vst v12;
	v55 =	vld [tilespmem:s3+$0x19000];
	v5 =	vadd.f32 v5, v13;
	v6 =	vmul.f32 $1.131370830e+01, v6  }
0x18f: {  	v56 =	vld [tilespmem:s3+$0xFFFFFFF0];
	[tilespmem:s3+$0x18F80] =	vst v14;
	v4 =	vadd.f32 v4, v11;
	v7 =	vmul.f32 $1.131370830e+01, v7  }
0x190: {  	v58 =	vld [tilespmem:s3+$0x0];
	[tilespmem:s3+$0x18F90] =	vst v5;
	v3 =	vadd.f32 v3, v6;
	v57 =	vmul.f32 $1.131370830e+01, v8  }
0x191: {  	[tilespmem:s3+$0x18FA0] =	vst v4;
	v2 =	vadd.f32 v2, v7;
	v59 =	vmul.f32 $1.131370830e+01, v9  }
0x192: {  	[tilespmem:s3+$0x18FB0] =	vst v3;
	v1 =	vadd.f32 v1, v57;
	v60 =	vmul.f32 $1.131370830e+01, v10  }
0x193: {  	[tilespmem:s3+$0x18FC0] =	vst v2;
	v0 =	vadd.f32 v0, v59;
	v61 =	vmul.f32 $1.131370830e+01, v55  }
0x194: {  	[tilespmem:s3+$0x18FD0] =	vst v1;
	v62 =	vadd.f32 v56, v60  }
0x195: {  	[tilespmem:s3+$0x18FE0] =	vst v0;
	v63 =	vadd.f32 v58, v61  }
0x196: {  	[tilespmem:s3+$0x18FF0] =	vst v62  }
0x197: {  	s29 =	rddreg [dreg:$0x11];
	[tilespmem:s3+$0x19000] =	vst v63;
	s3 =	simm.s32 $0x1  }
0x198: {  	[hbm4b:s29+s4] =	stream.linear.scatter [tilespmem:s17], [sflag:$0x8], $0x6400, $0x38;
	[tilespmem:$0x1F800] =	vst v63  }
.LBB2_10:
0x199: {  	_ =	swait.ge [sflag:s18], $0x3400  }
0x19a: {  	s5 =	sshll.u32 s3, $0x7;
	[sflag:s18] =	ssyncset.done $0x0;
	s20 =	rddreg [dreg:$0x12]  }
0x19b: {  	[sflag:s18] =	ssyncadd.s32 $0xFFFFCC00;
	s20 =	sadd.s32 s20, s5  }
0x19c: {  	_ =	swait.ge [sflag:s18], $0x3000;
	s20 =	smul.u32 $0x19, s20  }
0x19d: {  	[sflag:s18] =	ssyncset.done $0x0  }
0x19e: {  	[sflag:s18] =	ssyncadd.s32 $0xFFFFD000;
	s20 =	sadd.s32 s6, s20  }
0x19f: {  	[tilespmem:s30], [sflag:$0x9] =	stream.linear.gather [hbm4b:s20+s4], $0xC8, $0x38;
	[tilespmem:$0x1F800] =	vst v63  }
0x1a0: {  	_ =	swait.ge [sflag:s10], $0x6400  }
0x1a1: {  	[sflag:s10] =	ssyncset.done $0x0  }
0x1a2: {  	[sflag:s10] =	ssyncadd.s32 $0xFFFF9C00  }
0x1a3: {  	_ =	swait.ge [sflag:s19], $0xC8  }
0x1a4: {  	[sflag:s19] =	ssyncset.done $0x0  }
0x1a5: {  	[sflag:s19] =	ssyncadd.s32 $0xFFFFFF38  }
0x1a6: {  	[tilespmem:s21], [sflag:$0x3] =	stream.indirect.gather [hbm4b:s2+s7], $0x80, s15, s7, $0xb8;
	[tilespmem:$0x1F800] =	vst v63  }
0x1a7: {  	s29 =	simm.s32 $0x1F668;
	s26 =	simm.s32 $0x16000  }
0x1a8: {  	[tilespmem:s26], [sflag:$0x3] =	stream.indirect.gather [hbm4b:s2+s9], $0x80, s29, s9, $0xb8;
	[tilespmem:$0x1F800] =	vst v63  }
0x1a9: {  	s26 =	simm.s32 $0xF0  }
0x1aa: {  	v6 =	vld [tilespmem:s26+$0xFFFFFF10]  }
0x1ab: {  	v7 =	vld [tilespmem:s26+$0xFFFFFF20]  }
0x1ac: {  	v8 =	vld [tilespmem:s26+$0xFFFFFF30]  }
0x1ad: {  	v9 =	vld [tilespmem:s26+$0xFFFFFF40]  }
0x1ae: {  	v10 =	vld [tilespmem:s26+$0xFFFFFF50]  }
0x1af: {  	v11 =	vld [tilespmem:s26+$0xFFFFFF60]  }
0x1b0: {  	v12 =	vld [tilespmem:s26+$0xFFFFFF70]  }
0x1b1: {  	v14 =	vld [tilespmem:s26+$0xFFFFFF80]  }
0x1b2: {  	v5 =	vld [tilespmem:s26+$0xFFFFFF90]  }
0x1b3: {  	v4 =	vld [tilespmem:s26+$0xFFFFFFA0]  }
0x1b4: {  	v3 =	vld [tilespmem:s26+$0xFFFFFFB0]  }
0x1b5: {  	v2 =	vld [tilespmem:s26+$0xFFFFFFC0]  }
0x1b6: {  	v1 =	vld [tilespmem:s26+$0xFFFFFFD0]  }
0x1b7: {  	v15 =	vld [tilespmem:s26+$0x6320]  }
0x1b8: {  	v13 =	vld [tilespmem:s26+$0x6310]  }
0x1b9: {  	v16 =	vld [tilespmem:s26+$0x6330]  }
0x1ba: {  	v0 =	vld [tilespmem:s26+$0xFFFFFFE0]  }
0x1bb: {  	v18 =	vld [tilespmem:s26+$0x6350]  }
0x1bc: {  	v17 =	vld [tilespmem:s26+$0x6340];
	v15 =	vmul.f32 $1.131370830e+01, v15  }
0x1bd: {  	v19 =	vld [tilespmem:s26+$0x6360];
	v13 =	vmul.f32 $1.131370830e+01, v13  }
0x1be: {  	v20 =	vld [tilespmem:s26+$0x6370];
	v7 =	vadd.f32 v7, v15;
	v15 =	vmul.f32 $1.131370830e+01, v16  }
0x1bf: {  	v6 =	vadd.f32 v6, v13;
	v13 =	vld [tilespmem:s26+$0x6380]  }
0x1c0: {  	v21 =	vld [tilespmem:s26+$0x6390];
	v8 =	vadd.f32 v8, v15;
	v15 =	vmul.f32 $1.131370830e+01, v18  }
0x1c1: {  	v62 =	vld [tilespmem:s26+$0x63A0];
	v17 =	vmul.f32 $1.131370830e+01, v17;
	[tilespmem:s26+$0x6310] =	vst v6  }
0x1c2: {  	v63 =	vmul.f32 $1.131370830e+01, v19;
	[tilespmem:s26+$0x6320] =	vst v7;
	v6 =	vld [tilespmem:s26+$0x63B0];
	v10 =	vadd.f32 v10, v15  }
0x1c3: {  	v9 =	vadd.f32 v9, v17;
	v7 =	vld [tilespmem:s26+$0x63C0];
	[tilespmem:s26+$0x6330] =	vst v8;
	v15 =	vmul.f32 $1.131370830e+01, v20  }
0x1c4: {  	v11 =	vadd.f32 v11, v63;
	v8 =	vld [tilespmem:s26+$0x63D0];
	[tilespmem:s26+$0x6350] =	vst v10;
	v10 =	vmul.f32 $1.131370830e+01, v13  }
0x1c5: {  	[tilespmem:s26+$0x6340] =	vst v9;
	v9 =	vld [tilespmem:s26+$0x63E0];
	v12 =	vadd.f32 v12, v15;
	v13 =	vmul.f32 $1.131370830e+01, v21  }
0x1c6: {  	s20 =	simm.s32 $0x7C0;
	[tilespmem:s26+$0x6360] =	vst v11;
	v11 =	vmul.f32 $1.131370830e+01, v62;
	v14 =	vadd.f32 v14, v10;
	v10 =	vld [tilespmem:s26+$0x63F0]  }
.LBB2_11:
0x1c7: {  	p0 =	sne.s32 s20, $0x18FC0;
	[tilespmem:s26+$0x6370] =	vst v12;
	v5 =	vadd.f32 v5, v13;
	v6 =	vmul.f32 $1.131370830e+01, v6;
	v12 =	vld [tilespmem:s26+$0x6400]  }
0x1c8: {  	[tilespmem:s26+$0x6380] =	vst v14;
	v4 =	vadd.f32 v4, v11;
	v7 =	vmul.f32 $1.131370830e+01, v7;
	v11 =	vld [tilespmem:s26+$0xFFFFFFF0]  }
0x1c9: {  	s28 =	sshra.s32 s20, $0x2;
	[tilespmem:s26+$0x6390] =	vst v5;
	v3 =	vadd.f32 v3, v6;
	v5 =	vmul.f32 $1.131370830e+01, v8;
	v6 =	vld [tilespmem:s26+$0x0]  }
0x1ca: {  	v8 =	vld [tilespmem:s28+$0xFFFFFF10];
	[tilespmem:s26+$0x63A0] =	vst v4;
	v2 =	vadd.f32 v2, v7;
	v4 =	vmul.f32 $1.131370830e+01, v9  }
0x1cb: {  	v7 =	vld [tilespmem:s28+$0xFFFFFF20];
	[tilespmem:s26+$0x63B0] =	vst v3;
	v1 =	vadd.f32 v1, v5;
	v3 =	vmul.f32 $1.131370830e+01, v10  }
0x1cc: {  	v9 =	vld [tilespmem:s28+$0xFFFFFF30];
	[tilespmem:s26+$0x63C0] =	vst v2;
	v0 =	vadd.f32 v0, v4;
	v2 =	vmul.f32 $1.131370830e+01, v12  }
0x1cd: {  	v10 =	vld [tilespmem:s28+$0xFFFFFF40];
	[tilespmem:s26+$0x63D0] =	vst v1;
	v1 =	vadd.f32 v11, v3  }
0x1ce: {  	v11 =	vld [tilespmem:s28+$0xFFFFFF50];
	[tilespmem:s26+$0x63E0] =	vst v0;
	v0 =	vadd.f32 v6, v2  }
0x1cf: {  	v12 =	vld [tilespmem:s28+$0xFFFFFF60];
	[tilespmem:s26+$0x63F0] =	vst v1  }
0x1d0: {  	v13 =	vld [tilespmem:s28+$0xFFFFFF70];
	[tilespmem:s26+$0x6400] =	vst v0;
	s26 =	smov.u32 s28  }
0x1d1: {  	v14 =	vld [tilespmem:s26+$0xFFFFFF80]  }
0x1d2: {  	v5 =	vld [tilespmem:s26+$0xFFFFFF90]  }
0x1d3: {  	v4 =	vld [tilespmem:s26+$0xFFFFFFA0]  }
0x1d4: {  	v3 =	vld [tilespmem:s26+$0xFFFFFFB0]  }
0x1d5: {  	v2 =	vld [tilespmem:s26+$0xFFFFFFC0]  }
0x1d6: {  	v1 =	vld [tilespmem:s26+$0xFFFFFFD0]  }
0x1d7: {  	v0 =	vld [tilespmem:s26+$0xFFFFFFE0]  }
0x1d8: {  	v6 =	vld [tilespmem:s26+$0x6310]  }
0x1d9: {  	v15 =	vld [tilespmem:s26+$0x6320]  }
0x1da: {  	v16 =	vld [tilespmem:s26+$0x6330]  }
0x1db: {  	v17 =	vld [tilespmem:s26+$0x6340]  }
0x1dc: {  	v18 =	vld [tilespmem:s26+$0x6350]  }
0x1dd: {  	v6 =	vmul.f32 $1.131370830e+01, v6;
	v19 =	vld [tilespmem:s26+$0x6360]  }
0x1de: {  	v15 =	vmul.f32 $1.131370830e+01, v15;
	v20 =	vld [tilespmem:s26+$0x6370]  }
0x1df: {  	v6 =	vadd.f32 v8, v6;
	v8 =	vmul.f32 $1.131370830e+01, v16;
	v16 =	vld [tilespmem:s26+$0x6380]  }
0x1e0: {  	v7 =	vadd.f32 v7, v15;
	v15 =	vmul.f32 $1.131370830e+01, v17;
	v17 =	vld [tilespmem:s26+$0x6390]  }
0x1e1: {  	[tilespmem:s26+$0x6310] =	vst v6;
	v8 =	vadd.f32 v9, v8;
	v9 =	vmul.f32 $1.131370830e+01, v18;
	v18 =	vld [tilespmem:s26+$0x63A0]  }
.Ltmp4:
0x1e2: {  	[tilespmem:s26+$0x6320] =	vst v7;
	v10 =	vadd.f32 v10, v15;
	v15 =	vmul.f32 $1.131370830e+01, v19;
	v6 =	vld [tilespmem:s26+$0x63B0];
	(pc) =	sbr.rel @p0 .LBB2_11-.Ltmp4, $4  }
0x1e3: {  	[tilespmem:s26+$0x6330] =	vst v8;
	v9 =	vadd.f32 v11, v9;
	v11 =	vmul.f32 $1.131370830e+01, v20;
	v7 =	vld [tilespmem:s26+$0x63C0]  }
0x1e4: {  	[tilespmem:s26+$0x6340] =	vst v10;
	v10 =	vadd.f32 v12, v15;
	v15 =	vmul.f32 $1.131370830e+01, v16;
	v8 =	vld [tilespmem:s26+$0x63D0]  }
0x1e5: {  	[tilespmem:s26+$0x6350] =	vst v9;
	v12 =	vadd.f32 v13, v11;
	v13 =	vmul.f32 $1.131370830e+01, v17;
	v9 =	vld [tilespmem:s26+$0x63E0]  }
0x1e6: {  	s20 =	sadd.s32 $0x400, s20;
	[tilespmem:s26+$0x6360] =	vst v10;
	v14 =	vadd.f32 v14, v15;
	v11 =	vmul.f32 $1.131370830e+01, v18;
	v10 =	vld [tilespmem:s26+$0x63F0]  }
0x1e7: {  	[tilespmem:s26+$0x6370] =	vst v12;
	v12 =	vld [tilespmem:s26+$0x6400];
	v5 =	vadd.f32 v5, v13;
	v6 =	vmul.f32 $1.131370830e+01, v6  }
0x1e8: {  	v13 =	vld [tilespmem:s26+$0xFFFFFFF0];
	[tilespmem:s26+$0x6380] =	vst v14;
	v4 =	vadd.f32 v4, v11;
	v7 =	vmul.f32 $1.131370830e+01, v7  }
0x1e9: {  	[tilespmem:s26+$0x6390] =	vst v5;
	v3 =	vadd.f32 v3, v6;
	v5 =	vmul.f32 $1.131370830e+01, v8;
	v6 =	vld [tilespmem:s26+$0x0]  }
0x1ea: {  	[tilespmem:s26+$0x63A0] =	vst v4;
	v2 =	vadd.f32 v2, v7;
	v4 =	vmul.f32 $1.131370830e+01, v9  }
0x1eb: {  	[tilespmem:s26+$0x63B0] =	vst v3;
	v1 =	vadd.f32 v1, v5;
	v3 =	vmul.f32 $1.131370830e+01, v10  }
0x1ec: {  	s20 =	rddreg [dreg:$0x4];
	[tilespmem:s26+$0x63C0] =	vst v2;
	v0 =	vadd.f32 v0, v4;
	v2 =	vmul.f32 $1.131370830e+01, v12  }
0x1ed: {  	s20 =	sor.u32 s20, s5;
	[tilespmem:s26+$0x63D0] =	vst v1;
	v1 =	vadd.f32 v13, v3  }
0x1ee: {  	s28 =	smul.u32 $0xC80, s20;
	[tilespmem:s26+$0x63E0] =	vst v0;
	v0 =	vadd.f32 v6, v2  }
0x1ef: {  	s29 =	rddreg [dreg:$0x2];
	[tilespmem:s26+$0x63F0] =	vst v1  }
0x1f0: {  	[tilespmem:s26+$0x6400] =	vst v0;
	s26 =	sadd.s32 s29, s28  }
0x1f1: {  	[hbm4b:s26+s4] =	stream.linear.scatter [tilespmem:s8], [sflag:$0x5], $0x6400, $0x38;
	[tilespmem:$0x1F800] =	vst v63  }
0x1f2: {  	_ =	swait.ge [sflag:s24], $0x3400  }
0x1f3: {  	[sflag:s24] =	ssyncset.done $0x0;
	s29 =	rddreg [dreg:$0x18]  }
0x1f4: {  	[sflag:s24] =	ssyncadd.s32 $0xFFFFCC00;
	s26 =	sadd.s32 s29, s5  }
0x1f5: {  	_ =	swait.ge [sflag:s24], $0x3000;
	s26 =	smul.u32 $0x19, s26  }
0x1f6: {  	[sflag:s24] =	ssyncset.done $0x0  }
0x1f7: {  	[sflag:s24] =	ssyncadd.s32 $0xFFFFD000;
	s26 =	sadd.s32 s6, s26  }
0x1f8: {  	[tilespmem:s31], [sflag:$0xA] =	stream.linear.gather [hbm4b:s26+s4], $0xC8, $0x38;
	[tilespmem:$0x1F800] =	vst v63  }
0x1f9: {  	_ =	swait.ge [sflag:s11], $0x6400  }
0x1fa: {  	[sflag:s11] =	ssyncset.done $0x0  }
0x1fb: {  	[sflag:s11] =	ssyncadd.s32 $0xFFFF9C00  }
0x1fc: {  	_ =	swait.ge [sflag:s25], $0xC8  }
0x1fd: {  	[sflag:s25] =	ssyncset.done $0x0  }
0x1fe: {  	[sflag:s25] =	ssyncadd.s32 $0xFFFFFF38  }
0x1ff: {  	[tilespmem:s17], [sflag:$0x4] =	stream.indirect.gather [hbm4b:s2+s7], $0x80, s16, s7, $0xb8;
	[tilespmem:$0x1F800] =	vst v63  }
0x200: {  	s28 =	simm.s32 $0x1C400;
	s29 =	simm.s32 $0x1F768;
	s26 =	simm.s32 $0xF0  }
0x201: {  	[tilespmem:s28], [sflag:$0x4] =	stream.indirect.gather [hbm4b:s2+s9], $0x80, s29, s9, $0xb8;
	[tilespmem:$0x1F800] =	vst v63  }
0x202: {  	v6 =	vld [tilespmem:s26+$0xFFFFFF10]  }
0x203: {  	v7 =	vld [tilespmem:s26+$0xFFFFFF20]  }
0x204: {  	v8 =	vld [tilespmem:s26+$0xFFFFFF30]  }
0x205: {  	v9 =	vld [tilespmem:s26+$0xFFFFFF40]  }
0x206: {  	v10 =	vld [tilespmem:s26+$0xFFFFFF50]  }
0x207: {  	v11 =	vld [tilespmem:s26+$0xFFFFFF60]  }
0x208: {  	v12 =	vld [tilespmem:s26+$0xFFFFFF70]  }
0x209: {  	v14 =	vld [tilespmem:s26+$0xFFFFFF80]  }
0x20a: {  	v5 =	vld [tilespmem:s26+$0xFFFFFF90]  }
0x20b: {  	v4 =	vld [tilespmem:s26+$0xFFFFFFA0]  }
0x20c: {  	v3 =	vld [tilespmem:s26+$0xFFFFFFB0]  }
0x20d: {  	v2 =	vld [tilespmem:s26+$0xFFFFFFC0]  }
0x20e: {  	v1 =	vld [tilespmem:s26+$0xFFFFFFD0]  }
0x20f: {  	v15 =	vld [tilespmem:s26+$0xC720]  }
0x210: {  	v13 =	vld [tilespmem:s26+$0xC710]  }
0x211: {  	v16 =	vld [tilespmem:s26+$0xC730]  }
0x212: {  	v0 =	vld [tilespmem:s26+$0xFFFFFFE0]  }
0x213: {  	v18 =	vld [tilespmem:s26+$0xC750]  }
0x214: {  	v17 =	vld [tilespmem:s26+$0xC740];
	v15 =	vmul.f32 $1.131370830e+01, v15  }
0x215: {  	v19 =	vld [tilespmem:s26+$0xC760];
	v13 =	vmul.f32 $1.131370830e+01, v13  }
0x216: {  	v20 =	vld [tilespmem:s26+$0xC770];
	v7 =	vadd.f32 v7, v15;
	v15 =	vmul.f32 $1.131370830e+01, v16  }
0x217: {  	v6 =	vadd.f32 v6, v13;
	v13 =	vld [tilespmem:s26+$0xC780]  }
0x218: {  	v21 =	vld [tilespmem:s26+$0xC790];
	v8 =	vadd.f32 v8, v15;
	v15 =	vmul.f32 $1.131370830e+01, v18  }
0x219: {  	v62 =	vld [tilespmem:s26+$0xC7A0];
	v17 =	vmul.f32 $1.131370830e+01, v17;
	[tilespmem:s26+$0xC710] =	vst v6  }
0x21a: {  	v63 =	vmul.f32 $1.131370830e+01, v19;
	[tilespmem:s26+$0xC720] =	vst v7;
	v6 =	vld [tilespmem:s26+$0xC7B0];
	v10 =	vadd.f32 v10, v15  }
0x21b: {  	v9 =	vadd.f32 v9, v17;
	v7 =	vld [tilespmem:s26+$0xC7C0];
	[tilespmem:s26+$0xC730] =	vst v8;
	v15 =	vmul.f32 $1.131370830e+01, v20  }
0x21c: {  	v11 =	vadd.f32 v11, v63;
	v8 =	vld [tilespmem:s26+$0xC7D0];
	[tilespmem:s26+$0xC750] =	vst v10;
	v10 =	vmul.f32 $1.131370830e+01, v13  }
0x21d: {  	[tilespmem:s26+$0xC740] =	vst v9;
	v9 =	vld [tilespmem:s26+$0xC7E0];
	v12 =	vadd.f32 v12, v15;
	v13 =	vmul.f32 $1.131370830e+01, v21  }
0x21e: {  	s28 =	simm.s32 $0x7C0;
	[tilespmem:s26+$0xC760] =	vst v11;
	v11 =	vmul.f32 $1.131370830e+01, v62;
	v14 =	vadd.f32 v14, v10;
	v10 =	vld [tilespmem:s26+$0xC7F0]  }
.LBB2_13:
0x21f: {  	p0 =	sne.s32 s28, $0x18FC0;
	[tilespmem:s26+$0xC770] =	vst v12;
	v5 =	vadd.f32 v5, v13;
	v6 =	vmul.f32 $1.131370830e+01, v6;
	v12 =	vld [tilespmem:s26+$0xC800]  }
0x220: {  	[tilespmem:s26+$0xC780] =	vst v14;
	v4 =	vadd.f32 v4, v11;
	v7 =	vmul.f32 $1.131370830e+01, v7;
	v11 =	vld [tilespmem:s26+$0xFFFFFFF0]  }
0x221: {  	s29 =	sshra.s32 s28, $0x2;
	[tilespmem:s26+$0xC790] =	vst v5;
	v3 =	vadd.f32 v3, v6;
	v5 =	vmul.f32 $1.131370830e+01, v8;
	v6 =	vld [tilespmem:s26+$0x0]  }
0x222: {  	v8 =	vld [tilespmem:s29+$0xFFFFFF10];
	[tilespmem:s26+$0xC7A0] =	vst v4;
	v2 =	vadd.f32 v2, v7;
	v4 =	vmul.f32 $1.131370830e+01, v9  }
0x223: {  	v7 =	vld [tilespmem:s29+$0xFFFFFF20];
	[tilespmem:s26+$0xC7B0] =	vst v3;
	v1 =	vadd.f32 v1, v5;
	v3 =	vmul.f32 $1.131370830e+01, v10  }
0x224: {  	v9 =	vld [tilespmem:s29+$0xFFFFFF30];
	[tilespmem:s26+$0xC7C0] =	vst v2;
	v0 =	vadd.f32 v0, v4;
	v2 =	vmul.f32 $1.131370830e+01, v12  }
0x225: {  	v10 =	vld [tilespmem:s29+$0xFFFFFF40];
	[tilespmem:s26+$0xC7D0] =	vst v1;
	v1 =	vadd.f32 v11, v3  }
0x226: {  	v11 =	vld [tilespmem:s29+$0xFFFFFF50];
	[tilespmem:s26+$0xC7E0] =	vst v0;
	v0 =	vadd.f32 v6, v2  }
0x227: {  	v12 =	vld [tilespmem:s29+$0xFFFFFF60];
	[tilespmem:s26+$0xC7F0] =	vst v1  }
0x228: {  	v13 =	vld [tilespmem:s29+$0xFFFFFF70];
	[tilespmem:s26+$0xC800] =	vst v0;
	s26 =	smov.u32 s29  }
0x229: {  	v14 =	vld [tilespmem:s26+$0xFFFFFF80]  }
0x22a: {  	v5 =	vld [tilespmem:s26+$0xFFFFFF90]  }
0x22b: {  	v4 =	vld [tilespmem:s26+$0xFFFFFFA0]  }
0x22c: {  	v3 =	vld [tilespmem:s26+$0xFFFFFFB0]  }
0x22d: {  	v2 =	vld [tilespmem:s26+$0xFFFFFFC0]  }
0x22e: {  	v1 =	vld [tilespmem:s26+$0xFFFFFFD0]  }
0x22f: {  	v0 =	vld [tilespmem:s26+$0xFFFFFFE0]  }
0x230: {  	v6 =	vld [tilespmem:s26+$0xC710]  }
0x231: {  	v15 =	vld [tilespmem:s26+$0xC720]  }
0x232: {  	v16 =	vld [tilespmem:s26+$0xC730]  }
0x233: {  	v17 =	vld [tilespmem:s26+$0xC740]  }
0x234: {  	v18 =	vld [tilespmem:s26+$0xC750]  }
0x235: {  	v6 =	vmul.f32 $1.131370830e+01, v6;
	v19 =	vld [tilespmem:s26+$0xC760]  }
0x236: {  	v15 =	vmul.f32 $1.131370830e+01, v15;
	v20 =	vld [tilespmem:s26+$0xC770]  }
0x237: {  	v6 =	vadd.f32 v8, v6;
	v8 =	vmul.f32 $1.131370830e+01, v16;
	v16 =	vld [tilespmem:s26+$0xC780]  }
0x238: {  	v7 =	vadd.f32 v7, v15;
	v15 =	vmul.f32 $1.131370830e+01, v17;
	v17 =	vld [tilespmem:s26+$0xC790]  }
0x239: {  	[tilespmem:s26+$0xC710] =	vst v6;
	v8 =	vadd.f32 v9, v8;
	v9 =	vmul.f32 $1.131370830e+01, v18;
	v18 =	vld [tilespmem:s26+$0xC7A0]  }
.Ltmp5:
0x23a: {  	[tilespmem:s26+$0xC720] =	vst v7;
	v10 =	vadd.f32 v10, v15;
	v15 =	vmul.f32 $1.131370830e+01, v19;
	v6 =	vld [tilespmem:s26+$0xC7B0];
	(pc) =	sbr.rel @p0 .LBB2_13-.Ltmp5, $4  }
0x23b: {  	[tilespmem:s26+$0xC730] =	vst v8;
	v9 =	vadd.f32 v11, v9;
	v11 =	vmul.f32 $1.131370830e+01, v20;
	v7 =	vld [tilespmem:s26+$0xC7C0]  }
0x23c: {  	[tilespmem:s26+$0xC740] =	vst v10;
	v10 =	vadd.f32 v12, v15;
	v15 =	vmul.f32 $1.131370830e+01, v16;
	v8 =	vld [tilespmem:s26+$0xC7D0]  }
0x23d: {  	[tilespmem:s26+$0xC750] =	vst v9;
	v12 =	vadd.f32 v13, v11;
	v13 =	vmul.f32 $1.131370830e+01, v17;
	v9 =	vld [tilespmem:s26+$0xC7E0]  }
0x23e: {  	s28 =	sadd.s32 $0x400, s28;
	[tilespmem:s26+$0xC760] =	vst v10;
	v14 =	vadd.f32 v14, v15;
	v11 =	vmul.f32 $1.131370830e+01, v18;
	v10 =	vld [tilespmem:s26+$0xC7F0]  }
0x23f: {  	[tilespmem:s26+$0xC770] =	vst v12;
	v12 =	vld [tilespmem:s26+$0xC800];
	v5 =	vadd.f32 v5, v13;
	v6 =	vmul.f32 $1.131370830e+01, v6  }
0x240: {  	v13 =	vld [tilespmem:s26+$0xFFFFFFF0];
	[tilespmem:s26+$0xC780] =	vst v14;
	v4 =	vadd.f32 v4, v11;
	v7 =	vmul.f32 $1.131370830e+01, v7  }
0x241: {  	[tilespmem:s26+$0xC790] =	vst v5;
	v3 =	vadd.f32 v3, v6;
	v5 =	vmul.f32 $1.131370830e+01, v8;
	v6 =	vld [tilespmem:s26+$0x0]  }
0x242: {  	[tilespmem:s26+$0xC7A0] =	vst v4;
	v2 =	vadd.f32 v2, v7;
	v4 =	vmul.f32 $1.131370830e+01, v9  }
0x243: {  	[tilespmem:s26+$0xC7B0] =	vst v3;
	v1 =	vadd.f32 v1, v5;
	v3 =	vmul.f32 $1.131370830e+01, v10  }
0x244: {  	s20 =	smul.u32 $0x6400, s20;
	[tilespmem:s26+$0xC7C0] =	vst v2;
	v0 =	vadd.f32 v0, v4;
	v2 =	vmul.f32 $1.131370830e+01, v12  }
0x245: {  	[tilespmem:s26+$0xC7D0] =	vst v1;
	v1 =	vadd.f32 v13, v3  }
0x246: {  	s28 =	rddreg [dreg:$0x2];
	s20 =	sshrl.u32 s20, $0x3;
	[tilespmem:s26+$0xC7E0] =	vst v0;
	v0 =	vadd.f32 v6, v2  }
0x247: {  	s20 =	sadd.s32 s28, s20;
	[tilespmem:s26+$0xC7F0] =	vst v1  }
0x248: {  	s29 =	sadd.s32 $0x19000, s20;
	[tilespmem:s26+$0xC800] =	vst v0  }
0x249: {  	[hbm4b:s29+s4] =	stream.linear.scatter [tilespmem:s12], [sflag:$0x6], $0x6400, $0x38;
	[tilespmem:$0x1F800] =	vst v63  }
0x24a: {  	_ =	swait.ge [sflag:s13], $0x3400  }
0x24b: {  	[sflag:s13] =	ssyncset.done $0x0;
	s29 =	rddreg [dreg:$0x19]  }
0x24c: {  	[sflag:s13] =	ssyncadd.s32 $0xFFFFCC00;
	s26 =	sadd.s32 s29, s5  }
0x24d: {  	_ =	swait.ge [sflag:s13], $0x3000;
	s26 =	smul.u32 $0x19, s26  }
0x24e: {  	[sflag:s13] =	ssyncset.done $0x0  }
0x24f: {  	[sflag:s13] =	ssyncadd.s32 $0xFFFFD000;
	s26 =	sadd.s32 s6, s26  }
0x250: {  	[tilespmem:s15], [sflag:$0xB] =	stream.linear.gather [hbm4b:s26+s4], $0xC8, $0x38;
	[tilespmem:$0x1F800] =	vst v63  }
0x251: {  	_ =	swait.ge [sflag:s14], $0x6400  }
0x252: {  	[sflag:s14] =	ssyncset.done $0x0  }
0x253: {  	[sflag:s14] =	ssyncadd.s32 $0xFFFF9C00  }
0x254: {  	_ =	swait.ge [sflag:s1], $0xC8  }
0x255: {  	[sflag:s1] =	ssyncset.done $0x0  }
0x256: {  	[sflag:s1] =	ssyncadd.s32 $0xFFFFFF38  }
0x257: {  	[tilespmem:s8], [sflag:$0x1] =	stream.indirect.gather [hbm4b:s2+s7], $0x80, s30, s7, $0xb8;
	[tilespmem:$0x1F800] =	vst v63  }
0x258: {  	s28 =	simm.s32 $0x9800;
	s29 =	simm.s32 $0x1F468;
	s26 =	simm.s32 $0xF0  }
0x259: {  	[tilespmem:s28], [sflag:$0x1] =	stream.indirect.gather [hbm4b:s2+s9], $0x80, s29, s9, $0xb8;
	[tilespmem:$0x1F800] =	vst v63  }
0x25a: {  	v6 =	vld [tilespmem:s26+$0xFFFFFF10]  }
0x25b: {  	v7 =	vld [tilespmem:s26+$0xFFFFFF20]  }
0x25c: {  	v8 =	vld [tilespmem:s26+$0xFFFFFF30]  }
0x25d: {  	v9 =	vld [tilespmem:s26+$0xFFFFFF40]  }
0x25e: {  	v10 =	vld [tilespmem:s26+$0xFFFFFF50]  }
0x25f: {  	v11 =	vld [tilespmem:s26+$0xFFFFFF60]  }
0x260: {  	v12 =	vld [tilespmem:s26+$0xFFFFFF70]  }
0x261: {  	v14 =	vld [tilespmem:s26+$0xFFFFFF80]  }
0x262: {  	v5 =	vld [tilespmem:s26+$0xFFFFFF90]  }
0x263: {  	v4 =	vld [tilespmem:s26+$0xFFFFFFA0]  }
0x264: {  	v3 =	vld [tilespmem:s26+$0xFFFFFFB0]  }
0x265: {  	v2 =	vld [tilespmem:s26+$0xFFFFFFC0]  }
0x266: {  	v1 =	vld [tilespmem:s26+$0xFFFFFFD0]  }
0x267: {  	v15 =	vld [tilespmem:s26+$0x12B20]  }
0x268: {  	v13 =	vld [tilespmem:s26+$0x12B10]  }
0x269: {  	v16 =	vld [tilespmem:s26+$0x12B30]  }
0x26a: {  	v0 =	vld [tilespmem:s26+$0xFFFFFFE0]  }
0x26b: {  	v18 =	vld [tilespmem:s26+$0x12B50]  }
0x26c: {  	v17 =	vld [tilespmem:s26+$0x12B40];
	v15 =	vmul.f32 $1.131370830e+01, v15  }
0x26d: {  	v19 =	vld [tilespmem:s26+$0x12B60];
	v13 =	vmul.f32 $1.131370830e+01, v13  }
0x26e: {  	v20 =	vld [tilespmem:s26+$0x12B70];
	v7 =	vadd.f32 v7, v15;
	v15 =	vmul.f32 $1.131370830e+01, v16  }
0x26f: {  	v6 =	vadd.f32 v6, v13;
	v13 =	vld [tilespmem:s26+$0x12B80]  }
0x270: {  	v21 =	vld [tilespmem:s26+$0x12B90];
	v8 =	vadd.f32 v8, v15;
	v15 =	vmul.f32 $1.131370830e+01, v18  }
0x271: {  	v62 =	vld [tilespmem:s26+$0x12BA0];
	v17 =	vmul.f32 $1.131370830e+01, v17;
	[tilespmem:s26+$0x12B10] =	vst v6  }
0x272: {  	v63 =	vmul.f32 $1.131370830e+01, v19;
	[tilespmem:s26+$0x12B20] =	vst v7;
	v6 =	vld [tilespmem:s26+$0x12BB0];
	v10 =	vadd.f32 v10, v15  }
0x273: {  	v9 =	vadd.f32 v9, v17;
	v7 =	vld [tilespmem:s26+$0x12BC0];
	[tilespmem:s26+$0x12B30] =	vst v8;
	v15 =	vmul.f32 $1.131370830e+01, v20  }
0x274: {  	v11 =	vadd.f32 v11, v63;
	v8 =	vld [tilespmem:s26+$0x12BD0];
	[tilespmem:s26+$0x12B50] =	vst v10;
	v10 =	vmul.f32 $1.131370830e+01, v13  }
0x275: {  	[tilespmem:s26+$0x12B40] =	vst v9;
	v9 =	vld [tilespmem:s26+$0x12BE0];
	v12 =	vadd.f32 v12, v15;
	v13 =	vmul.f32 $1.131370830e+01, v21  }
0x276: {  	s28 =	simm.s32 $0x7C0;
	[tilespmem:s26+$0x12B60] =	vst v11;
	v11 =	vmul.f32 $1.131370830e+01, v62;
	v14 =	vadd.f32 v14, v10;
	v10 =	vld [tilespmem:s26+$0x12BF0]  }
.LBB2_15:
0x277: {  	p0 =	sne.s32 s28, $0x18FC0;
	[tilespmem:s26+$0x12B70] =	vst v12;
	v5 =	vadd.f32 v5, v13;
	v6 =	vmul.f32 $1.131370830e+01, v6;
	v12 =	vld [tilespmem:s26+$0x12C00]  }
0x278: {  	[tilespmem:s26+$0x12B80] =	vst v14;
	v4 =	vadd.f32 v4, v11;
	v7 =	vmul.f32 $1.131370830e+01, v7;
	v11 =	vld [tilespmem:s26+$0xFFFFFFF0]  }
0x279: {  	s29 =	sshra.s32 s28, $0x2;
	[tilespmem:s26+$0x12B90] =	vst v5;
	v3 =	vadd.f32 v3, v6;
	v5 =	vmul.f32 $1.131370830e+01, v8;
	v6 =	vld [tilespmem:s26+$0x0]  }
0x27a: {  	v8 =	vld [tilespmem:s29+$0xFFFFFF10];
	[tilespmem:s26+$0x12BA0] =	vst v4;
	v2 =	vadd.f32 v2, v7;
	v4 =	vmul.f32 $1.131370830e+01, v9  }
0x27b: {  	v7 =	vld [tilespmem:s29+$0xFFFFFF20];
	[tilespmem:s26+$0x12BB0] =	vst v3;
	v1 =	vadd.f32 v1, v5;
	v3 =	vmul.f32 $1.131370830e+01, v10  }
0x27c: {  	v9 =	vld [tilespmem:s29+$0xFFFFFF30];
	[tilespmem:s26+$0x12BC0] =	vst v2;
	v0 =	vadd.f32 v0, v4;
	v2 =	vmul.f32 $1.131370830e+01, v12  }
0x27d: {  	v10 =	vld [tilespmem:s29+$0xFFFFFF40];
	[tilespmem:s26+$0x12BD0] =	vst v1;
	v1 =	vadd.f32 v11, v3  }
0x27e: {  	v11 =	vld [tilespmem:s29+$0xFFFFFF50];
	[tilespmem:s26+$0x12BE0] =	vst v0;
	v0 =	vadd.f32 v6, v2  }
0x27f: {  	v12 =	vld [tilespmem:s29+$0xFFFFFF60];
	[tilespmem:s26+$0x12BF0] =	vst v1  }
0x280: {  	v13 =	vld [tilespmem:s29+$0xFFFFFF70];
	[tilespmem:s26+$0x12C00] =	vst v0;
	s26 =	smov.u32 s29  }
0x281: {  	v14 =	vld [tilespmem:s26+$0xFFFFFF80]  }
0x282: {  	v5 =	vld [tilespmem:s26+$0xFFFFFF90]  }
0x283: {  	v4 =	vld [tilespmem:s26+$0xFFFFFFA0]  }
0x284: {  	v3 =	vld [tilespmem:s26+$0xFFFFFFB0]  }
0x285: {  	v2 =	vld [tilespmem:s26+$0xFFFFFFC0]  }
0x286: {  	v1 =	vld [tilespmem:s26+$0xFFFFFFD0]  }
0x287: {  	v0 =	vld [tilespmem:s26+$0xFFFFFFE0]  }
0x288: {  	v6 =	vld [tilespmem:s26+$0x12B10]  }
0x289: {  	v15 =	vld [tilespmem:s26+$0x12B20]  }
0x28a: {  	v16 =	vld [tilespmem:s26+$0x12B30]  }
0x28b: {  	v17 =	vld [tilespmem:s26+$0x12B40]  }
0x28c: {  	v18 =	vld [tilespmem:s26+$0x12B50]  }
0x28d: {  	v6 =	vmul.f32 $1.131370830e+01, v6;
	v19 =	vld [tilespmem:s26+$0x12B60]  }
0x28e: {  	v15 =	vmul.f32 $1.131370830e+01, v15;
	v20 =	vld [tilespmem:s26+$0x12B70]  }
0x28f: {  	v6 =	vadd.f32 v8, v6;
	v8 =	vmul.f32 $1.131370830e+01, v16;
	v16 =	vld [tilespmem:s26+$0x12B80]  }
0x290: {  	v7 =	vadd.f32 v7, v15;
	v15 =	vmul.f32 $1.131370830e+01, v17;
	v17 =	vld [tilespmem:s26+$0x12B90]  }
0x291: {  	[tilespmem:s26+$0x12B10] =	vst v6;
	v8 =	vadd.f32 v9, v8;
	v9 =	vmul.f32 $1.131370830e+01, v18;
	v18 =	vld [tilespmem:s26+$0x12BA0]  }
.Ltmp6:
0x292: {  	[tilespmem:s26+$0x12B20] =	vst v7;
	v10 =	vadd.f32 v10, v15;
	v15 =	vmul.f32 $1.131370830e+01, v19;
	v6 =	vld [tilespmem:s26+$0x12BB0];
	(pc) =	sbr.rel @p0 .LBB2_15-.Ltmp6, $4  }
0x293: {  	[tilespmem:s26+$0x12B30] =	vst v8;
	v9 =	vadd.f32 v11, v9;
	v11 =	vmul.f32 $1.131370830e+01, v20;
	v7 =	vld [tilespmem:s26+$0x12BC0]  }
0x294: {  	[tilespmem:s26+$0x12B40] =	vst v10;
	v10 =	vadd.f32 v12, v15;
	v15 =	vmul.f32 $1.131370830e+01, v16;
	v8 =	vld [tilespmem:s26+$0x12BD0]  }
0x295: {  	[tilespmem:s26+$0x12B50] =	vst v9;
	v12 =	vadd.f32 v13, v11;
	v13 =	vmul.f32 $1.131370830e+01, v17;
	v9 =	vld [tilespmem:s26+$0x12BE0]  }
0x296: {  	s28 =	sadd.s32 $0x400, s28;
	[tilespmem:s26+$0x12B60] =	vst v10;
	v14 =	vadd.f32 v14, v15;
	v11 =	vmul.f32 $1.131370830e+01, v18;
	v10 =	vld [tilespmem:s26+$0x12BF0]  }
0x297: {  	[tilespmem:s26+$0x12B70] =	vst v12;
	v12 =	vld [tilespmem:s26+$0x12C00];
	v5 =	vadd.f32 v5, v13;
	v6 =	vmul.f32 $1.131370830e+01, v6  }
0x298: {  	v13 =	vld [tilespmem:s26+$0xFFFFFFF0];
	[tilespmem:s26+$0x12B80] =	vst v14;
	v4 =	vadd.f32 v4, v11;
	v7 =	vmul.f32 $1.131370830e+01, v7  }
0x299: {  	[tilespmem:s26+$0x12B90] =	vst v5;
	v3 =	vadd.f32 v3, v6;
	v5 =	vmul.f32 $1.131370830e+01, v8;
	v6 =	vld [tilespmem:s26+$0x0]  }
0x29a: {  	[tilespmem:s26+$0x12BA0] =	vst v4;
	v2 =	vadd.f32 v2, v7;
	v4 =	vmul.f32 $1.131370830e+01, v9  }
0x29b: {  	[tilespmem:s26+$0x12BB0] =	vst v3;
	v1 =	vadd.f32 v1, v5;
	v3 =	vmul.f32 $1.131370830e+01, v10  }
0x29c: {  	[tilespmem:s26+$0x12BC0] =	vst v2;
	v0 =	vadd.f32 v0, v4;
	v2 =	vmul.f32 $1.131370830e+01, v12  }
0x29d: {  	[tilespmem:s26+$0x12BD0] =	vst v1;
	v1 =	vadd.f32 v13, v3  }
0x29e: {  	[tilespmem:s26+$0x12BE0] =	vst v0;
	v0 =	vadd.f32 v6, v2  }
0x29f: {  	[tilespmem:s26+$0x12BF0] =	vst v1  }
0x2a0: {  	s28 =	sadd.s32 $0x32000, s20;
	[tilespmem:s26+$0x12C00] =	vst v0  }
0x2a1: {  	[hbm4b:s28+s4] =	stream.linear.scatter [tilespmem:s21], [sflag:$0x7], $0x6400, $0x38;
	[tilespmem:$0x1F800] =	vst v63  }
0x2a2: {  	_ =	swait.ge [sflag:s22], $0x3400  }
0x2a3: {  	[sflag:s22] =	ssyncset.done $0x0;
	s29 =	rddreg [dreg:$0x1a]  }
0x2a4: {  	[sflag:s22] =	ssyncadd.s32 $0xFFFFCC00;
	s5 =	sadd.s32 s29, s5  }
0x2a5: {  	_ =	swait.ge [sflag:s22], $0x3000;
	s5 =	smul.u32 $0x19, s5  }
0x2a6: {  	[sflag:s22] =	ssyncset.done $0x0  }
0x2a7: {  	[sflag:s22] =	ssyncadd.s32 $0xFFFFD000;
	s5 =	sadd.s32 s6, s5  }
0x2a8: {  	[tilespmem:s16], [sflag:$0xC] =	stream.linear.gather [hbm4b:s5+s4], $0xC8, $0x38;
	[tilespmem:$0x1F800] =	vst v63  }
0x2a9: {  	_ =	swait.ge [sflag:s23], $0x6400  }
0x2aa: {  	[sflag:s23] =	ssyncset.done $0x0  }
0x2ab: {  	[sflag:s23] =	ssyncadd.s32 $0xFFFF9C00  }
0x2ac: {  	_ =	swait.ge [sflag:s0], $0xC8  }
0x2ad: {  	[sflag:s0] =	ssyncset.done $0x0  }
0x2ae: {  	[sflag:s0] =	ssyncadd.s32 $0xFFFFFF38  }
0x2af: {  	[tilespmem:s12], [sflag:$0x2] =	stream.indirect.gather [hbm4b:s2+s7], $0x80, s31, s7, $0xb8;
	[tilespmem:$0x1F800] =	vst v63  }
0x2b0: {  	s28 =	simm.s32 $0x1F568;
	s29 =	simm.s32 $0xFC00;
	s5 =	simm.s32 $0xF0  }
0x2b1: {  	[tilespmem:s29], [sflag:$0x2] =	stream.indirect.gather [hbm4b:s2+s9], $0x80, s28, s9, $0xb8;
	[tilespmem:$0x1F800] =	vst v63  }
0x2b2: {  	v6 =	vld [tilespmem:s5+$0xFFFFFF10]  }
0x2b3: {  	v7 =	vld [tilespmem:s5+$0xFFFFFF20]  }
0x2b4: {  	v8 =	vld [tilespmem:s5+$0xFFFFFF30]  }
0x2b5: {  	v9 =	vld [tilespmem:s5+$0xFFFFFF40]  }
0x2b6: {  	v10 =	vld [tilespmem:s5+$0xFFFFFF50]  }
0x2b7: {  	v11 =	vld [tilespmem:s5+$0xFFFFFF60]  }
0x2b8: {  	v12 =	vld [tilespmem:s5+$0xFFFFFF70]  }
0x2b9: {  	v14 =	vld [tilespmem:s5+$0xFFFFFF80]  }
0x2ba: {  	v5 =	vld [tilespmem:s5+$0xFFFFFF90]  }
0x2bb: {  	v4 =	vld [tilespmem:s5+$0xFFFFFFA0]  }
0x2bc: {  	v3 =	vld [tilespmem:s5+$0xFFFFFFB0]  }
0x2bd: {  	v2 =	vld [tilespmem:s5+$0xFFFFFFC0]  }
0x2be: {  	v1 =	vld [tilespmem:s5+$0xFFFFFFD0]  }
0x2bf: {  	v15 =	vld [tilespmem:s5+$0x18F20]  }
0x2c0: {  	v13 =	vld [tilespmem:s5+$0x18F10]  }
0x2c1: {  	v16 =	vld [tilespmem:s5+$0x18F30]  }
0x2c2: {  	v0 =	vld [tilespmem:s5+$0xFFFFFFE0]  }
0x2c3: {  	v18 =	vld [tilespmem:s5+$0x18F50]  }
0x2c4: {  	v17 =	vld [tilespmem:s5+$0x18F40];
	v15 =	vmul.f32 $1.131370830e+01, v15  }
0x2c5: {  	v19 =	vld [tilespmem:s5+$0x18F60];
	v13 =	vmul.f32 $1.131370830e+01, v13  }
0x2c6: {  	v20 =	vld [tilespmem:s5+$0x18F70];
	v7 =	vadd.f32 v7, v15;
	v15 =	vmul.f32 $1.131370830e+01, v16  }
0x2c7: {  	v6 =	vadd.f32 v6, v13;
	v13 =	vld [tilespmem:s5+$0x18F80]  }
0x2c8: {  	v21 =	vld [tilespmem:s5+$0x18F90];
	v8 =	vadd.f32 v8, v15;
	v15 =	vmul.f32 $1.131370830e+01, v18  }
0x2c9: {  	v62 =	vld [tilespmem:s5+$0x18FA0];
	v17 =	vmul.f32 $1.131370830e+01, v17;
	[tilespmem:s5+$0x18F10] =	vst v6  }
0x2ca: {  	v63 =	vmul.f32 $1.131370830e+01, v19;
	[tilespmem:s5+$0x18F20] =	vst v7;
	v6 =	vld [tilespmem:s5+$0x18FB0];
	v10 =	vadd.f32 v10, v15  }
0x2cb: {  	v9 =	vadd.f32 v9, v17;
	v7 =	vld [tilespmem:s5+$0x18FC0];
	[tilespmem:s5+$0x18F30] =	vst v8;
	v15 =	vmul.f32 $1.131370830e+01, v20  }
0x2cc: {  	v11 =	vadd.f32 v11, v63;
	v8 =	vld [tilespmem:s5+$0x18FD0];
	[tilespmem:s5+$0x18F50] =	vst v10;
	v10 =	vmul.f32 $1.131370830e+01, v13  }
0x2cd: {  	[tilespmem:s5+$0x18F40] =	vst v9;
	v9 =	vld [tilespmem:s5+$0x18FE0];
	v12 =	vadd.f32 v12, v15;
	v13 =	vmul.f32 $1.131370830e+01, v21  }
0x2ce: {  	s26 =	simm.s32 $0x7C0;
	[tilespmem:s5+$0x18F60] =	vst v11;
	v11 =	vmul.f32 $1.131370830e+01, v62;
	v14 =	vadd.f32 v14, v10;
	v10 =	vld [tilespmem:s5+$0x18FF0]  }
.LBB2_17:
0x2cf: {  	p0 =	sne.s32 s26, $0x18FC0;
	[tilespmem:s5+$0x18F70] =	vst v12;
	v5 =	vadd.f32 v5, v13;
	v6 =	vmul.f32 $1.131370830e+01, v6;
	v12 =	vld [tilespmem:s5+$0x19000]  }
0x2d0: {  	[tilespmem:s5+$0x18F80] =	vst v14;
	v4 =	vadd.f32 v4, v11;
	v7 =	vmul.f32 $1.131370830e+01, v7;
	v11 =	vld [tilespmem:s5+$0xFFFFFFF0]  }
0x2d1: {  	s28 =	sshra.s32 s26, $0x2;
	[tilespmem:s5+$0x18F90] =	vst v5;
	v3 =	vadd.f32 v3, v6;
	v5 =	vmul.f32 $1.131370830e+01, v8;
	v6 =	vld [tilespmem:s5+$0x0]  }
0x2d2: {  	v8 =	vld [tilespmem:s28+$0xFFFFFF10];
	[tilespmem:s5+$0x18FA0] =	vst v4;
	v2 =	vadd.f32 v2, v7;
	v4 =	vmul.f32 $1.131370830e+01, v9  }
0x2d3: {  	v7 =	vld [tilespmem:s28+$0xFFFFFF20];
	[tilespmem:s5+$0x18FB0] =	vst v3;
	v1 =	vadd.f32 v1, v5;
	v3 =	vmul.f32 $1.131370830e+01, v10  }
0x2d4: {  	v9 =	vld [tilespmem:s28+$0xFFFFFF30];
	[tilespmem:s5+$0x18FC0] =	vst v2;
	v0 =	vadd.f32 v0, v4;
	v2 =	vmul.f32 $1.131370830e+01, v12  }
0x2d5: {  	v10 =	vld [tilespmem:s28+$0xFFFFFF40];
	[tilespmem:s5+$0x18FD0] =	vst v1;
	v1 =	vadd.f32 v11, v3  }
0x2d6: {  	v11 =	vld [tilespmem:s28+$0xFFFFFF50];
	[tilespmem:s5+$0x18FE0] =	vst v0;
	v0 =	vadd.f32 v6, v2  }
0x2d7: {  	v12 =	vld [tilespmem:s28+$0xFFFFFF60];
	[tilespmem:s5+$0x18FF0] =	vst v1  }
0x2d8: {  	v13 =	vld [tilespmem:s28+$0xFFFFFF70];
	[tilespmem:s5+$0x19000] =	vst v0;
	s5 =	smov.u32 s28  }
0x2d9: {  	v14 =	vld [tilespmem:s5+$0xFFFFFF80]  }
0x2da: {  	v5 =	vld [tilespmem:s5+$0xFFFFFF90]  }
0x2db: {  	v4 =	vld [tilespmem:s5+$0xFFFFFFA0]  }
0x2dc: {  	v3 =	vld [tilespmem:s5+$0xFFFFFFB0]  }
0x2dd: {  	v2 =	vld [tilespmem:s5+$0xFFFFFFC0]  }
0x2de: {  	v1 =	vld [tilespmem:s5+$0xFFFFFFD0]  }
0x2df: {  	v0 =	vld [tilespmem:s5+$0xFFFFFFE0]  }
0x2e0: {  	v6 =	vld [tilespmem:s5+$0x18F10]  }
0x2e1: {  	v15 =	vld [tilespmem:s5+$0x18F20]  }
0x2e2: {  	v16 =	vld [tilespmem:s5+$0x18F30]  }
0x2e3: {  	v17 =	vld [tilespmem:s5+$0x18F40]  }
0x2e4: {  	v18 =	vld [tilespmem:s5+$0x18F50]  }
0x2e5: {  	v6 =	vmul.f32 $1.131370830e+01, v6;
	v19 =	vld [tilespmem:s5+$0x18F60]  }
0x2e6: {  	v15 =	vmul.f32 $1.131370830e+01, v15;
	v20 =	vld [tilespmem:s5+$0x18F70]  }
0x2e7: {  	v6 =	vadd.f32 v8, v6;
	v8 =	vmul.f32 $1.131370830e+01, v16;
	v16 =	vld [tilespmem:s5+$0x18F80]  }
0x2e8: {  	v7 =	vadd.f32 v7, v15;
	v15 =	vmul.f32 $1.131370830e+01, v17;
	v17 =	vld [tilespmem:s5+$0x18F90]  }
0x2e9: {  	[tilespmem:s5+$0x18F10] =	vst v6;
	v8 =	vadd.f32 v9, v8;
	v9 =	vmul.f32 $1.131370830e+01, v18;
	v18 =	vld [tilespmem:s5+$0x18FA0]  }
.Ltmp7:
0x2ea: {  	[tilespmem:s5+$0x18F20] =	vst v7;
	v10 =	vadd.f32 v10, v15;
	v15 =	vmul.f32 $1.131370830e+01, v19;
	v6 =	vld [tilespmem:s5+$0x18FB0];
	(pc) =	sbr.rel @p0 .LBB2_17-.Ltmp7, $4  }
0x2eb: {  	[tilespmem:s5+$0x18F30] =	vst v8;
	v9 =	vadd.f32 v11, v9;
	v11 =	vmul.f32 $1.131370830e+01, v20;
	v7 =	vld [tilespmem:s5+$0x18FC0]  }
0x2ec: {  	[tilespmem:s5+$0x18F40] =	vst v10;
	v10 =	vadd.f32 v12, v15;
	v15 =	vmul.f32 $1.131370830e+01, v16;
	v8 =	vld [tilespmem:s5+$0x18FD0]  }
0x2ed: {  	[tilespmem:s5+$0x18F50] =	vst v9;
	v12 =	vadd.f32 v13, v11;
	v13 =	vmul.f32 $1.131370830e+01, v17;
	v9 =	vld [tilespmem:s5+$0x18FE0]  }
0x2ee: {  	s26 =	sadd.s32 $0x400, s26;
	[tilespmem:s5+$0x18F60] =	vst v10;
	v14 =	vadd.f32 v14, v15;
	v11 =	vmul.f32 $1.131370830e+01, v18;
	v10 =	vld [tilespmem:s5+$0x18FF0]  }
0x2ef: {  	[tilespmem:s5+$0x18F70] =	vst v12;
	v55 =	vld [tilespmem:s5+$0x19000];
	v5 =	vadd.f32 v5, v13;
	v6 =	vmul.f32 $1.131370830e+01, v6  }
0x2f0: {  	v56 =	vld [tilespmem:s5+$0xFFFFFFF0];
	[tilespmem:s5+$0x18F80] =	vst v14;
	v4 =	vadd.f32 v4, v11;
	v7 =	vmul.f32 $1.131370830e+01, v7  }
0x2f1: {  	v58 =	vld [tilespmem:s5+$0x0];
	[tilespmem:s5+$0x18F90] =	vst v5;
	v3 =	vadd.f32 v3, v6;
	v57 =	vmul.f32 $1.131370830e+01, v8  }
0x2f2: {  	[tilespmem:s5+$0x18FA0] =	vst v4;
	v2 =	vadd.f32 v2, v7;
	v59 =	vmul.f32 $1.131370830e+01, v9  }
0x2f3: {  	s3 =	sadd.s32 $0x1, s3;
	[tilespmem:s5+$0x18FB0] =	vst v3;
	v1 =	vadd.f32 v1, v57;
	v60 =	vmul.f32 $1.131370830e+01, v10  }
0x2f4: {  	p0 =	sne.s32 s3, $0x7;
	[tilespmem:s5+$0x18FC0] =	vst v2;
	v0 =	vadd.f32 v0, v59;
	v61 =	vmul.f32 $1.131370830e+01, v55  }
.Ltmp8:
0x2f5: {  	[tilespmem:s5+$0x18FD0] =	vst v1;
	v62 =	vadd.f32 v56, v60;
	(pc) =	sbr.rel @p0 .LBB2_10-.Ltmp8, $4  }
0x2f6: {  	[tilespmem:s5+$0x18FE0] =	vst v0;
	v63 =	vadd.f32 v58, v61  }
0x2f7: {  	[tilespmem:s5+$0x18FF0] =	vst v62  }
0x2f8: {  	s29 =	sadd.s32 $0x4B000, s20;
	[tilespmem:s5+$0x19000] =	vst v63  }
0x2f9: {  	[hbm4b:s29+s4] =	stream.linear.scatter [tilespmem:s17], [sflag:$0x8], $0x6400, $0x38;
	[tilespmem:$0x1F800] =	vst v63  }
0x2fa: {  	_ =	swait.ge [sflag:s18], $0x3400  }
0x2fb: {  	[sflag:s18] =	ssyncset.done $0x0  }
0x2fc: {  	[sflag:s18] =	ssyncadd.s32 $0xFFFFCC00  }
0x2fd: {  	_ =	swait.ge [sflag:s18], $0x3000  }
0x2fe: {  	[sflag:s18] =	ssyncset.done $0x0  }
0x2ff: {  	[sflag:s18] =	ssyncadd.s32 $0xFFFFD000  }
0x300: {  	_ =	swait.ge [sflag:s10], $0x6400  }
0x301: {  	[sflag:s10] =	ssyncset.done $0x0  }
0x302: {  	[sflag:s10] =	ssyncadd.s32 $0xFFFF9C00  }
0x303: {  	_ =	swait.ge [sflag:s19], $0xC8  }
0x304: {  	[sflag:s19] =	ssyncset.done $0x0  }
0x305: {  	[sflag:s19] =	ssyncadd.s32 $0xFFFFFF38  }
0x306: {  	[tilespmem:s21], [sflag:$0x3] =	stream.indirect.gather [hbm4b:s2+s7], $0x80, s15, s7, $0xb8;
	[tilespmem:$0x1F800] =	vst v63  }
0x307: {  	s3 =	simm.s32 $0x1F668;
	s5 =	simm.s32 $0x16000  }
0x308: {  	[tilespmem:s5], [sflag:$0x3] =	stream.indirect.gather [hbm4b:s2+s9], $0x80, s3, s9, $0xb8;
	[tilespmem:$0x1F800] =	vst v63  }
0x309: {  	s3 =	simm.s32 $0xF0  }
0x30a: {  	v6 =	vld [tilespmem:s3+$0xFFFFFF10]  }
0x30b: {  	v7 =	vld [tilespmem:s3+$0xFFFFFF20]  }
0x30c: {  	v8 =	vld [tilespmem:s3+$0xFFFFFF30]  }
0x30d: {  	v9 =	vld [tilespmem:s3+$0xFFFFFF40]  }
0x30e: {  	v10 =	vld [tilespmem:s3+$0xFFFFFF50]  }
0x30f: {  	v11 =	vld [tilespmem:s3+$0xFFFFFF60]  }
0x310: {  	v12 =	vld [tilespmem:s3+$0xFFFFFF70]  }
0x311: {  	v14 =	vld [tilespmem:s3+$0xFFFFFF80]  }
0x312: {  	v5 =	vld [tilespmem:s3+$0xFFFFFF90]  }
0x313: {  	v4 =	vld [tilespmem:s3+$0xFFFFFFA0]  }
0x314: {  	v3 =	vld [tilespmem:s3+$0xFFFFFFB0]  }
0x315: {  	v2 =	vld [tilespmem:s3+$0xFFFFFFC0]  }
0x316: {  	v1 =	vld [tilespmem:s3+$0xFFFFFFD0]  }
0x317: {  	v15 =	vld [tilespmem:s3+$0x6320]  }
0x318: {  	v13 =	vld [tilespmem:s3+$0x6310]  }
0x319: {  	v16 =	vld [tilespmem:s3+$0x6330]  }
0x31a: {  	v0 =	vld [tilespmem:s3+$0xFFFFFFE0]  }
0x31b: {  	v18 =	vld [tilespmem:s3+$0x6350]  }
0x31c: {  	v17 =	vld [tilespmem:s3+$0x6340];
	v15 =	vmul.f32 $1.131370830e+01, v15  }
0x31d: {  	v19 =	vld [tilespmem:s3+$0x6360];
	v13 =	vmul.f32 $1.131370830e+01, v13  }
0x31e: {  	v20 =	vld [tilespmem:s3+$0x6370];
	v7 =	vadd.f32 v7, v15;
	v15 =	vmul.f32 $1.131370830e+01, v16  }
0x31f: {  	v6 =	vadd.f32 v6, v13;
	v13 =	vld [tilespmem:s3+$0x6380]  }
0x320: {  	v21 =	vld [tilespmem:s3+$0x6390];
	v8 =	vadd.f32 v8, v15;
	v15 =	vmul.f32 $1.131370830e+01, v18  }
0x321: {  	v62 =	vld [tilespmem:s3+$0x63A0];
	v17 =	vmul.f32 $1.131370830e+01, v17;
	[tilespmem:s3+$0x6310] =	vst v6  }
0x322: {  	v63 =	vmul.f32 $1.131370830e+01, v19;
	[tilespmem:s3+$0x6320] =	vst v7;
	v6 =	vld [tilespmem:s3+$0x63B0];
	v10 =	vadd.f32 v10, v15  }
0x323: {  	v9 =	vadd.f32 v9, v17;
	v7 =	vld [tilespmem:s3+$0x63C0];
	[tilespmem:s3+$0x6330] =	vst v8;
	v15 =	vmul.f32 $1.131370830e+01, v20  }
0x324: {  	v11 =	vadd.f32 v11, v63;
	v8 =	vld [tilespmem:s3+$0x63D0];
	[tilespmem:s3+$0x6350] =	vst v10;
	v10 =	vmul.f32 $1.131370830e+01, v13  }
0x325: {  	[tilespmem:s3+$0x6340] =	vst v9;
	v9 =	vld [tilespmem:s3+$0x63E0];
	v12 =	vadd.f32 v12, v15;
	v13 =	vmul.f32 $1.131370830e+01, v21  }
0x326: {  	s5 =	simm.s32 $0x7C0;
	[tilespmem:s3+$0x6360] =	vst v11;
	v11 =	vmul.f32 $1.131370830e+01, v62;
	v14 =	vadd.f32 v14, v10;
	v10 =	vld [tilespmem:s3+$0x63F0]  }
.LBB2_20:
0x327: {  	p0 =	sne.s32 s5, $0x18FC0;
	[tilespmem:s3+$0x6370] =	vst v12;
	v5 =	vadd.f32 v5, v13;
	v6 =	vmul.f32 $1.131370830e+01, v6;
	v12 =	vld [tilespmem:s3+$0x6400]  }
0x328: {  	[tilespmem:s3+$0x6380] =	vst v14;
	v4 =	vadd.f32 v4, v11;
	v7 =	vmul.f32 $1.131370830e+01, v7;
	v11 =	vld [tilespmem:s3+$0xFFFFFFF0]  }
0x329: {  	s20 =	sshra.s32 s5, $0x2;
	[tilespmem:s3+$0x6390] =	vst v5;
	v3 =	vadd.f32 v3, v6;
	v5 =	vmul.f32 $1.131370830e+01, v8;
	v6 =	vld [tilespmem:s3+$0x0]  }
0x32a: {  	v8 =	vld [tilespmem:s20+$0xFFFFFF10];
	[tilespmem:s3+$0x63A0] =	vst v4;
	v2 =	vadd.f32 v2, v7;
	v4 =	vmul.f32 $1.131370830e+01, v9  }
0x32b: {  	v7 =	vld [tilespmem:s20+$0xFFFFFF20];
	[tilespmem:s3+$0x63B0] =	vst v3;
	v1 =	vadd.f32 v1, v5;
	v3 =	vmul.f32 $1.131370830e+01, v10  }
0x32c: {  	v9 =	vld [tilespmem:s20+$0xFFFFFF30];
	[tilespmem:s3+$0x63C0] =	vst v2;
	v0 =	vadd.f32 v0, v4;
	v2 =	vmul.f32 $1.131370830e+01, v12  }
0x32d: {  	v10 =	vld [tilespmem:s20+$0xFFFFFF40];
	[tilespmem:s3+$0x63D0] =	vst v1;
	v1 =	vadd.f32 v11, v3  }
0x32e: {  	v11 =	vld [tilespmem:s20+$0xFFFFFF50];
	[tilespmem:s3+$0x63E0] =	vst v0;
	v0 =	vadd.f32 v6, v2  }
0x32f: {  	v12 =	vld [tilespmem:s20+$0xFFFFFF60];
	[tilespmem:s3+$0x63F0] =	vst v1  }
0x330: {  	v13 =	vld [tilespmem:s20+$0xFFFFFF70];
	[tilespmem:s3+$0x6400] =	vst v0;
	s3 =	smov.u32 s20  }
0x331: {  	v14 =	vld [tilespmem:s3+$0xFFFFFF80]  }
0x332: {  	v5 =	vld [tilespmem:s3+$0xFFFFFF90]  }
0x333: {  	v4 =	vld [tilespmem:s3+$0xFFFFFFA0]  }
0x334: {  	v3 =	vld [tilespmem:s3+$0xFFFFFFB0]  }
0x335: {  	v2 =	vld [tilespmem:s3+$0xFFFFFFC0]  }
0x336: {  	v1 =	vld [tilespmem:s3+$0xFFFFFFD0]  }
0x337: {  	v0 =	vld [tilespmem:s3+$0xFFFFFFE0]  }
0x338: {  	v6 =	vld [tilespmem:s3+$0x6310]  }
0x339: {  	v15 =	vld [tilespmem:s3+$0x6320]  }
0x33a: {  	v16 =	vld [tilespmem:s3+$0x6330]  }
0x33b: {  	v17 =	vld [tilespmem:s3+$0x6340]  }
0x33c: {  	v18 =	vld [tilespmem:s3+$0x6350]  }
0x33d: {  	v6 =	vmul.f32 $1.131370830e+01, v6;
	v19 =	vld [tilespmem:s3+$0x6360]  }
0x33e: {  	v15 =	vmul.f32 $1.131370830e+01, v15;
	v20 =	vld [tilespmem:s3+$0x6370]  }
0x33f: {  	v6 =	vadd.f32 v8, v6;
	v8 =	vmul.f32 $1.131370830e+01, v16;
	v16 =	vld [tilespmem:s3+$0x6380]  }
0x340: {  	v7 =	vadd.f32 v7, v15;
	v15 =	vmul.f32 $1.131370830e+01, v17;
	v17 =	vld [tilespmem:s3+$0x6390]  }
0x341: {  	[tilespmem:s3+$0x6310] =	vst v6;
	v8 =	vadd.f32 v9, v8;
	v9 =	vmul.f32 $1.131370830e+01, v18;
	v18 =	vld [tilespmem:s3+$0x63A0]  }
.Ltmp9:
0x342: {  	[tilespmem:s3+$0x6320] =	vst v7;
	v10 =	vadd.f32 v10, v15;
	v15 =	vmul.f32 $1.131370830e+01, v19;
	v6 =	vld [tilespmem:s3+$0x63B0];
	(pc) =	sbr.rel @p0 .LBB2_20-.Ltmp9, $4  }
0x343: {  	[tilespmem:s3+$0x6330] =	vst v8;
	v9 =	vadd.f32 v11, v9;
	v11 =	vmul.f32 $1.131370830e+01, v20;
	v7 =	vld [tilespmem:s3+$0x63C0]  }
0x344: {  	[tilespmem:s3+$0x6340] =	vst v10;
	v10 =	vadd.f32 v12, v15;
	v15 =	vmul.f32 $1.131370830e+01, v16;
	v8 =	vld [tilespmem:s3+$0x63D0]  }
0x345: {  	[tilespmem:s3+$0x6350] =	vst v9;
	v12 =	vadd.f32 v13, v11;
	v13 =	vmul.f32 $1.131370830e+01, v17;
	v9 =	vld [tilespmem:s3+$0x63E0]  }
0x346: {  	s5 =	sadd.s32 $0x400, s5;
	[tilespmem:s3+$0x6360] =	vst v10;
	v14 =	vadd.f32 v14, v15;
	v11 =	vmul.f32 $1.131370830e+01, v18;
	v10 =	vld [tilespmem:s3+$0x63F0]  }
0x347: {  	[tilespmem:s3+$0x6370] =	vst v12;
	v12 =	vld [tilespmem:s3+$0x6400];
	v5 =	vadd.f32 v5, v13;
	v6 =	vmul.f32 $1.131370830e+01, v6  }
0x348: {  	v13 =	vld [tilespmem:s3+$0xFFFFFFF0];
	[tilespmem:s3+$0x6380] =	vst v14;
	v4 =	vadd.f32 v4, v11;
	v7 =	vmul.f32 $1.131370830e+01, v7  }
0x349: {  	[tilespmem:s3+$0x6390] =	vst v5;
	v3 =	vadd.f32 v3, v6;
	v5 =	vmul.f32 $1.131370830e+01, v8;
	v6 =	vld [tilespmem:s3+$0x0]  }
0x34a: {  	[tilespmem:s3+$0x63A0] =	vst v4;
	v2 =	vadd.f32 v2, v7;
	v4 =	vmul.f32 $1.131370830e+01, v9  }
0x34b: {  	[tilespmem:s3+$0x63B0] =	vst v3;
	v1 =	vadd.f32 v1, v5;
	v3 =	vmul.f32 $1.131370830e+01, v10  }
0x34c: {  	[tilespmem:s3+$0x63C0] =	vst v2;
	v0 =	vadd.f32 v0, v4;
	v2 =	vmul.f32 $1.131370830e+01, v12  }
0x34d: {  	[tilespmem:s3+$0x63D0] =	vst v1;
	v1 =	vadd.f32 v13, v3  }
0x34e: {  	[tilespmem:s3+$0x63E0] =	vst v0;
	v0 =	vadd.f32 v6, v2  }
0x34f: {  	[tilespmem:s3+$0x63F0] =	vst v1  }
0x350: {  	s28 =	rddreg [dreg:$0x13];
	[tilespmem:s3+$0x6400] =	vst v0  }
0x351: {  	[hbm4b:s28+s4] =	stream.linear.scatter [tilespmem:s8], [sflag:$0x5], $0x6400, $0x38;
	[tilespmem:$0x1F800] =	vst v63  }
0x352: {  	_ =	swait.ge [sflag:s24], $0x3400  }
0x353: {  	[sflag:s24] =	ssyncset.done $0x0  }
0x354: {  	[sflag:s24] =	ssyncadd.s32 $0xFFFFCC00  }
0x355: {  	_ =	swait.ge [sflag:s24], $0x3000  }
0x356: {  	[sflag:s24] =	ssyncset.done $0x0  }
0x357: {  	[sflag:s24] =	ssyncadd.s32 $0xFFFFD000  }
0x358: {  	_ =	swait.ge [sflag:s11], $0x6400  }
0x359: {  	[sflag:s11] =	ssyncset.done $0x0  }
0x35a: {  	[sflag:s11] =	ssyncadd.s32 $0xFFFF9C00  }
0x35b: {  	_ =	swait.ge [sflag:s25], $0xC8  }
0x35c: {  	[sflag:s25] =	ssyncset.done $0x0  }
0x35d: {  	[sflag:s25] =	ssyncadd.s32 $0xFFFFFF38  }
0x35e: {  	[tilespmem:s17], [sflag:$0x4] =	stream.indirect.gather [hbm4b:s2+s7], $0x80, s16, s7, $0xb8;
	[tilespmem:$0x1F800] =	vst v63  }
0x35f: {  	s29 =	simm.s32 $0x1F768;
	s5 =	simm.s32 $0x1C400;
	s3 =	simm.s32 $0xF0  }
0x360: {  	[tilespmem:s5], [sflag:$0x4] =	stream.indirect.gather [hbm4b:s2+s9], $0x80, s29, s9, $0xb8;
	[tilespmem:$0x1F800] =	vst v63  }
0x361: {  	v6 =	vld [tilespmem:s3+$0xFFFFFF10]  }
0x362: {  	v7 =	vld [tilespmem:s3+$0xFFFFFF20]  }
0x363: {  	v8 =	vld [tilespmem:s3+$0xFFFFFF30]  }
0x364: {  	v9 =	vld [tilespmem:s3+$0xFFFFFF40]  }
0x365: {  	v10 =	vld [tilespmem:s3+$0xFFFFFF50]  }
0x366: {  	v11 =	vld [tilespmem:s3+$0xFFFFFF60]  }
0x367: {  	v12 =	vld [tilespmem:s3+$0xFFFFFF70]  }
0x368: {  	v14 =	vld [tilespmem:s3+$0xFFFFFF80]  }
0x369: {  	v5 =	vld [tilespmem:s3+$0xFFFFFF90]  }
0x36a: {  	v4 =	vld [tilespmem:s3+$0xFFFFFFA0]  }
0x36b: {  	v3 =	vld [tilespmem:s3+$0xFFFFFFB0]  }
0x36c: {  	v2 =	vld [tilespmem:s3+$0xFFFFFFC0]  }
0x36d: {  	v1 =	vld [tilespmem:s3+$0xFFFFFFD0]  }
0x36e: {  	v15 =	vld [tilespmem:s3+$0xC720]  }
0x36f: {  	v13 =	vld [tilespmem:s3+$0xC710]  }
0x370: {  	v16 =	vld [tilespmem:s3+$0xC730]  }
0x371: {  	v0 =	vld [tilespmem:s3+$0xFFFFFFE0]  }
0x372: {  	v18 =	vld [tilespmem:s3+$0xC750]  }
0x373: {  	v17 =	vld [tilespmem:s3+$0xC740];
	v15 =	vmul.f32 $1.131370830e+01, v15  }
0x374: {  	v19 =	vld [tilespmem:s3+$0xC760];
	v13 =	vmul.f32 $1.131370830e+01, v13  }
0x375: {  	v20 =	vld [tilespmem:s3+$0xC770];
	v7 =	vadd.f32 v7, v15;
	v15 =	vmul.f32 $1.131370830e+01, v16  }
0x376: {  	v6 =	vadd.f32 v6, v13;
	v13 =	vld [tilespmem:s3+$0xC780]  }
0x377: {  	v21 =	vld [tilespmem:s3+$0xC790];
	v8 =	vadd.f32 v8, v15;
	v15 =	vmul.f32 $1.131370830e+01, v18  }
0x378: {  	v62 =	vld [tilespmem:s3+$0xC7A0];
	v17 =	vmul.f32 $1.131370830e+01, v17;
	[tilespmem:s3+$0xC710] =	vst v6  }
0x379: {  	v63 =	vmul.f32 $1.131370830e+01, v19;
	[tilespmem:s3+$0xC720] =	vst v7;
	v6 =	vld [tilespmem:s3+$0xC7B0];
	v10 =	vadd.f32 v10, v15  }
0x37a: {  	v9 =	vadd.f32 v9, v17;
	v7 =	vld [tilespmem:s3+$0xC7C0];
	[tilespmem:s3+$0xC730] =	vst v8;
	v15 =	vmul.f32 $1.131370830e+01, v20  }
0x37b: {  	v11 =	vadd.f32 v11, v63;
	v8 =	vld [tilespmem:s3+$0xC7D0];
	[tilespmem:s3+$0xC750] =	vst v10;
	v10 =	vmul.f32 $1.131370830e+01, v13  }
0x37c: {  	[tilespmem:s3+$0xC740] =	vst v9;
	v9 =	vld [tilespmem:s3+$0xC7E0];
	v12 =	vadd.f32 v12, v15;
	v13 =	vmul.f32 $1.131370830e+01, v21  }
0x37d: {  	s5 =	simm.s32 $0x7C0;
	[tilespmem:s3+$0xC760] =	vst v11;
	v11 =	vmul.f32 $1.131370830e+01, v62;
	v14 =	vadd.f32 v14, v10;
	v10 =	vld [tilespmem:s3+$0xC7F0]  }
.LBB2_22:
0x37e: {  	p0 =	sne.s32 s5, $0x18FC0;
	[tilespmem:s3+$0xC770] =	vst v12;
	v5 =	vadd.f32 v5, v13;
	v6 =	vmul.f32 $1.131370830e+01, v6;
	v12 =	vld [tilespmem:s3+$0xC800]  }
0x37f: {  	[tilespmem:s3+$0xC780] =	vst v14;
	v4 =	vadd.f32 v4, v11;
	v7 =	vmul.f32 $1.131370830e+01, v7;
	v11 =	vld [tilespmem:s3+$0xFFFFFFF0]  }
0x380: {  	s20 =	sshra.s32 s5, $0x2;
	[tilespmem:s3+$0xC790] =	vst v5;
	v3 =	vadd.f32 v3, v6;
	v5 =	vmul.f32 $1.131370830e+01, v8;
	v6 =	vld [tilespmem:s3+$0x0]  }
0x381: {  	v8 =	vld [tilespmem:s20+$0xFFFFFF10];
	[tilespmem:s3+$0xC7A0] =	vst v4;
	v2 =	vadd.f32 v2, v7;
	v4 =	vmul.f32 $1.131370830e+01, v9  }
0x382: {  	v7 =	vld [tilespmem:s20+$0xFFFFFF20];
	[tilespmem:s3+$0xC7B0] =	vst v3;
	v1 =	vadd.f32 v1, v5;
	v3 =	vmul.f32 $1.131370830e+01, v10  }
0x383: {  	v9 =	vld [tilespmem:s20+$0xFFFFFF30];
	[tilespmem:s3+$0xC7C0] =	vst v2;
	v0 =	vadd.f32 v0, v4;
	v2 =	vmul.f32 $1.131370830e+01, v12  }
0x384: {  	v10 =	vld [tilespmem:s20+$0xFFFFFF40];
	[tilespmem:s3+$0xC7D0] =	vst v1;
	v1 =	vadd.f32 v11, v3  }
0x385: {  	v11 =	vld [tilespmem:s20+$0xFFFFFF50];
	[tilespmem:s3+$0xC7E0] =	vst v0;
	v0 =	vadd.f32 v6, v2  }
0x386: {  	v12 =	vld [tilespmem:s20+$0xFFFFFF60];
	[tilespmem:s3+$0xC7F0] =	vst v1  }
0x387: {  	v13 =	vld [tilespmem:s20+$0xFFFFFF70];
	[tilespmem:s3+$0xC800] =	vst v0;
	s3 =	smov.u32 s20  }
0x388: {  	v14 =	vld [tilespmem:s3+$0xFFFFFF80]  }
0x389: {  	v5 =	vld [tilespmem:s3+$0xFFFFFF90]  }
0x38a: {  	v4 =	vld [tilespmem:s3+$0xFFFFFFA0]  }
0x38b: {  	v3 =	vld [tilespmem:s3+$0xFFFFFFB0]  }
0x38c: {  	v2 =	vld [tilespmem:s3+$0xFFFFFFC0]  }
0x38d: {  	v1 =	vld [tilespmem:s3+$0xFFFFFFD0]  }
0x38e: {  	v0 =	vld [tilespmem:s3+$0xFFFFFFE0]  }
0x38f: {  	v6 =	vld [tilespmem:s3+$0xC710]  }
0x390: {  	v15 =	vld [tilespmem:s3+$0xC720]  }
0x391: {  	v16 =	vld [tilespmem:s3+$0xC730]  }
0x392: {  	v17 =	vld [tilespmem:s3+$0xC740]  }
0x393: {  	v18 =	vld [tilespmem:s3+$0xC750]  }
0x394: {  	v6 =	vmul.f32 $1.131370830e+01, v6;
	v19 =	vld [tilespmem:s3+$0xC760]  }
0x395: {  	v15 =	vmul.f32 $1.131370830e+01, v15;
	v20 =	vld [tilespmem:s3+$0xC770]  }
0x396: {  	v6 =	vadd.f32 v8, v6;
	v8 =	vmul.f32 $1.131370830e+01, v16;
	v16 =	vld [tilespmem:s3+$0xC780]  }
0x397: {  	v7 =	vadd.f32 v7, v15;
	v15 =	vmul.f32 $1.131370830e+01, v17;
	v17 =	vld [tilespmem:s3+$0xC790]  }
0x398: {  	[tilespmem:s3+$0xC710] =	vst v6;
	v8 =	vadd.f32 v9, v8;
	v9 =	vmul.f32 $1.131370830e+01, v18;
	v18 =	vld [tilespmem:s3+$0xC7A0]  }
.Ltmp10:
0x399: {  	[tilespmem:s3+$0xC720] =	vst v7;
	v10 =	vadd.f32 v10, v15;
	v15 =	vmul.f32 $1.131370830e+01, v19;
	v6 =	vld [tilespmem:s3+$0xC7B0];
	(pc) =	sbr.rel @p0 .LBB2_22-.Ltmp10, $4  }
0x39a: {  	[tilespmem:s3+$0xC730] =	vst v8;
	v9 =	vadd.f32 v11, v9;
	v11 =	vmul.f32 $1.131370830e+01, v20;
	v7 =	vld [tilespmem:s3+$0xC7C0]  }
0x39b: {  	[tilespmem:s3+$0xC740] =	vst v10;
	v10 =	vadd.f32 v12, v15;
	v15 =	vmul.f32 $1.131370830e+01, v16;
	v8 =	vld [tilespmem:s3+$0xC7D0]  }
0x39c: {  	[tilespmem:s3+$0xC750] =	vst v9;
	v12 =	vadd.f32 v13, v11;
	v13 =	vmul.f32 $1.131370830e+01, v17;
	v9 =	vld [tilespmem:s3+$0xC7E0]  }
0x39d: {  	s5 =	sadd.s32 $0x400, s5;
	[tilespmem:s3+$0xC760] =	vst v10;
	v14 =	vadd.f32 v14, v15;
	v11 =	vmul.f32 $1.131370830e+01, v18;
	v10 =	vld [tilespmem:s3+$0xC7F0]  }
0x39e: {  	[tilespmem:s3+$0xC770] =	vst v12;
	v12 =	vld [tilespmem:s3+$0xC800];
	v5 =	vadd.f32 v5, v13;
	v6 =	vmul.f32 $1.131370830e+01, v6  }
0x39f: {  	v13 =	vld [tilespmem:s3+$0xFFFFFFF0];
	[tilespmem:s3+$0xC780] =	vst v14;
	v4 =	vadd.f32 v4, v11;
	v7 =	vmul.f32 $1.131370830e+01, v7  }
0x3a0: {  	[tilespmem:s3+$0xC790] =	vst v5;
	v3 =	vadd.f32 v3, v6;
	v5 =	vmul.f32 $1.131370830e+01, v8;
	v6 =	vld [tilespmem:s3+$0x0]  }
0x3a1: {  	[tilespmem:s3+$0xC7A0] =	vst v4;
	v2 =	vadd.f32 v2, v7;
	v4 =	vmul.f32 $1.131370830e+01, v9  }
0x3a2: {  	[tilespmem:s3+$0xC7B0] =	vst v3;
	v1 =	vadd.f32 v1, v5;
	v3 =	vmul.f32 $1.131370830e+01, v10  }
0x3a3: {  	[tilespmem:s3+$0xC7C0] =	vst v2;
	v0 =	vadd.f32 v0, v4;
	v2 =	vmul.f32 $1.131370830e+01, v12  }
0x3a4: {  	[tilespmem:s3+$0xC7D0] =	vst v1;
	v1 =	vadd.f32 v13, v3  }
0x3a5: {  	[tilespmem:s3+$0xC7E0] =	vst v0;
	v0 =	vadd.f32 v6, v2  }
0x3a6: {  	[tilespmem:s3+$0xC7F0] =	vst v1  }
0x3a7: {  	s29 =	rddreg [dreg:$0x14];
	[tilespmem:s3+$0xC800] =	vst v0  }
0x3a8: {  	[hbm4b:s29+s4] =	stream.linear.scatter [tilespmem:s12], [sflag:$0x6], $0x6400, $0x38;
	[tilespmem:$0x1F800] =	vst v63  }
0x3a9: {  	_ =	swait.ge [sflag:s13], $0x3400  }
0x3aa: {  	[sflag:s13] =	ssyncset.done $0x0  }
0x3ab: {  	[sflag:s13] =	ssyncadd.s32 $0xFFFFCC00  }
0x3ac: {  	_ =	swait.ge [sflag:s13], $0x3000  }
0x3ad: {  	[sflag:s13] =	ssyncset.done $0x0  }
0x3ae: {  	s3 =	simm.s32 $0xF0;
	[sflag:s13] =	ssyncadd.s32 $0xFFFFD000  }
0x3af: {  	v6 =	vld [tilespmem:s3+$0xFFFFFF10]  }
0x3b0: {  	v7 =	vld [tilespmem:s3+$0xFFFFFF20]  }
0x3b1: {  	v8 =	vld [tilespmem:s3+$0xFFFFFF30]  }
0x3b2: {  	v9 =	vld [tilespmem:s3+$0xFFFFFF40]  }
0x3b3: {  	v10 =	vld [tilespmem:s3+$0xFFFFFF50]  }
0x3b4: {  	v11 =	vld [tilespmem:s3+$0xFFFFFF60]  }
0x3b5: {  	v12 =	vld [tilespmem:s3+$0xFFFFFF70]  }
0x3b6: {  	v14 =	vld [tilespmem:s3+$0xFFFFFF80]  }
0x3b7: {  	v5 =	vld [tilespmem:s3+$0xFFFFFF90]  }
0x3b8: {  	v4 =	vld [tilespmem:s3+$0xFFFFFFA0]  }
0x3b9: {  	v3 =	vld [tilespmem:s3+$0xFFFFFFB0]  }
0x3ba: {  	v2 =	vld [tilespmem:s3+$0xFFFFFFC0]  }
0x3bb: {  	v1 =	vld [tilespmem:s3+$0xFFFFFFD0]  }
0x3bc: {  	v15 =	vld [tilespmem:s3+$0x12B20]  }
0x3bd: {  	v13 =	vld [tilespmem:s3+$0x12B10]  }
0x3be: {  	v16 =	vld [tilespmem:s3+$0x12B30]  }
0x3bf: {  	v0 =	vld [tilespmem:s3+$0xFFFFFFE0]  }
0x3c0: {  	v18 =	vld [tilespmem:s3+$0x12B50]  }
0x3c1: {  	v17 =	vld [tilespmem:s3+$0x12B40];
	v15 =	vmul.f32 $1.131370830e+01, v15  }
0x3c2: {  	v19 =	vld [tilespmem:s3+$0x12B60];
	v13 =	vmul.f32 $1.131370830e+01, v13  }
0x3c3: {  	v20 =	vld [tilespmem:s3+$0x12B70];
	v7 =	vadd.f32 v7, v15;
	v15 =	vmul.f32 $1.131370830e+01, v16  }
0x3c4: {  	v6 =	vadd.f32 v6, v13;
	v13 =	vld [tilespmem:s3+$0x12B80]  }
0x3c5: {  	v21 =	vld [tilespmem:s3+$0x12B90];
	v8 =	vadd.f32 v8, v15;
	v15 =	vmul.f32 $1.131370830e+01, v18  }
0x3c6: {  	v62 =	vld [tilespmem:s3+$0x12BA0];
	v17 =	vmul.f32 $1.131370830e+01, v17;
	[tilespmem:s3+$0x12B10] =	vst v6  }
0x3c7: {  	v63 =	vmul.f32 $1.131370830e+01, v19;
	[tilespmem:s3+$0x12B20] =	vst v7;
	v6 =	vld [tilespmem:s3+$0x12BB0];
	v10 =	vadd.f32 v10, v15  }
0x3c8: {  	v9 =	vadd.f32 v9, v17;
	v7 =	vld [tilespmem:s3+$0x12BC0];
	[tilespmem:s3+$0x12B30] =	vst v8;
	v15 =	vmul.f32 $1.131370830e+01, v20  }
0x3c9: {  	v11 =	vadd.f32 v11, v63;
	v8 =	vld [tilespmem:s3+$0x12BD0];
	[tilespmem:s3+$0x12B50] =	vst v10;
	v10 =	vmul.f32 $1.131370830e+01, v13  }
0x3ca: {  	[tilespmem:s3+$0x12B40] =	vst v9;
	v9 =	vld [tilespmem:s3+$0x12BE0];
	v12 =	vadd.f32 v12, v15;
	v13 =	vmul.f32 $1.131370830e+01, v21  }
0x3cb: {  	s5 =	simm.s32 $0x7C0;
	[tilespmem:s3+$0x12B60] =	vst v11;
	v11 =	vmul.f32 $1.131370830e+01, v62;
	v14 =	vadd.f32 v14, v10;
	v10 =	vld [tilespmem:s3+$0x12BF0]  }
.LBB2_24:
0x3cc: {  	p0 =	sne.s32 s5, $0x18FC0;
	[tilespmem:s3+$0x12B70] =	vst v12;
	v5 =	vadd.f32 v5, v13;
	v6 =	vmul.f32 $1.131370830e+01, v6;
	v12 =	vld [tilespmem:s3+$0x12C00]  }
0x3cd: {  	[tilespmem:s3+$0x12B80] =	vst v14;
	v4 =	vadd.f32 v4, v11;
	v7 =	vmul.f32 $1.131370830e+01, v7;
	v11 =	vld [tilespmem:s3+$0xFFFFFFF0]  }
0x3ce: {  	s20 =	sshra.s32 s5, $0x2;
	[tilespmem:s3+$0x12B90] =	vst v5;
	v3 =	vadd.f32 v3, v6;
	v5 =	vmul.f32 $1.131370830e+01, v8;
	v6 =	vld [tilespmem:s3+$0x0]  }
0x3cf: {  	v8 =	vld [tilespmem:s20+$0xFFFFFF10];
	[tilespmem:s3+$0x12BA0] =	vst v4;
	v2 =	vadd.f32 v2, v7;
	v4 =	vmul.f32 $1.131370830e+01, v9  }
0x3d0: {  	v7 =	vld [tilespmem:s20+$0xFFFFFF20];
	[tilespmem:s3+$0x12BB0] =	vst v3;
	v1 =	vadd.f32 v1, v5;
	v3 =	vmul.f32 $1.131370830e+01, v10  }
0x3d1: {  	v9 =	vld [tilespmem:s20+$0xFFFFFF30];
	[tilespmem:s3+$0x12BC0] =	vst v2;
	v0 =	vadd.f32 v0, v4;
	v2 =	vmul.f32 $1.131370830e+01, v12  }
0x3d2: {  	v10 =	vld [tilespmem:s20+$0xFFFFFF40];
	[tilespmem:s3+$0x12BD0] =	vst v1;
	v1 =	vadd.f32 v11, v3  }
0x3d3: {  	v11 =	vld [tilespmem:s20+$0xFFFFFF50];
	[tilespmem:s3+$0x12BE0] =	vst v0;
	v0 =	vadd.f32 v6, v2  }
0x3d4: {  	v12 =	vld [tilespmem:s20+$0xFFFFFF60];
	[tilespmem:s3+$0x12BF0] =	vst v1  }
0x3d5: {  	v13 =	vld [tilespmem:s20+$0xFFFFFF70];
	[tilespmem:s3+$0x12C00] =	vst v0;
	s3 =	smov.u32 s20  }
0x3d6: {  	v14 =	vld [tilespmem:s3+$0xFFFFFF80]  }
0x3d7: {  	v5 =	vld [tilespmem:s3+$0xFFFFFF90]  }
0x3d8: {  	v4 =	vld [tilespmem:s3+$0xFFFFFFA0]  }
0x3d9: {  	v3 =	vld [tilespmem:s3+$0xFFFFFFB0]  }
0x3da: {  	v2 =	vld [tilespmem:s3+$0xFFFFFFC0]  }
0x3db: {  	v1 =	vld [tilespmem:s3+$0xFFFFFFD0]  }
0x3dc: {  	v0 =	vld [tilespmem:s3+$0xFFFFFFE0]  }
0x3dd: {  	v6 =	vld [tilespmem:s3+$0x12B10]  }
0x3de: {  	v15 =	vld [tilespmem:s3+$0x12B20]  }
0x3df: {  	v16 =	vld [tilespmem:s3+$0x12B30]  }
0x3e0: {  	v17 =	vld [tilespmem:s3+$0x12B40]  }
0x3e1: {  	v18 =	vld [tilespmem:s3+$0x12B50]  }
0x3e2: {  	v6 =	vmul.f32 $1.131370830e+01, v6;
	v19 =	vld [tilespmem:s3+$0x12B60]  }
0x3e3: {  	v15 =	vmul.f32 $1.131370830e+01, v15;
	v20 =	vld [tilespmem:s3+$0x12B70]  }
0x3e4: {  	v6 =	vadd.f32 v8, v6;
	v8 =	vmul.f32 $1.131370830e+01, v16;
	v16 =	vld [tilespmem:s3+$0x12B80]  }
0x3e5: {  	v7 =	vadd.f32 v7, v15;
	v15 =	vmul.f32 $1.131370830e+01, v17;
	v17 =	vld [tilespmem:s3+$0x12B90]  }
0x3e6: {  	[tilespmem:s3+$0x12B10] =	vst v6;
	v8 =	vadd.f32 v9, v8;
	v9 =	vmul.f32 $1.131370830e+01, v18;
	v18 =	vld [tilespmem:s3+$0x12BA0]  }
.Ltmp11:
0x3e7: {  	[tilespmem:s3+$0x12B20] =	vst v7;
	v10 =	vadd.f32 v10, v15;
	v15 =	vmul.f32 $1.131370830e+01, v19;
	v6 =	vld [tilespmem:s3+$0x12BB0];
	(pc) =	sbr.rel @p0 .LBB2_24-.Ltmp11, $4  }
0x3e8: {  	[tilespmem:s3+$0x12B30] =	vst v8;
	v9 =	vadd.f32 v11, v9;
	v11 =	vmul.f32 $1.131370830e+01, v20;
	v7 =	vld [tilespmem:s3+$0x12BC0]  }
0x3e9: {  	[tilespmem:s3+$0x12B40] =	vst v10;
	v10 =	vadd.f32 v12, v15;
	v15 =	vmul.f32 $1.131370830e+01, v16;
	v8 =	vld [tilespmem:s3+$0x12BD0]  }
0x3ea: {  	[tilespmem:s3+$0x12B50] =	vst v9;
	v12 =	vadd.f32 v13, v11;
	v13 =	vmul.f32 $1.131370830e+01, v17;
	v9 =	vld [tilespmem:s3+$0x12BE0]  }
0x3eb: {  	s5 =	sadd.s32 $0x400, s5;
	[tilespmem:s3+$0x12B60] =	vst v10;
	v14 =	vadd.f32 v14, v15;
	v11 =	vmul.f32 $1.131370830e+01, v18;
	v10 =	vld [tilespmem:s3+$0x12BF0]  }
0x3ec: {  	[tilespmem:s3+$0x12B70] =	vst v12;
	v12 =	vld [tilespmem:s3+$0x12C00];
	v5 =	vadd.f32 v5, v13;
	v6 =	vmul.f32 $1.131370830e+01, v6  }
0x3ed: {  	v13 =	vld [tilespmem:s3+$0xFFFFFFF0];
	[tilespmem:s3+$0x12B80] =	vst v14;
	v4 =	vadd.f32 v4, v11;
	v7 =	vmul.f32 $1.131370830e+01, v7  }
0x3ee: {  	[tilespmem:s3+$0x12B90] =	vst v5;
	v3 =	vadd.f32 v3, v6;
	v5 =	vmul.f32 $1.131370830e+01, v8;
	v6 =	vld [tilespmem:s3+$0x0]  }
0x3ef: {  	[tilespmem:s3+$0x12BA0] =	vst v4;
	v2 =	vadd.f32 v2, v7;
	v4 =	vmul.f32 $1.131370830e+01, v9  }
0x3f0: {  	[tilespmem:s3+$0x12BB0] =	vst v3;
	v1 =	vadd.f32 v1, v5;
	v3 =	vmul.f32 $1.131370830e+01, v10  }
0x3f1: {  	[tilespmem:s3+$0x12BC0] =	vst v2;
	v0 =	vadd.f32 v0, v4;
	v2 =	vmul.f32 $1.131370830e+01, v12  }
0x3f2: {  	[tilespmem:s3+$0x12BD0] =	vst v1;
	v1 =	vadd.f32 v13, v3  }
0x3f3: {  	[tilespmem:s3+$0x12BE0] =	vst v0;
	v0 =	vadd.f32 v6, v2  }
0x3f4: {  	[tilespmem:s3+$0x12BF0] =	vst v1  }
0x3f5: {  	s29 =	rddreg [dreg:$0x15];
	[tilespmem:s3+$0x12C00] =	vst v0  }
0x3f6: {  	[hbm4b:s29+s4] =	stream.linear.scatter [tilespmem:s21], [sflag:$0x7], $0x6400, $0x38;
	[tilespmem:$0x1F800] =	vst v63  }
0x3f7: {  	_ =	swait.ge [sflag:s22], $0x3400  }
0x3f8: {  	[sflag:s22] =	ssyncset.done $0x0  }
0x3f9: {  	[sflag:s22] =	ssyncadd.s32 $0xFFFFCC00  }
0x3fa: {  	_ =	swait.ge [sflag:s22], $0x3000  }
0x3fb: {  	[sflag:s22] =	ssyncset.done $0x0  }
0x3fc: {  	s3 =	simm.s32 $0xF0;
	[sflag:s22] =	ssyncadd.s32 $0xFFFFD000  }
0x3fd: {  	v6 =	vld [tilespmem:s3+$0xFFFFFF10]  }
0x3fe: {  	v7 =	vld [tilespmem:s3+$0xFFFFFF20]  }
0x3ff: {  	v8 =	vld [tilespmem:s3+$0xFFFFFF30]  }
0x400: {  	v9 =	vld [tilespmem:s3+$0xFFFFFF40]  }
0x401: {  	v10 =	vld [tilespmem:s3+$0xFFFFFF50]  }
0x402: {  	v11 =	vld [tilespmem:s3+$0xFFFFFF60]  }
0x403: {  	v12 =	vld [tilespmem:s3+$0xFFFFFF70]  }
0x404: {  	v14 =	vld [tilespmem:s3+$0xFFFFFF80]  }
0x405: {  	v5 =	vld [tilespmem:s3+$0xFFFFFF90]  }
0x406: {  	v4 =	vld [tilespmem:s3+$0xFFFFFFA0]  }
0x407: {  	v3 =	vld [tilespmem:s3+$0xFFFFFFB0]  }
0x408: {  	v2 =	vld [tilespmem:s3+$0xFFFFFFC0]  }
0x409: {  	v1 =	vld [tilespmem:s3+$0xFFFFFFD0]  }
0x40a: {  	v15 =	vld [tilespmem:s3+$0x18F20]  }
0x40b: {  	v13 =	vld [tilespmem:s3+$0x18F10]  }
0x40c: {  	v16 =	vld [tilespmem:s3+$0x18F30]  }
0x40d: {  	v0 =	vld [tilespmem:s3+$0xFFFFFFE0]  }
0x40e: {  	v18 =	vld [tilespmem:s3+$0x18F50]  }
0x40f: {  	v17 =	vld [tilespmem:s3+$0x18F40];
	v15 =	vmul.f32 $1.131370830e+01, v15  }
0x410: {  	v19 =	vld [tilespmem:s3+$0x18F60];
	v13 =	vmul.f32 $1.131370830e+01, v13  }
0x411: {  	v20 =	vld [tilespmem:s3+$0x18F70];
	v7 =	vadd.f32 v7, v15;
	v15 =	vmul.f32 $1.131370830e+01, v16  }
0x412: {  	v6 =	vadd.f32 v6, v13;
	v13 =	vld [tilespmem:s3+$0x18F80]  }
0x413: {  	v21 =	vld [tilespmem:s3+$0x18F90];
	v8 =	vadd.f32 v8, v15;
	v15 =	vmul.f32 $1.131370830e+01, v18  }
0x414: {  	v62 =	vld [tilespmem:s3+$0x18FA0];
	v17 =	vmul.f32 $1.131370830e+01, v17;
	[tilespmem:s3+$0x18F10] =	vst v6  }
0x415: {  	v63 =	vmul.f32 $1.131370830e+01, v19;
	[tilespmem:s3+$0x18F20] =	vst v7;
	v6 =	vld [tilespmem:s3+$0x18FB0];
	v10 =	vadd.f32 v10, v15  }
0x416: {  	v9 =	vadd.f32 v9, v17;
	v7 =	vld [tilespmem:s3+$0x18FC0];
	[tilespmem:s3+$0x18F30] =	vst v8;
	v15 =	vmul.f32 $1.131370830e+01, v20  }
0x417: {  	v11 =	vadd.f32 v11, v63;
	v8 =	vld [tilespmem:s3+$0x18FD0];
	[tilespmem:s3+$0x18F50] =	vst v10;
	v10 =	vmul.f32 $1.131370830e+01, v13  }
0x418: {  	[tilespmem:s3+$0x18F40] =	vst v9;
	v9 =	vld [tilespmem:s3+$0x18FE0];
	v12 =	vadd.f32 v12, v15;
	v13 =	vmul.f32 $1.131370830e+01, v21  }
0x419: {  	s5 =	simm.s32 $0x7C0;
	[tilespmem:s3+$0x18F60] =	vst v11;
	v11 =	vmul.f32 $1.131370830e+01, v62;
	v14 =	vadd.f32 v14, v10;
	v10 =	vld [tilespmem:s3+$0x18FF0]  }
.LBB2_26:
0x41a: {  	p0 =	sne.s32 s5, $0x18FC0;
	[tilespmem:s3+$0x18F70] =	vst v12;
	v5 =	vadd.f32 v5, v13;
	v6 =	vmul.f32 $1.131370830e+01, v6;
	v12 =	vld [tilespmem:s3+$0x19000]  }
0x41b: {  	[tilespmem:s3+$0x18F80] =	vst v14;
	v4 =	vadd.f32 v4, v11;
	v7 =	vmul.f32 $1.131370830e+01, v7;
	v11 =	vld [tilespmem:s3+$0xFFFFFFF0]  }
0x41c: {  	s20 =	sshra.s32 s5, $0x2;
	[tilespmem:s3+$0x18F90] =	vst v5;
	v3 =	vadd.f32 v3, v6;
	v5 =	vmul.f32 $1.131370830e+01, v8;
	v6 =	vld [tilespmem:s3+$0x0]  }
0x41d: {  	v8 =	vld [tilespmem:s20+$0xFFFFFF10];
	[tilespmem:s3+$0x18FA0] =	vst v4;
	v2 =	vadd.f32 v2, v7;
	v4 =	vmul.f32 $1.131370830e+01, v9  }
0x41e: {  	v7 =	vld [tilespmem:s20+$0xFFFFFF20];
	[tilespmem:s3+$0x18FB0] =	vst v3;
	v1 =	vadd.f32 v1, v5;
	v3 =	vmul.f32 $1.131370830e+01, v10  }
0x41f: {  	v9 =	vld [tilespmem:s20+$0xFFFFFF30];
	[tilespmem:s3+$0x18FC0] =	vst v2;
	v0 =	vadd.f32 v0, v4;
	v2 =	vmul.f32 $1.131370830e+01, v12  }
0x420: {  	v10 =	vld [tilespmem:s20+$0xFFFFFF40];
	[tilespmem:s3+$0x18FD0] =	vst v1;
	v1 =	vadd.f32 v11, v3  }
0x421: {  	v11 =	vld [tilespmem:s20+$0xFFFFFF50];
	[tilespmem:s3+$0x18FE0] =	vst v0;
	v0 =	vadd.f32 v6, v2  }
0x422: {  	v12 =	vld [tilespmem:s20+$0xFFFFFF60];
	[tilespmem:s3+$0x18FF0] =	vst v1  }
0x423: {  	v13 =	vld [tilespmem:s20+$0xFFFFFF70];
	[tilespmem:s3+$0x19000] =	vst v0;
	s3 =	smov.u32 s20  }
0x424: {  	v14 =	vld [tilespmem:s3+$0xFFFFFF80]  }
0x425: {  	v5 =	vld [tilespmem:s3+$0xFFFFFF90]  }
0x426: {  	v4 =	vld [tilespmem:s3+$0xFFFFFFA0]  }
0x427: {  	v3 =	vld [tilespmem:s3+$0xFFFFFFB0]  }
0x428: {  	v2 =	vld [tilespmem:s3+$0xFFFFFFC0]  }
0x429: {  	v1 =	vld [tilespmem:s3+$0xFFFFFFD0]  }
0x42a: {  	v0 =	vld [tilespmem:s3+$0xFFFFFFE0]  }
0x42b: {  	v6 =	vld [tilespmem:s3+$0x18F10]  }
0x42c: {  	v15 =	vld [tilespmem:s3+$0x18F20]  }
0x42d: {  	v16 =	vld [tilespmem:s3+$0x18F30]  }
0x42e: {  	v17 =	vld [tilespmem:s3+$0x18F40]  }
0x42f: {  	v18 =	vld [tilespmem:s3+$0x18F50]  }
0x430: {  	v6 =	vmul.f32 $1.131370830e+01, v6;
	v19 =	vld [tilespmem:s3+$0x18F60]  }
0x431: {  	v15 =	vmul.f32 $1.131370830e+01, v15;
	v20 =	vld [tilespmem:s3+$0x18F70]  }
0x432: {  	v6 =	vadd.f32 v8, v6;
	v8 =	vmul.f32 $1.131370830e+01, v16;
	v16 =	vld [tilespmem:s3+$0x18F80]  }
0x433: {  	v7 =	vadd.f32 v7, v15;
	v15 =	vmul.f32 $1.131370830e+01, v17;
	v17 =	vld [tilespmem:s3+$0x18F90]  }
0x434: {  	[tilespmem:s3+$0x18F10] =	vst v6;
	v8 =	vadd.f32 v9, v8;
	v9 =	vmul.f32 $1.131370830e+01, v18;
	v18 =	vld [tilespmem:s3+$0x18FA0]  }
.Ltmp12:
0x435: {  	[tilespmem:s3+$0x18F20] =	vst v7;
	v10 =	vadd.f32 v10, v15;
	v15 =	vmul.f32 $1.131370830e+01, v19;
	v6 =	vld [tilespmem:s3+$0x18FB0];
	(pc) =	sbr.rel @p0 .LBB2_26-.Ltmp12, $4  }
0x436: {  	[tilespmem:s3+$0x18F30] =	vst v8;
	v9 =	vadd.f32 v11, v9;
	v11 =	vmul.f32 $1.131370830e+01, v20;
	v7 =	vld [tilespmem:s3+$0x18FC0]  }
0x437: {  	[tilespmem:s3+$0x18F40] =	vst v10;
	v10 =	vadd.f32 v12, v15;
	v15 =	vmul.f32 $1.131370830e+01, v16;
	v8 =	vld [tilespmem:s3+$0x18FD0]  }
0x438: {  	[tilespmem:s3+$0x18F50] =	vst v9;
	v12 =	vadd.f32 v13, v11;
	v13 =	vmul.f32 $1.131370830e+01, v17;
	v9 =	vld [tilespmem:s3+$0x18FE0]  }
0x439: {  	s5 =	sadd.s32 $0x400, s5;
	[tilespmem:s3+$0x18F60] =	vst v10;
	v14 =	vadd.f32 v14, v15;
	v11 =	vmul.f32 $1.131370830e+01, v18;
	v10 =	vld [tilespmem:s3+$0x18FF0]  }
0x43a: {  	[tilespmem:s3+$0x18F70] =	vst v12;
	v55 =	vld [tilespmem:s3+$0x19000];
	v5 =	vadd.f32 v5, v13;
	v6 =	vmul.f32 $1.131370830e+01, v6  }
0x43b: {  	v56 =	vld [tilespmem:s3+$0xFFFFFFF0];
	[tilespmem:s3+$0x18F80] =	vst v14;
	v4 =	vadd.f32 v4, v11;
	v7 =	vmul.f32 $1.131370830e+01, v7  }
0x43c: {  	v58 =	vld [tilespmem:s3+$0x0];
	[tilespmem:s3+$0x18F90] =	vst v5;
	v3 =	vadd.f32 v3, v6;
	v57 =	vmul.f32 $1.131370830e+01, v8  }
0x43d: {  	[tilespmem:s3+$0x18FA0] =	vst v4;
	v2 =	vadd.f32 v2, v7;
	v59 =	vmul.f32 $1.131370830e+01, v9  }
0x43e: {  	[tilespmem:s3+$0x18FB0] =	vst v3;
	v1 =	vadd.f32 v1, v57;
	v60 =	vmul.f32 $1.131370830e+01, v10  }
0x43f: {  	[tilespmem:s3+$0x18FC0] =	vst v2;
	v0 =	vadd.f32 v0, v59;
	v61 =	vmul.f32 $1.131370830e+01, v55  }
0x440: {  	[tilespmem:s3+$0x18FD0] =	vst v1;
	v62 =	vadd.f32 v56, v60  }
0x441: {  	[tilespmem:s3+$0x18FE0] =	vst v0;
	v63 =	vadd.f32 v58, v61  }
0x442: {  	[tilespmem:s3+$0x18FF0] =	vst v62  }
0x443: {  	s28 =	rddreg [dreg:$0x16];
	[tilespmem:s3+$0x19000] =	vst v63  }
0x444: {  	[hbm4b:s28+s4] =	stream.linear.scatter [tilespmem:s17], [sflag:$0x8], $0x6400, $0x38;
	[tilespmem:$0x1F800] =	vst v63  }
0x445: {  	_ =	swait.ge [sflag:s14], $0x6400  }
0x446: {  	[sflag:s14] =	ssyncset.done $0x0  }
0x447: {  	[sflag:s14] =	ssyncadd.s32 $0xFFFF9C00  }
0x448: {  	_ =	swait.ge [sflag:s23], $0x6400  }
0x449: {  	[sflag:s23] =	ssyncset.done $0x0  }
0x44a: {  	[sflag:s23] =	ssyncadd.s32 $0xFFFF9C00  }
0x44b: {  	_ =	swait.ge [sflag:s10], $0x6400  }
0x44c: {  	[sflag:s10] =	ssyncset.done $0x0  }
0x44d: {  	[sflag:s10] =	ssyncadd.s32 $0xFFFF9C00  }
0x44e: {  	_ =	swait.ge [sflag:s11], $0x6400  }
0x44f: {  	s5 =	rddreg [dreg:$0x1b]  }
0x450: {  	s29 =	rddreg [dreg:$0x17];
	s5 =	sadd.s32 $0x1, s5  }
0x451: {  	p0 =	sne.s32 s5, s29  }
.Ltmp13:
0x452: {  	_ = 	snop;
	(pc) =	sbr.rel @p0 .LBB2_1-.Ltmp13, $3  }
0x453: {  	_ =	sdelay $0x1  }
0x454: {  	[sflag:s11] =	ssyncset.done $0x0  }
0x455: {  	[sflag:s11] =	ssyncadd.s32 $0xFFFF9C00  }
0x456: {  	_ =	sfence.sel $0x180000  }
0x457: {  	[bflag:$0x0] =	sbarrier.arrive $0xFFFF  }
0x458: {  	_ =	strace $0x90000047  }
0x459: {  	s0 =	stileid.u32;
	[bflag:$0x2] =	sbarrier.arrive $0xFFFF  }
0x45a: {  	p0 =	sne.s32 s0, $0x0;
	s0 =	rddreg [dreg:$0x3]  }
0x45b: {  	s0 =	sadd.s32 @!p0 $0x100000, s0  }
0x45c: {  	[sflag:s0] =	ssyncadd.tile.s32 @!p0 $0x1;
	_ =	shalt  }
.Lfunc_end2:
_tile_overlayer_lowered:
.L_overlay_start_2:
0x45d: {  	(tag) =	ssettag $0x2  }
0x45e: {  	s0 =	rddreg [dreg:$0x0];
	s2 =	stileid.u32  }
0x45f: {  	s1 =	rddreg [dreg:$0x1];
	p0 =	sne.s32 s2, $0x0  }
0x460: {  	s3 =	rddreg [dreg:$0x2];
	[bflag:$0x3] =	sbarrier.arrive $0xFFFF;
	s2 =	simm.s32 @!p0 $0x1C0E  }
0x461: {  	[timem:s3], [sflag:s2] =	dma.local @!p0 [hbm:s0], s1  }
0x462: {  	s0 =	simm.s32 @!p0 $0xE  }
0x463: {  	_ =	swait.ge @!p0 [sflag:s0], s1  }
0x464: {  	s1 =	ssub.s32 @!p0 $0x0, s1;
	[sflag:s0] =	ssyncset.done @!p0 $0x0  }
0x465: {  	[sflag:s0] =	ssyncadd.s32 @!p0 s1  }
0x466: {  	[bflag:$0x3] =	sbarrier.arrive $0xFFFF  }
0x467: {  	_ =	shalt  }

</sc_bundles>
